<compile_context>
chip_gen: v7x
topology: tpu7x:2x2x1
jax: 0.10.2.dev20260603
libtpu: 0.0.44.dev20260713+nightly
codegen_flags: <defaults>
</compile_context>

<pallas_src>
import functools

import jax
import jax.numpy as jnp
from jax import lax
from jax.experimental import pallas as pl
from jax.experimental.pallas import tpu as pltpu
from jax.experimental.pallas import tpu_sc as plsc

N_FIELDS = 26
VOCAB = 100000
EMB = 32
BATCH = 4096
HIST = 20
WIDE_DIM = N_FIELDS * VOCAB

NC = 2
NS = 16
L = 16
NW = NC * NS

VPAD = 782 * 128
BC = 128
NCHUNK = BATCH // BC
FIELD_GROUPS = (26,)

WROWS = 20320
WIDE_PER_W = BATCH * N_FIELDS // NW
WBURST = 32
NWBURST = WIDE_PER_W // WBURST

_mesh = plsc.VectorSubcoreMesh(core_axis_name="c", subcore_axis_name="s")


def _deep_body(nf, xd_hbm, deep_hbm, out_hbm,
               vline_v, idx0_v, idx1_v, outc_v, sem_i, sem_o, wid):
    idx_slots = (idx0_v, idx1_v)

    @pl.loop(0, nf)
    def _task(t):
        gt = wid * nf + t
        f = gt >> 5
        e = gt & 31
        pltpu.sync_copy(deep_hbm.at[f, e >> 3, :, e & 7], vline_v)
        pltpu.async_copy(xd_hbm.at[f, :, pl.ds(0, BC)], idx0_v, sem_i)
        @pl.when(t > 0)
        def _():
            pltpu.make_async_copy(outc_v, out_hbm.at[f, e], sem_o).wait()

        @pl.loop(0, NCHUNK // 2)
        def _chunkpair(p):
            for s in range(2):
                c = p * 2 + s
                pltpu.make_async_copy(
                    xd_hbm.at[f, :, pl.ds(0, BC)], idx_slots[s], sem_i,
                ).wait()

                @pl.when(c + 1 < NCHUNK)
                def _():
                    pltpu.async_copy(
                        xd_hbm.at[f, :, pl.ds((c + 1) * BC, BC)],
                        idx_slots[1 - s], sem_i)

                idx_v = idx_slots[s]
                for g in range(BC // L):
                    a0 = jnp.zeros((L,), jnp.float32)
                    a1 = jnp.zeros((L,), jnp.float32)
                    for h in range(HIST):
                        iv = idx_v[h, pl.ds(g * L, L)]
                        val = plsc.load_gather(vline_v, [iv >> 7, iv & 127])
                        if h & 1:
                            a1 = a1 + val
                        else:
                            a0 = a0 + val
                    outc_v[pl.ds(c * BC + g * L, L)] = a0 + a1

        pltpu.async_copy(outc_v, out_hbm.at[f, e], sem_o)

    pltpu.make_async_copy(outc_v, out_hbm.at[0, 0], sem_o).wait()


def _wide_body(xw_hbm, wide_hbm, wpart_hbm,
               widx_v, wrow_v, wv0_v, wv1_v, wacc_v, sem_w, wid):
    pltpu.sync_copy(xw_hbm.at[pl.ds(wid * (NWBURST // 4), NWBURST // 4)],
                    widx_v)

    @pl.loop(0, NWBURST // 4)
    def _rowids(r):
        for g in range(128 // L):
            wrow_v[r, pl.ds(g * L, L)] = widx_v[r, pl.ds(g * L, L)] >> 7

    lane = lax.iota(jnp.int32, L)
    wacc_v[...] = jnp.zeros((L,), jnp.float32)
    wv_slots = (wv0_v, wv1_v)
    pltpu.async_copy(wide_hbm.at[wrow_v.at[0, pl.ds(0, WBURST)]], wv0_v,
                     sem_w)

    @pl.loop(0, NWBURST // 2)
    def _wpair(p):
        for s in range(2):
            b = p * 2 + s
            r = b >> 2
            q = (b & 3) * WBURST
            pltpu.make_async_copy(
                wide_hbm.at[wrow_v.at[0, pl.ds(0, WBURST)]], wv_slots[s],
                sem_w).wait()

            @pl.when(b + 1 < NWBURST)
            def _():
                b1 = b + 1
                pltpu.async_copy(
                    wide_hbm.at[wrow_v.at[b1 >> 2,
                                          pl.ds((b1 & 3) * WBURST, WBURST)]],
                    wv_slots[1 - s], sem_w)

            acc = wacc_v[...]
            for g in range(WBURST // L):
                cols = widx_v[r, pl.ds(q + g * L, L)] & 127
                acc = acc + plsc.load_gather(wv_slots[s],
                                             [lane + g * L, cols])
            wacc_v[...] = acc

    pltpu.sync_copy(wacc_v, wpart_hbm.at[wid])


_DEEP_SCRATCH = [
    pltpu.VMEM((VPAD // 128, 128), jnp.float32),
    pltpu.VMEM((HIST, BC), jnp.int32),
    pltpu.VMEM((HIST, BC), jnp.int32),
    pltpu.VMEM((BATCH,), jnp.float32),
    pltpu.SemaphoreType.DMA,
    pltpu.SemaphoreType.DMA,
]
_WIDE_SCRATCH = [
    pltpu.VMEM((NWBURST // 4, 128), jnp.int32),
    pltpu.VMEM((NWBURST // 4, 128), jnp.int32),
    pltpu.VMEM((WBURST, 128), jnp.float32),
    pltpu.VMEM((WBURST, 128), jnp.float32),
    pltpu.VMEM((L,), jnp.float32),
    pltpu.SemaphoreType.DMA,
]
_CP = pltpu.CompilerParams(use_tc_tiling_on_sc=False,
                           needs_layout_passes=False)


@functools.cache
def _make_group_kernel(nf, with_wide):
    if with_wide:
        out_type = (jax.ShapeDtypeStruct((nf, EMB, BATCH), jnp.float32),
                    jax.ShapeDtypeStruct((NW, L), jnp.float32))
        scratch = _DEEP_SCRATCH + _WIDE_SCRATCH

        def body(xd_hbm, xw_hbm, deep_hbm, wide_hbm, out_hbm, wpart_hbm,
                 vline_v, idx0_v, idx1_v, outc_v, sem_i, sem_o,
                 widx_v, wrow_v, wv0_v, wv1_v, wacc_v, sem_w):
            wid = lax.axis_index("s") * NC + lax.axis_index("c")
            _deep_body(nf, xd_hbm, deep_hbm, out_hbm,
                       vline_v, idx0_v, idx1_v, outc_v, sem_i, sem_o, wid)
            _wide_body(xw_hbm, wide_hbm, wpart_hbm,
                       widx_v, wrow_v, wv0_v, wv1_v, wacc_v, sem_w, wid)
    else:
        out_type = jax.ShapeDtypeStruct((nf, EMB, BATCH), jnp.float32)
        scratch = _DEEP_SCRATCH

        def body(xd_hbm, deep_hbm, out_hbm,
                 vline_v, idx0_v, idx1_v, outc_v, sem_i, sem_o):
            wid = lax.axis_index("s") * NC + lax.axis_index("c")
            _deep_body(nf, xd_hbm, deep_hbm, out_hbm,
                       vline_v, idx0_v, idx1_v, outc_v, sem_i, sem_o, wid)

    return pl.kernel(body, out_type=out_type, mesh=_mesh,
                     compiler_params=_CP, scratch_types=scratch)


def _finish_body(p_ref, o_ref):
    o_ref[0, 0] = jax.nn.sigmoid(jnp.sum(p_ref[...]))


_finish = pl.pallas_call(
    _finish_body,
    out_specs=pl.BlockSpec(memory_space=pltpu.SMEM),
    out_shape=jax.ShapeDtypeStruct((1, 1), jnp.float32),
)


def kernel(X_w, X_d, deep_tables, wide_table):
    xdt = X_d.transpose(0, 2, 1)
    xw = X_w.reshape(BATCH * N_FIELDS // 128, 128)
    wt = jnp.pad(wide_table, ((0, WROWS * 128 - (WIDE_DIM + 1)), (0, 0)))
    wt = wt.reshape(WROWS, 128)

    dpt = deep_tables.transpose(0, 2, 1)
    pieces, wpart = [], None
    f0, prev = 0, None
    for i, nf in enumerate(FIELD_GROUPS):
        tbl = dpt
        if prev is not None:
            tbl = lax.optimization_barrier((tbl, prev))[0]
        dp4 = jnp.pad(tbl[f0:f0 + nf],
                      ((0, 0), (0, 0), (0, VPAD - (VOCAB + 1))))
        dp4 = dp4.reshape(nf, 4, 8, VPAD // 128, 128).transpose(0, 1, 3, 2, 4)
        prev = dp4
        xdg = xdt[f0:f0 + nf]
        k = _make_group_kernel(nf, i == 0)
        if i == 0:
            out3, wpart = k(xdg, xw, dp4, wt)
        else:
            out3 = k(xdg, dp4)
        pieces.append(out3.transpose(2, 0, 1).reshape(BATCH, nf * EMB))
        f0 += nf
    x_deep = jnp.concatenate(pieces, axis=1)
    out = _finish(wpart)[0, 0]
    return (x_deep, out)

# --- scband reference (transcript-rebuilt; emitter-appended) ---
"""Pipeline reference for scband-custom-model-78314433675280 (READ-ONLY COPY).

The authoritative reference and input builder live on the scoring server;
editing this copy changes nothing except your own understanding.
"""

import jax, jax.numpy as jnp
import numpy as np

N_FIELDS = 26
VOCAB = 100000
EMB = 32
BATCH = 4096
HIST = 20
WIDE_DIM = N_FIELDS * VOCAB


def setup_inputs(seed: int = 0) -> dict:
    key = jax.random.key(seed)
    k1, k2, k3, k4 = jax.random.split(key, 4)
    # forward args per input_specs
    X_w = jax.random.randint(k1, (BATCH, N_FIELDS), 0, WIDE_DIM, dtype=jnp.int32)
    X_d = jax.random.randint(k2, (N_FIELDS, BATCH, HIST), 0, VOCAB, dtype=jnp.int32)
    # learned parameters: one embedding table per deep field (stacked), init N(0, 0.001),
    # padding_idx=0 row zeroed, matching nn.Embedding(padding_idx=0) semantics
    deep_tables = (jax.random.normal(k3, (N_FIELDS, VOCAB + 1, EMB), dtype=jnp.float32) * 0.001)
    deep_tables = deep_tables.at[:, 0, :].set(0.0)
    wide_table = (jax.random.normal(k4, (WIDE_DIM + 1, 1), dtype=jnp.float32) * 0.001)
    wide_table = wide_table.at[0, :].set(0.0)
    return {"X_w": X_w, "X_d": X_d, "deep_tables": deep_tables, "wide_table": wide_table}


def reference(X_w, X_d, deep_tables, wide_table):
    # deep part: per-field embedding lookup [B, HIST, EMB] -> sum-pool over -2 -> concat
    embs = []
    for f in range(N_FIELDS):
        e = jnp.take(deep_tables[f], X_d[f], axis=0)  # gather: [BATCH, HIST, EMB]
        embs.append(jnp.sum(e, axis=-2))              # [BATCH, EMB]
    x_deep = jnp.concatenate(embs, axis=1)            # [BATCH, N_FIELDS*EMB]
    # wide part: sigmoid(sum of gathered wide weights) -> scalar
    wide = jnp.take(wide_table, X_w, axis=0)          # [BATCH, N_FIELDS, 1]
    out = jax.nn.sigmoid(jnp.sum(wide))               # scalar (original calls .item())
    return (x_deep, out)

if __name__ == "__main__":
    import jax
    _d = setup_inputs()
    print(jax.jit(kernel)(*tuple(_d.values())))

</pallas_src>

<mosaic_0001>
#map = affine_map<(d0, d1) -> (0, 0, 0)>
#map1 = affine_map<(d0, d1) -> (0, 0)>
#map2 = affine_map<(d0, d1) -> (0, 0, 0, 0, 0)>
module attributes {stable_mosaic.version = 14 : i64} {
  func.func @body(%arg0: i32, %arg1: i32, %arg2: memref<26x20x4096xi32, #tpu.memory_space<hbm>>, %arg3: memref<832x128xi32, #tpu.memory_space<hbm>>, %arg4: memref<26x4x782x8x128xf32, #tpu.memory_space<hbm>>, %arg5: memref<20320x128xf32, #tpu.memory_space<hbm>>, %arg6: memref<26x32x4096xf32, #tpu.memory_space<hbm>>, %arg7: memref<32x16xf32, #tpu.memory_space<hbm>>, %arg8: memref<782x128xf32, #tpu.memory_space<vmem>>, %arg9: memref<20x128xi32, #tpu.memory_space<vmem>>, %arg10: memref<20x128xi32, #tpu.memory_space<vmem>>, %arg11: memref<4096xf32, #tpu.memory_space<vmem>>, %arg12: memref<!tpu.dma_semaphore, #tpu.memory_space<semaphore_mem>>, %arg13: memref<!tpu.dma_semaphore, #tpu.memory_space<semaphore_mem>>, %arg14: memref<26x128xi32, #tpu.memory_space<vmem>>, %arg15: memref<26x128xi32, #tpu.memory_space<vmem>>, %arg16: memref<32x128xf32, #tpu.memory_space<vmem>>, %arg17: memref<32x128xf32, #tpu.memory_space<vmem>>, %arg18: memref<16xf32, #tpu.memory_space<vmem>>, %arg19: memref<!tpu.dma_semaphore, #tpu.memory_space<semaphore_mem>>) attributes {dimension_semantics = [#tpu.dimension_semantics<core_parallel>, #tpu.dimension_semantics<subcore_parallel>], iteration_bounds = array<i64: 2, 16>, scalar_prefetch = 0 : i64, scratch_operands = 12 : i64, tpu.core_type = #tpu.core_type<sc_vector_subcore>, window_params = [{transform_indices = #map}, {transform_indices = #map1}, {transform_indices = #map2}, {transform_indices = #map1}, {transform_indices = #map}, {transform_indices = #map1}]} {
    %mul3A = arith.constant 2 : i32
    %mul3A_0 = arith.muli %arg1, %mul3A : i32
    %add3A = arith.addi %mul3A_0, %arg0 : i32
    %scan3A = arith.constant 0 : i32
    %scan3A_1 = arith.constant 26 : i32
    %scan3A_2 = arith.addi %scan3A, %scan3A_1 : i32
    %scan3A_3 = arith.constant 1 : i32
    scf.for %scan3A_32 = %scan3A to %scan3A_2 step %scan3A_3  : i32 {
      %mul3A_33 = arith.constant 1 : i32
      %mul3A_34 = arith.muli %scan3A_32, %mul3A_33 : i32
      %add3A_35 = arith.constant 0 : i32
      %add3A_36 = arith.addi %add3A_35, %mul3A_34 : i32
      %mul3A_37 = arith.constant 26 : i32
      %mul3A_38 = arith.muli %add3A, %mul3A_37 : i32
      %add3A_39 = arith.addi %mul3A_38, %add3A_36 : i32
      %shift_right_arithmetic3A = arith.constant 5 : i32
      %shift_right_arithmetic3A_40 = arith.shrsi %add3A_39, %shift_right_arithmetic3A : i32
      %and3A = arith.constant 31 : i32
      %and3A_41 = arith.andi %add3A_39, %and3A : i32
      %shift_right_arithmetic3A_42 = arith.constant 3 : i32
      %shift_right_arithmetic3A_43 = arith.shrsi %and3A_41, %shift_right_arithmetic3A_42 : i32
      %and3A_44 = arith.constant 7 : i32
      %and3A_45 = arith.andi %and3A_41, %and3A_44 : i32
      "tpu.region"() ({
        %run_scoped3A = tpu.sem_alloc : memref<!tpu.dma_semaphore, #tpu.memory_space<semaphore_mem>>
        %dma_start3A_67 = arith.constant 0 : i32
        %dma_start3A_68 = arith.constant 0 : i32
        %dma_start3A_69 = tpu.memref_slice %arg4[%shift_right_arithmetic3A_40, %shift_right_arithmetic3A_43, %dma_start3A_67, %and3A_45, %dma_start3A_68] : memref<26x4x782x8x128xf32, #tpu.memory_space<hbm>> -> memref<1x1x782x1x128xf32, #tpu.memory_space<hbm>>
        %dma_start3A_70 = tpu.memref_squeeze %dma_start3A_69 : memref<1x1x782x1x128xf32, #tpu.memory_space<hbm>> -> memref<782x128xf32, #tpu.memory_space<hbm>>
        %dma_start3A_71 = arith.constant 0 : i32
        %dma_start3A_72 = arith.constant 0 : i32
        %dma_start3A_73 = tpu.memref_slice %arg4[%shift_right_arithmetic3A_40, %shift_right_arithmetic3A_43, %dma_start3A_71, %and3A_45, %dma_start3A_72] : memref<26x4x782x8x128xf32, #tpu.memory_space<hbm>> -> memref<1x1x782x1x128xf32, #tpu.memory_space<hbm>>
        %dma_start3A_74 = tpu.memref_squeeze %dma_start3A_73 : memref<1x1x782x1x128xf32, #tpu.memory_space<hbm>> -> memref<782x128xf32, #tpu.memory_space<hbm>>
        tpu.enqueue_dma source(%dma_start3A_74 : memref<782x128xf32, #tpu.memory_space<hbm>>) target(%arg8 : memref<782x128xf32, #tpu.memory_space<vmem>>) target_semaphore(%run_scoped3A : memref<!tpu.dma_semaphore, #tpu.memory_space<semaphore_mem>>)
        %dma_wait3A_75 = arith.constant 0 : i32
        %dma_wait3A_76 = arith.constant 0 : i32
        %dma_wait3A_77 = tpu.memref_slice %arg4[%shift_right_arithmetic3A_40, %shift_right_arithmetic3A_43, %dma_wait3A_75, %and3A_45, %dma_wait3A_76] : memref<26x4x782x8x128xf32, #tpu.memory_space<hbm>> -> memref<1x1x782x1x128xf32, #tpu.memory_space<hbm>>
        %dma_wait3A_78 = tpu.memref_squeeze %dma_wait3A_77 : memref<1x1x782x1x128xf32, #tpu.memory_space<hbm>> -> memref<782x128xf32, #tpu.memory_space<hbm>>
        %dma_wait3A_79 = arith.constant 0 : i32
        %dma_wait3A_80 = arith.constant 0 : i32
        %dma_wait3A_81 = tpu.memref_slice %arg4[%shift_right_arithmetic3A_40, %shift_right_arithmetic3A_43, %dma_wait3A_79, %and3A_45, %dma_wait3A_80] : memref<26x4x782x8x128xf32, #tpu.memory_space<hbm>> -> memref<1x1x782x1x128xf32, #tpu.memory_space<hbm>>
        %dma_wait3A_82 = tpu.memref_squeeze %dma_wait3A_81 : memref<1x1x782x1x128xf32, #tpu.memory_space<hbm>> -> memref<782x128xf32, #tpu.memory_space<hbm>>
        tpu.wait_dma2 semaphore(%run_scoped3A : memref<!tpu.dma_semaphore, #tpu.memory_space<semaphore_mem>>) src(%dma_wait3A_82 : memref<782x128xf32, #tpu.memory_space<hbm>>) dst(%arg8 : memref<782x128xf32, #tpu.memory_space<vmem>>)
        tpu.yield
      }) : () -> ()
      %dma_start3A_46 = arith.constant 0 : i32
      %dma_start3A_47 = arith.constant 0 : i32
      %dma_start3A_48 = tpu.memref_slice %arg2[%shift_right_arithmetic3A_40, %dma_start3A_46, %dma_start3A_47] : memref<26x20x4096xi32, #tpu.memory_space<hbm>> -> memref<1x20x128xi32, #tpu.memory_space<hbm>>
      %dma_start3A_49 = tpu.memref_squeeze %dma_start3A_48 : memref<1x20x128xi32, #tpu.memory_space<hbm>> -> memref<20x128xi32, #tpu.memory_space<hbm>>
      %dma_start3A_50 = arith.constant 0 : i32
      %dma_start3A_51 = arith.constant 0 : i32
      %dma_start3A_52 = tpu.memref_slice %arg2[%shift_right_arithmetic3A_40, %dma_start3A_50, %dma_start3A_51] : memref<26x20x4096xi32, #tpu.memory_space<hbm>> -> memref<1x20x128xi32, #tpu.memory_space<hbm>>
      %dma_start3A_53 = tpu.memref_squeeze %dma_start3A_52 : memref<1x20x128xi32, #tpu.memory_space<hbm>> -> memref<20x128xi32, #tpu.memory_space<hbm>>
      tpu.enqueue_dma source(%dma_start3A_53 : memref<20x128xi32, #tpu.memory_space<hbm>>) target(%arg9 : memref<20x128xi32, #tpu.memory_space<vmem>>) target_semaphore(%arg12 : memref<!tpu.dma_semaphore, #tpu.memory_space<semaphore_mem>>)
      %gt3A = arith.constant 0 : i32
      %gt3A_54 = arith.cmpi sgt, %add3A_36, %gt3A : i32
      %convert_element_type3A = arith.extui %gt3A_54 : i1 to i32
      %cond3A = arith.constant 0 : i32
      %cond3A_55 = arith.cmpi ne, %convert_element_type3A, %cond3A : i32
      scf.if %cond3A_55 {
        %dma_wait3A_67 = arith.constant 0 : i32
        %dma_wait3A_68 = tpu.memref_slice %arg6[%shift_right_arithmetic3A_40, %and3A_41, %dma_wait3A_67] : memref<26x32x4096xf32, #tpu.memory_space<hbm>> -> memref<1x1x4096xf32, #tpu.memory_space<hbm>>
        %dma_wait3A_69 = tpu.memref_squeeze %dma_wait3A_68 : memref<1x1x4096xf32, #tpu.memory_space<hbm>> -> memref<4096xf32, #tpu.memory_space<hbm>>
        %dma_wait3A_70 = arith.constant 0 : i32
        %dma_wait3A_71 = tpu.memref_slice %arg6[%shift_right_arithmetic3A_40, %and3A_41, %dma_wait3A_70] : memref<26x32x4096xf32, #tpu.memory_space<hbm>> -> memref<1x1x4096xf32, #tpu.memory_space<hbm>>
        %dma_wait3A_72 = tpu.memref_squeeze %dma_wait3A_71 : memref<1x1x4096xf32, #tpu.memory_space<hbm>> -> memref<4096xf32, #tpu.memory_space<hbm>>
        tpu.wait_dma2 semaphore(%arg13 : memref<!tpu.dma_semaphore, #tpu.memory_space<semaphore_mem>>) src(%arg11 : memref<4096xf32, #tpu.memory_space<vmem>>) dst(%dma_wait3A_72 : memref<4096xf32, #tpu.memory_space<hbm>>)
      } else {
      }
      %scan3A_56 = arith.constant 0 : i32
      %scan3A_57 = arith.constant 16 : i32
      %scan3A_58 = arith.addi %scan3A_56, %scan3A_57 : i32
      %scan3A_59 = arith.constant 1 : i32
      scf.for %scan3A_67 = %scan3A_56 to %scan3A_58 step %scan3A_59  : i32 {
        %mul3A_68 = arith.constant 1 : i32
        %mul3A_69 = arith.muli %scan3A_67, %mul3A_68 : i32
        %add3A_70 = arith.constant 0 : i32
        %add3A_71 = arith.addi %add3A_70, %mul3A_69 : i32
        %mul3A_72 = arith.constant 2 : i32
        %mul3A_73 = arith.muli %add3A_71, %mul3A_72 : i32
        %add3A_74 = arith.constant 0 : i32
        %add3A_75 = arith.addi %mul3A_73, %add3A_74 : i32
        %dma_wait3A_76 = arith.constant 0 : i32
        %dma_wait3A_77 = arith.constant 0 : i32
        %dma_wait3A_78 = tpu.memref_slice %arg2[%shift_right_arithmetic3A_40, %dma_wait3A_76, %dma_wait3A_77] : memref<26x20x4096xi32, #tpu.memory_space<hbm>> -> memref<1x20x128xi32, #tpu.memory_space<hbm>>
        %dma_wait3A_79 = tpu.memref_squeeze %dma_wait3A_78 : memref<1x20x128xi32, #tpu.memory_space<hbm>> -> memref<20x128xi32, #tpu.memory_space<hbm>>
        %dma_wait3A_80 = arith.constant 0 : i32
        %dma_wait3A_81 = arith.constant 0 : i32
        %dma_wait3A_82 = tpu.memref_slice %arg2[%shift_right_arithmetic3A_40, %dma_wait3A_80, %dma_wait3A_81] : memref<26x20x4096xi32, #tpu.memory_space<hbm>> -> memref<1x20x128xi32, #tpu.memory_space<hbm>>
        %dma_wait3A_83 = tpu.memref_squeeze %dma_wait3A_82 : memref<1x20x128xi32, #tpu.memory_space<hbm>> -> memref<20x128xi32, #tpu.memory_space<hbm>>
        tpu.wait_dma2 semaphore(%arg12 : memref<!tpu.dma_semaphore, #tpu.memory_space<semaphore_mem>>) src(%dma_wait3A_83 : memref<20x128xi32, #tpu.memory_space<hbm>>) dst(%arg9 : memref<20x128xi32, #tpu.memory_space<vmem>>)
        %add3A_84 = arith.constant 1 : i32
        %add3A_85 = arith.addi %add3A_75, %add3A_84 : i32
        %lt3A = arith.constant 32 : i32
        %lt3A_86 = arith.cmpi slt, %add3A_85, %lt3A : i32
        %convert_element_type3A_87 = arith.extui %lt3A_86 : i1 to i32
        %cond3A_88 = arith.constant 0 : i32
        %cond3A_89 = arith.cmpi ne, %convert_element_type3A_87, %cond3A_88 : i32
        scf.if %cond3A_89 {
          %add3A_4123 = arith.constant 1 : i32
          %add3A_4124 = arith.addi %add3A_75, %add3A_4123 : i32
          %mul3A_4125 = arith.constant 128 : i32
          %mul3A_4126 = arith.muli %add3A_4124, %mul3A_4125 : i32
          %dma_start3A_4127 = arith.constant 0 : i32
          %dma_start3A_4128 = tpu.memref_slice %arg2[%shift_right_arithmetic3A_40, %dma_start3A_4127, %mul3A_4126] : memref<26x20x4096xi32, #tpu.memory_space<hbm>> -> memref<1x20x128xi32, #tpu.memory_space<hbm>>
          %dma_start3A_4129 = tpu.memref_squeeze %dma_start3A_4128 : memref<1x20x128xi32, #tpu.memory_space<hbm>> -> memref<20x128xi32, #tpu.memory_space<hbm>>
          %dma_start3A_4130 = arith.constant 0 : i32
          %dma_start3A_4131 = tpu.memref_slice %arg2[%shift_right_arithmetic3A_40, %dma_start3A_4130, %mul3A_4126] : memref<26x20x4096xi32, #tpu.memory_space<hbm>> -> memref<1x20x128xi32, #tpu.memory_space<hbm>>
          %dma_start3A_4132 = tpu.memref_squeeze %dma_start3A_4131 : memref<1x20x128xi32, #tpu.memory_space<hbm>> -> memref<20x128xi32, #tpu.memory_space<hbm>>
          tpu.enqueue_dma source(%dma_start3A_4132 : memref<20x128xi32, #tpu.memory_space<hbm>>) target(%arg10 : memref<20x128xi32, #tpu.memory_space<vmem>>) target_semaphore(%arg12 : memref<!tpu.dma_semaphore, #tpu.memory_space<semaphore_mem>>)
        } else {
        }
        %broadcast_in_dim3A_90 = arith.constant 0.000000e+00 : f32
        %broadcast_in_dim3A_91 = vector.broadcast %broadcast_in_dim3A_90 : f32 to vector<16xf32>
        %broadcast_in_dim3A_92 = arith.constant 0.000000e+00 : f32
        %broadcast_in_dim3A_93 = vector.broadcast %broadcast_in_dim3A_92 : f32 to vector<16xf32>
        %get3A = arith.constant 0 : i32
        %get3A_94 = arith.index_cast %get3A : i32 to index
        %get3A_95 = arith.constant 0 : index
        %get3A_96 = tpu.vector_load %arg9[%get3A_94, %get3A_95] {strides = array<i32>} : memref<20x128xi32, #tpu.memory_space<vmem>>, vector<16xi32>,
        %shift_right_arithmetic3A_97 = arith.constant 7 : i32
        %shift_right_arithmetic3A_98 = vector.broadcast %shift_right_arithmetic3A_97 : i32 to vector<16xi32>
        %shift_right_arithmetic3A_99 = arith.shrsi %get3A_96, %shift_right_arithmetic3A_98 : vector<16xi32>
        %and3A_100 = arith.constant 127 : i32
        %and3A_101 = vector.broadcast %and3A_100 : i32 to vector<16xi32>
        %and3A_102 = arith.andi %get3A_96, %and3A_101 : vector<16xi32>
        %gather3A = tpu.vector_load_idx %arg8[%shift_right_arithmetic3A_99, %and3A_102] : memref<782x128xf32, #tpu.memory_space<vmem>>[vector<16xi32>, vector<16xi32>], vector<16xf32>,
        %add3A_103 = arith.addf %broadcast_in_dim3A_91, %gather3A : vector<16xf32>
        %get3A_104 = arith.constant 1 : i32
        %get3A_105 = arith.index_cast %get3A_104 : i32 to index
        %get3A_106 = arith.constant 0 : index
        %get3A_107 = tpu.vector_load %arg9[%get3A_105, %get3A_106] {strides = array<i32>} : memref<20x128xi32, #tpu.memory_space<vmem>>, vector<16xi32>,
        %shift_right_arithmetic3A_108 = arith.constant 7 : i32
        %shift_right_arithmetic3A_109 = vector.broadcast %shift_right_arithmetic3A_108 : i32 to vector<16xi32>
        %shift_right_arithmetic3A_110 = arith.shrsi %get3A_107, %shift_right_arithmetic3A_109 : vector<16xi32>
        %and3A_111 = arith.constant 127 : i32
        %and3A_112 = vector.broadcast %and3A_111 : i32 to vector<16xi32>
        %and3A_113 = arith.andi %get3A_107, %and3A_112 : vector<16xi32>
        %gather3A_114 = tpu.vector_load_idx %arg8[%shift_right_arithmetic3A_110, %and3A_113] : memref<782x128xf32, #tpu.memory_space<vmem>>[vector<16xi32>, vector<16xi32>], vector<16xf32>,
        %add3A_115 = arith.addf %broadcast_in_dim3A_93, %gather3A_114 : vector<16xf32>
        %get3A_116 = arith.constant 2 : i32
        %get3A_117 = arith.index_cast %get3A_116 : i32 to index
        %get3A_118 = arith.constant 0 : index
        %get3A_119 = tpu.vector_load %arg9[%get3A_117, %get3A_118] {strides = array<i32>} : memref<20x128xi32, #tpu.memory_space<vmem>>, vector<16xi32>,
        %shift_right_arithmetic3A_120 = arith.constant 7 : i32
        %shift_right_arithmetic3A_121 = vector.broadcast %shift_right_arithmetic3A_120 : i32 to vector<16xi32>
        %shift_right_arithmetic3A_122 = arith.shrsi %get3A_119, %shift_right_arithmetic3A_121 : vector<16xi32>
        %and3A_123 = arith.constant 127 : i32
        %and3A_124 = vector.broadcast %and3A_123 : i32 to vector<16xi32>
        %and3A_125 = arith.andi %get3A_119, %and3A_124 : vector<16xi32>
        %gather3A_126 = tpu.vector_load_idx %arg8[%shift_right_arithmetic3A_122, %and3A_125] : memref<782x128xf32, #tpu.memory_space<vmem>>[vector<16xi32>, vector<16xi32>], vector<16xf32>,
        %add3A_127 = arith.addf %add3A_103, %gather3A_126 : vector<16xf32>
        %get3A_128 = arith.constant 3 : i32
        %get3A_129 = arith.index_cast %get3A_128 : i32 to index
        %get3A_130 = arith.constant 0 : index
        %get3A_131 = tpu.vector_load %arg9[%get3A_129, %get3A_130] {strides = array<i32>} : memref<20x128xi32, #tpu.memory_space<vmem>>, vector<16xi32>,
        %shift_right_arithmetic3A_132 = arith.constant 7 : i32
        %shift_right_arithmetic3A_133 = vector.broadcast %shift_right_arithmetic3A_132 : i32 to vector<16xi32>
        %shift_right_arithmetic3A_134 = arith.shrsi %get3A_131, %shift_right_arithmetic3A_133 : vector<16xi32>
        %and3A_135 = arith.constant 127 : i32
        %and3A_136 = vector.broadcast %and3A_135 : i32 to vector<16xi32>
        %and3A_137 = arith.andi %get3A_131, %and3A_136 : vector<16xi32>
        %gather3A_138 = tpu.vector_load_idx %arg8[%shift_right_arithmetic3A_134, %and3A_137] : memref<782x128xf32, #tpu.memory_space<vmem>>[vector<16xi32>, vector<16xi32>], vector<16xf32>,
        %add3A_139 = arith.addf %add3A_115, %gather3A_138 : vector<16xf32>
        %get3A_140 = arith.constant 4 : i32
        %get3A_141 = arith.index_cast %get3A_140 : i32 to index
        %get3A_142 = arith.constant 0 : index
        %get3A_143 = tpu.vector_load %arg9[%get3A_141, %get3A_142] {strides = array<i32>} : memref<20x128xi32, #tpu.memory_space<vmem>>, vector<16xi32>,
        %shift_right_arithmetic3A_144 = arith.constant 7 : i32
        %shift_right_arithmetic3A_145 = vector.broadcast %shift_right_arithmetic3A_144 : i32 to vector<16xi32>
        %shift_right_arithmetic3A_146 = arith.shrsi %get3A_143, %shift_right_arithmetic3A_145 : vector<16xi32>
        %and3A_147 = arith.constant 127 : i32
        %and3A_148 = vector.broadcast %and3A_147 : i32 to vector<16xi32>
        %and3A_149 = arith.andi %get3A_143, %and3A_148 : vector<16xi32>
        %gather3A_150 = tpu.vector_load_idx %arg8[%shift_right_arithmetic3A_146, %and3A_149] : memref<782x128xf32, #tpu.memory_space<vmem>>[vector<16xi32>, vector<16xi32>], vector<16xf32>,
        %add3A_151 = arith.addf %add3A_127, %gather3A_150 : vector<16xf32>
        %get3A_152 = arith.constant 5 : i32
        %get3A_153 = arith.index_cast %get3A_152 : i32 to index
        %get3A_154 = arith.constant 0 : index
        %get3A_155 = tpu.vector_load %arg9[%get3A_153, %get3A_154] {strides = array<i32>} : memref<20x128xi32, #tpu.memory_space<vmem>>, vector<16xi32>,
        %shift_right_arithmetic3A_156 = arith.constant 7 : i32
        %shift_right_arithmetic3A_157 = vector.broadcast %shift_right_arithmetic3A_156 : i32 to vector<16xi32>
        %shift_right_arithmetic3A_158 = arith.shrsi %get3A_155, %shift_right_arithmetic3A_157 : vector<16xi32>
        %and3A_159 = arith.constant 127 : i32
        %and3A_160 = vector.broadcast %and3A_159 : i32 to vector<16xi32>
        %and3A_161 = arith.andi %get3A_155, %and3A_160 : vector<16xi32>
        %gather3A_162 = tpu.vector_load_idx %arg8[%shift_right_arithmetic3A_158, %and3A_161] : memref<782x128xf32, #tpu.memory_space<vmem>>[vector<16xi32>, vector<16xi32>], vector<16xf32>,
        %add3A_163 = arith.addf %add3A_139, %gather3A_162 : vector<16xf32>
        %get3A_164 = arith.constant 6 : i32
        %get3A_165 = arith.index_cast %get3A_164 : i32 to index
        %get3A_166 = arith.constant 0 : index
        %get3A_167 = tpu.vector_load %arg9[%get3A_165, %get3A_166] {strides = array<i32>} : memref<20x128xi32, #tpu.memory_space<vmem>>, vector<16xi32>,
        %shift_right_arithmetic3A_168 = arith.constant 7 : i32
        %shift_right_arithmetic3A_169 = vector.broadcast %shift_right_arithmetic3A_168 : i32 to vector<16xi32>
        %shift_right_arithmetic3A_170 = arith.shrsi %get3A_167, %shift_right_arithmetic3A_169 : vector<16xi32>
        %and3A_171 = arith.constant 127 : i32
        %and3A_172 = vector.broadcast %and3A_171 : i32 to vector<16xi32>
        %and3A_173 = arith.andi %get3A_167, %and3A_172 : vector<16xi32>
        %gather3A_174 = tpu.vector_load_idx %arg8[%shift_right_arithmetic3A_170, %and3A_173] : memref<782x128xf32, #tpu.memory_space<vmem>>[vector<16xi32>, vector<16xi32>], vector<16xf32>,
        %add3A_175 = arith.addf %add3A_151, %gather3A_174 : vector<16xf32>
        %get3A_176 = arith.constant 7 : i32
        %get3A_177 = arith.index_cast %get3A_176 : i32 to index
        %get3A_178 = arith.constant 0 : index
        %get3A_179 = tpu.vector_load %arg9[%get3A_177, %get3A_178] {strides = array<i32>} : memref<20x128xi32, #tpu.memory_space<vmem>>, vector<16xi32>,
        %shift_right_arithmetic3A_180 = arith.constant 7 : i32
        %shift_right_arithmetic3A_181 = vector.broadcast %shift_right_arithmetic3A_180 : i32 to vector<16xi32>
        %shift_right_arithmetic3A_182 = arith.shrsi %get3A_179, %shift_right_arithmetic3A_181 : vector<16xi32>
        %and3A_183 = arith.constant 127 : i32
        %and3A_184 = vector.broadcast %and3A_183 : i32 to vector<16xi32>
        %and3A_185 = arith.andi %get3A_179, %and3A_184 : vector<16xi32>
        %gather3A_186 = tpu.vector_load_idx %arg8[%shift_right_arithmetic3A_182, %and3A_185] : memref<782x128xf32, #tpu.memory_space<vmem>>[vector<16xi32>, vector<16xi32>], vector<16xf32>,
        %add3A_187 = arith.addf %add3A_163, %gather3A_186 : vector<16xf32>
        %get3A_188 = arith.constant 8 : i32
        %get3A_189 = arith.index_cast %get3A_188 : i32 to index
        %get3A_190 = arith.constant 0 : index
        %get3A_191 = tpu.vector_load %arg9[%get3A_189, %get3A_190] {strides = array<i32>} : memref<20x128xi32, #tpu.memory_space<vmem>>, vector<16xi32>,
        %shift_right_arithmetic3A_192 = arith.constant 7 : i32
        %shift_right_arithmetic3A_193 = vector.broadcast %shift_right_arithmetic3A_192 : i32 to vector<16xi32>
        %shift_right_arithmetic3A_194 = arith.shrsi %get3A_191, %shift_right_arithmetic3A_193 : vector<16xi32>
        %and3A_195 = arith.constant 127 : i32
        %and3A_196 = vector.broadcast %and3A_195 : i32 to vector<16xi32>
        %and3A_197 = arith.andi %get3A_191, %and3A_196 : vector<16xi32>
        %gather3A_198 = tpu.vector_load_idx %arg8[%shift_right_arithmetic3A_194, %and3A_197] : memref<782x128xf32, #tpu.memory_space<vmem>>[vector<16xi32>, vector<16xi32>], vector<16xf32>,
        %add3A_199 = arith.addf %add3A_175, %gather3A_198 : vector<16xf32>
        %get3A_200 = arith.constant 9 : i32
        %get3A_201 = arith.index_cast %get3A_200 : i32 to index
        %get3A_202 = arith.constant 0 : index
        %get3A_203 = tpu.vector_load %arg9[%get3A_201, %get3A_202] {strides = array<i32>} : memref<20x128xi32, #tpu.memory_space<vmem>>, vector<16xi32>,
        %shift_right_arithmetic3A_204 = arith.constant 7 : i32
        %shift_right_arithmetic3A_205 = vector.broadcast %shift_right_arithmetic3A_204 : i32 to vector<16xi32>
        %shift_right_arithmetic3A_206 = arith.shrsi %get3A_203, %shift_right_arithmetic3A_205 : vector<16xi32>
        %and3A_207 = arith.constant 127 : i32
        %and3A_208 = vector.broadcast %and3A_207 : i32 to vector<16xi32>
        %and3A_209 = arith.andi %get3A_203, %and3A_208 : vector<16xi32>
        %gather3A_210 = tpu.vector_load_idx %arg8[%shift_right_arithmetic3A_206, %and3A_209] : memref<782x128xf32, #tpu.memory_space<vmem>>[vector<16xi32>, vector<16xi32>], vector<16xf32>,
        %add3A_211 = arith.addf %add3A_187, %gather3A_210 : vector<16xf32>
        %get3A_212 = arith.constant 10 : i32
        %get3A_213 = arith.index_cast %get3A_212 : i32 to index
        %get3A_214 = arith.constant 0 : index
        %get3A_215 = tpu.vector_load %arg9[%get3A_213, %get3A_214] {strides = array<i32>} : memref<20x128xi32, #tpu.memory_space<vmem>>, vector<16xi32>,
        %shift_right_arithmetic3A_216 = arith.constant 7 : i32
        %shift_right_arithmetic3A_217 = vector.broadcast %shift_right_arithmetic3A_216 : i32 to vector<16xi32>
        %shift_right_arithmetic3A_218 = arith.shrsi %get3A_215, %shift_right_arithmetic3A_217 : vector<16xi32>
        %and3A_219 = arith.constant 127 : i32
        %and3A_220 = vector.broadcast %and3A_219 : i32 to vector<16xi32>
        %and3A_221 = arith.andi %get3A_215, %and3A_220 : vector<16xi32>
        %gather3A_222 = tpu.vector_load_idx %arg8[%shift_right_arithmetic3A_218, %and3A_221] : memref<782x128xf32, #tpu.memory_space<vmem>>[vector<16xi32>, vector<16xi32>], vector<16xf32>,
        %add3A_223 = arith.addf %add3A_199, %gather3A_222 : vector<16xf32>
        %get3A_224 = arith.constant 11 : i32
        %get3A_225 = arith.index_cast %get3A_224 : i32 to index
        %get3A_226 = arith.constant 0 : index
        %get3A_227 = tpu.vector_load %arg9[%get3A_225, %get3A_226] {strides = array<i32>} : memref<20x128xi32, #tpu.memory_space<vmem>>, vector<16xi32>,
        %shift_right_arithmetic3A_228 = arith.constant 7 : i32
        %shift_right_arithmetic3A_229 = vector.broadcast %shift_right_arithmetic3A_228 : i32 to vector<16xi32>
        %shift_right_arithmetic3A_230 = arith.shrsi %get3A_227, %shift_right_arithmetic3A_229 : vector<16xi32>
        %and3A_231 = arith.constant 127 : i32
        %and3A_232 = vector.broadcast %and3A_231 : i32 to vector<16xi32>
        %and3A_233 = arith.andi %get3A_227, %and3A_232 : vector<16xi32>
        %gather3A_234 = tpu.vector_load_idx %arg8[%shift_right_arithmetic3A_230, %and3A_233] : memref<782x128xf32, #tpu.memory_space<vmem>>[vector<16xi32>, vector<16xi32>], vector<16xf32>,
        %add3A_235 = arith.addf %add3A_211, %gather3A_234 : vector<16xf32>
        %get3A_236 = arith.constant 12 : i32
        %get3A_237 = arith.index_cast %get3A_236 : i32 to index
        %get3A_238 = arith.constant 0 : index
        %get3A_239 = tpu.vector_load %arg9[%get3A_237, %get3A_238] {strides = array<i32>} : memref<20x128xi32, #tpu.memory_space<vmem>>, vector<16xi32>,
        %shift_right_arithmetic3A_240 = arith.constant 7 : i32
        %shift_right_arithmetic3A_241 = vector.broadcast %shift_right_arithmetic3A_240 : i32 to vector<16xi32>
        %shift_right_arithmetic3A_242 = arith.shrsi %get3A_239, %shift_right_arithmetic3A_241 : vector<16xi32>
        %and3A_243 = arith.constant 127 : i32
        %and3A_244 = vector.broadcast %and3A_243 : i32 to vector<16xi32>
        %and3A_245 = arith.andi %get3A_239, %and3A_244 : vector<16xi32>
        %gather3A_246 = tpu.vector_load_idx %arg8[%shift_right_arithmetic3A_242, %and3A_245] : memref<782x128xf32, #tpu.memory_space<vmem>>[vector<16xi32>, vector<16xi32>], vector<16xf32>,
        %add3A_247 = arith.addf %add3A_223, %gather3A_246 : vector<16xf32>
        %get3A_248 = arith.constant 13 : i32
        %get3A_249 = arith.index_cast %get3A_248 : i32 to index
        %get3A_250 = arith.constant 0 : index
        %get3A_251 = tpu.vector_load %arg9[%get3A_249, %get3A_250] {strides = array<i32>} : memref<20x128xi32, #tpu.memory_space<vmem>>, vector<16xi32>,
        %shift_right_arithmetic3A_252 = arith.constant 7 : i32
        %shift_right_arithmetic3A_253 = vector.broadcast %shift_right_arithmetic3A_252 : i32 to vector<16xi32>
        %shift_right_arithmetic3A_254 = arith.shrsi %get3A_251, %shift_right_arithmetic3A_253 : vector<16xi32>
        %and3A_255 = arith.constant 127 : i32
        %and3A_256 = vector.broadcast %and3A_255 : i32 to vector<16xi32>
        %and3A_257 = arith.andi %get3A_251, %and3A_256 : vector<16xi32>
        %gather3A_258 = tpu.vector_load_idx %arg8[%shift_right_arithmetic3A_254, %and3A_257] : memref<782x128xf32, #tpu.memory_space<vmem>>[vector<16xi32>, vector<16xi32>], vector<16xf32>,
        %add3A_259 = arith.addf %add3A_235, %gather3A_258 : vector<16xf32>
        %get3A_260 = arith.constant 14 : i32
        %get3A_261 = arith.index_cast %get3A_260 : i32 to index
        %get3A_262 = arith.constant 0 : index
        %get3A_263 = tpu.vector_load %arg9[%get3A_261, %get3A_262] {strides = array<i32>} : memref<20x128xi32, #tpu.memory_space<vmem>>, vector<16xi32>,
        %shift_right_arithmetic3A_264 = arith.constant 7 : i32
        %shift_right_arithmetic3A_265 = vector.broadcast %shift_right_arithmetic3A_264 : i32 to vector<16xi32>
        %shift_right_arithmetic3A_266 = arith.shrsi %get3A_263, %shift_right_arithmetic3A_265 : vector<16xi32>
        %and3A_267 = arith.constant 127 : i32
        %and3A_268 = vector.broadcast %and3A_267 : i32 to vector<16xi32>
        %and3A_269 = arith.andi %get3A_263, %and3A_268 : vector<16xi32>
        %gather3A_270 = tpu.vector_load_idx %arg8[%shift_right_arithmetic3A_266, %and3A_269] : memref<782x128xf32, #tpu.memory_space<vmem>>[vector<16xi32>, vector<16xi32>], vector<16xf32>,
        %add3A_271 = arith.addf %add3A_247, %gather3A_270 : vector<16xf32>
        %get3A_272 = arith.constant 15 : i32
        %get3A_273 = arith.index_cast %get3A_272 : i32 to index
        %get3A_274 = arith.constant 0 : index
        %get3A_275 = tpu.vector_load %arg9[%get3A_273, %get3A_274] {strides = array<i32>} : memref<20x128xi32, #tpu.memory_space<vmem>>, vector<16xi32>,
        %shift_right_arithmetic3A_276 = arith.constant 7 : i32
        %shift_right_arithmetic3A_277 = vector.broadcast %shift_right_arithmetic3A_276 : i32 to vector<16xi32>
        %shift_right_arithmetic3A_278 = arith.shrsi %get3A_275, %shift_right_arithmetic3A_277 : vector<16xi32>
        %and3A_279 = arith.constant 127 : i32
        %and3A_280 = vector.broadcast %and3A_279 : i32 to vector<16xi32>
        %and3A_281 = arith.andi %get3A_275, %and3A_280 : vector<16xi32>
        %gather3A_282 = tpu.vector_load_idx %arg8[%shift_right_arithmetic3A_278, %and3A_281] : memref<782x128xf32, #tpu.memory_space<vmem>>[vector<16xi32>, vector<16xi32>], vector<16xf32>,
        %add3A_283 = arith.addf %add3A_259, %gather3A_282 : vector<16xf32>
        %get3A_284 = arith.constant 16 : i32
        %get3A_285 = arith.index_cast %get3A_284 : i32 to index
        %get3A_286 = arith.constant 0 : index
        %get3A_287 = tpu.vector_load %arg9[%get3A_285, %get3A_286] {strides = array<i32>} : memref<20x128xi32, #tpu.memory_space<vmem>>, vector<16xi32>,
        %shift_right_arithmetic3A_288 = arith.constant 7 : i32
        %shift_right_arithmetic3A_289 = vector.broadcast %shift_right_arithmetic3A_288 : i32 to vector<16xi32>
        %shift_right_arithmetic3A_290 = arith.shrsi %get3A_287, %shift_right_arithmetic3A_289 : vector<16xi32>
        %and3A_291 = arith.constant 127 : i32
        %and3A_292 = vector.broadcast %and3A_291 : i32 to vector<16xi32>
        %and3A_293 = arith.andi %get3A_287, %and3A_292 : vector<16xi32>
        %gather3A_294 = tpu.vector_load_idx %arg8[%shift_right_arithmetic3A_290, %and3A_293] : memref<782x128xf32, #tpu.memory_space<vmem>>[vector<16xi32>, vector<16xi32>], vector<16xf32>,
        %add3A_295 = arith.addf %add3A_271, %gather3A_294 : vector<16xf32>
        %get3A_296 = arith.constant 17 : i32
        %get3A_297 = arith.index_cast %get3A_296 : i32 to index
        %get3A_298 = arith.constant 0 : index
        %get3A_299 = tpu.vector_load %arg9[%get3A_297, %get3A_298] {strides = array<i32>} : memref<20x128xi32, #tpu.memory_space<vmem>>, vector<16xi32>,
        %shift_right_arithmetic3A_300 = arith.constant 7 : i32
        %shift_right_arithmetic3A_301 = vector.broadcast %shift_right_arithmetic3A_300 : i32 to vector<16xi32>
        %shift_right_arithmetic3A_302 = arith.shrsi %get3A_299, %shift_right_arithmetic3A_301 : vector<16xi32>
        %and3A_303 = arith.constant 127 : i32
        %and3A_304 = vector.broadcast %and3A_303 : i32 to vector<16xi32>
        %and3A_305 = arith.andi %get3A_299, %and3A_304 : vector<16xi32>
        %gather3A_306 = tpu.vector_load_idx %arg8[%shift_right_arithmetic3A_302, %and3A_305] : memref<782x128xf32, #tpu.memory_space<vmem>>[vector<16xi32>, vector<16xi32>], vector<16xf32>,
        %add3A_307 = arith.addf %add3A_283, %gather3A_306 : vector<16xf32>
        %get3A_308 = arith.constant 18 : i32
        %get3A_309 = arith.index_cast %get3A_308 : i32 to index
        %get3A_310 = arith.constant 0 : index
        %get3A_311 = tpu.vector_load %arg9[%get3A_309, %get3A_310] {strides = array<i32>} : memref<20x128xi32, #tpu.memory_space<vmem>>, vector<16xi32>,
        %shift_right_arithmetic3A_312 = arith.constant 7 : i32
        %shift_right_arithmetic3A_313 = vector.broadcast %shift_right_arithmetic3A_312 : i32 to vector<16xi32>
        %shift_right_arithmetic3A_314 = arith.shrsi %get3A_311, %shift_right_arithmetic3A_313 : vector<16xi32>
        %and3A_315 = arith.constant 127 : i32
        %and3A_316 = vector.broadcast %and3A_315 : i32 to vector<16xi32>
        %and3A_317 = arith.andi %get3A_311, %and3A_316 : vector<16xi32>
        %gather3A_318 = tpu.vector_load_idx %arg8[%shift_right_arithmetic3A_314, %and3A_317] : memref<782x128xf32, #tpu.memory_space<vmem>>[vector<16xi32>, vector<16xi32>], vector<16xf32>,
        %add3A_319 = arith.addf %add3A_295, %gather3A_318 : vector<16xf32>
        %get3A_320 = arith.constant 19 : i32
        %get3A_321 = arith.index_cast %get3A_320 : i32 to index
        %get3A_322 = arith.constant 0 : index
        %get3A_323 = tpu.vector_load %arg9[%get3A_321, %get3A_322] {strides = array<i32>} : memref<20x128xi32, #tpu.memory_space<vmem>>, vector<16xi32>,
        %shift_right_arithmetic3A_324 = arith.constant 7 : i32
        %shift_right_arithmetic3A_325 = vector.broadcast %shift_right_arithmetic3A_324 : i32 to vector<16xi32>
        %shift_right_arithmetic3A_326 = arith.shrsi %get3A_323, %shift_right_arithmetic3A_325 : vector<16xi32>
        %and3A_327 = arith.constant 127 : i32
        %and3A_328 = vector.broadcast %and3A_327 : i32 to vector<16xi32>
        %and3A_329 = arith.andi %get3A_323, %and3A_328 : vector<16xi32>
        %gather3A_330 = tpu.vector_load_idx %arg8[%shift_right_arithmetic3A_326, %and3A_329] : memref<782x128xf32, #tpu.memory_space<vmem>>[vector<16xi32>, vector<16xi32>], vector<16xf32>,
        %add3A_331 = arith.addf %add3A_307, %gather3A_330 : vector<16xf32>
        %add3A_332 = arith.addf %add3A_319, %add3A_331 : vector<16xf32>
        %mul3A_333 = arith.constant 128 : i32
        %mul3A_334 = arith.muli %add3A_75, %mul3A_333 : i32
        %add3A_335 = arith.constant 0 : i32
        %add3A_336 = arith.addi %mul3A_334, %add3A_335 : i32
        %swap3A_337 = arith.index_cast %add3A_336 : i32 to index
        %swap3A_338 = tpu.vector_load %arg11[%swap3A_337] {strides = array<i32>} : memref<4096xf32, #tpu.memory_space<vmem>>, vector<16xf32>,
        tpu.vector_store %arg11[%swap3A_337], %add3A_332 {strides = array<i32>} : memref<4096xf32, #tpu.memory_space<vmem>>, vector<16xf32>,
        %broadcast_in_dim3A_339 = arith.constant 0.000000e+00 : f32
        %broadcast_in_dim3A_340 = vector.broadcast %broadcast_in_dim3A_339 : f32 to vector<16xf32>
        %broadcast_in_dim3A_341 = arith.constant 0.000000e+00 : f32
        %broadcast_in_dim3A_342 = vector.broadcast %broadcast_in_dim3A_341 : f32 to vector<16xf32>
        %get3A_343 = arith.constant 0 : i32
        %get3A_344 = arith.index_cast %get3A_343 : i32 to index
        %get3A_345 = arith.constant 16 : index
        %get3A_346 = tpu.vector_load %arg9[%get3A_344, %get3A_345] {strides = array<i32>} : memref<20x128xi32, #tpu.memory_space<vmem>>, vector<16xi32>,
        %shift_right_arithmetic3A_347 = arith.constant 7 : i32
        %shift_right_arithmetic3A_348 = vector.broadcast %shift_right_arithmetic3A_347 : i32 to vector<16xi32>
        %shift_right_arithmetic3A_349 = arith.shrsi %get3A_346, %shift_right_arithmetic3A_348 : vector<16xi32>
        %and3A_350 = arith.constant 127 : i32
        %and3A_351 = vector.broadcast %and3A_350 : i32 to vector<16xi32>
        %and3A_352 = arith.andi %get3A_346, %and3A_351 : vector<16xi32>
        %gather3A_353 = tpu.vector_load_idx %arg8[%shift_right_arithmetic3A_349, %and3A_352] : memref<782x128xf32, #tpu.memory_space<vmem>>[vector<16xi32>, vector<16xi32>], vector<16xf32>,
        %add3A_354 = arith.addf %broadcast_in_dim3A_340, %gather3A_353 : vector<16xf32>
        %get3A_355 = arith.constant 1 : i32
        %get3A_356 = arith.index_cast %get3A_355 : i32 to index
        %get3A_357 = arith.constant 16 : index
        %get3A_358 = tpu.vector_load %arg9[%get3A_356, %get3A_357] {strides = array<i32>} : memref<20x128xi32, #tpu.memory_space<vmem>>, vector<16xi32>,
        %shift_right_arithmetic3A_359 = arith.constant 7 : i32
        %shift_right_arithmetic3A_360 = vector.broadcast %shift_right_arithmetic3A_359 : i32 to vector<16xi32>
        %shift_right_arithmetic3A_361 = arith.shrsi %get3A_358, %shift_right_arithmetic3A_360 : vector<16xi32>
        %and3A_362 = arith.constant 127 : i32
        %and3A_363 = vector.broadcast %and3A_362 : i32 to vector<16xi32>
        %and3A_364 = arith.andi %get3A_358, %and3A_363 : vector<16xi32>
        %gather3A_365 = tpu.vector_load_idx %arg8[%shift_right_arithmetic3A_361, %and3A_364] : memref<782x128xf32, #tpu.memory_space<vmem>>[vector<16xi32>, vector<16xi32>], vector<16xf32>,
        %add3A_366 = arith.addf %broadcast_in_dim3A_342, %gather3A_365 : vector<16xf32>
        %get3A_367 = arith.constant 2 : i32
        %get3A_368 = arith.index_cast %get3A_367 : i32 to index
        %get3A_369 = arith.constant 16 : index
        %get3A_370 = tpu.vector_load %arg9[%get3A_368, %get3A_369] {strides = array<i32>} : memref<20x128xi32, #tpu.memory_space<vmem>>, vector<16xi32>,
        %shift_right_arithmetic3A_371 = arith.constant 7 : i32
        %shift_right_arithmetic3A_372 = vector.broadcast %shift_right_arithmetic3A_371 : i32 to vector<16xi32>
        %shift_right_arithmetic3A_373 = arith.shrsi %get3A_370, %shift_right_arithmetic3A_372 : vector<16xi32>
        %and3A_374 = arith.constant 127 : i32
        %and3A_375 = vector.broadcast %and3A_374 : i32 to vector<16xi32>
        %and3A_376 = arith.andi %get3A_370, %and3A_375 : vector<16xi32>
        %gather3A_377 = tpu.vector_load_idx %arg8[%shift_right_arithmetic3A_373, %and3A_376] : memref<782x128xf32, #tpu.memory_space<vmem>>[vector<16xi32>, vector<16xi32>], vector<16xf32>,
        %add3A_378 = arith.addf %add3A_354, %gather3A_377 : vector<16xf32>
        %get3A_379 = arith.constant 3 : i32
        %get3A_380 = arith.index_cast %get3A_379 : i32 to index
        %get3A_381 = arith.constant 16 : index
        %get3A_382 = tpu.vector_load %arg9[%get3A_380, %get3A_381] {strides = array<i32>} : memref<20x128xi32, #tpu.memory_space<vmem>>, vector<16xi32>,
        %shift_right_arithmetic3A_383 = arith.constant 7 : i32
        %shift_right_arithmetic3A_384 = vector.broadcast %shift_right_arithmetic3A_383 : i32 to vector<16xi32>
        %shift_right_arithmetic3A_385 = arith.shrsi %get3A_382, %shift_right_arithmetic3A_384 : vector<16xi32>
        %and3A_386 = arith.constant 127 : i32
        %and3A_387 = vector.broadcast %and3A_386 : i32 to vector<16xi32>
        %and3A_388 = arith.andi %get3A_382, %and3A_387 : vector<16xi32>
        %gather3A_389 = tpu.vector_load_idx %arg8[%shift_right_arithmetic3A_385, %and3A_388] : memref<782x128xf32, #tpu.memory_space<vmem>>[vector<16xi32>, vector<16xi32>], vector<16xf32>,
        %add3A_390 = arith.addf %add3A_366, %gather3A_389 : vector<16xf32>
        %get3A_391 = arith.constant 4 : i32
        %get3A_392 = arith.index_cast %get3A_391 : i32 to index
        %get3A_393 = arith.constant 16 : index
        %get3A_394 = tpu.vector_load %arg9[%get3A_392, %get3A_393] {strides = array<i32>} : memref<20x128xi32, #tpu.memory_space<vmem>>, vector<16xi32>,
        %shift_right_arithmetic3A_395 = arith.constant 7 : i32
        %shift_right_arithmetic3A_396 = vector.broadcast %shift_right_arithmetic3A_395 : i32 to vector<16xi32>
        %shift_right_arithmetic3A_397 = arith.shrsi %get3A_394, %shift_right_arithmetic3A_396 : vector<16xi32>
        %and3A_398 = arith.constant 127 : i32
        %and3A_399 = vector.broadcast %and3A_398 : i32 to vector<16xi32>
        %and3A_400 = arith.andi %get3A_394, %and3A_399 : vector<16xi32>
        %gather3A_401 = tpu.vector_load_idx %arg8[%shift_right_arithmetic3A_397, %and3A_400] : memref<782x128xf32, #tpu.memory_space<vmem>>[vector<16xi32>, vector<16xi32>], vector<16xf32>,
        %add3A_402 = arith.addf %add3A_378, %gather3A_401 : vector<16xf32>
        %get3A_403 = arith.constant 5 : i32
        %get3A_404 = arith.index_cast %get3A_403 : i32 to index
        %get3A_405 = arith.constant 16 : index
        %get3A_406 = tpu.vector_load %arg9[%get3A_404, %get3A_405] {strides = array<i32>} : memref<20x128xi32, #tpu.memory_space<vmem>>, vector<16xi32>,
        %shift_right_arithmetic3A_407 = arith.constant 7 : i32
        %shift_right_arithmetic3A_408 = vector.broadcast %shift_right_arithmetic3A_407 : i32 to vector<16xi32>
        %shift_right_arithmetic3A_409 = arith.shrsi %get3A_406, %shift_right_arithmetic3A_408 : vector<16xi32>
        %and3A_410 = arith.constant 127 : i32
        %and3A_411 = vector.broadcast %and3A_410 : i32 to vector<16xi32>
        %and3A_412 = arith.andi %get3A_406, %and3A_411 : vector<16xi32>
        %gather3A_413 = tpu.vector_load_idx %arg8[%shift_right_arithmetic3A_409, %and3A_412] : memref<782x128xf32, #tpu.memory_space<vmem>>[vector<16xi32>, vector<16xi32>], vector<16xf32>,
        %add3A_414 = arith.addf %add3A_390, %gather3A_413 : vector<16xf32>
        %get3A_415 = arith.constant 6 : i32
        %get3A_416 = arith.index_cast %get3A_415 : i32 to index
        %get3A_417 = arith.constant 16 : index
        %get3A_418 = tpu.vector_load %arg9[%get3A_416, %get3A_417] {strides = array<i32>} : memref<20x128xi32, #tpu.memory_space<vmem>>, vector<16xi32>,
        %shift_right_arithmetic3A_419 = arith.constant 7 : i32
        %shift_right_arithmetic3A_420 = vector.broadcast %shift_right_arithmetic3A_419 : i32 to vector<16xi32>
        %shift_right_arithmetic3A_421 = arith.shrsi %get3A_418, %shift_right_arithmetic3A_420 : vector<16xi32>
        %and3A_422 = arith.constant 127 : i32
        %and3A_423 = vector.broadcast %and3A_422 : i32 to vector<16xi32>
        %and3A_424 = arith.andi %get3A_418, %and3A_423 : vector<16xi32>
        %gather3A_425 = tpu.vector_load_idx %arg8[%shift_right_arithmetic3A_421, %and3A_424] : memref<782x128xf32, #tpu.memory_space<vmem>>[vector<16xi32>, vector<16xi32>], vector<16xf32>,
        %add3A_426 = arith.addf %add3A_402, %gather3A_425 : vector<16xf32>
        %get3A_427 = arith.constant 7 : i32
        %get3A_428 = arith.index_cast %get3A_427 : i32 to index
        %get3A_429 = arith.constant 16 : index
        %get3A_430 = tpu.vector_load %arg9[%get3A_428, %get3A_429] {strides = array<i32>} : memref<20x128xi32, #tpu.memory_space<vmem>>, vector<16xi32>,
        %shift_right_arithmetic3A_431 = arith.constant 7 : i32
        %shift_right_arithmetic3A_432 = vector.broadcast %shift_right_arithmetic3A_431 : i32 to vector<16xi32>
        %shift_right_arithmetic3A_433 = arith.shrsi %get3A_430, %shift_right_arithmetic3A_432 : vector<16xi32>
        %and3A_434 = arith.constant 127 : i32
        %and3A_435 = vector.broadcast %and3A_434 : i32 to vector<16xi32>
        %and3A_436 = arith.andi %get3A_430, %and3A_435 : vector<16xi32>
        %gather3A_437 = tpu.vector_load_idx %arg8[%shift_right_arithmetic3A_433, %and3A_436] : memref<782x128xf32, #tpu.memory_space<vmem>>[vector<16xi32>, vector<16xi32>], vector<16xf32>,
        %add3A_438 = arith.addf %add3A_414, %gather3A_437 : vector<16xf32>
        %get3A_439 = arith.constant 8 : i32
        %get3A_440 = arith.index_cast %get3A_439 : i32 to index
        %get3A_441 = arith.constant 16 : index
        %get3A_442 = tpu.vector_load %arg9[%get3A_440, %get3A_441] {strides = array<i32>} : memref<20x128xi32, #tpu.memory_space<vmem>>, vector<16xi32>,
        %shift_right_arithmetic3A_443 = arith.constant 7 : i32
        %shift_right_arithmetic3A_444 = vector.broadcast %shift_right_arithmetic3A_443 : i32 to vector<16xi32>
        %shift_right_arithmetic3A_445 = arith.shrsi %get3A_442, %shift_right_arithmetic3A_444 : vector<16xi32>
        %and3A_446 = arith.constant 127 : i32
        %and3A_447 = vector.broadcast %and3A_446 : i32 to vector<16xi32>
        %and3A_448 = arith.andi %get3A_442, %and3A_447 : vector<16xi32>
        %gather3A_449 = tpu.vector_load_idx %arg8[%shift_right_arithmetic3A_445, %and3A_448] : memref<782x128xf32, #tpu.memory_space<vmem>>[vector<16xi32>, vector<16xi32>], vector<16xf32>,
        %add3A_450 = arith.addf %add3A_426, %gather3A_449 : vector<16xf32>
        %get3A_451 = arith.constant 9 : i32
        %get3A_452 = arith.index_cast %get3A_451 : i32 to index
        %get3A_453 = arith.constant 16 : index
        %get3A_454 = tpu.vector_load %arg9[%get3A_452, %get3A_453] {strides = array<i32>} : memref<20x128xi32, #tpu.memory_space<vmem>>, vector<16xi32>,
        %shift_right_arithmetic3A_455 = arith.constant 7 : i32
        %shift_right_arithmetic3A_456 = vector.broadcast %shift_right_arithmetic3A_455 : i32 to vector<16xi32>
        %shift_right_arithmetic3A_457 = arith.shrsi %get3A_454, %shift_right_arithmetic3A_456 : vector<16xi32>
        %and3A_458 = arith.constant 127 : i32
        %and3A_459 = vector.broadcast %and3A_458 : i32 to vector<16xi32>
        %and3A_460 = arith.andi %get3A_454, %and3A_459 : vector<16xi32>
        %gather3A_461 = tpu.vector_load_idx %arg8[%shift_right_arithmetic3A_457, %and3A_460] : memref<782x128xf32, #tpu.memory_space<vmem>>[vector<16xi32>, vector<16xi32>], vector<16xf32>,
        %add3A_462 = arith.addf %add3A_438, %gather3A_461 : vector<16xf32>
        %get3A_463 = arith.constant 10 : i32
        %get3A_464 = arith.index_cast %get3A_463 : i32 to index
        %get3A_465 = arith.constant 16 : index
        %get3A_466 = tpu.vector_load %arg9[%get3A_464, %get3A_465] {strides = array<i32>} : memref<20x128xi32, #tpu.memory_space<vmem>>, vector<16xi32>,
        %shift_right_arithmetic3A_467 = arith.constant 7 : i32
        %shift_right_arithmetic3A_468 = vector.broadcast %shift_right_arithmetic3A_467 : i32 to vector<16xi32>
        %shift_right_arithmetic3A_469 = arith.shrsi %get3A_466, %shift_right_arithmetic3A_468 : vector<16xi32>
        %and3A_470 = arith.constant 127 : i32
        %and3A_471 = vector.broadcast %and3A_470 : i32 to vector<16xi32>
        %and3A_472 = arith.andi %get3A_466, %and3A_471 : vector<16xi32>
        %gather3A_473 = tpu.vector_load_idx %arg8[%shift_right_arithmetic3A_469, %and3A_472] : memref<782x128xf32, #tpu.memory_space<vmem>>[vector<16xi32>, vector<16xi32>], vector<16xf32>,
        %add3A_474 = arith.addf %add3A_450, %gather3A_473 : vector<16xf32>
        %get3A_475 = arith.constant 11 : i32
        %get3A_476 = arith.index_cast %get3A_475 : i32 to index
        %get3A_477 = arith.constant 16 : index
        %get3A_478 = tpu.vector_load %arg9[%get3A_476, %get3A_477] {strides = array<i32>} : memref<20x128xi32, #tpu.memory_space<vmem>>, vector<16xi32>,
        %shift_right_arithmetic3A_479 = arith.constant 7 : i32
        %shift_right_arithmetic3A_480 = vector.broadcast %shift_right_arithmetic3A_479 : i32 to vector<16xi32>
        %shift_right_arithmetic3A_481 = arith.shrsi %get3A_478, %shift_right_arithmetic3A_480 : vector<16xi32>
        %and3A_482 = arith.constant 127 : i32
        %and3A_483 = vector.broadcast %and3A_482 : i32 to vector<16xi32>
        %and3A_484 = arith.andi %get3A_478, %and3A_483 : vector<16xi32>
        %gather3A_485 = tpu.vector_load_idx %arg8[%shift_right_arithmetic3A_481, %and3A_484] : memref<782x128xf32, #tpu.memory_space<vmem>>[vector<16xi32>, vector<16xi32>], vector<16xf32>,
        %add3A_486 = arith.addf %add3A_462, %gather3A_485 : vector<16xf32>
        %get3A_487 = arith.constant 12 : i32
        %get3A_488 = arith.index_cast %get3A_487 : i32 to index
        %get3A_489 = arith.constant 16 : index
        %get3A_490 = tpu.vector_load %arg9[%get3A_488, %get3A_489] {strides = array<i32>} : memref<20x128xi32, #tpu.memory_space<vmem>>, vector<16xi32>,
        %shift_right_arithmetic3A_491 = arith.constant 7 : i32
        %shift_right_arithmetic3A_492 = vector.broadcast %shift_right_arithmetic3A_491 : i32 to vector<16xi32>
        %shift_right_arithmetic3A_493 = arith.shrsi %get3A_490, %shift_right_arithmetic3A_492 : vector<16xi32>
        %and3A_494 = arith.constant 127 : i32
        %and3A_495 = vector.broadcast %and3A_494 : i32 to vector<16xi32>
        %and3A_496 = arith.andi %get3A_490, %and3A_495 : vector<16xi32>
        %gather3A_497 = tpu.vector_load_idx %arg8[%shift_right_arithmetic3A_493, %and3A_496] : memref<782x128xf32, #tpu.memory_space<vmem>>[vector<16xi32>, vector<16xi32>], vector<16xf32>,
        %add3A_498 = arith.addf %add3A_474, %gather3A_497 : vector<16xf32>
        %get3A_499 = arith.constant 13 : i32
        %get3A_500 = arith.index_cast %get3A_499 : i32 to index
        %get3A_501 = arith.constant 16 : index
        %get3A_502 = tpu.vector_load %arg9[%get3A_500, %get3A_501] {strides = array<i32>} : memref<20x128xi32, #tpu.memory_space<vmem>>, vector<16xi32>,
        %shift_right_arithmetic3A_503 = arith.constant 7 : i32
        %shift_right_arithmetic3A_504 = vector.broadcast %shift_right_arithmetic3A_503 : i32 to vector<16xi32>
        %shift_right_arithmetic3A_505 = arith.shrsi %get3A_502, %shift_right_arithmetic3A_504 : vector<16xi32>
        %and3A_506 = arith.constant 127 : i32
        %and3A_507 = vector.broadcast %and3A_506 : i32 to vector<16xi32>
        %and3A_508 = arith.andi %get3A_502, %and3A_507 : vector<16xi32>
        %gather3A_509 = tpu.vector_load_idx %arg8[%shift_right_arithmetic3A_505, %and3A_508] : memref<782x128xf32, #tpu.memory_space<vmem>>[vector<16xi32>, vector<16xi32>], vector<16xf32>,
        %add3A_510 = arith.addf %add3A_486, %gather3A_509 : vector<16xf32>
        %get3A_511 = arith.constant 14 : i32
        %get3A_512 = arith.index_cast %get3A_511 : i32 to index
        %get3A_513 = arith.constant 16 : index
        %get3A_514 = tpu.vector_load %arg9[%get3A_512, %get3A_513] {strides = array<i32>} : memref<20x128xi32, #tpu.memory_space<vmem>>, vector<16xi32>,
        %shift_right_arithmetic3A_515 = arith.constant 7 : i32
        %shift_right_arithmetic3A_516 = vector.broadcast %shift_right_arithmetic3A_515 : i32 to vector<16xi32>
        %shift_right_arithmetic3A_517 = arith.shrsi %get3A_514, %shift_right_arithmetic3A_516 : vector<16xi32>
        %and3A_518 = arith.constant 127 : i32
        %and3A_519 = vector.broadcast %and3A_518 : i32 to vector<16xi32>
        %and3A_520 = arith.andi %get3A_514, %and3A_519 : vector<16xi32>
        %gather3A_521 = tpu.vector_load_idx %arg8[%shift_right_arithmetic3A_517, %and3A_520] : memref<782x128xf32, #tpu.memory_space<vmem>>[vector<16xi32>, vector<16xi32>], vector<16xf32>,
        %add3A_522 = arith.addf %add3A_498, %gather3A_521 : vector<16xf32>
        %get3A_523 = arith.constant 15 : i32
        %get3A_524 = arith.index_cast %get3A_523 : i32 to index
        %get3A_525 = arith.constant 16 : index
        %get3A_526 = tpu.vector_load %arg9[%get3A_524, %get3A_525] {strides = array<i32>} : memref<20x128xi32, #tpu.memory_space<vmem>>, vector<16xi32>,
        %shift_right_arithmetic3A_527 = arith.constant 7 : i32
        %shift_right_arithmetic3A_528 = vector.broadcast %shift_right_arithmetic3A_527 : i32 to vector<16xi32>
        %shift_right_arithmetic3A_529 = arith.shrsi %get3A_526, %shift_right_arithmetic3A_528 : vector<16xi32>
        %and3A_530 = arith.constant 127 : i32
        %and3A_531 = vector.broadcast %and3A_530 : i32 to vector<16xi32>
        %and3A_532 = arith.andi %get3A_526, %and3A_531 : vector<16xi32>
        %gather3A_533 = tpu.vector_load_idx %arg8[%shift_right_arithmetic3A_529, %and3A_532] : memref<782x128xf32, #tpu.memory_space<vmem>>[vector<16xi32>, vector<16xi32>], vector<16xf32>,
        %add3A_534 = arith.addf %add3A_510, %gather3A_533 : vector<16xf32>
        %get3A_535 = arith.constant 16 : i32
        %get3A_536 = arith.index_cast %get3A_535 : i32 to index
        %get3A_537 = arith.constant 16 : index
        %get3A_538 = tpu.vector_load %arg9[%get3A_536, %get3A_537] {strides = array<i32>} : memref<20x128xi32, #tpu.memory_space<vmem>>, vector<16xi32>,
        %shift_right_arithmetic3A_539 = arith.constant 7 : i32
        %shift_right_arithmetic3A_540 = vector.broadcast %shift_right_arithmetic3A_539 : i32 to vector<16xi32>
        %shift_right_arithmetic3A_541 = arith.shrsi %get3A_538, %shift_right_arithmetic3A_540 : vector<16xi32>
        %and3A_542 = arith.constant 127 : i32
        %and3A_543 = vector.broadcast %and3A_542 : i32 to vector<16xi32>
        %and3A_544 = arith.andi %get3A_538, %and3A_543 : vector<16xi32>
        %gather3A_545 = tpu.vector_load_idx %arg8[%shift_right_arithmetic3A_541, %and3A_544] : memref<782x128xf32, #tpu.memory_space<vmem>>[vector<16xi32>, vector<16xi32>], vector<16xf32>,
        %add3A_546 = arith.addf %add3A_522, %gather3A_545 : vector<16xf32>
        %get3A_547 = arith.constant 17 : i32
        %get3A_548 = arith.index_cast %get3A_547 : i32 to index
        %get3A_549 = arith.constant 16 : index
        %get3A_550 = tpu.vector_load %arg9[%get3A_548, %get3A_549] {strides = array<i32>} : memref<20x128xi32, #tpu.memory_space<vmem>>, vector<16xi32>,
        %shift_right_arithmetic3A_551 = arith.constant 7 : i32
        %shift_right_arithmetic3A_552 = vector.broadcast %shift_right_arithmetic3A_551 : i32 to vector<16xi32>
        %shift_right_arithmetic3A_553 = arith.shrsi %get3A_550, %shift_right_arithmetic3A_552 : vector<16xi32>
        %and3A_554 = arith.constant 127 : i32
        %and3A_555 = vector.broadcast %and3A_554 : i32 to vector<16xi32>
        %and3A_556 = arith.andi %get3A_550, %and3A_555 : vector<16xi32>
        %gather3A_557 = tpu.vector_load_idx %arg8[%shift_right_arithmetic3A_553, %and3A_556] : memref<782x128xf32, #tpu.memory_space<vmem>>[vector<16xi32>, vector<16xi32>], vector<16xf32>,
        %add3A_558 = arith.addf %add3A_534, %gather3A_557 : vector<16xf32>
        %get3A_559 = arith.constant 18 : i32
        %get3A_560 = arith.index_cast %get3A_559 : i32 to index
        %get3A_561 = arith.constant 16 : index
        %get3A_562 = tpu.vector_load %arg9[%get3A_560, %get3A_561] {strides = array<i32>} : memref<20x128xi32, #tpu.memory_space<vmem>>, vector<16xi32>,
        %shift_right_arithmetic3A_563 = arith.constant 7 : i32
        %shift_right_arithmetic3A_564 = vector.broadcast %shift_right_arithmetic3A_563 : i32 to vector<16xi32>
        %shift_right_arithmetic3A_565 = arith.shrsi %get3A_562, %shift_right_arithmetic3A_564 : vector<16xi32>
        %and3A_566 = arith.constant 127 : i32
        %and3A_567 = vector.broadcast %and3A_566 : i32 to vector<16xi32>
        %and3A_568 = arith.andi %get3A_562, %and3A_567 : vector<16xi32>
        %gather3A_569 = tpu.vector_load_idx %arg8[%shift_right_arithmetic3A_565, %and3A_568] : memref<782x128xf32, #tpu.memory_space<vmem>>[vector<16xi32>, vector<16xi32>], vector<16xf32>,
        %add3A_570 = arith.addf %add3A_546, %gather3A_569 : vector<16xf32>
        %get3A_571 = arith.constant 19 : i32
        %get3A_572 = arith.index_cast %get3A_571 : i32 to index
        %get3A_573 = arith.constant 16 : index
        %get3A_574 = tpu.vector_load %arg9[%get3A_572, %get3A_573] {strides = array<i32>} : memref<20x128xi32, #tpu.memory_space<vmem>>, vector<16xi32>,
        %shift_right_arithmetic3A_575 = arith.constant 7 : i32
        %shift_right_arithmetic3A_576 = vector.broadcast %shift_right_arithmetic3A_575 : i32 to vector<16xi32>
        %shift_right_arithmetic3A_577 = arith.shrsi %get3A_574, %shift_right_arithmetic3A_576 : vector<16xi32>
        %and3A_578 = arith.constant 127 : i32
        %and3A_579 = vector.broadcast %and3A_578 : i32 to vector<16xi32>
        %and3A_580 = arith.andi %get3A_574, %and3A_579 : vector<16xi32>
        %gather3A_581 = tpu.vector_load_idx %arg8[%shift_right_arithmetic3A_577, %and3A_580] : memref<782x128xf32, #tpu.memory_space<vmem>>[vector<16xi32>, vector<16xi32>], vector<16xf32>,
        %add3A_582 = arith.addf %add3A_558, %gather3A_581 : vector<16xf32>
        %add3A_583 = arith.addf %add3A_570, %add3A_582 : vector<16xf32>
        %mul3A_584 = arith.constant 128 : i32
        %mul3A_585 = arith.muli %add3A_75, %mul3A_584 : i32
        %add3A_586 = arith.constant 16 : i32
        %add3A_587 = arith.addi %mul3A_585, %add3A_586 : i32
        %swap3A_588 = arith.index_cast %add3A_587 : i32 to index
        %swap3A_589 = tpu.vector_load %arg11[%swap3A_588] {strides = array<i32>} : memref<4096xf32, #tpu.memory_space<vmem>>, vector<16xf32>,
        tpu.vector_store %arg11[%swap3A_588], %add3A_583 {strides = array<i32>} : memref<4096xf32, #tpu.memory_space<vmem>>, vector<16xf32>,
        %broadcast_in_dim3A_590 = arith.constant 0.000000e+00 : f32
        %broadcast_in_dim3A_591 = vector.broadcast %broadcast_in_dim3A_590 : f32 to vector<16xf32>
        %broadcast_in_dim3A_592 = arith.constant 0.000000e+00 : f32
        %broadcast_in_dim3A_593 = vector.broadcast %broadcast_in_dim3A_592 : f32 to vector<16xf32>
        %get3A_594 = arith.constant 0 : i32
        %get3A_595 = arith.index_cast %get3A_594 : i32 to index
        %get3A_596 = arith.constant 32 : index
        %get3A_597 = tpu.vector_load %arg9[%get3A_595, %get3A_596] {strides = array<i32>} : memref<20x128xi32, #tpu.memory_space<vmem>>, vector<16xi32>,
        %shift_right_arithmetic3A_598 = arith.constant 7 : i32
        %shift_right_arithmetic3A_599 = vector.broadcast %shift_right_arithmetic3A_598 : i32 to vector<16xi32>
        %shift_right_arithmetic3A_600 = arith.shrsi %get3A_597, %shift_right_arithmetic3A_599 : vector<16xi32>
        %and3A_601 = arith.constant 127 : i32
        %and3A_602 = vector.broadcast %and3A_601 : i32 to vector<16xi32>
        %and3A_603 = arith.andi %get3A_597, %and3A_602 : vector<16xi32>
        %gather3A_604 = tpu.vector_load_idx %arg8[%shift_right_arithmetic3A_600, %and3A_603] : memref<782x128xf32, #tpu.memory_space<vmem>>[vector<16xi32>, vector<16xi32>], vector<16xf32>,
        %add3A_605 = arith.addf %broadcast_in_dim3A_591, %gather3A_604 : vector<16xf32>
        %get3A_606 = arith.constant 1 : i32
        %get3A_607 = arith.index_cast %get3A_606 : i32 to index
        %get3A_608 = arith.constant 32 : index
        %get3A_609 = tpu.vector_load %arg9[%get3A_607, %get3A_608] {strides = array<i32>} : memref<20x128xi32, #tpu.memory_space<vmem>>, vector<16xi32>,
        %shift_right_arithmetic3A_610 = arith.constant 7 : i32
        %shift_right_arithmetic3A_611 = vector.broadcast %shift_right_arithmetic3A_610 : i32 to vector<16xi32>
        %shift_right_arithmetic3A_612 = arith.shrsi %get3A_609, %shift_right_arithmetic3A_611 : vector<16xi32>
        %and3A_613 = arith.constant 127 : i32
        %and3A_614 = vector.broadcast %and3A_613 : i32 to vector<16xi32>
        %and3A_615 = arith.andi %get3A_609, %and3A_614 : vector<16xi32>
        %gather3A_616 = tpu.vector_load_idx %arg8[%shift_right_arithmetic3A_612, %and3A_615] : memref<782x128xf32, #tpu.memory_space<vmem>>[vector<16xi32>, vector<16xi32>], vector<16xf32>,
        %add3A_617 = arith.addf %broadcast_in_dim3A_593, %gather3A_616 : vector<16xf32>
        %get3A_618 = arith.constant 2 : i32
        %get3A_619 = arith.index_cast %get3A_618 : i32 to index
        %get3A_620 = arith.constant 32 : index
        %get3A_621 = tpu.vector_load %arg9[%get3A_619, %get3A_620] {strides = array<i32>} : memref<20x128xi32, #tpu.memory_space<vmem>>, vector<16xi32>,
        %shift_right_arithmetic3A_622 = arith.constant 7 : i32
        %shift_right_arithmetic3A_623 = vector.broadcast %shift_right_arithmetic3A_622 : i32 to vector<16xi32>
        %shift_right_arithmetic3A_624 = arith.shrsi %get3A_621, %shift_right_arithmetic3A_623 : vector<16xi32>
        %and3A_625 = arith.constant 127 : i32
        %and3A_626 = vector.broadcast %and3A_625 : i32 to vector<16xi32>
        %and3A_627 = arith.andi %get3A_621, %and3A_626 : vector<16xi32>
        %gather3A_628 = tpu.vector_load_idx %arg8[%shift_right_arithmetic3A_624, %and3A_627] : memref<782x128xf32, #tpu.memory_space<vmem>>[vector<16xi32>, vector<16xi32>], vector<16xf32>,
        %add3A_629 = arith.addf %add3A_605, %gather3A_628 : vector<16xf32>
        %get3A_630 = arith.constant 3 : i32
        %get3A_631 = arith.index_cast %get3A_630 : i32 to index
        %get3A_632 = arith.constant 32 : index
        %get3A_633 = tpu.vector_load %arg9[%get3A_631, %get3A_632] {strides = array<i32>} : memref<20x128xi32, #tpu.memory_space<vmem>>, vector<16xi32>,
        %shift_right_arithmetic3A_634 = arith.constant 7 : i32
        %shift_right_arithmetic3A_635 = vector.broadcast %shift_right_arithmetic3A_634 : i32 to vector<16xi32>
        %shift_right_arithmetic3A_636 = arith.shrsi %get3A_633, %shift_right_arithmetic3A_635 : vector<16xi32>
        %and3A_637 = arith.constant 127 : i32
        %and3A_638 = vector.broadcast %and3A_637 : i32 to vector<16xi32>
        %and3A_639 = arith.andi %get3A_633, %and3A_638 : vector<16xi32>
        %gather3A_640 = tpu.vector_load_idx %arg8[%shift_right_arithmetic3A_636, %and3A_639] : memref<782x128xf32, #tpu.memory_space<vmem>>[vector<16xi32>, vector<16xi32>], vector<16xf32>,
        %add3A_641 = arith.addf %add3A_617, %gather3A_640 : vector<16xf32>
        %get3A_642 = arith.constant 4 : i32
        %get3A_643 = arith.index_cast %get3A_642 : i32 to index
        %get3A_644 = arith.constant 32 : index
        %get3A_645 = tpu.vector_load %arg9[%get3A_643, %get3A_644] {strides = array<i32>} : memref<20x128xi32, #tpu.memory_space<vmem>>, vector<16xi32>,
        %shift_right_arithmetic3A_646 = arith.constant 7 : i32
        %shift_right_arithmetic3A_647 = vector.broadcast %shift_right_arithmetic3A_646 : i32 to vector<16xi32>
        %shift_right_arithmetic3A_648 = arith.shrsi %get3A_645, %shift_right_arithmetic3A_647 : vector<16xi32>
        %and3A_649 = arith.constant 127 : i32
        %and3A_650 = vector.broadcast %and3A_649 : i32 to vector<16xi32>
        %and3A_651 = arith.andi %get3A_645, %and3A_650 : vector<16xi32>
        %gather3A_652 = tpu.vector_load_idx %arg8[%shift_right_arithmetic3A_648, %and3A_651] : memref<782x128xf32, #tpu.memory_space<vmem>>[vector<16xi32>, vector<16xi32>], vector<16xf32>,
        %add3A_653 = arith.addf %add3A_629, %gather3A_652 : vector<16xf32>
        %get3A_654 = arith.constant 5 : i32
        %get3A_655 = arith.index_cast %get3A_654 : i32 to index
        %get3A_656 = arith.constant 32 : index
        %get3A_657 = tpu.vector_load %arg9[%get3A_655, %get3A_656] {strides = array<i32>} : memref<20x128xi32, #tpu.memory_space<vmem>>, vector<16xi32>,
        %shift_right_arithmetic3A_658 = arith.constant 7 : i32
        %shift_right_arithmetic3A_659 = vector.broadcast %shift_right_arithmetic3A_658 : i32 to vector<16xi32>
        %shift_right_arithmetic3A_660 = arith.shrsi %get3A_657, %shift_right_arithmetic3A_659 : vector<16xi32>
        %and3A_661 = arith.constant 127 : i32
        %and3A_662 = vector.broadcast %and3A_661 : i32 to vector<16xi32>
        %and3A_663 = arith.andi %get3A_657, %and3A_662 : vector<16xi32>
        %gather3A_664 = tpu.vector_load_idx %arg8[%shift_right_arithmetic3A_660, %and3A_663] : memref<782x128xf32, #tpu.memory_space<vmem>>[vector<16xi32>, vector<16xi32>], vector<16xf32>,
        %add3A_665 = arith.addf %add3A_641, %gather3A_664 : vector<16xf32>
        %get3A_666 = arith.constant 6 : i32
        %get3A_667 = arith.index_cast %get3A_666 : i32 to index
        %get3A_668 = arith.constant 32 : index
        %get3A_669 = tpu.vector_load %arg9[%get3A_667, %get3A_668] {strides = array<i32>} : memref<20x128xi32, #tpu.memory_space<vmem>>, vector<16xi32>,
        %shift_right_arithmetic3A_670 = arith.constant 7 : i32
        %shift_right_arithmetic3A_671 = vector.broadcast %shift_right_arithmetic3A_670 : i32 to vector<16xi32>
        %shift_right_arithmetic3A_672 = arith.shrsi %get3A_669, %shift_right_arithmetic3A_671 : vector<16xi32>
        %and3A_673 = arith.constant 127 : i32
        %and3A_674 = vector.broadcast %and3A_673 : i32 to vector<16xi32>
        %and3A_675 = arith.andi %get3A_669, %and3A_674 : vector<16xi32>
        %gather3A_676 = tpu.vector_load_idx %arg8[%shift_right_arithmetic3A_672, %and3A_675] : memref<782x128xf32, #tpu.memory_space<vmem>>[vector<16xi32>, vector<16xi32>], vector<16xf32>,
        %add3A_677 = arith.addf %add3A_653, %gather3A_676 : vector<16xf32>
        %get3A_678 = arith.constant 7 : i32
        %get3A_679 = arith.index_cast %get3A_678 : i32 to index
        %get3A_680 = arith.constant 32 : index
        %get3A_681 = tpu.vector_load %arg9[%get3A_679, %get3A_680] {strides = array<i32>} : memref<20x128xi32, #tpu.memory_space<vmem>>, vector<16xi32>,
        %shift_right_arithmetic3A_682 = arith.constant 7 : i32
        %shift_right_arithmetic3A_683 = vector.broadcast %shift_right_arithmetic3A_682 : i32 to vector<16xi32>
        %shift_right_arithmetic3A_684 = arith.shrsi %get3A_681, %shift_right_arithmetic3A_683 : vector<16xi32>
        %and3A_685 = arith.constant 127 : i32
        %and3A_686 = vector.broadcast %and3A_685 : i32 to vector<16xi32>
        %and3A_687 = arith.andi %get3A_681, %and3A_686 : vector<16xi32>
        %gather3A_688 = tpu.vector_load_idx %arg8[%shift_right_arithmetic3A_684, %and3A_687] : memref<782x128xf32, #tpu.memory_space<vmem>>[vector<16xi32>, vector<16xi32>], vector<16xf32>,
        %add3A_689 = arith.addf %add3A_665, %gather3A_688 : vector<16xf32>
        %get3A_690 = arith.constant 8 : i32
        %get3A_691 = arith.index_cast %get3A_690 : i32 to index
        %get3A_692 = arith.constant 32 : index
        %get3A_693 = tpu.vector_load %arg9[%get3A_691, %get3A_692] {strides = array<i32>} : memref<20x128xi32, #tpu.memory_space<vmem>>, vector<16xi32>,
        %shift_right_arithmetic3A_694 = arith.constant 7 : i32
        %shift_right_arithmetic3A_695 = vector.broadcast %shift_right_arithmetic3A_694 : i32 to vector<16xi32>
        %shift_right_arithmetic3A_696 = arith.shrsi %get3A_693, %shift_right_arithmetic3A_695 : vector<16xi32>
        %and3A_697 = arith.constant 127 : i32
        %and3A_698 = vector.broadcast %and3A_697 : i32 to vector<16xi32>
        %and3A_699 = arith.andi %get3A_693, %and3A_698 : vector<16xi32>
        %gather3A_700 = tpu.vector_load_idx %arg8[%shift_right_arithmetic3A_696, %and3A_699] : memref<782x128xf32, #tpu.memory_space<vmem>>[vector<16xi32>, vector<16xi32>], vector<16xf32>,
        %add3A_701 = arith.addf %add3A_677, %gather3A_700 : vector<16xf32>
        %get3A_702 = arith.constant 9 : i32
        %get3A_703 = arith.index_cast %get3A_702 : i32 to index
        %get3A_704 = arith.constant 32 : index
        %get3A_705 = tpu.vector_load %arg9[%get3A_703, %get3A_704] {strides = array<i32>} : memref<20x128xi32, #tpu.memory_space<vmem>>, vector<16xi32>,
        %shift_right_arithmetic3A_706 = arith.constant 7 : i32
        %shift_right_arithmetic3A_707 = vector.broadcast %shift_right_arithmetic3A_706 : i32 to vector<16xi32>
        %shift_right_arithmetic3A_708 = arith.shrsi %get3A_705, %shift_right_arithmetic3A_707 : vector<16xi32>
        %and3A_709 = arith.constant 127 : i32
        %and3A_710 = vector.broadcast %and3A_709 : i32 to vector<16xi32>
        %and3A_711 = arith.andi %get3A_705, %and3A_710 : vector<16xi32>
        %gather3A_712 = tpu.vector_load_idx %arg8[%shift_right_arithmetic3A_708, %and3A_711] : memref<782x128xf32, #tpu.memory_space<vmem>>[vector<16xi32>, vector<16xi32>], vector<16xf32>,
        %add3A_713 = arith.addf %add3A_689, %gather3A_712 : vector<16xf32>
        %get3A_714 = arith.constant 10 : i32
        %get3A_715 = arith.index_cast %get3A_714 : i32 to index
        %get3A_716 = arith.constant 32 : index
        %get3A_717 = tpu.vector_load %arg9[%get3A_715, %get3A_716] {strides = array<i32>} : memref<20x128xi32, #tpu.memory_space<vmem>>, vector<16xi32>,
        %shift_right_arithmetic3A_718 = arith.constant 7 : i32
        %shift_right_arithmetic3A_719 = vector.broadcast %shift_right_arithmetic3A_718 : i32 to vector<16xi32>
        %shift_right_arithmetic3A_720 = arith.shrsi %get3A_717, %shift_right_arithmetic3A_719 : vector<16xi32>
        %and3A_721 = arith.constant 127 : i32
        %and3A_722 = vector.broadcast %and3A_721 : i32 to vector<16xi32>
        %and3A_723 = arith.andi %get3A_717, %and3A_722 : vector<16xi32>
        %gather3A_724 = tpu.vector_load_idx %arg8[%shift_right_arithmetic3A_720, %and3A_723] : memref<782x128xf32, #tpu.memory_space<vmem>>[vector<16xi32>, vector<16xi32>], vector<16xf32>,
        %add3A_725 = arith.addf %add3A_701, %gather3A_724 : vector<16xf32>
        %get3A_726 = arith.constant 11 : i32
        %get3A_727 = arith.index_cast %get3A_726 : i32 to index
        %get3A_728 = arith.constant 32 : index
        %get3A_729 = tpu.vector_load %arg9[%get3A_727, %get3A_728] {strides = array<i32>} : memref<20x128xi32, #tpu.memory_space<vmem>>, vector<16xi32>,
        %shift_right_arithmetic3A_730 = arith.constant 7 : i32
        %shift_right_arithmetic3A_731 = vector.broadcast %shift_right_arithmetic3A_730 : i32 to vector<16xi32>
        %shift_right_arithmetic3A_732 = arith.shrsi %get3A_729, %shift_right_arithmetic3A_731 : vector<16xi32>
        %and3A_733 = arith.constant 127 : i32
        %and3A_734 = vector.broadcast %and3A_733 : i32 to vector<16xi32>
        %and3A_735 = arith.andi %get3A_729, %and3A_734 : vector<16xi32>
        %gather3A_736 = tpu.vector_load_idx %arg8[%shift_right_arithmetic3A_732, %and3A_735] : memref<782x128xf32, #tpu.memory_space<vmem>>[vector<16xi32>, vector<16xi32>], vector<16xf32>,
        %add3A_737 = arith.addf %add3A_713, %gather3A_736 : vector<16xf32>
        %get3A_738 = arith.constant 12 : i32
        %get3A_739 = arith.index_cast %get3A_738 : i32 to index
        %get3A_740 = arith.constant 32 : index
        %get3A_741 = tpu.vector_load %arg9[%get3A_739, %get3A_740] {strides = array<i32>} : memref<20x128xi32, #tpu.memory_space<vmem>>, vector<16xi32>,
        %shift_right_arithmetic3A_742 = arith.constant 7 : i32
        %shift_right_arithmetic3A_743 = vector.broadcast %shift_right_arithmetic3A_742 : i32 to vector<16xi32>
        %shift_right_arithmetic3A_744 = arith.shrsi %get3A_741, %shift_right_arithmetic3A_743 : vector<16xi32>
        %and3A_745 = arith.constant 127 : i32
        %and3A_746 = vector.broadcast %and3A_745 : i32 to vector<16xi32>
        %and3A_747 = arith.andi %get3A_741, %and3A_746 : vector<16xi32>
        %gather3A_748 = tpu.vector_load_idx %arg8[%shift_right_arithmetic3A_744, %and3A_747] : memref<782x128xf32, #tpu.memory_space<vmem>>[vector<16xi32>, vector<16xi32>], vector<16xf32>,
        %add3A_749 = arith.addf %add3A_725, %gather3A_748 : vector<16xf32>
        %get3A_750 = arith.constant 13 : i32
        %get3A_751 = arith.index_cast %get3A_750 : i32 to index
        %get3A_752 = arith.constant 32 : index
        %get3A_753 = tpu.vector_load %arg9[%get3A_751, %get3A_752] {strides = array<i32>} : memref<20x128xi32, #tpu.memory_space<vmem>>, vector<16xi32>,
        %shift_right_arithmetic3A_754 = arith.constant 7 : i32
        %shift_right_arithmetic3A_755 = vector.broadcast %shift_right_arithmetic3A_754 : i32 to vector<16xi32>
        %shift_right_arithmetic3A_756 = arith.shrsi %get3A_753, %shift_right_arithmetic3A_755 : vector<16xi32>
        %and3A_757 = arith.constant 127 : i32
        %and3A_758 = vector.broadcast %and3A_757 : i32 to vector<16xi32>
        %and3A_759 = arith.andi %get3A_753, %and3A_758 : vector<16xi32>
        %gather3A_760 = tpu.vector_load_idx %arg8[%shift_right_arithmetic3A_756, %and3A_759] : memref<782x128xf32, #tpu.memory_space<vmem>>[vector<16xi32>, vector<16xi32>], vector<16xf32>,
        %add3A_761 = arith.addf %add3A_737, %gather3A_760 : vector<16xf32>
        %get3A_762 = arith.constant 14 : i32
        %get3A_763 = arith.index_cast %get3A_762 : i32 to index
        %get3A_764 = arith.constant 32 : index
        %get3A_765 = tpu.vector_load %arg9[%get3A_763, %get3A_764] {strides = array<i32>} : memref<20x128xi32, #tpu.memory_space<vmem>>, vector<16xi32>,
        %shift_right_arithmetic3A_766 = arith.constant 7 : i32
        %shift_right_arithmetic3A_767 = vector.broadcast %shift_right_arithmetic3A_766 : i32 to vector<16xi32>
        %shift_right_arithmetic3A_768 = arith.shrsi %get3A_765, %shift_right_arithmetic3A_767 : vector<16xi32>
        %and3A_769 = arith.constant 127 : i32
        %and3A_770 = vector.broadcast %and3A_769 : i32 to vector<16xi32>
        %and3A_771 = arith.andi %get3A_765, %and3A_770 : vector<16xi32>
        %gather3A_772 = tpu.vector_load_idx %arg8[%shift_right_arithmetic3A_768, %and3A_771] : memref<782x128xf32, #tpu.memory_space<vmem>>[vector<16xi32>, vector<16xi32>], vector<16xf32>,
        %add3A_773 = arith.addf %add3A_749, %gather3A_772 : vector<16xf32>
        %get3A_774 = arith.constant 15 : i32
        %get3A_775 = arith.index_cast %get3A_774 : i32 to index
        %get3A_776 = arith.constant 32 : index
        %get3A_777 = tpu.vector_load %arg9[%get3A_775, %get3A_776] {strides = array<i32>} : memref<20x128xi32, #tpu.memory_space<vmem>>, vector<16xi32>,
        %shift_right_arithmetic3A_778 = arith.constant 7 : i32
        %shift_right_arithmetic3A_779 = vector.broadcast %shift_right_arithmetic3A_778 : i32 to vector<16xi32>
        %shift_right_arithmetic3A_780 = arith.shrsi %get3A_777, %shift_right_arithmetic3A_779 : vector<16xi32>
        %and3A_781 = arith.constant 127 : i32
        %and3A_782 = vector.broadcast %and3A_781 : i32 to vector<16xi32>
        %and3A_783 = arith.andi %get3A_777, %and3A_782 : vector<16xi32>
        %gather3A_784 = tpu.vector_load_idx %arg8[%shift_right_arithmetic3A_780, %and3A_783] : memref<782x128xf32, #tpu.memory_space<vmem>>[vector<16xi32>, vector<16xi32>], vector<16xf32>,
        %add3A_785 = arith.addf %add3A_761, %gather3A_784 : vector<16xf32>
        %get3A_786 = arith.constant 16 : i32
        %get3A_787 = arith.index_cast %get3A_786 : i32 to index
        %get3A_788 = arith.constant 32 : index
        %get3A_789 = tpu.vector_load %arg9[%get3A_787, %get3A_788] {strides = array<i32>} : memref<20x128xi32, #tpu.memory_space<vmem>>, vector<16xi32>,
        %shift_right_arithmetic3A_790 = arith.constant 7 : i32
        %shift_right_arithmetic3A_791 = vector.broadcast %shift_right_arithmetic3A_790 : i32 to vector<16xi32>
        %shift_right_arithmetic3A_792 = arith.shrsi %get3A_789, %shift_right_arithmetic3A_791 : vector<16xi32>
        %and3A_793 = arith.constant 127 : i32
        %and3A_794 = vector.broadcast %and3A_793 : i32 to vector<16xi32>
        %and3A_795 = arith.andi %get3A_789, %and3A_794 : vector<16xi32>
        %gather3A_796 = tpu.vector_load_idx %arg8[%shift_right_arithmetic3A_792, %and3A_795] : memref<782x128xf32, #tpu.memory_space<vmem>>[vector<16xi32>, vector<16xi32>], vector<16xf32>,
        %add3A_797 = arith.addf %add3A_773, %gather3A_796 : vector<16xf32>
        %get3A_798 = arith.constant 17 : i32
        %get3A_799 = arith.index_cast %get3A_798 : i32 to index
        %get3A_800 = arith.constant 32 : index
        %get3A_801 = tpu.vector_load %arg9[%get3A_799, %get3A_800] {strides = array<i32>} : memref<20x128xi32, #tpu.memory_space<vmem>>, vector<16xi32>,
        %shift_right_arithmetic3A_802 = arith.constant 7 : i32
        %shift_right_arithmetic3A_803 = vector.broadcast %shift_right_arithmetic3A_802 : i32 to vector<16xi32>
        %shift_right_arithmetic3A_804 = arith.shrsi %get3A_801, %shift_right_arithmetic3A_803 : vector<16xi32>
        %and3A_805 = arith.constant 127 : i32
        %and3A_806 = vector.broadcast %and3A_805 : i32 to vector<16xi32>
        %and3A_807 = arith.andi %get3A_801, %and3A_806 : vector<16xi32>
        %gather3A_808 = tpu.vector_load_idx %arg8[%shift_right_arithmetic3A_804, %and3A_807] : memref<782x128xf32, #tpu.memory_space<vmem>>[vector<16xi32>, vector<16xi32>], vector<16xf32>,
        %add3A_809 = arith.addf %add3A_785, %gather3A_808 : vector<16xf32>
        %get3A_810 = arith.constant 18 : i32
        %get3A_811 = arith.index_cast %get3A_810 : i32 to index
        %get3A_812 = arith.constant 32 : index
        %get3A_813 = tpu.vector_load %arg9[%get3A_811, %get3A_812] {strides = array<i32>} : memref<20x128xi32, #tpu.memory_space<vmem>>, vector<16xi32>,
        %shift_right_arithmetic3A_814 = arith.constant 7 : i32
        %shift_right_arithmetic3A_815 = vector.broadcast %shift_right_arithmetic3A_814 : i32 to vector<16xi32>
        %shift_right_arithmetic3A_816 = arith.shrsi %get3A_813, %shift_right_arithmetic3A_815 : vector<16xi32>
        %and3A_817 = arith.constant 127 : i32
        %and3A_818 = vector.broadcast %and3A_817 : i32 to vector<16xi32>
        %and3A_819 = arith.andi %get3A_813, %and3A_818 : vector<16xi32>
        %gather3A_820 = tpu.vector_load_idx %arg8[%shift_right_arithmetic3A_816, %and3A_819] : memref<782x128xf32, #tpu.memory_space<vmem>>[vector<16xi32>, vector<16xi32>], vector<16xf32>,
        %add3A_821 = arith.addf %add3A_797, %gather3A_820 : vector<16xf32>
        %get3A_822 = arith.constant 19 : i32
        %get3A_823 = arith.index_cast %get3A_822 : i32 to index
        %get3A_824 = arith.constant 32 : index
        %get3A_825 = tpu.vector_load %arg9[%get3A_823, %get3A_824] {strides = array<i32>} : memref<20x128xi32, #tpu.memory_space<vmem>>, vector<16xi32>,
        %shift_right_arithmetic3A_826 = arith.constant 7 : i32
        %shift_right_arithmetic3A_827 = vector.broadcast %shift_right_arithmetic3A_826 : i32 to vector<16xi32>
        %shift_right_arithmetic3A_828 = arith.shrsi %get3A_825, %shift_right_arithmetic3A_827 : vector<16xi32>
        %and3A_829 = arith.constant 127 : i32
        %and3A_830 = vector.broadcast %and3A_829 : i32 to vector<16xi32>
        %and3A_831 = arith.andi %get3A_825, %and3A_830 : vector<16xi32>
        %gather3A_832 = tpu.vector_load_idx %arg8[%shift_right_arithmetic3A_828, %and3A_831] : memref<782x128xf32, #tpu.memory_space<vmem>>[vector<16xi32>, vector<16xi32>], vector<16xf32>,
        %add3A_833 = arith.addf %add3A_809, %gather3A_832 : vector<16xf32>
        %add3A_834 = arith.addf %add3A_821, %add3A_833 : vector<16xf32>
        %mul3A_835 = arith.constant 128 : i32
        %mul3A_836 = arith.muli %add3A_75, %mul3A_835 : i32
        %add3A_837 = arith.constant 32 : i32
        %add3A_838 = arith.addi %mul3A_836, %add3A_837 : i32
        %swap3A_839 = arith.index_cast %add3A_838 : i32 to index
        %swap3A_840 = tpu.vector_load %arg11[%swap3A_839] {strides = array<i32>} : memref<4096xf32, #tpu.memory_space<vmem>>, vector<16xf32>,
        tpu.vector_store %arg11[%swap3A_839], %add3A_834 {strides = array<i32>} : memref<4096xf32, #tpu.memory_space<vmem>>, vector<16xf32>,
        %broadcast_in_dim3A_841 = arith.constant 0.000000e+00 : f32
        %broadcast_in_dim3A_842 = vector.broadcast %broadcast_in_dim3A_841 : f32 to vector<16xf32>
        %broadcast_in_dim3A_843 = arith.constant 0.000000e+00 : f32
        %broadcast_in_dim3A_844 = vector.broadcast %broadcast_in_dim3A_843 : f32 to vector<16xf32>
        %get3A_845 = arith.constant 0 : i32
        %get3A_846 = arith.index_cast %get3A_845 : i32 to index
        %get3A_847 = arith.constant 48 : index
        %get3A_848 = tpu.vector_load %arg9[%get3A_846, %get3A_847] {strides = array<i32>} : memref<20x128xi32, #tpu.memory_space<vmem>>, vector<16xi32>,
        %shift_right_arithmetic3A_849 = arith.constant 7 : i32
        %shift_right_arithmetic3A_850 = vector.broadcast %shift_right_arithmetic3A_849 : i32 to vector<16xi32>
        %shift_right_arithmetic3A_851 = arith.shrsi %get3A_848, %shift_right_arithmetic3A_850 : vector<16xi32>
        %and3A_852 = arith.constant 127 : i32
        %and3A_853 = vector.broadcast %and3A_852 : i32 to vector<16xi32>
        %and3A_854 = arith.andi %get3A_848, %and3A_853 : vector<16xi32>
        %gather3A_855 = tpu.vector_load_idx %arg8[%shift_right_arithmetic3A_851, %and3A_854] : memref<782x128xf32, #tpu.memory_space<vmem>>[vector<16xi32>, vector<16xi32>], vector<16xf32>,
        %add3A_856 = arith.addf %broadcast_in_dim3A_842, %gather3A_855 : vector<16xf32>
        %get3A_857 = arith.constant 1 : i32
        %get3A_858 = arith.index_cast %get3A_857 : i32 to index
        %get3A_859 = arith.constant 48 : index
        %get3A_860 = tpu.vector_load %arg9[%get3A_858, %get3A_859] {strides = array<i32>} : memref<20x128xi32, #tpu.memory_space<vmem>>, vector<16xi32>,
        %shift_right_arithmetic3A_861 = arith.constant 7 : i32
        %shift_right_arithmetic3A_862 = vector.broadcast %shift_right_arithmetic3A_861 : i32 to vector<16xi32>
        %shift_right_arithmetic3A_863 = arith.shrsi %get3A_860, %shift_right_arithmetic3A_862 : vector<16xi32>
        %and3A_864 = arith.constant 127 : i32
        %and3A_865 = vector.broadcast %and3A_864 : i32 to vector<16xi32>
        %and3A_866 = arith.andi %get3A_860, %and3A_865 : vector<16xi32>
        %gather3A_867 = tpu.vector_load_idx %arg8[%shift_right_arithmetic3A_863, %and3A_866] : memref<782x128xf32, #tpu.memory_space<vmem>>[vector<16xi32>, vector<16xi32>], vector<16xf32>,
        %add3A_868 = arith.addf %broadcast_in_dim3A_844, %gather3A_867 : vector<16xf32>
        %get3A_869 = arith.constant 2 : i32
        %get3A_870 = arith.index_cast %get3A_869 : i32 to index
        %get3A_871 = arith.constant 48 : index
        %get3A_872 = tpu.vector_load %arg9[%get3A_870, %get3A_871] {strides = array<i32>} : memref<20x128xi32, #tpu.memory_space<vmem>>, vector<16xi32>,
        %shift_right_arithmetic3A_873 = arith.constant 7 : i32
        %shift_right_arithmetic3A_874 = vector.broadcast %shift_right_arithmetic3A_873 : i32 to vector<16xi32>
        %shift_right_arithmetic3A_875 = arith.shrsi %get3A_872, %shift_right_arithmetic3A_874 : vector<16xi32>
        %and3A_876 = arith.constant 127 : i32
        %and3A_877 = vector.broadcast %and3A_876 : i32 to vector<16xi32>
        %and3A_878 = arith.andi %get3A_872, %and3A_877 : vector<16xi32>
        %gather3A_879 = tpu.vector_load_idx %arg8[%shift_right_arithmetic3A_875, %and3A_878] : memref<782x128xf32, #tpu.memory_space<vmem>>[vector<16xi32>, vector<16xi32>], vector<16xf32>,
        %add3A_880 = arith.addf %add3A_856, %gather3A_879 : vector<16xf32>
        %get3A_881 = arith.constant 3 : i32
        %get3A_882 = arith.index_cast %get3A_881 : i32 to index
        %get3A_883 = arith.constant 48 : index
        %get3A_884 = tpu.vector_load %arg9[%get3A_882, %get3A_883] {strides = array<i32>} : memref<20x128xi32, #tpu.memory_space<vmem>>, vector<16xi32>,
        %shift_right_arithmetic3A_885 = arith.constant 7 : i32
        %shift_right_arithmetic3A_886 = vector.broadcast %shift_right_arithmetic3A_885 : i32 to vector<16xi32>
        %shift_right_arithmetic3A_887 = arith.shrsi %get3A_884, %shift_right_arithmetic3A_886 : vector<16xi32>
        %and3A_888 = arith.constant 127 : i32
        %and3A_889 = vector.broadcast %and3A_888 : i32 to vector<16xi32>
        %and3A_890 = arith.andi %get3A_884, %and3A_889 : vector<16xi32>
        %gather3A_891 = tpu.vector_load_idx %arg8[%shift_right_arithmetic3A_887, %and3A_890] : memref<782x128xf32, #tpu.memory_space<vmem>>[vector<16xi32>, vector<16xi32>], vector<16xf32>,
        %add3A_892 = arith.addf %add3A_868, %gather3A_891 : vector<16xf32>
        %get3A_893 = arith.constant 4 : i32
        %get3A_894 = arith.index_cast %get3A_893 : i32 to index
        %get3A_895 = arith.constant 48 : index
        %get3A_896 = tpu.vector_load %arg9[%get3A_894, %get3A_895] {strides = array<i32>} : memref<20x128xi32, #tpu.memory_space<vmem>>, vector<16xi32>,
        %shift_right_arithmetic3A_897 = arith.constant 7 : i32
        %shift_right_arithmetic3A_898 = vector.broadcast %shift_right_arithmetic3A_897 : i32 to vector<16xi32>
        %shift_right_arithmetic3A_899 = arith.shrsi %get3A_896, %shift_right_arithmetic3A_898 : vector<16xi32>
        %and3A_900 = arith.constant 127 : i32
        %and3A_901 = vector.broadcast %and3A_900 : i32 to vector<16xi32>
        %and3A_902 = arith.andi %get3A_896, %and3A_901 : vector<16xi32>
        %gather3A_903 = tpu.vector_load_idx %arg8[%shift_right_arithmetic3A_899, %and3A_902] : memref<782x128xf32, #tpu.memory_space<vmem>>[vector<16xi32>, vector<16xi32>], vector<16xf32>,
        %add3A_904 = arith.addf %add3A_880, %gather3A_903 : vector<16xf32>
        %get3A_905 = arith.constant 5 : i32
        %get3A_906 = arith.index_cast %get3A_905 : i32 to index
        %get3A_907 = arith.constant 48 : index
        %get3A_908 = tpu.vector_load %arg9[%get3A_906, %get3A_907] {strides = array<i32>} : memref<20x128xi32, #tpu.memory_space<vmem>>, vector<16xi32>,
        %shift_right_arithmetic3A_909 = arith.constant 7 : i32
        %shift_right_arithmetic3A_910 = vector.broadcast %shift_right_arithmetic3A_909 : i32 to vector<16xi32>
        %shift_right_arithmetic3A_911 = arith.shrsi %get3A_908, %shift_right_arithmetic3A_910 : vector<16xi32>
        %and3A_912 = arith.constant 127 : i32
        %and3A_913 = vector.broadcast %and3A_912 : i32 to vector<16xi32>
        %and3A_914 = arith.andi %get3A_908, %and3A_913 : vector<16xi32>
        %gather3A_915 = tpu.vector_load_idx %arg8[%shift_right_arithmetic3A_911, %and3A_914] : memref<782x128xf32, #tpu.memory_space<vmem>>[vector<16xi32>, vector<16xi32>], vector<16xf32>,
        %add3A_916 = arith.addf %add3A_892, %gather3A_915 : vector<16xf32>
        %get3A_917 = arith.constant 6 : i32
        %get3A_918 = arith.index_cast %get3A_917 : i32 to index
        %get3A_919 = arith.constant 48 : index
        %get3A_920 = tpu.vector_load %arg9[%get3A_918, %get3A_919] {strides = array<i32>} : memref<20x128xi32, #tpu.memory_space<vmem>>, vector<16xi32>,
        %shift_right_arithmetic3A_921 = arith.constant 7 : i32
        %shift_right_arithmetic3A_922 = vector.broadcast %shift_right_arithmetic3A_921 : i32 to vector<16xi32>
        %shift_right_arithmetic3A_923 = arith.shrsi %get3A_920, %shift_right_arithmetic3A_922 : vector<16xi32>
        %and3A_924 = arith.constant 127 : i32
        %and3A_925 = vector.broadcast %and3A_924 : i32 to vector<16xi32>
        %and3A_926 = arith.andi %get3A_920, %and3A_925 : vector<16xi32>
        %gather3A_927 = tpu.vector_load_idx %arg8[%shift_right_arithmetic3A_923, %and3A_926] : memref<782x128xf32, #tpu.memory_space<vmem>>[vector<16xi32>, vector<16xi32>], vector<16xf32>,
        %add3A_928 = arith.addf %add3A_904, %gather3A_927 : vector<16xf32>
        %get3A_929 = arith.constant 7 : i32
        %get3A_930 = arith.index_cast %get3A_929 : i32 to index
        %get3A_931 = arith.constant 48 : index
        %get3A_932 = tpu.vector_load %arg9[%get3A_930, %get3A_931] {strides = array<i32>} : memref<20x128xi32, #tpu.memory_space<vmem>>, vector<16xi32>,
        %shift_right_arithmetic3A_933 = arith.constant 7 : i32
        %shift_right_arithmetic3A_934 = vector.broadcast %shift_right_arithmetic3A_933 : i32 to vector<16xi32>
        %shift_right_arithmetic3A_935 = arith.shrsi %get3A_932, %shift_right_arithmetic3A_934 : vector<16xi32>
        %and3A_936 = arith.constant 127 : i32
        %and3A_937 = vector.broadcast %and3A_936 : i32 to vector<16xi32>
        %and3A_938 = arith.andi %get3A_932, %and3A_937 : vector<16xi32>
        %gather3A_939 = tpu.vector_load_idx %arg8[%shift_right_arithmetic3A_935, %and3A_938] : memref<782x128xf32, #tpu.memory_space<vmem>>[vector<16xi32>, vector<16xi32>], vector<16xf32>,
        %add3A_940 = arith.addf %add3A_916, %gather3A_939 : vector<16xf32>
        %get3A_941 = arith.constant 8 : i32
        %get3A_942 = arith.index_cast %get3A_941 : i32 to index
        %get3A_943 = arith.constant 48 : index
        %get3A_944 = tpu.vector_load %arg9[%get3A_942, %get3A_943] {strides = array<i32>} : memref<20x128xi32, #tpu.memory_space<vmem>>, vector<16xi32>,
        %shift_right_arithmetic3A_945 = arith.constant 7 : i32
        %shift_right_arithmetic3A_946 = vector.broadcast %shift_right_arithmetic3A_945 : i32 to vector<16xi32>
        %shift_right_arithmetic3A_947 = arith.shrsi %get3A_944, %shift_right_arithmetic3A_946 : vector<16xi32>
        %and3A_948 = arith.constant 127 : i32
        %and3A_949 = vector.broadcast %and3A_948 : i32 to vector<16xi32>
        %and3A_950 = arith.andi %get3A_944, %and3A_949 : vector<16xi32>
        %gather3A_951 = tpu.vector_load_idx %arg8[%shift_right_arithmetic3A_947, %and3A_950] : memref<782x128xf32, #tpu.memory_space<vmem>>[vector<16xi32>, vector<16xi32>], vector<16xf32>,
        %add3A_952 = arith.addf %add3A_928, %gather3A_951 : vector<16xf32>
        %get3A_953 = arith.constant 9 : i32
        %get3A_954 = arith.index_cast %get3A_953 : i32 to index
        %get3A_955 = arith.constant 48 : index
        %get3A_956 = tpu.vector_load %arg9[%get3A_954, %get3A_955] {strides = array<i32>} : memref<20x128xi32, #tpu.memory_space<vmem>>, vector<16xi32>,
        %shift_right_arithmetic3A_957 = arith.constant 7 : i32
        %shift_right_arithmetic3A_958 = vector.broadcast %shift_right_arithmetic3A_957 : i32 to vector<16xi32>
        %shift_right_arithmetic3A_959 = arith.shrsi %get3A_956, %shift_right_arithmetic3A_958 : vector<16xi32>
        %and3A_960 = arith.constant 127 : i32
        %and3A_961 = vector.broadcast %and3A_960 : i32 to vector<16xi32>
        %and3A_962 = arith.andi %get3A_956, %and3A_961 : vector<16xi32>
        %gather3A_963 = tpu.vector_load_idx %arg8[%shift_right_arithmetic3A_959, %and3A_962] : memref<782x128xf32, #tpu.memory_space<vmem>>[vector<16xi32>, vector<16xi32>], vector<16xf32>,
        %add3A_964 = arith.addf %add3A_940, %gather3A_963 : vector<16xf32>
        %get3A_965 = arith.constant 10 : i32
        %get3A_966 = arith.index_cast %get3A_965 : i32 to index
        %get3A_967 = arith.constant 48 : index
        %get3A_968 = tpu.vector_load %arg9[%get3A_966, %get3A_967] {strides = array<i32>} : memref<20x128xi32, #tpu.memory_space<vmem>>, vector<16xi32>,
        %shift_right_arithmetic3A_969 = arith.constant 7 : i32
        %shift_right_arithmetic3A_970 = vector.broadcast %shift_right_arithmetic3A_969 : i32 to vector<16xi32>
        %shift_right_arithmetic3A_971 = arith.shrsi %get3A_968, %shift_right_arithmetic3A_970 : vector<16xi32>
        %and3A_972 = arith.constant 127 : i32
        %and3A_973 = vector.broadcast %and3A_972 : i32 to vector<16xi32>
        %and3A_974 = arith.andi %get3A_968, %and3A_973 : vector<16xi32>
        %gather3A_975 = tpu.vector_load_idx %arg8[%shift_right_arithmetic3A_971, %and3A_974] : memref<782x128xf32, #tpu.memory_space<vmem>>[vector<16xi32>, vector<16xi32>], vector<16xf32>,
        %add3A_976 = arith.addf %add3A_952, %gather3A_975 : vector<16xf32>
        %get3A_977 = arith.constant 11 : i32
        %get3A_978 = arith.index_cast %get3A_977 : i32 to index
        %get3A_979 = arith.constant 48 : index
        %get3A_980 = tpu.vector_load %arg9[%get3A_978, %get3A_979] {strides = array<i32>} : memref<20x128xi32, #tpu.memory_space<vmem>>, vector<16xi32>,
        %shift_right_arithmetic3A_981 = arith.constant 7 : i32
        %shift_right_arithmetic3A_982 = vector.broadcast %shift_right_arithmetic3A_981 : i32 to vector<16xi32>
        %shift_right_arithmetic3A_983 = arith.shrsi %get3A_980, %shift_right_arithmetic3A_982 : vector<16xi32>
        %and3A_984 = arith.constant 127 : i32
        %and3A_985 = vector.broadcast %and3A_984 : i32 to vector<16xi32>
        %and3A_986 = arith.andi %get3A_980, %and3A_985 : vector<16xi32>
        %gather3A_987 = tpu.vector_load_idx %arg8[%shift_right_arithmetic3A_983, %and3A_986] : memref<782x128xf32, #tpu.memory_space<vmem>>[vector<16xi32>, vector<16xi32>], vector<16xf32>,
        %add3A_988 = arith.addf %add3A_964, %gather3A_987 : vector<16xf32>
        %get3A_989 = arith.constant 12 : i32
        %get3A_990 = arith.index_cast %get3A_989 : i32 to index
        %get3A_991 = arith.constant 48 : index
        %get3A_992 = tpu.vector_load %arg9[%get3A_990, %get3A_991] {strides = array<i32>} : memref<20x128xi32, #tpu.memory_space<vmem>>, vector<16xi32>,
        %shift_right_arithmetic3A_993 = arith.constant 7 : i32
        %shift_right_arithmetic3A_994 = vector.broadcast %shift_right_arithmetic3A_993 : i32 to vector<16xi32>
        %shift_right_arithmetic3A_995 = arith.shrsi %get3A_992, %shift_right_arithmetic3A_994 : vector<16xi32>
        %and3A_996 = arith.constant 127 : i32
        %and3A_997 = vector.broadcast %and3A_996 : i32 to vector<16xi32>
        %and3A_998 = arith.andi %get3A_992, %and3A_997 : vector<16xi32>
        %gather3A_999 = tpu.vector_load_idx %arg8[%shift_right_arithmetic3A_995, %and3A_998] : memref<782x128xf32, #tpu.memory_space<vmem>>[vector<16xi32>, vector<16xi32>], vector<16xf32>,
        %add3A_1000 = arith.addf %add3A_976, %gather3A_999 : vector<16xf32>
        %get3A_1001 = arith.constant 13 : i32
        %get3A_1002 = arith.index_cast %get3A_1001 : i32 to index
        %get3A_1003 = arith.constant 48 : index
        %get3A_1004 = tpu.vector_load %arg9[%get3A_1002, %get3A_1003] {strides = array<i32>} : memref<20x128xi32, #tpu.memory_space<vmem>>, vector<16xi32>,
        %shift_right_arithmetic3A_1005 = arith.constant 7 : i32
        %shift_right_arithmetic3A_1006 = vector.broadcast %shift_right_arithmetic3A_1005 : i32 to vector<16xi32>
        %shift_right_arithmetic3A_1007 = arith.shrsi %get3A_1004, %shift_right_arithmetic3A_1006 : vector<16xi32>
        %and3A_1008 = arith.constant 127 : i32
        %and3A_1009 = vector.broadcast %and3A_1008 : i32 to vector<16xi32>
        %and3A_1010 = arith.andi %get3A_1004, %and3A_1009 : vector<16xi32>
        %gather3A_1011 = tpu.vector_load_idx %arg8[%shift_right_arithmetic3A_1007, %and3A_1010] : memref<782x128xf32, #tpu.memory_space<vmem>>[vector<16xi32>, vector<16xi32>], vector<16xf32>,
        %add3A_1012 = arith.addf %add3A_988, %gather3A_1011 : vector<16xf32>
        %get3A_1013 = arith.constant 14 : i32
        %get3A_1014 = arith.index_cast %get3A_1013 : i32 to index
        %get3A_1015 = arith.constant 48 : index
        %get3A_1016 = tpu.vector_load %arg9[%get3A_1014, %get3A_1015] {strides = array<i32>} : memref<20x128xi32, #tpu.memory_space<vmem>>, vector<16xi32>,
        %shift_right_arithmetic3A_1017 = arith.constant 7 : i32
        %shift_right_arithmetic3A_1018 = vector.broadcast %shift_right_arithmetic3A_1017 : i32 to vector<16xi32>
        %shift_right_arithmetic3A_1019 = arith.shrsi %get3A_1016, %shift_right_arithmetic3A_1018 : vector<16xi32>
        %and3A_1020 = arith.constant 127 : i32
        %and3A_1021 = vector.broadcast %and3A_1020 : i32 to vector<16xi32>
        %and3A_1022 = arith.andi %get3A_1016, %and3A_1021 : vector<16xi32>
        %gather3A_1023 = tpu.vector_load_idx %arg8[%shift_right_arithmetic3A_1019, %and3A_1022] : memref<782x128xf32, #tpu.memory_space<vmem>>[vector<16xi32>, vector<16xi32>], vector<16xf32>,
        %add3A_1024 = arith.addf %add3A_1000, %gather3A_1023 : vector<16xf32>
        %get3A_1025 = arith.constant 15 : i32
        %get3A_1026 = arith.index_cast %get3A_1025 : i32 to index
        %get3A_1027 = arith.constant 48 : index
        %get3A_1028 = tpu.vector_load %arg9[%get3A_1026, %get3A_1027] {strides = array<i32>} : memref<20x128xi32, #tpu.memory_space<vmem>>, vector<16xi32>,
        %shift_right_arithmetic3A_1029 = arith.constant 7 : i32
        %shift_right_arithmetic3A_1030 = vector.broadcast %shift_right_arithmetic3A_1029 : i32 to vector<16xi32>
        %shift_right_arithmetic3A_1031 = arith.shrsi %get3A_1028, %shift_right_arithmetic3A_1030 : vector<16xi32>
        %and3A_1032 = arith.constant 127 : i32
        %and3A_1033 = vector.broadcast %and3A_1032 : i32 to vector<16xi32>
        %and3A_1034 = arith.andi %get3A_1028, %and3A_1033 : vector<16xi32>
        %gather3A_1035 = tpu.vector_load_idx %arg8[%shift_right_arithmetic3A_1031, %and3A_1034] : memref<782x128xf32, #tpu.memory_space<vmem>>[vector<16xi32>, vector<16xi32>], vector<16xf32>,
        %add3A_1036 = arith.addf %add3A_1012, %gather3A_1035 : vector<16xf32>
        %get3A_1037 = arith.constant 16 : i32
        %get3A_1038 = arith.index_cast %get3A_1037 : i32 to index
        %get3A_1039 = arith.constant 48 : index
        %get3A_1040 = tpu.vector_load %arg9[%get3A_1038, %get3A_1039] {strides = array<i32>} : memref<20x128xi32, #tpu.memory_space<vmem>>, vector<16xi32>,
        %shift_right_arithmetic3A_1041 = arith.constant 7 : i32
        %shift_right_arithmetic3A_1042 = vector.broadcast %shift_right_arithmetic3A_1041 : i32 to vector<16xi32>
        %shift_right_arithmetic3A_1043 = arith.shrsi %get3A_1040, %shift_right_arithmetic3A_1042 : vector<16xi32>
        %and3A_1044 = arith.constant 127 : i32
        %and3A_1045 = vector.broadcast %and3A_1044 : i32 to vector<16xi32>
        %and3A_1046 = arith.andi %get3A_1040, %and3A_1045 : vector<16xi32>
        %gather3A_1047 = tpu.vector_load_idx %arg8[%shift_right_arithmetic3A_1043, %and3A_1046] : memref<782x128xf32, #tpu.memory_space<vmem>>[vector<16xi32>, vector<16xi32>], vector<16xf32>,
        %add3A_1048 = arith.addf %add3A_1024, %gather3A_1047 : vector<16xf32>
        %get3A_1049 = arith.constant 17 : i32
        %get3A_1050 = arith.index_cast %get3A_1049 : i32 to index
        %get3A_1051 = arith.constant 48 : index
        %get3A_1052 = tpu.vector_load %arg9[%get3A_1050, %get3A_1051] {strides = array<i32>} : memref<20x128xi32, #tpu.memory_space<vmem>>, vector<16xi32>,
        %shift_right_arithmetic3A_1053 = arith.constant 7 : i32
        %shift_right_arithmetic3A_1054 = vector.broadcast %shift_right_arithmetic3A_1053 : i32 to vector<16xi32>
        %shift_right_arithmetic3A_1055 = arith.shrsi %get3A_1052, %shift_right_arithmetic3A_1054 : vector<16xi32>
        %and3A_1056 = arith.constant 127 : i32
        %and3A_1057 = vector.broadcast %and3A_1056 : i32 to vector<16xi32>
        %and3A_1058 = arith.andi %get3A_1052, %and3A_1057 : vector<16xi32>
        %gather3A_1059 = tpu.vector_load_idx %arg8[%shift_right_arithmetic3A_1055, %and3A_1058] : memref<782x128xf32, #tpu.memory_space<vmem>>[vector<16xi32>, vector<16xi32>], vector<16xf32>,
        %add3A_1060 = arith.addf %add3A_1036, %gather3A_1059 : vector<16xf32>
        %get3A_1061 = arith.constant 18 : i32
        %get3A_1062 = arith.index_cast %get3A_1061 : i32 to index
        %get3A_1063 = arith.constant 48 : index
        %get3A_1064 = tpu.vector_load %arg9[%get3A_1062, %get3A_1063] {strides = array<i32>} : memref<20x128xi32, #tpu.memory_space<vmem>>, vector<16xi32>,
        %shift_right_arithmetic3A_1065 = arith.constant 7 : i32
        %shift_right_arithmetic3A_1066 = vector.broadcast %shift_right_arithmetic3A_1065 : i32 to vector<16xi32>
        %shift_right_arithmetic3A_1067 = arith.shrsi %get3A_1064, %shift_right_arithmetic3A_1066 : vector<16xi32>
        %and3A_1068 = arith.constant 127 : i32
        %and3A_1069 = vector.broadcast %and3A_1068 : i32 to vector<16xi32>
        %and3A_1070 = arith.andi %get3A_1064, %and3A_1069 : vector<16xi32>
        %gather3A_1071 = tpu.vector_load_idx %arg8[%shift_right_arithmetic3A_1067, %and3A_1070] : memref<782x128xf32, #tpu.memory_space<vmem>>[vector<16xi32>, vector<16xi32>], vector<16xf32>,
        %add3A_1072 = arith.addf %add3A_1048, %gather3A_1071 : vector<16xf32>
        %get3A_1073 = arith.constant 19 : i32
        %get3A_1074 = arith.index_cast %get3A_1073 : i32 to index
        %get3A_1075 = arith.constant 48 : index
        %get3A_1076 = tpu.vector_load %arg9[%get3A_1074, %get3A_1075] {strides = array<i32>} : memref<20x128xi32, #tpu.memory_space<vmem>>, vector<16xi32>,
        %shift_right_arithmetic3A_1077 = arith.constant 7 : i32
        %shift_right_arithmetic3A_1078 = vector.broadcast %shift_right_arithmetic3A_1077 : i32 to vector<16xi32>
        %shift_right_arithmetic3A_1079 = arith.shrsi %get3A_1076, %shift_right_arithmetic3A_1078 : vector<16xi32>
        %and3A_1080 = arith.constant 127 : i32
        %and3A_1081 = vector.broadcast %and3A_1080 : i32 to vector<16xi32>
        %and3A_1082 = arith.andi %get3A_1076, %and3A_1081 : vector<16xi32>
        %gather3A_1083 = tpu.vector_load_idx %arg8[%shift_right_arithmetic3A_1079, %and3A_1082] : memref<782x128xf32, #tpu.memory_space<vmem>>[vector<16xi32>, vector<16xi32>], vector<16xf32>,
        %add3A_1084 = arith.addf %add3A_1060, %gather3A_1083 : vector<16xf32>
        %add3A_1085 = arith.addf %add3A_1072, %add3A_1084 : vector<16xf32>
        %mul3A_1086 = arith.constant 128 : i32
        %mul3A_1087 = arith.muli %add3A_75, %mul3A_1086 : i32
        %add3A_1088 = arith.constant 48 : i32
        %add3A_1089 = arith.addi %mul3A_1087, %add3A_1088 : i32
        %swap3A_1090 = arith.index_cast %add3A_1089 : i32 to index
        %swap3A_1091 = tpu.vector_load %arg11[%swap3A_1090] {strides = array<i32>} : memref<4096xf32, #tpu.memory_space<vmem>>, vector<16xf32>,
        tpu.vector_store %arg11[%swap3A_1090], %add3A_1085 {strides = array<i32>} : memref<4096xf32, #tpu.memory_space<vmem>>, vector<16xf32>,
        %broadcast_in_dim3A_1092 = arith.constant 0.000000e+00 : f32
        %broadcast_in_dim3A_1093 = vector.broadcast %broadcast_in_dim3A_1092 : f32 to vector<16xf32>
        %broadcast_in_dim3A_1094 = arith.constant 0.000000e+00 : f32
        %broadcast_in_dim3A_1095 = vector.broadcast %broadcast_in_dim3A_1094 : f32 to vector<16xf32>
        %get3A_1096 = arith.constant 0 : i32
        %get3A_1097 = arith.index_cast %get3A_1096 : i32 to index
        %get3A_1098 = arith.constant 64 : index
        %get3A_1099 = tpu.vector_load %arg9[%get3A_1097, %get3A_1098] {strides = array<i32>} : memref<20x128xi32, #tpu.memory_space<vmem>>, vector<16xi32>,
        %shift_right_arithmetic3A_1100 = arith.constant 7 : i32
        %shift_right_arithmetic3A_1101 = vector.broadcast %shift_right_arithmetic3A_1100 : i32 to vector<16xi32>
        %shift_right_arithmetic3A_1102 = arith.shrsi %get3A_1099, %shift_right_arithmetic3A_1101 : vector<16xi32>
        %and3A_1103 = arith.constant 127 : i32
        %and3A_1104 = vector.broadcast %and3A_1103 : i32 to vector<16xi32>
        %and3A_1105 = arith.andi %get3A_1099, %and3A_1104 : vector<16xi32>
        %gather3A_1106 = tpu.vector_load_idx %arg8[%shift_right_arithmetic3A_1102, %and3A_1105] : memref<782x128xf32, #tpu.memory_space<vmem>>[vector<16xi32>, vector<16xi32>], vector<16xf32>,
        %add3A_1107 = arith.addf %broadcast_in_dim3A_1093, %gather3A_1106 : vector<16xf32>
        %get3A_1108 = arith.constant 1 : i32
        %get3A_1109 = arith.index_cast %get3A_1108 : i32 to index
        %get3A_1110 = arith.constant 64 : index
        %get3A_1111 = tpu.vector_load %arg9[%get3A_1109, %get3A_1110] {strides = array<i32>} : memref<20x128xi32, #tpu.memory_space<vmem>>, vector<16xi32>,
        %shift_right_arithmetic3A_1112 = arith.constant 7 : i32
        %shift_right_arithmetic3A_1113 = vector.broadcast %shift_right_arithmetic3A_1112 : i32 to vector<16xi32>
        %shift_right_arithmetic3A_1114 = arith.shrsi %get3A_1111, %shift_right_arithmetic3A_1113 : vector<16xi32>
        %and3A_1115 = arith.constant 127 : i32
        %and3A_1116 = vector.broadcast %and3A_1115 : i32 to vector<16xi32>
        %and3A_1117 = arith.andi %get3A_1111, %and3A_1116 : vector<16xi32>
        %gather3A_1118 = tpu.vector_load_idx %arg8[%shift_right_arithmetic3A_1114, %and3A_1117] : memref<782x128xf32, #tpu.memory_space<vmem>>[vector<16xi32>, vector<16xi32>], vector<16xf32>,
        %add3A_1119 = arith.addf %broadcast_in_dim3A_1095, %gather3A_1118 : vector<16xf32>
        %get3A_1120 = arith.constant 2 : i32
        %get3A_1121 = arith.index_cast %get3A_1120 : i32 to index
        %get3A_1122 = arith.constant 64 : index
        %get3A_1123 = tpu.vector_load %arg9[%get3A_1121, %get3A_1122] {strides = array<i32>} : memref<20x128xi32, #tpu.memory_space<vmem>>, vector<16xi32>,
        %shift_right_arithmetic3A_1124 = arith.constant 7 : i32
        %shift_right_arithmetic3A_1125 = vector.broadcast %shift_right_arithmetic3A_1124 : i32 to vector<16xi32>
        %shift_right_arithmetic3A_1126 = arith.shrsi %get3A_1123, %shift_right_arithmetic3A_1125 : vector<16xi32>
        %and3A_1127 = arith.constant 127 : i32
        %and3A_1128 = vector.broadcast %and3A_1127 : i32 to vector<16xi32>
        %and3A_1129 = arith.andi %get3A_1123, %and3A_1128 : vector<16xi32>
        %gather3A_1130 = tpu.vector_load_idx %arg8[%shift_right_arithmetic3A_1126, %and3A_1129] : memref<782x128xf32, #tpu.memory_space<vmem>>[vector<16xi32>, vector<16xi32>], vector<16xf32>,
        %add3A_1131 = arith.addf %add3A_1107, %gather3A_1130 : vector<16xf32>
        %get3A_1132 = arith.constant 3 : i32
        %get3A_1133 = arith.index_cast %get3A_1132 : i32 to index
        %get3A_1134 = arith.constant 64 : index
        %get3A_1135 = tpu.vector_load %arg9[%get3A_1133, %get3A_1134] {strides = array<i32>} : memref<20x128xi32, #tpu.memory_space<vmem>>, vector<16xi32>,
        %shift_right_arithmetic3A_1136 = arith.constant 7 : i32
        %shift_right_arithmetic3A_1137 = vector.broadcast %shift_right_arithmetic3A_1136 : i32 to vector<16xi32>
        %shift_right_arithmetic3A_1138 = arith.shrsi %get3A_1135, %shift_right_arithmetic3A_1137 : vector<16xi32>
        %and3A_1139 = arith.constant 127 : i32
        %and3A_1140 = vector.broadcast %and3A_1139 : i32 to vector<16xi32>
        %and3A_1141 = arith.andi %get3A_1135, %and3A_1140 : vector<16xi32>
        %gather3A_1142 = tpu.vector_load_idx %arg8[%shift_right_arithmetic3A_1138, %and3A_1141] : memref<782x128xf32, #tpu.memory_space<vmem>>[vector<16xi32>, vector<16xi32>], vector<16xf32>,
        %add3A_1143 = arith.addf %add3A_1119, %gather3A_1142 : vector<16xf32>
        %get3A_1144 = arith.constant 4 : i32
        %get3A_1145 = arith.index_cast %get3A_1144 : i32 to index
        %get3A_1146 = arith.constant 64 : index
        %get3A_1147 = tpu.vector_load %arg9[%get3A_1145, %get3A_1146] {strides = array<i32>} : memref<20x128xi32, #tpu.memory_space<vmem>>, vector<16xi32>,
        %shift_right_arithmetic3A_1148 = arith.constant 7 : i32
        %shift_right_arithmetic3A_1149 = vector.broadcast %shift_right_arithmetic3A_1148 : i32 to vector<16xi32>
        %shift_right_arithmetic3A_1150 = arith.shrsi %get3A_1147, %shift_right_arithmetic3A_1149 : vector<16xi32>
        %and3A_1151 = arith.constant 127 : i32
        %and3A_1152 = vector.broadcast %and3A_1151 : i32 to vector<16xi32>
        %and3A_1153 = arith.andi %get3A_1147, %and3A_1152 : vector<16xi32>
        %gather3A_1154 = tpu.vector_load_idx %arg8[%shift_right_arithmetic3A_1150, %and3A_1153] : memref<782x128xf32, #tpu.memory_space<vmem>>[vector<16xi32>, vector<16xi32>], vector<16xf32>,
        %add3A_1155 = arith.addf %add3A_1131, %gather3A_1154 : vector<16xf32>
        %get3A_1156 = arith.constant 5 : i32
        %get3A_1157 = arith.index_cast %get3A_1156 : i32 to index
        %get3A_1158 = arith.constant 64 : index
        %get3A_1159 = tpu.vector_load %arg9[%get3A_1157, %get3A_1158] {strides = array<i32>} : memref<20x128xi32, #tpu.memory_space<vmem>>, vector<16xi32>,
        %shift_right_arithmetic3A_1160 = arith.constant 7 : i32
        %shift_right_arithmetic3A_1161 = vector.broadcast %shift_right_arithmetic3A_1160 : i32 to vector<16xi32>
        %shift_right_arithmetic3A_1162 = arith.shrsi %get3A_1159, %shift_right_arithmetic3A_1161 : vector<16xi32>
        %and3A_1163 = arith.constant 127 : i32
        %and3A_1164 = vector.broadcast %and3A_1163 : i32 to vector<16xi32>
        %and3A_1165 = arith.andi %get3A_1159, %and3A_1164 : vector<16xi32>
        %gather3A_1166 = tpu.vector_load_idx %arg8[%shift_right_arithmetic3A_1162, %and3A_1165] : memref<782x128xf32, #tpu.memory_space<vmem>>[vector<16xi32>, vector<16xi32>], vector<16xf32>,
        %add3A_1167 = arith.addf %add3A_1143, %gather3A_1166 : vector<16xf32>
        %get3A_1168 = arith.constant 6 : i32
        %get3A_1169 = arith.index_cast %get3A_1168 : i32 to index
        %get3A_1170 = arith.constant 64 : index
        %get3A_1171 = tpu.vector_load %arg9[%get3A_1169, %get3A_1170] {strides = array<i32>} : memref<20x128xi32, #tpu.memory_space<vmem>>, vector<16xi32>,
        %shift_right_arithmetic3A_1172 = arith.constant 7 : i32
        %shift_right_arithmetic3A_1173 = vector.broadcast %shift_right_arithmetic3A_1172 : i32 to vector<16xi32>
        %shift_right_arithmetic3A_1174 = arith.shrsi %get3A_1171, %shift_right_arithmetic3A_1173 : vector<16xi32>
        %and3A_1175 = arith.constant 127 : i32
        %and3A_1176 = vector.broadcast %and3A_1175 : i32 to vector<16xi32>
        %and3A_1177 = arith.andi %get3A_1171, %and3A_1176 : vector<16xi32>
        %gather3A_1178 = tpu.vector_load_idx %arg8[%shift_right_arithmetic3A_1174, %and3A_1177] : memref<782x128xf32, #tpu.memory_space<vmem>>[vector<16xi32>, vector<16xi32>], vector<16xf32>,
        %add3A_1179 = arith.addf %add3A_1155, %gather3A_1178 : vector<16xf32>
        %get3A_1180 = arith.constant 7 : i32
        %get3A_1181 = arith.index_cast %get3A_1180 : i32 to index
        %get3A_1182 = arith.constant 64 : index
        %get3A_1183 = tpu.vector_load %arg9[%get3A_1181, %get3A_1182] {strides = array<i32>} : memref<20x128xi32, #tpu.memory_space<vmem>>, vector<16xi32>,
        %shift_right_arithmetic3A_1184 = arith.constant 7 : i32
        %shift_right_arithmetic3A_1185 = vector.broadcast %shift_right_arithmetic3A_1184 : i32 to vector<16xi32>
        %shift_right_arithmetic3A_1186 = arith.shrsi %get3A_1183, %shift_right_arithmetic3A_1185 : vector<16xi32>
        %and3A_1187 = arith.constant 127 : i32
        %and3A_1188 = vector.broadcast %and3A_1187 : i32 to vector<16xi32>
        %and3A_1189 = arith.andi %get3A_1183, %and3A_1188 : vector<16xi32>
        %gather3A_1190 = tpu.vector_load_idx %arg8[%shift_right_arithmetic3A_1186, %and3A_1189] : memref<782x128xf32, #tpu.memory_space<vmem>>[vector<16xi32>, vector<16xi32>], vector<16xf32>,
        %add3A_1191 = arith.addf %add3A_1167, %gather3A_1190 : vector<16xf32>
        %get3A_1192 = arith.constant 8 : i32
        %get3A_1193 = arith.index_cast %get3A_1192 : i32 to index
        %get3A_1194 = arith.constant 64 : index
        %get3A_1195 = tpu.vector_load %arg9[%get3A_1193, %get3A_1194] {strides = array<i32>} : memref<20x128xi32, #tpu.memory_space<vmem>>, vector<16xi32>,
        %shift_right_arithmetic3A_1196 = arith.constant 7 : i32
        %shift_right_arithmetic3A_1197 = vector.broadcast %shift_right_arithmetic3A_1196 : i32 to vector<16xi32>
        %shift_right_arithmetic3A_1198 = arith.shrsi %get3A_1195, %shift_right_arithmetic3A_1197 : vector<16xi32>
        %and3A_1199 = arith.constant 127 : i32
        %and3A_1200 = vector.broadcast %and3A_1199 : i32 to vector<16xi32>
        %and3A_1201 = arith.andi %get3A_1195, %and3A_1200 : vector<16xi32>
        %gather3A_1202 = tpu.vector_load_idx %arg8[%shift_right_arithmetic3A_1198, %and3A_1201] : memref<782x128xf32, #tpu.memory_space<vmem>>[vector<16xi32>, vector<16xi32>], vector<16xf32>,
        %add3A_1203 = arith.addf %add3A_1179, %gather3A_1202 : vector<16xf32>
        %get3A_1204 = arith.constant 9 : i32
        %get3A_1205 = arith.index_cast %get3A_1204 : i32 to index
        %get3A_1206 = arith.constant 64 : index
        %get3A_1207 = tpu.vector_load %arg9[%get3A_1205, %get3A_1206] {strides = array<i32>} : memref<20x128xi32, #tpu.memory_space<vmem>>, vector<16xi32>,
        %shift_right_arithmetic3A_1208 = arith.constant 7 : i32
        %shift_right_arithmetic3A_1209 = vector.broadcast %shift_right_arithmetic3A_1208 : i32 to vector<16xi32>
        %shift_right_arithmetic3A_1210 = arith.shrsi %get3A_1207, %shift_right_arithmetic3A_1209 : vector<16xi32>
        %and3A_1211 = arith.constant 127 : i32
        %and3A_1212 = vector.broadcast %and3A_1211 : i32 to vector<16xi32>
        %and3A_1213 = arith.andi %get3A_1207, %and3A_1212 : vector<16xi32>
        %gather3A_1214 = tpu.vector_load_idx %arg8[%shift_right_arithmetic3A_1210, %and3A_1213] : memref<782x128xf32, #tpu.memory_space<vmem>>[vector<16xi32>, vector<16xi32>], vector<16xf32>,
        %add3A_1215 = arith.addf %add3A_1191, %gather3A_1214 : vector<16xf32>
        %get3A_1216 = arith.constant 10 : i32
        %get3A_1217 = arith.index_cast %get3A_1216 : i32 to index
        %get3A_1218 = arith.constant 64 : index
        %get3A_1219 = tpu.vector_load %arg9[%get3A_1217, %get3A_1218] {strides = array<i32>} : memref<20x128xi32, #tpu.memory_space<vmem>>, vector<16xi32>,
        %shift_right_arithmetic3A_1220 = arith.constant 7 : i32
        %shift_right_arithmetic3A_1221 = vector.broadcast %shift_right_arithmetic3A_1220 : i32 to vector<16xi32>
        %shift_right_arithmetic3A_1222 = arith.shrsi %get3A_1219, %shift_right_arithmetic3A_1221 : vector<16xi32>
        %and3A_1223 = arith.constant 127 : i32
        %and3A_1224 = vector.broadcast %and3A_1223 : i32 to vector<16xi32>
        %and3A_1225 = arith.andi %get3A_1219, %and3A_1224 : vector<16xi32>
        %gather3A_1226 = tpu.vector_load_idx %arg8[%shift_right_arithmetic3A_1222, %and3A_1225] : memref<782x128xf32, #tpu.memory_space<vmem>>[vector<16xi32>, vector<16xi32>], vector<16xf32>,
        %add3A_1227 = arith.addf %add3A_1203, %gather3A_1226 : vector<16xf32>
        %get3A_1228 = arith.constant 11 : i32
        %get3A_1229 = arith.index_cast %get3A_1228 : i32 to index
        %get3A_1230 = arith.constant 64 : index
        %get3A_1231 = tpu.vector_load %arg9[%get3A_1229, %get3A_1230] {strides = array<i32>} : memref<20x128xi32, #tpu.memory_space<vmem>>, vector<16xi32>,
        %shift_right_arithmetic3A_1232 = arith.constant 7 : i32
        %shift_right_arithmetic3A_1233 = vector.broadcast %shift_right_arithmetic3A_1232 : i32 to vector<16xi32>
        %shift_right_arithmetic3A_1234 = arith.shrsi %get3A_1231, %shift_right_arithmetic3A_1233 : vector<16xi32>
        %and3A_1235 = arith.constant 127 : i32
        %and3A_1236 = vector.broadcast %and3A_1235 : i32 to vector<16xi32>
        %and3A_1237 = arith.andi %get3A_1231, %and3A_1236 : vector<16xi32>
        %gather3A_1238 = tpu.vector_load_idx %arg8[%shift_right_arithmetic3A_1234, %and3A_1237] : memref<782x128xf32, #tpu.memory_space<vmem>>[vector<16xi32>, vector<16xi32>], vector<16xf32>,
        %add3A_1239 = arith.addf %add3A_1215, %gather3A_1238 : vector<16xf32>
        %get3A_1240 = arith.constant 12 : i32
        %get3A_1241 = arith.index_cast %get3A_1240 : i32 to index
        %get3A_1242 = arith.constant 64 : index
        %get3A_1243 = tpu.vector_load %arg9[%get3A_1241, %get3A_1242] {strides = array<i32>} : memref<20x128xi32, #tpu.memory_space<vmem>>, vector<16xi32>,
        %shift_right_arithmetic3A_1244 = arith.constant 7 : i32
        %shift_right_arithmetic3A_1245 = vector.broadcast %shift_right_arithmetic3A_1244 : i32 to vector<16xi32>
        %shift_right_arithmetic3A_1246 = arith.shrsi %get3A_1243, %shift_right_arithmetic3A_1245 : vector<16xi32>
        %and3A_1247 = arith.constant 127 : i32
        %and3A_1248 = vector.broadcast %and3A_1247 : i32 to vector<16xi32>
        %and3A_1249 = arith.andi %get3A_1243, %and3A_1248 : vector<16xi32>
        %gather3A_1250 = tpu.vector_load_idx %arg8[%shift_right_arithmetic3A_1246, %and3A_1249] : memref<782x128xf32, #tpu.memory_space<vmem>>[vector<16xi32>, vector<16xi32>], vector<16xf32>,
        %add3A_1251 = arith.addf %add3A_1227, %gather3A_1250 : vector<16xf32>
        %get3A_1252 = arith.constant 13 : i32
        %get3A_1253 = arith.index_cast %get3A_1252 : i32 to index
        %get3A_1254 = arith.constant 64 : index
        %get3A_1255 = tpu.vector_load %arg9[%get3A_1253, %get3A_1254] {strides = array<i32>} : memref<20x128xi32, #tpu.memory_space<vmem>>, vector<16xi32>,
        %shift_right_arithmetic3A_1256 = arith.constant 7 : i32
        %shift_right_arithmetic3A_1257 = vector.broadcast %shift_right_arithmetic3A_1256 : i32 to vector<16xi32>
        %shift_right_arithmetic3A_1258 = arith.shrsi %get3A_1255, %shift_right_arithmetic3A_1257 : vector<16xi32>
        %and3A_1259 = arith.constant 127 : i32
        %and3A_1260 = vector.broadcast %and3A_1259 : i32 to vector<16xi32>
        %and3A_1261 = arith.andi %get3A_1255, %and3A_1260 : vector<16xi32>
        %gather3A_1262 = tpu.vector_load_idx %arg8[%shift_right_arithmetic3A_1258, %and3A_1261] : memref<782x128xf32, #tpu.memory_space<vmem>>[vector<16xi32>, vector<16xi32>], vector<16xf32>,
        %add3A_1263 = arith.addf %add3A_1239, %gather3A_1262 : vector<16xf32>
        %get3A_1264 = arith.constant 14 : i32
        %get3A_1265 = arith.index_cast %get3A_1264 : i32 to index
        %get3A_1266 = arith.constant 64 : index
        %get3A_1267 = tpu.vector_load %arg9[%get3A_1265, %get3A_1266] {strides = array<i32>} : memref<20x128xi32, #tpu.memory_space<vmem>>, vector<16xi32>,
        %shift_right_arithmetic3A_1268 = arith.constant 7 : i32
        %shift_right_arithmetic3A_1269 = vector.broadcast %shift_right_arithmetic3A_1268 : i32 to vector<16xi32>
        %shift_right_arithmetic3A_1270 = arith.shrsi %get3A_1267, %shift_right_arithmetic3A_1269 : vector<16xi32>
        %and3A_1271 = arith.constant 127 : i32
        %and3A_1272 = vector.broadcast %and3A_1271 : i32 to vector<16xi32>
        %and3A_1273 = arith.andi %get3A_1267, %and3A_1272 : vector<16xi32>
        %gather3A_1274 = tpu.vector_load_idx %arg8[%shift_right_arithmetic3A_1270, %and3A_1273] : memref<782x128xf32, #tpu.memory_space<vmem>>[vector<16xi32>, vector<16xi32>], vector<16xf32>,
        %add3A_1275 = arith.addf %add3A_1251, %gather3A_1274 : vector<16xf32>
        %get3A_1276 = arith.constant 15 : i32
        %get3A_1277 = arith.index_cast %get3A_1276 : i32 to index
        %get3A_1278 = arith.constant 64 : index
        %get3A_1279 = tpu.vector_load %arg9[%get3A_1277, %get3A_1278] {strides = array<i32>} : memref<20x128xi32, #tpu.memory_space<vmem>>, vector<16xi32>,
        %shift_right_arithmetic3A_1280 = arith.constant 7 : i32
        %shift_right_arithmetic3A_1281 = vector.broadcast %shift_right_arithmetic3A_1280 : i32 to vector<16xi32>
        %shift_right_arithmetic3A_1282 = arith.shrsi %get3A_1279, %shift_right_arithmetic3A_1281 : vector<16xi32>
        %and3A_1283 = arith.constant 127 : i32
        %and3A_1284 = vector.broadcast %and3A_1283 : i32 to vector<16xi32>
        %and3A_1285 = arith.andi %get3A_1279, %and3A_1284 : vector<16xi32>
        %gather3A_1286 = tpu.vector_load_idx %arg8[%shift_right_arithmetic3A_1282, %and3A_1285] : memref<782x128xf32, #tpu.memory_space<vmem>>[vector<16xi32>, vector<16xi32>], vector<16xf32>,
        %add3A_1287 = arith.addf %add3A_1263, %gather3A_1286 : vector<16xf32>
        %get3A_1288 = arith.constant 16 : i32
        %get3A_1289 = arith.index_cast %get3A_1288 : i32 to index
        %get3A_1290 = arith.constant 64 : index
        %get3A_1291 = tpu.vector_load %arg9[%get3A_1289, %get3A_1290] {strides = array<i32>} : memref<20x128xi32, #tpu.memory_space<vmem>>, vector<16xi32>,
        %shift_right_arithmetic3A_1292 = arith.constant 7 : i32
        %shift_right_arithmetic3A_1293 = vector.broadcast %shift_right_arithmetic3A_1292 : i32 to vector<16xi32>
        %shift_right_arithmetic3A_1294 = arith.shrsi %get3A_1291, %shift_right_arithmetic3A_1293 : vector<16xi32>
        %and3A_1295 = arith.constant 127 : i32
        %and3A_1296 = vector.broadcast %and3A_1295 : i32 to vector<16xi32>
        %and3A_1297 = arith.andi %get3A_1291, %and3A_1296 : vector<16xi32>
        %gather3A_1298 = tpu.vector_load_idx %arg8[%shift_right_arithmetic3A_1294, %and3A_1297] : memref<782x128xf32, #tpu.memory_space<vmem>>[vector<16xi32>, vector<16xi32>], vector<16xf32>,
        %add3A_1299 = arith.addf %add3A_1275, %gather3A_1298 : vector<16xf32>
        %get3A_1300 = arith.constant 17 : i32
        %get3A_1301 = arith.index_cast %get3A_1300 : i32 to index
        %get3A_1302 = arith.constant 64 : index
        %get3A_1303 = tpu.vector_load %arg9[%get3A_1301, %get3A_1302] {strides = array<i32>} : memref<20x128xi32, #tpu.memory_space<vmem>>, vector<16xi32>,
        %shift_right_arithmetic3A_1304 = arith.constant 7 : i32
        %shift_right_arithmetic3A_1305 = vector.broadcast %shift_right_arithmetic3A_1304 : i32 to vector<16xi32>
        %shift_right_arithmetic3A_1306 = arith.shrsi %get3A_1303, %shift_right_arithmetic3A_1305 : vector<16xi32>
        %and3A_1307 = arith.constant 127 : i32
        %and3A_1308 = vector.broadcast %and3A_1307 : i32 to vector<16xi32>
        %and3A_1309 = arith.andi %get3A_1303, %and3A_1308 : vector<16xi32>
        %gather3A_1310 = tpu.vector_load_idx %arg8[%shift_right_arithmetic3A_1306, %and3A_1309] : memref<782x128xf32, #tpu.memory_space<vmem>>[vector<16xi32>, vector<16xi32>], vector<16xf32>,
        %add3A_1311 = arith.addf %add3A_1287, %gather3A_1310 : vector<16xf32>
        %get3A_1312 = arith.constant 18 : i32
        %get3A_1313 = arith.index_cast %get3A_1312 : i32 to index
        %get3A_1314 = arith.constant 64 : index
        %get3A_1315 = tpu.vector_load %arg9[%get3A_1313, %get3A_1314] {strides = array<i32>} : memref<20x128xi32, #tpu.memory_space<vmem>>, vector<16xi32>,
        %shift_right_arithmetic3A_1316 = arith.constant 7 : i32
        %shift_right_arithmetic3A_1317 = vector.broadcast %shift_right_arithmetic3A_1316 : i32 to vector<16xi32>
        %shift_right_arithmetic3A_1318 = arith.shrsi %get3A_1315, %shift_right_arithmetic3A_1317 : vector<16xi32>
        %and3A_1319 = arith.constant 127 : i32
        %and3A_1320 = vector.broadcast %and3A_1319 : i32 to vector<16xi32>
        %and3A_1321 = arith.andi %get3A_1315, %and3A_1320 : vector<16xi32>
        %gather3A_1322 = tpu.vector_load_idx %arg8[%shift_right_arithmetic3A_1318, %and3A_1321] : memref<782x128xf32, #tpu.memory_space<vmem>>[vector<16xi32>, vector<16xi32>], vector<16xf32>,
        %add3A_1323 = arith.addf %add3A_1299, %gather3A_1322 : vector<16xf32>
        %get3A_1324 = arith.constant 19 : i32
        %get3A_1325 = arith.index_cast %get3A_1324 : i32 to index
        %get3A_1326 = arith.constant 64 : index
        %get3A_1327 = tpu.vector_load %arg9[%get3A_1325, %get3A_1326] {strides = array<i32>} : memref<20x128xi32, #tpu.memory_space<vmem>>, vector<16xi32>,
        %shift_right_arithmetic3A_1328 = arith.constant 7 : i32
        %shift_right_arithmetic3A_1329 = vector.broadcast %shift_right_arithmetic3A_1328 : i32 to vector<16xi32>
        %shift_right_arithmetic3A_1330 = arith.shrsi %get3A_1327, %shift_right_arithmetic3A_1329 : vector<16xi32>
        %and3A_1331 = arith.constant 127 : i32
        %and3A_1332 = vector.broadcast %and3A_1331 : i32 to vector<16xi32>
        %and3A_1333 = arith.andi %get3A_1327, %and3A_1332 : vector<16xi32>
        %gather3A_1334 = tpu.vector_load_idx %arg8[%shift_right_arithmetic3A_1330, %and3A_1333] : memref<782x128xf32, #tpu.memory_space<vmem>>[vector<16xi32>, vector<16xi32>], vector<16xf32>,
        %add3A_1335 = arith.addf %add3A_1311, %gather3A_1334 : vector<16xf32>
        %add3A_1336 = arith.addf %add3A_1323, %add3A_1335 : vector<16xf32>
        %mul3A_1337 = arith.constant 128 : i32
        %mul3A_1338 = arith.muli %add3A_75, %mul3A_1337 : i32
        %add3A_1339 = arith.constant 64 : i32
        %add3A_1340 = arith.addi %mul3A_1338, %add3A_1339 : i32
        %swap3A_1341 = arith.index_cast %add3A_1340 : i32 to index
        %swap3A_1342 = tpu.vector_load %arg11[%swap3A_1341] {strides = array<i32>} : memref<4096xf32, #tpu.memory_space<vmem>>, vector<16xf32>,
        tpu.vector_store %arg11[%swap3A_1341], %add3A_1336 {strides = array<i32>} : memref<4096xf32, #tpu.memory_space<vmem>>, vector<16xf32>,
        %broadcast_in_dim3A_1343 = arith.constant 0.000000e+00 : f32
        %broadcast_in_dim3A_1344 = vector.broadcast %broadcast_in_dim3A_1343 : f32 to vector<16xf32>
        %broadcast_in_dim3A_1345 = arith.constant 0.000000e+00 : f32
        %broadcast_in_dim3A_1346 = vector.broadcast %broadcast_in_dim3A_1345 : f32 to vector<16xf32>
        %get3A_1347 = arith.constant 0 : i32
        %get3A_1348 = arith.index_cast %get3A_1347 : i32 to index
        %get3A_1349 = arith.constant 80 : index
        %get3A_1350 = tpu.vector_load %arg9[%get3A_1348, %get3A_1349] {strides = array<i32>} : memref<20x128xi32, #tpu.memory_space<vmem>>, vector<16xi32>,
        %shift_right_arithmetic3A_1351 = arith.constant 7 : i32
        %shift_right_arithmetic3A_1352 = vector.broadcast %shift_right_arithmetic3A_1351 : i32 to vector<16xi32>
        %shift_right_arithmetic3A_1353 = arith.shrsi %get3A_1350, %shift_right_arithmetic3A_1352 : vector<16xi32>
        %and3A_1354 = arith.constant 127 : i32
        %and3A_1355 = vector.broadcast %and3A_1354 : i32 to vector<16xi32>
        %and3A_1356 = arith.andi %get3A_1350, %and3A_1355 : vector<16xi32>
        %gather3A_1357 = tpu.vector_load_idx %arg8[%shift_right_arithmetic3A_1353, %and3A_1356] : memref<782x128xf32, #tpu.memory_space<vmem>>[vector<16xi32>, vector<16xi32>], vector<16xf32>,
        %add3A_1358 = arith.addf %broadcast_in_dim3A_1344, %gather3A_1357 : vector<16xf32>
        %get3A_1359 = arith.constant 1 : i32
        %get3A_1360 = arith.index_cast %get3A_1359 : i32 to index
        %get3A_1361 = arith.constant 80 : index
        %get3A_1362 = tpu.vector_load %arg9[%get3A_1360, %get3A_1361] {strides = array<i32>} : memref<20x128xi32, #tpu.memory_space<vmem>>, vector<16xi32>,
        %shift_right_arithmetic3A_1363 = arith.constant 7 : i32
        %shift_right_arithmetic3A_1364 = vector.broadcast %shift_right_arithmetic3A_1363 : i32 to vector<16xi32>
        %shift_right_arithmetic3A_1365 = arith.shrsi %get3A_1362, %shift_right_arithmetic3A_1364 : vector<16xi32>
        %and3A_1366 = arith.constant 127 : i32
        %and3A_1367 = vector.broadcast %and3A_1366 : i32 to vector<16xi32>
        %and3A_1368 = arith.andi %get3A_1362, %and3A_1367 : vector<16xi32>
        %gather3A_1369 = tpu.vector_load_idx %arg8[%shift_right_arithmetic3A_1365, %and3A_1368] : memref<782x128xf32, #tpu.memory_space<vmem>>[vector<16xi32>, vector<16xi32>], vector<16xf32>,
        %add3A_1370 = arith.addf %broadcast_in_dim3A_1346, %gather3A_1369 : vector<16xf32>
        %get3A_1371 = arith.constant 2 : i32
        %get3A_1372 = arith.index_cast %get3A_1371 : i32 to index
        %get3A_1373 = arith.constant 80 : index
        %get3A_1374 = tpu.vector_load %arg9[%get3A_1372, %get3A_1373] {strides = array<i32>} : memref<20x128xi32, #tpu.memory_space<vmem>>, vector<16xi32>,
        %shift_right_arithmetic3A_1375 = arith.constant 7 : i32
        %shift_right_arithmetic3A_1376 = vector.broadcast %shift_right_arithmetic3A_1375 : i32 to vector<16xi32>
        %shift_right_arithmetic3A_1377 = arith.shrsi %get3A_1374, %shift_right_arithmetic3A_1376 : vector<16xi32>
        %and3A_1378 = arith.constant 127 : i32
        %and3A_1379 = vector.broadcast %and3A_1378 : i32 to vector<16xi32>
        %and3A_1380 = arith.andi %get3A_1374, %and3A_1379 : vector<16xi32>
        %gather3A_1381 = tpu.vector_load_idx %arg8[%shift_right_arithmetic3A_1377, %and3A_1380] : memref<782x128xf32, #tpu.memory_space<vmem>>[vector<16xi32>, vector<16xi32>], vector<16xf32>,
        %add3A_1382 = arith.addf %add3A_1358, %gather3A_1381 : vector<16xf32>
        %get3A_1383 = arith.constant 3 : i32
        %get3A_1384 = arith.index_cast %get3A_1383 : i32 to index
        %get3A_1385 = arith.constant 80 : index
        %get3A_1386 = tpu.vector_load %arg9[%get3A_1384, %get3A_1385] {strides = array<i32>} : memref<20x128xi32, #tpu.memory_space<vmem>>, vector<16xi32>,
        %shift_right_arithmetic3A_1387 = arith.constant 7 : i32
        %shift_right_arithmetic3A_1388 = vector.broadcast %shift_right_arithmetic3A_1387 : i32 to vector<16xi32>
        %shift_right_arithmetic3A_1389 = arith.shrsi %get3A_1386, %shift_right_arithmetic3A_1388 : vector<16xi32>
        %and3A_1390 = arith.constant 127 : i32
        %and3A_1391 = vector.broadcast %and3A_1390 : i32 to vector<16xi32>
        %and3A_1392 = arith.andi %get3A_1386, %and3A_1391 : vector<16xi32>
        %gather3A_1393 = tpu.vector_load_idx %arg8[%shift_right_arithmetic3A_1389, %and3A_1392] : memref<782x128xf32, #tpu.memory_space<vmem>>[vector<16xi32>, vector<16xi32>], vector<16xf32>,
        %add3A_1394 = arith.addf %add3A_1370, %gather3A_1393 : vector<16xf32>
        %get3A_1395 = arith.constant 4 : i32
        %get3A_1396 = arith.index_cast %get3A_1395 : i32 to index
        %get3A_1397 = arith.constant 80 : index
        %get3A_1398 = tpu.vector_load %arg9[%get3A_1396, %get3A_1397] {strides = array<i32>} : memref<20x128xi32, #tpu.memory_space<vmem>>, vector<16xi32>,
        %shift_right_arithmetic3A_1399 = arith.constant 7 : i32
        %shift_right_arithmetic3A_1400 = vector.broadcast %shift_right_arithmetic3A_1399 : i32 to vector<16xi32>
        %shift_right_arithmetic3A_1401 = arith.shrsi %get3A_1398, %shift_right_arithmetic3A_1400 : vector<16xi32>
        %and3A_1402 = arith.constant 127 : i32
        %and3A_1403 = vector.broadcast %and3A_1402 : i32 to vector<16xi32>
        %and3A_1404 = arith.andi %get3A_1398, %and3A_1403 : vector<16xi32>
        %gather3A_1405 = tpu.vector_load_idx %arg8[%shift_right_arithmetic3A_1401, %and3A_1404] : memref<782x128xf32, #tpu.memory_space<vmem>>[vector<16xi32>, vector<16xi32>], vector<16xf32>,
        %add3A_1406 = arith.addf %add3A_1382, %gather3A_1405 : vector<16xf32>
        %get3A_1407 = arith.constant 5 : i32
        %get3A_1408 = arith.index_cast %get3A_1407 : i32 to index
        %get3A_1409 = arith.constant 80 : index
        %get3A_1410 = tpu.vector_load %arg9[%get3A_1408, %get3A_1409] {strides = array<i32>} : memref<20x128xi32, #tpu.memory_space<vmem>>, vector<16xi32>,
        %shift_right_arithmetic3A_1411 = arith.constant 7 : i32
        %shift_right_arithmetic3A_1412 = vector.broadcast %shift_right_arithmetic3A_1411 : i32 to vector<16xi32>
        %shift_right_arithmetic3A_1413 = arith.shrsi %get3A_1410, %shift_right_arithmetic3A_1412 : vector<16xi32>
        %and3A_1414 = arith.constant 127 : i32
        %and3A_1415 = vector.broadcast %and3A_1414 : i32 to vector<16xi32>
        %and3A_1416 = arith.andi %get3A_1410, %and3A_1415 : vector<16xi32>
        %gather3A_1417 = tpu.vector_load_idx %arg8[%shift_right_arithmetic3A_1413, %and3A_1416] : memref<782x128xf32, #tpu.memory_space<vmem>>[vector<16xi32>, vector<16xi32>], vector<16xf32>,
        %add3A_1418 = arith.addf %add3A_1394, %gather3A_1417 : vector<16xf32>
        %get3A_1419 = arith.constant 6 : i32
        %get3A_1420 = arith.index_cast %get3A_1419 : i32 to index
        %get3A_1421 = arith.constant 80 : index
        %get3A_1422 = tpu.vector_load %arg9[%get3A_1420, %get3A_1421] {strides = array<i32>} : memref<20x128xi32, #tpu.memory_space<vmem>>, vector<16xi32>,
        %shift_right_arithmetic3A_1423 = arith.constant 7 : i32
        %shift_right_arithmetic3A_1424 = vector.broadcast %shift_right_arithmetic3A_1423 : i32 to vector<16xi32>
        %shift_right_arithmetic3A_1425 = arith.shrsi %get3A_1422, %shift_right_arithmetic3A_1424 : vector<16xi32>
        %and3A_1426 = arith.constant 127 : i32
        %and3A_1427 = vector.broadcast %and3A_1426 : i32 to vector<16xi32>
        %and3A_1428 = arith.andi %get3A_1422, %and3A_1427 : vector<16xi32>
        %gather3A_1429 = tpu.vector_load_idx %arg8[%shift_right_arithmetic3A_1425, %and3A_1428] : memref<782x128xf32, #tpu.memory_space<vmem>>[vector<16xi32>, vector<16xi32>], vector<16xf32>,
        %add3A_1430 = arith.addf %add3A_1406, %gather3A_1429 : vector<16xf32>
        %get3A_1431 = arith.constant 7 : i32
        %get3A_1432 = arith.index_cast %get3A_1431 : i32 to index
        %get3A_1433 = arith.constant 80 : index
        %get3A_1434 = tpu.vector_load %arg9[%get3A_1432, %get3A_1433] {strides = array<i32>} : memref<20x128xi32, #tpu.memory_space<vmem>>, vector<16xi32>,
        %shift_right_arithmetic3A_1435 = arith.constant 7 : i32
        %shift_right_arithmetic3A_1436 = vector.broadcast %shift_right_arithmetic3A_1435 : i32 to vector<16xi32>
        %shift_right_arithmetic3A_1437 = arith.shrsi %get3A_1434, %shift_right_arithmetic3A_1436 : vector<16xi32>
        %and3A_1438 = arith.constant 127 : i32
        %and3A_1439 = vector.broadcast %and3A_1438 : i32 to vector<16xi32>
        %and3A_1440 = arith.andi %get3A_1434, %and3A_1439 : vector<16xi32>
        %gather3A_1441 = tpu.vector_load_idx %arg8[%shift_right_arithmetic3A_1437, %and3A_1440] : memref<782x128xf32, #tpu.memory_space<vmem>>[vector<16xi32>, vector<16xi32>], vector<16xf32>,
        %add3A_1442 = arith.addf %add3A_1418, %gather3A_1441 : vector<16xf32>
        %get3A_1443 = arith.constant 8 : i32
        %get3A_1444 = arith.index_cast %get3A_1443 : i32 to index
        %get3A_1445 = arith.constant 80 : index
        %get3A_1446 = tpu.vector_load %arg9[%get3A_1444, %get3A_1445] {strides = array<i32>} : memref<20x128xi32, #tpu.memory_space<vmem>>, vector<16xi32>,
        %shift_right_arithmetic3A_1447 = arith.constant 7 : i32
        %shift_right_arithmetic3A_1448 = vector.broadcast %shift_right_arithmetic3A_1447 : i32 to vector<16xi32>
        %shift_right_arithmetic3A_1449 = arith.shrsi %get3A_1446, %shift_right_arithmetic3A_1448 : vector<16xi32>
        %and3A_1450 = arith.constant 127 : i32
        %and3A_1451 = vector.broadcast %and3A_1450 : i32 to vector<16xi32>
        %and3A_1452 = arith.andi %get3A_1446, %and3A_1451 : vector<16xi32>
        %gather3A_1453 = tpu.vector_load_idx %arg8[%shift_right_arithmetic3A_1449, %and3A_1452] : memref<782x128xf32, #tpu.memory_space<vmem>>[vector<16xi32>, vector<16xi32>], vector<16xf32>,
        %add3A_1454 = arith.addf %add3A_1430, %gather3A_1453 : vector<16xf32>
        %get3A_1455 = arith.constant 9 : i32
        %get3A_1456 = arith.index_cast %get3A_1455 : i32 to index
        %get3A_1457 = arith.constant 80 : index
        %get3A_1458 = tpu.vector_load %arg9[%get3A_1456, %get3A_1457] {strides = array<i32>} : memref<20x128xi32, #tpu.memory_space<vmem>>, vector<16xi32>,
        %shift_right_arithmetic3A_1459 = arith.constant 7 : i32
        %shift_right_arithmetic3A_1460 = vector.broadcast %shift_right_arithmetic3A_1459 : i32 to vector<16xi32>
        %shift_right_arithmetic3A_1461 = arith.shrsi %get3A_1458, %shift_right_arithmetic3A_1460 : vector<16xi32>
        %and3A_1462 = arith.constant 127 : i32
        %and3A_1463 = vector.broadcast %and3A_1462 : i32 to vector<16xi32>
        %and3A_1464 = arith.andi %get3A_1458, %and3A_1463 : vector<16xi32>
        %gather3A_1465 = tpu.vector_load_idx %arg8[%shift_right_arithmetic3A_1461, %and3A_1464] : memref<782x128xf32, #tpu.memory_space<vmem>>[vector<16xi32>, vector<16xi32>], vector<16xf32>,
        %add3A_1466 = arith.addf %add3A_1442, %gather3A_1465 : vector<16xf32>
        %get3A_1467 = arith.constant 10 : i32
        %get3A_1468 = arith.index_cast %get3A_1467 : i32 to index
        %get3A_1469 = arith.constant 80 : index
        %get3A_1470 = tpu.vector_load %arg9[%get3A_1468, %get3A_1469] {strides = array<i32>} : memref<20x128xi32, #tpu.memory_space<vmem>>, vector<16xi32>,
        %shift_right_arithmetic3A_1471 = arith.constant 7 : i32
        %shift_right_arithmetic3A_1472 = vector.broadcast %shift_right_arithmetic3A_1471 : i32 to vector<16xi32>
        %shift_right_arithmetic3A_1473 = arith.shrsi %get3A_1470, %shift_right_arithmetic3A_1472 : vector<16xi32>
        %and3A_1474 = arith.constant 127 : i32
        %and3A_1475 = vector.broadcast %and3A_1474 : i32 to vector<16xi32>
        %and3A_1476 = arith.andi %get3A_1470, %and3A_1475 : vector<16xi32>
        %gather3A_1477 = tpu.vector_load_idx %arg8[%shift_right_arithmetic3A_1473, %and3A_1476] : memref<782x128xf32, #tpu.memory_space<vmem>>[vector<16xi32>, vector<16xi32>], vector<16xf32>,
        %add3A_1478 = arith.addf %add3A_1454, %gather3A_1477 : vector<16xf32>
        %get3A_1479 = arith.constant 11 : i32
        %get3A_1480 = arith.index_cast %get3A_1479 : i32 to index
        %get3A_1481 = arith.constant 80 : index
        %get3A_1482 = tpu.vector_load %arg9[%get3A_1480, %get3A_1481] {strides = array<i32>} : memref<20x128xi32, #tpu.memory_space<vmem>>, vector<16xi32>,
        %shift_right_arithmetic3A_1483 = arith.constant 7 : i32
        %shift_right_arithmetic3A_1484 = vector.broadcast %shift_right_arithmetic3A_1483 : i32 to vector<16xi32>
        %shift_right_arithmetic3A_1485 = arith.shrsi %get3A_1482, %shift_right_arithmetic3A_1484 : vector<16xi32>
        %and3A_1486 = arith.constant 127 : i32
        %and3A_1487 = vector.broadcast %and3A_1486 : i32 to vector<16xi32>
        %and3A_1488 = arith.andi %get3A_1482, %and3A_1487 : vector<16xi32>
        %gather3A_1489 = tpu.vector_load_idx %arg8[%shift_right_arithmetic3A_1485, %and3A_1488] : memref<782x128xf32, #tpu.memory_space<vmem>>[vector<16xi32>, vector<16xi32>], vector<16xf32>,
        %add3A_1490 = arith.addf %add3A_1466, %gather3A_1489 : vector<16xf32>
        %get3A_1491 = arith.constant 12 : i32
        %get3A_1492 = arith.index_cast %get3A_1491 : i32 to index
        %get3A_1493 = arith.constant 80 : index
        %get3A_1494 = tpu.vector_load %arg9[%get3A_1492, %get3A_1493] {strides = array<i32>} : memref<20x128xi32, #tpu.memory_space<vmem>>, vector<16xi32>,
        %shift_right_arithmetic3A_1495 = arith.constant 7 : i32
        %shift_right_arithmetic3A_1496 = vector.broadcast %shift_right_arithmetic3A_1495 : i32 to vector<16xi32>
        %shift_right_arithmetic3A_1497 = arith.shrsi %get3A_1494, %shift_right_arithmetic3A_1496 : vector<16xi32>
        %and3A_1498 = arith.constant 127 : i32
        %and3A_1499 = vector.broadcast %and3A_1498 : i32 to vector<16xi32>
        %and3A_1500 = arith.andi %get3A_1494, %and3A_1499 : vector<16xi32>
        %gather3A_1501 = tpu.vector_load_idx %arg8[%shift_right_arithmetic3A_1497, %and3A_1500] : memref<782x128xf32, #tpu.memory_space<vmem>>[vector<16xi32>, vector<16xi32>], vector<16xf32>,
        %add3A_1502 = arith.addf %add3A_1478, %gather3A_1501 : vector<16xf32>
        %get3A_1503 = arith.constant 13 : i32
        %get3A_1504 = arith.index_cast %get3A_1503 : i32 to index
        %get3A_1505 = arith.constant 80 : index
        %get3A_1506 = tpu.vector_load %arg9[%get3A_1504, %get3A_1505] {strides = array<i32>} : memref<20x128xi32, #tpu.memory_space<vmem>>, vector<16xi32>,
        %shift_right_arithmetic3A_1507 = arith.constant 7 : i32
        %shift_right_arithmetic3A_1508 = vector.broadcast %shift_right_arithmetic3A_1507 : i32 to vector<16xi32>
        %shift_right_arithmetic3A_1509 = arith.shrsi %get3A_1506, %shift_right_arithmetic3A_1508 : vector<16xi32>
        %and3A_1510 = arith.constant 127 : i32
        %and3A_1511 = vector.broadcast %and3A_1510 : i32 to vector<16xi32>
        %and3A_1512 = arith.andi %get3A_1506, %and3A_1511 : vector<16xi32>
        %gather3A_1513 = tpu.vector_load_idx %arg8[%shift_right_arithmetic3A_1509, %and3A_1512] : memref<782x128xf32, #tpu.memory_space<vmem>>[vector<16xi32>, vector<16xi32>], vector<16xf32>,
        %add3A_1514 = arith.addf %add3A_1490, %gather3A_1513 : vector<16xf32>
        %get3A_1515 = arith.constant 14 : i32
        %get3A_1516 = arith.index_cast %get3A_1515 : i32 to index
        %get3A_1517 = arith.constant 80 : index
        %get3A_1518 = tpu.vector_load %arg9[%get3A_1516, %get3A_1517] {strides = array<i32>} : memref<20x128xi32, #tpu.memory_space<vmem>>, vector<16xi32>,
        %shift_right_arithmetic3A_1519 = arith.constant 7 : i32
        %shift_right_arithmetic3A_1520 = vector.broadcast %shift_right_arithmetic3A_1519 : i32 to vector<16xi32>
        %shift_right_arithmetic3A_1521 = arith.shrsi %get3A_1518, %shift_right_arithmetic3A_1520 : vector<16xi32>
        %and3A_1522 = arith.constant 127 : i32
        %and3A_1523 = vector.broadcast %and3A_1522 : i32 to vector<16xi32>
        %and3A_1524 = arith.andi %get3A_1518, %and3A_1523 : vector<16xi32>
        %gather3A_1525 = tpu.vector_load_idx %arg8[%shift_right_arithmetic3A_1521, %and3A_1524] : memref<782x128xf32, #tpu.memory_space<vmem>>[vector<16xi32>, vector<16xi32>], vector<16xf32>,
        %add3A_1526 = arith.addf %add3A_1502, %gather3A_1525 : vector<16xf32>
        %get3A_1527 = arith.constant 15 : i32
        %get3A_1528 = arith.index_cast %get3A_1527 : i32 to index
        %get3A_1529 = arith.constant 80 : index
        %get3A_1530 = tpu.vector_load %arg9[%get3A_1528, %get3A_1529] {strides = array<i32>} : memref<20x128xi32, #tpu.memory_space<vmem>>, vector<16xi32>,
        %shift_right_arithmetic3A_1531 = arith.constant 7 : i32
        %shift_right_arithmetic3A_1532 = vector.broadcast %shift_right_arithmetic3A_1531 : i32 to vector<16xi32>
        %shift_right_arithmetic3A_1533 = arith.shrsi %get3A_1530, %shift_right_arithmetic3A_1532 : vector<16xi32>
        %and3A_1534 = arith.constant 127 : i32
        %and3A_1535 = vector.broadcast %and3A_1534 : i32 to vector<16xi32>
        %and3A_1536 = arith.andi %get3A_1530, %and3A_1535 : vector<16xi32>
        %gather3A_1537 = tpu.vector_load_idx %arg8[%shift_right_arithmetic3A_1533, %and3A_1536] : memref<782x128xf32, #tpu.memory_space<vmem>>[vector<16xi32>, vector<16xi32>], vector<16xf32>,
        %add3A_1538 = arith.addf %add3A_1514, %gather3A_1537 : vector<16xf32>
        %get3A_1539 = arith.constant 16 : i32
        %get3A_1540 = arith.index_cast %get3A_1539 : i32 to index
        %get3A_1541 = arith.constant 80 : index
        %get3A_1542 = tpu.vector_load %arg9[%get3A_1540, %get3A_1541] {strides = array<i32>} : memref<20x128xi32, #tpu.memory_space<vmem>>, vector<16xi32>,
        %shift_right_arithmetic3A_1543 = arith.constant 7 : i32
        %shift_right_arithmetic3A_1544 = vector.broadcast %shift_right_arithmetic3A_1543 : i32 to vector<16xi32>
        %shift_right_arithmetic3A_1545 = arith.shrsi %get3A_1542, %shift_right_arithmetic3A_1544 : vector<16xi32>
        %and3A_1546 = arith.constant 127 : i32
        %and3A_1547 = vector.broadcast %and3A_1546 : i32 to vector<16xi32>
        %and3A_1548 = arith.andi %get3A_1542, %and3A_1547 : vector<16xi32>
        %gather3A_1549 = tpu.vector_load_idx %arg8[%shift_right_arithmetic3A_1545, %and3A_1548] : memref<782x128xf32, #tpu.memory_space<vmem>>[vector<16xi32>, vector<16xi32>], vector<16xf32>,
        %add3A_1550 = arith.addf %add3A_1526, %gather3A_1549 : vector<16xf32>
        %get3A_1551 = arith.constant 17 : i32
        %get3A_1552 = arith.index_cast %get3A_1551 : i32 to index
        %get3A_1553 = arith.constant 80 : index
        %get3A_1554 = tpu.vector_load %arg9[%get3A_1552, %get3A_1553] {strides = array<i32>} : memref<20x128xi32, #tpu.memory_space<vmem>>, vector<16xi32>,
        %shift_right_arithmetic3A_1555 = arith.constant 7 : i32
        %shift_right_arithmetic3A_1556 = vector.broadcast %shift_right_arithmetic3A_1555 : i32 to vector<16xi32>
        %shift_right_arithmetic3A_1557 = arith.shrsi %get3A_1554, %shift_right_arithmetic3A_1556 : vector<16xi32>
        %and3A_1558 = arith.constant 127 : i32
        %and3A_1559 = vector.broadcast %and3A_1558 : i32 to vector<16xi32>
        %and3A_1560 = arith.andi %get3A_1554, %and3A_1559 : vector<16xi32>
        %gather3A_1561 = tpu.vector_load_idx %arg8[%shift_right_arithmetic3A_1557, %and3A_1560] : memref<782x128xf32, #tpu.memory_space<vmem>>[vector<16xi32>, vector<16xi32>], vector<16xf32>,
        %add3A_1562 = arith.addf %add3A_1538, %gather3A_1561 : vector<16xf32>
        %get3A_1563 = arith.constant 18 : i32
        %get3A_1564 = arith.index_cast %get3A_1563 : i32 to index
        %get3A_1565 = arith.constant 80 : index
        %get3A_1566 = tpu.vector_load %arg9[%get3A_1564, %get3A_1565] {strides = array<i32>} : memref<20x128xi32, #tpu.memory_space<vmem>>, vector<16xi32>,
        %shift_right_arithmetic3A_1567 = arith.constant 7 : i32
        %shift_right_arithmetic3A_1568 = vector.broadcast %shift_right_arithmetic3A_1567 : i32 to vector<16xi32>
        %shift_right_arithmetic3A_1569 = arith.shrsi %get3A_1566, %shift_right_arithmetic3A_1568 : vector<16xi32>
        %and3A_1570 = arith.constant 127 : i32
        %and3A_1571 = vector.broadcast %and3A_1570 : i32 to vector<16xi32>
        %and3A_1572 = arith.andi %get3A_1566, %and3A_1571 : vector<16xi32>
        %gather3A_1573 = tpu.vector_load_idx %arg8[%shift_right_arithmetic3A_1569, %and3A_1572] : memref<782x128xf32, #tpu.memory_space<vmem>>[vector<16xi32>, vector<16xi32>], vector<16xf32>,
        %add3A_1574 = arith.addf %add3A_1550, %gather3A_1573 : vector<16xf32>
        %get3A_1575 = arith.constant 19 : i32
        %get3A_1576 = arith.index_cast %get3A_1575 : i32 to index
        %get3A_1577 = arith.constant 80 : index
        %get3A_1578 = tpu.vector_load %arg9[%get3A_1576, %get3A_1577] {strides = array<i32>} : memref<20x128xi32, #tpu.memory_space<vmem>>, vector<16xi32>,
        %shift_right_arithmetic3A_1579 = arith.constant 7 : i32
        %shift_right_arithmetic3A_1580 = vector.broadcast %shift_right_arithmetic3A_1579 : i32 to vector<16xi32>
        %shift_right_arithmetic3A_1581 = arith.shrsi %get3A_1578, %shift_right_arithmetic3A_1580 : vector<16xi32>
        %and3A_1582 = arith.constant 127 : i32
        %and3A_1583 = vector.broadcast %and3A_1582 : i32 to vector<16xi32>
        %and3A_1584 = arith.andi %get3A_1578, %and3A_1583 : vector<16xi32>
        %gather3A_1585 = tpu.vector_load_idx %arg8[%shift_right_arithmetic3A_1581, %and3A_1584] : memref<782x128xf32, #tpu.memory_space<vmem>>[vector<16xi32>, vector<16xi32>], vector<16xf32>,
        %add3A_1586 = arith.addf %add3A_1562, %gather3A_1585 : vector<16xf32>
        %add3A_1587 = arith.addf %add3A_1574, %add3A_1586 : vector<16xf32>
        %mul3A_1588 = arith.constant 128 : i32
        %mul3A_1589 = arith.muli %add3A_75, %mul3A_1588 : i32
        %add3A_1590 = arith.constant 80 : i32
        %add3A_1591 = arith.addi %mul3A_1589, %add3A_1590 : i32
        %swap3A_1592 = arith.index_cast %add3A_1591 : i32 to index
        %swap3A_1593 = tpu.vector_load %arg11[%swap3A_1592] {strides = array<i32>} : memref<4096xf32, #tpu.memory_space<vmem>>, vector<16xf32>,
        tpu.vector_store %arg11[%swap3A_1592], %add3A_1587 {strides = array<i32>} : memref<4096xf32, #tpu.memory_space<vmem>>, vector<16xf32>,
        %broadcast_in_dim3A_1594 = arith.constant 0.000000e+00 : f32
        %broadcast_in_dim3A_1595 = vector.broadcast %broadcast_in_dim3A_1594 : f32 to vector<16xf32>
        %broadcast_in_dim3A_1596 = arith.constant 0.000000e+00 : f32
        %broadcast_in_dim3A_1597 = vector.broadcast %broadcast_in_dim3A_1596 : f32 to vector<16xf32>
        %get3A_1598 = arith.constant 0 : i32
        %get3A_1599 = arith.index_cast %get3A_1598 : i32 to index
        %get3A_1600 = arith.constant 96 : index
        %get3A_1601 = tpu.vector_load %arg9[%get3A_1599, %get3A_1600] {strides = array<i32>} : memref<20x128xi32, #tpu.memory_space<vmem>>, vector<16xi32>,
        %shift_right_arithmetic3A_1602 = arith.constant 7 : i32
        %shift_right_arithmetic3A_1603 = vector.broadcast %shift_right_arithmetic3A_1602 : i32 to vector<16xi32>
        %shift_right_arithmetic3A_1604 = arith.shrsi %get3A_1601, %shift_right_arithmetic3A_1603 : vector<16xi32>
        %and3A_1605 = arith.constant 127 : i32
        %and3A_1606 = vector.broadcast %and3A_1605 : i32 to vector<16xi32>
        %and3A_1607 = arith.andi %get3A_1601, %and3A_1606 : vector<16xi32>
        %gather3A_1608 = tpu.vector_load_idx %arg8[%shift_right_arithmetic3A_1604, %and3A_1607] : memref<782x128xf32, #tpu.memory_space<vmem>>[vector<16xi32>, vector<16xi32>], vector<16xf32>,
        %add3A_1609 = arith.addf %broadcast_in_dim3A_1595, %gather3A_1608 : vector<16xf32>
        %get3A_1610 = arith.constant 1 : i32
        %get3A_1611 = arith.index_cast %get3A_1610 : i32 to index
        %get3A_1612 = arith.constant 96 : index
        %get3A_1613 = tpu.vector_load %arg9[%get3A_1611, %get3A_1612] {strides = array<i32>} : memref<20x128xi32, #tpu.memory_space<vmem>>, vector<16xi32>,
        %shift_right_arithmetic3A_1614 = arith.constant 7 : i32
        %shift_right_arithmetic3A_1615 = vector.broadcast %shift_right_arithmetic3A_1614 : i32 to vector<16xi32>
        %shift_right_arithmetic3A_1616 = arith.shrsi %get3A_1613, %shift_right_arithmetic3A_1615 : vector<16xi32>
        %and3A_1617 = arith.constant 127 : i32
        %and3A_1618 = vector.broadcast %and3A_1617 : i32 to vector<16xi32>
        %and3A_1619 = arith.andi %get3A_1613, %and3A_1618 : vector<16xi32>
        %gather3A_1620 = tpu.vector_load_idx %arg8[%shift_right_arithmetic3A_1616, %and3A_1619] : memref<782x128xf32, #tpu.memory_space<vmem>>[vector<16xi32>, vector<16xi32>], vector<16xf32>,
        %add3A_1621 = arith.addf %broadcast_in_dim3A_1597, %gather3A_1620 : vector<16xf32>
        %get3A_1622 = arith.constant 2 : i32
        %get3A_1623 = arith.index_cast %get3A_1622 : i32 to index
        %get3A_1624 = arith.constant 96 : index
        %get3A_1625 = tpu.vector_load %arg9[%get3A_1623, %get3A_1624] {strides = array<i32>} : memref<20x128xi32, #tpu.memory_space<vmem>>, vector<16xi32>,
        %shift_right_arithmetic3A_1626 = arith.constant 7 : i32
        %shift_right_arithmetic3A_1627 = vector.broadcast %shift_right_arithmetic3A_1626 : i32 to vector<16xi32>
        %shift_right_arithmetic3A_1628 = arith.shrsi %get3A_1625, %shift_right_arithmetic3A_1627 : vector<16xi32>
        %and3A_1629 = arith.constant 127 : i32
        %and3A_1630 = vector.broadcast %and3A_1629 : i32 to vector<16xi32>
        %and3A_1631 = arith.andi %get3A_1625, %and3A_1630 : vector<16xi32>
        %gather3A_1632 = tpu.vector_load_idx %arg8[%shift_right_arithmetic3A_1628, %and3A_1631] : memref<782x128xf32, #tpu.memory_space<vmem>>[vector<16xi32>, vector<16xi32>], vector<16xf32>,
        %add3A_1633 = arith.addf %add3A_1609, %gather3A_1632 : vector<16xf32>
        %get3A_1634 = arith.constant 3 : i32
        %get3A_1635 = arith.index_cast %get3A_1634 : i32 to index
        %get3A_1636 = arith.constant 96 : index
        %get3A_1637 = tpu.vector_load %arg9[%get3A_1635, %get3A_1636] {strides = array<i32>} : memref<20x128xi32, #tpu.memory_space<vmem>>, vector<16xi32>,
        %shift_right_arithmetic3A_1638 = arith.constant 7 : i32
        %shift_right_arithmetic3A_1639 = vector.broadcast %shift_right_arithmetic3A_1638 : i32 to vector<16xi32>
        %shift_right_arithmetic3A_1640 = arith.shrsi %get3A_1637, %shift_right_arithmetic3A_1639 : vector<16xi32>
        %and3A_1641 = arith.constant 127 : i32
        %and3A_1642 = vector.broadcast %and3A_1641 : i32 to vector<16xi32>
        %and3A_1643 = arith.andi %get3A_1637, %and3A_1642 : vector<16xi32>
        %gather3A_1644 = tpu.vector_load_idx %arg8[%shift_right_arithmetic3A_1640, %and3A_1643] : memref<782x128xf32, #tpu.memory_space<vmem>>[vector<16xi32>, vector<16xi32>], vector<16xf32>,
        %add3A_1645 = arith.addf %add3A_1621, %gather3A_1644 : vector<16xf32>
        %get3A_1646 = arith.constant 4 : i32
        %get3A_1647 = arith.index_cast %get3A_1646 : i32 to index
        %get3A_1648 = arith.constant 96 : index
        %get3A_1649 = tpu.vector_load %arg9[%get3A_1647, %get3A_1648] {strides = array<i32>} : memref<20x128xi32, #tpu.memory_space<vmem>>, vector<16xi32>,
        %shift_right_arithmetic3A_1650 = arith.constant 7 : i32
        %shift_right_arithmetic3A_1651 = vector.broadcast %shift_right_arithmetic3A_1650 : i32 to vector<16xi32>
        %shift_right_arithmetic3A_1652 = arith.shrsi %get3A_1649, %shift_right_arithmetic3A_1651 : vector<16xi32>
        %and3A_1653 = arith.constant 127 : i32
        %and3A_1654 = vector.broadcast %and3A_1653 : i32 to vector<16xi32>
        %and3A_1655 = arith.andi %get3A_1649, %and3A_1654 : vector<16xi32>
        %gather3A_1656 = tpu.vector_load_idx %arg8[%shift_right_arithmetic3A_1652, %and3A_1655] : memref<782x128xf32, #tpu.memory_space<vmem>>[vector<16xi32>, vector<16xi32>], vector<16xf32>,
        %add3A_1657 = arith.addf %add3A_1633, %gather3A_1656 : vector<16xf32>
        %get3A_1658 = arith.constant 5 : i32
        %get3A_1659 = arith.index_cast %get3A_1658 : i32 to index
        %get3A_1660 = arith.constant 96 : index
        %get3A_1661 = tpu.vector_load %arg9[%get3A_1659, %get3A_1660] {strides = array<i32>} : memref<20x128xi32, #tpu.memory_space<vmem>>, vector<16xi32>,
        %shift_right_arithmetic3A_1662 = arith.constant 7 : i32
        %shift_right_arithmetic3A_1663 = vector.broadcast %shift_right_arithmetic3A_1662 : i32 to vector<16xi32>
        %shift_right_arithmetic3A_1664 = arith.shrsi %get3A_1661, %shift_right_arithmetic3A_1663 : vector<16xi32>
        %and3A_1665 = arith.constant 127 : i32
        %and3A_1666 = vector.broadcast %and3A_1665 : i32 to vector<16xi32>
        %and3A_1667 = arith.andi %get3A_1661, %and3A_1666 : vector<16xi32>
        %gather3A_1668 = tpu.vector_load_idx %arg8[%shift_right_arithmetic3A_1664, %and3A_1667] : memref<782x128xf32, #tpu.memory_space<vmem>>[vector<16xi32>, vector<16xi32>], vector<16xf32>,
        %add3A_1669 = arith.addf %add3A_1645, %gather3A_1668 : vector<16xf32>
        %get3A_1670 = arith.constant 6 : i32
        %get3A_1671 = arith.index_cast %get3A_1670 : i32 to index
        %get3A_1672 = arith.constant 96 : index
        %get3A_1673 = tpu.vector_load %arg9[%get3A_1671, %get3A_1672] {strides = array<i32>} : memref<20x128xi32, #tpu.memory_space<vmem>>, vector<16xi32>,
        %shift_right_arithmetic3A_1674 = arith.constant 7 : i32
        %shift_right_arithmetic3A_1675 = vector.broadcast %shift_right_arithmetic3A_1674 : i32 to vector<16xi32>
        %shift_right_arithmetic3A_1676 = arith.shrsi %get3A_1673, %shift_right_arithmetic3A_1675 : vector<16xi32>
        %and3A_1677 = arith.constant 127 : i32
        %and3A_1678 = vector.broadcast %and3A_1677 : i32 to vector<16xi32>
        %and3A_1679 = arith.andi %get3A_1673, %and3A_1678 : vector<16xi32>
        %gather3A_1680 = tpu.vector_load_idx %arg8[%shift_right_arithmetic3A_1676, %and3A_1679] : memref<782x128xf32, #tpu.memory_space<vmem>>[vector<16xi32>, vector<16xi32>], vector<16xf32>,
        %add3A_1681 = arith.addf %add3A_1657, %gather3A_1680 : vector<16xf32>
        %get3A_1682 = arith.constant 7 : i32
        %get3A_1683 = arith.index_cast %get3A_1682 : i32 to index
        %get3A_1684 = arith.constant 96 : index
        %get3A_1685 = tpu.vector_load %arg9[%get3A_1683, %get3A_1684] {strides = array<i32>} : memref<20x128xi32, #tpu.memory_space<vmem>>, vector<16xi32>,
        %shift_right_arithmetic3A_1686 = arith.constant 7 : i32
        %shift_right_arithmetic3A_1687 = vector.broadcast %shift_right_arithmetic3A_1686 : i32 to vector<16xi32>
        %shift_right_arithmetic3A_1688 = arith.shrsi %get3A_1685, %shift_right_arithmetic3A_1687 : vector<16xi32>
        %and3A_1689 = arith.constant 127 : i32
        %and3A_1690 = vector.broadcast %and3A_1689 : i32 to vector<16xi32>
        %and3A_1691 = arith.andi %get3A_1685, %and3A_1690 : vector<16xi32>
        %gather3A_1692 = tpu.vector_load_idx %arg8[%shift_right_arithmetic3A_1688, %and3A_1691] : memref<782x128xf32, #tpu.memory_space<vmem>>[vector<16xi32>, vector<16xi32>], vector<16xf32>,
        %add3A_1693 = arith.addf %add3A_1669, %gather3A_1692 : vector<16xf32>
        %get3A_1694 = arith.constant 8 : i32
        %get3A_1695 = arith.index_cast %get3A_1694 : i32 to index
        %get3A_1696 = arith.constant 96 : index
        %get3A_1697 = tpu.vector_load %arg9[%get3A_1695, %get3A_1696] {strides = array<i32>} : memref<20x128xi32, #tpu.memory_space<vmem>>, vector<16xi32>,
        %shift_right_arithmetic3A_1698 = arith.constant 7 : i32
        %shift_right_arithmetic3A_1699 = vector.broadcast %shift_right_arithmetic3A_1698 : i32 to vector<16xi32>
        %shift_right_arithmetic3A_1700 = arith.shrsi %get3A_1697, %shift_right_arithmetic3A_1699 : vector<16xi32>
        %and3A_1701 = arith.constant 127 : i32
        %and3A_1702 = vector.broadcast %and3A_1701 : i32 to vector<16xi32>
        %and3A_1703 = arith.andi %get3A_1697, %and3A_1702 : vector<16xi32>
        %gather3A_1704 = tpu.vector_load_idx %arg8[%shift_right_arithmetic3A_1700, %and3A_1703] : memref<782x128xf32, #tpu.memory_space<vmem>>[vector<16xi32>, vector<16xi32>], vector<16xf32>,
        %add3A_1705 = arith.addf %add3A_1681, %gather3A_1704 : vector<16xf32>
        %get3A_1706 = arith.constant 9 : i32
        %get3A_1707 = arith.index_cast %get3A_1706 : i32 to index
        %get3A_1708 = arith.constant 96 : index
        %get3A_1709 = tpu.vector_load %arg9[%get3A_1707, %get3A_1708] {strides = array<i32>} : memref<20x128xi32, #tpu.memory_space<vmem>>, vector<16xi32>,
        %shift_right_arithmetic3A_1710 = arith.constant 7 : i32
        %shift_right_arithmetic3A_1711 = vector.broadcast %shift_right_arithmetic3A_1710 : i32 to vector<16xi32>
        %shift_right_arithmetic3A_1712 = arith.shrsi %get3A_1709, %shift_right_arithmetic3A_1711 : vector<16xi32>
        %and3A_1713 = arith.constant 127 : i32
        %and3A_1714 = vector.broadcast %and3A_1713 : i32 to vector<16xi32>
        %and3A_1715 = arith.andi %get3A_1709, %and3A_1714 : vector<16xi32>
        %gather3A_1716 = tpu.vector_load_idx %arg8[%shift_right_arithmetic3A_1712, %and3A_1715] : memref<782x128xf32, #tpu.memory_space<vmem>>[vector<16xi32>, vector<16xi32>], vector<16xf32>,
        %add3A_1717 = arith.addf %add3A_1693, %gather3A_1716 : vector<16xf32>
        %get3A_1718 = arith.constant 10 : i32
        %get3A_1719 = arith.index_cast %get3A_1718 : i32 to index
        %get3A_1720 = arith.constant 96 : index
        %get3A_1721 = tpu.vector_load %arg9[%get3A_1719, %get3A_1720] {strides = array<i32>} : memref<20x128xi32, #tpu.memory_space<vmem>>, vector<16xi32>,
        %shift_right_arithmetic3A_1722 = arith.constant 7 : i32
        %shift_right_arithmetic3A_1723 = vector.broadcast %shift_right_arithmetic3A_1722 : i32 to vector<16xi32>
        %shift_right_arithmetic3A_1724 = arith.shrsi %get3A_1721, %shift_right_arithmetic3A_1723 : vector<16xi32>
        %and3A_1725 = arith.constant 127 : i32
        %and3A_1726 = vector.broadcast %and3A_1725 : i32 to vector<16xi32>
        %and3A_1727 = arith.andi %get3A_1721, %and3A_1726 : vector<16xi32>
        %gather3A_1728 = tpu.vector_load_idx %arg8[%shift_right_arithmetic3A_1724, %and3A_1727] : memref<782x128xf32, #tpu.memory_space<vmem>>[vector<16xi32>, vector<16xi32>], vector<16xf32>,
        %add3A_1729 = arith.addf %add3A_1705, %gather3A_1728 : vector<16xf32>
        %get3A_1730 = arith.constant 11 : i32
        %get3A_1731 = arith.index_cast %get3A_1730 : i32 to index
        %get3A_1732 = arith.constant 96 : index
        %get3A_1733 = tpu.vector_load %arg9[%get3A_1731, %get3A_1732] {strides = array<i32>} : memref<20x128xi32, #tpu.memory_space<vmem>>, vector<16xi32>,
        %shift_right_arithmetic3A_1734 = arith.constant 7 : i32
        %shift_right_arithmetic3A_1735 = vector.broadcast %shift_right_arithmetic3A_1734 : i32 to vector<16xi32>
        %shift_right_arithmetic3A_1736 = arith.shrsi %get3A_1733, %shift_right_arithmetic3A_1735 : vector<16xi32>
        %and3A_1737 = arith.constant 127 : i32
        %and3A_1738 = vector.broadcast %and3A_1737 : i32 to vector<16xi32>
        %and3A_1739 = arith.andi %get3A_1733, %and3A_1738 : vector<16xi32>
        %gather3A_1740 = tpu.vector_load_idx %arg8[%shift_right_arithmetic3A_1736, %and3A_1739] : memref<782x128xf32, #tpu.memory_space<vmem>>[vector<16xi32>, vector<16xi32>], vector<16xf32>,
        %add3A_1741 = arith.addf %add3A_1717, %gather3A_1740 : vector<16xf32>
        %get3A_1742 = arith.constant 12 : i32
        %get3A_1743 = arith.index_cast %get3A_1742 : i32 to index
        %get3A_1744 = arith.constant 96 : index
        %get3A_1745 = tpu.vector_load %arg9[%get3A_1743, %get3A_1744] {strides = array<i32>} : memref<20x128xi32, #tpu.memory_space<vmem>>, vector<16xi32>,
        %shift_right_arithmetic3A_1746 = arith.constant 7 : i32
        %shift_right_arithmetic3A_1747 = vector.broadcast %shift_right_arithmetic3A_1746 : i32 to vector<16xi32>
        %shift_right_arithmetic3A_1748 = arith.shrsi %get3A_1745, %shift_right_arithmetic3A_1747 : vector<16xi32>
        %and3A_1749 = arith.constant 127 : i32
        %and3A_1750 = vector.broadcast %and3A_1749 : i32 to vector<16xi32>
        %and3A_1751 = arith.andi %get3A_1745, %and3A_1750 : vector<16xi32>
        %gather3A_1752 = tpu.vector_load_idx %arg8[%shift_right_arithmetic3A_1748, %and3A_1751] : memref<782x128xf32, #tpu.memory_space<vmem>>[vector<16xi32>, vector<16xi32>], vector<16xf32>,
        %add3A_1753 = arith.addf %add3A_1729, %gather3A_1752 : vector<16xf32>
        %get3A_1754 = arith.constant 13 : i32
        %get3A_1755 = arith.index_cast %get3A_1754 : i32 to index
        %get3A_1756 = arith.constant 96 : index
        %get3A_1757 = tpu.vector_load %arg9[%get3A_1755, %get3A_1756] {strides = array<i32>} : memref<20x128xi32, #tpu.memory_space<vmem>>, vector<16xi32>,
        %shift_right_arithmetic3A_1758 = arith.constant 7 : i32
        %shift_right_arithmetic3A_1759 = vector.broadcast %shift_right_arithmetic3A_1758 : i32 to vector<16xi32>
        %shift_right_arithmetic3A_1760 = arith.shrsi %get3A_1757, %shift_right_arithmetic3A_1759 : vector<16xi32>
        %and3A_1761 = arith.constant 127 : i32
        %and3A_1762 = vector.broadcast %and3A_1761 : i32 to vector<16xi32>
        %and3A_1763 = arith.andi %get3A_1757, %and3A_1762 : vector<16xi32>
        %gather3A_1764 = tpu.vector_load_idx %arg8[%shift_right_arithmetic3A_1760, %and3A_1763] : memref<782x128xf32, #tpu.memory_space<vmem>>[vector<16xi32>, vector<16xi32>], vector<16xf32>,
        %add3A_1765 = arith.addf %add3A_1741, %gather3A_1764 : vector<16xf32>
        %get3A_1766 = arith.constant 14 : i32
        %get3A_1767 = arith.index_cast %get3A_1766 : i32 to index
        %get3A_1768 = arith.constant 96 : index
        %get3A_1769 = tpu.vector_load %arg9[%get3A_1767, %get3A_1768] {strides = array<i32>} : memref<20x128xi32, #tpu.memory_space<vmem>>, vector<16xi32>,
        %shift_right_arithmetic3A_1770 = arith.constant 7 : i32
        %shift_right_arithmetic3A_1771 = vector.broadcast %shift_right_arithmetic3A_1770 : i32 to vector<16xi32>
        %shift_right_arithmetic3A_1772 = arith.shrsi %get3A_1769, %shift_right_arithmetic3A_1771 : vector<16xi32>
        %and3A_1773 = arith.constant 127 : i32
        %and3A_1774 = vector.broadcast %and3A_1773 : i32 to vector<16xi32>
        %and3A_1775 = arith.andi %get3A_1769, %and3A_1774 : vector<16xi32>
        %gather3A_1776 = tpu.vector_load_idx %arg8[%shift_right_arithmetic3A_1772, %and3A_1775] : memref<782x128xf32, #tpu.memory_space<vmem>>[vector<16xi32>, vector<16xi32>], vector<16xf32>,
        %add3A_1777 = arith.addf %add3A_1753, %gather3A_1776 : vector<16xf32>
        %get3A_1778 = arith.constant 15 : i32
        %get3A_1779 = arith.index_cast %get3A_1778 : i32 to index
        %get3A_1780 = arith.constant 96 : index
        %get3A_1781 = tpu.vector_load %arg9[%get3A_1779, %get3A_1780] {strides = array<i32>} : memref<20x128xi32, #tpu.memory_space<vmem>>, vector<16xi32>,
        %shift_right_arithmetic3A_1782 = arith.constant 7 : i32
        %shift_right_arithmetic3A_1783 = vector.broadcast %shift_right_arithmetic3A_1782 : i32 to vector<16xi32>
        %shift_right_arithmetic3A_1784 = arith.shrsi %get3A_1781, %shift_right_arithmetic3A_1783 : vector<16xi32>
        %and3A_1785 = arith.constant 127 : i32
        %and3A_1786 = vector.broadcast %and3A_1785 : i32 to vector<16xi32>
        %and3A_1787 = arith.andi %get3A_1781, %and3A_1786 : vector<16xi32>
        %gather3A_1788 = tpu.vector_load_idx %arg8[%shift_right_arithmetic3A_1784, %and3A_1787] : memref<782x128xf32, #tpu.memory_space<vmem>>[vector<16xi32>, vector<16xi32>], vector<16xf32>,
        %add3A_1789 = arith.addf %add3A_1765, %gather3A_1788 : vector<16xf32>
        %get3A_1790 = arith.constant 16 : i32
        %get3A_1791 = arith.index_cast %get3A_1790 : i32 to index
        %get3A_1792 = arith.constant 96 : index
        %get3A_1793 = tpu.vector_load %arg9[%get3A_1791, %get3A_1792] {strides = array<i32>} : memref<20x128xi32, #tpu.memory_space<vmem>>, vector<16xi32>,
        %shift_right_arithmetic3A_1794 = arith.constant 7 : i32
        %shift_right_arithmetic3A_1795 = vector.broadcast %shift_right_arithmetic3A_1794 : i32 to vector<16xi32>
        %shift_right_arithmetic3A_1796 = arith.shrsi %get3A_1793, %shift_right_arithmetic3A_1795 : vector<16xi32>
        %and3A_1797 = arith.constant 127 : i32
        %and3A_1798 = vector.broadcast %and3A_1797 : i32 to vector<16xi32>
        %and3A_1799 = arith.andi %get3A_1793, %and3A_1798 : vector<16xi32>
        %gather3A_1800 = tpu.vector_load_idx %arg8[%shift_right_arithmetic3A_1796, %and3A_1799] : memref<782x128xf32, #tpu.memory_space<vmem>>[vector<16xi32>, vector<16xi32>], vector<16xf32>,
        %add3A_1801 = arith.addf %add3A_1777, %gather3A_1800 : vector<16xf32>
        %get3A_1802 = arith.constant 17 : i32
        %get3A_1803 = arith.index_cast %get3A_1802 : i32 to index
        %get3A_1804 = arith.constant 96 : index
        %get3A_1805 = tpu.vector_load %arg9[%get3A_1803, %get3A_1804] {strides = array<i32>} : memref<20x128xi32, #tpu.memory_space<vmem>>, vector<16xi32>,
        %shift_right_arithmetic3A_1806 = arith.constant 7 : i32
        %shift_right_arithmetic3A_1807 = vector.broadcast %shift_right_arithmetic3A_1806 : i32 to vector<16xi32>
        %shift_right_arithmetic3A_1808 = arith.shrsi %get3A_1805, %shift_right_arithmetic3A_1807 : vector<16xi32>
        %and3A_1809 = arith.constant 127 : i32
        %and3A_1810 = vector.broadcast %and3A_1809 : i32 to vector<16xi32>
        %and3A_1811 = arith.andi %get3A_1805, %and3A_1810 : vector<16xi32>
        %gather3A_1812 = tpu.vector_load_idx %arg8[%shift_right_arithmetic3A_1808, %and3A_1811] : memref<782x128xf32, #tpu.memory_space<vmem>>[vector<16xi32>, vector<16xi32>], vector<16xf32>,
        %add3A_1813 = arith.addf %add3A_1789, %gather3A_1812 : vector<16xf32>
        %get3A_1814 = arith.constant 18 : i32
        %get3A_1815 = arith.index_cast %get3A_1814 : i32 to index
        %get3A_1816 = arith.constant 96 : index
        %get3A_1817 = tpu.vector_load %arg9[%get3A_1815, %get3A_1816] {strides = array<i32>} : memref<20x128xi32, #tpu.memory_space<vmem>>, vector<16xi32>,
        %shift_right_arithmetic3A_1818 = arith.constant 7 : i32
        %shift_right_arithmetic3A_1819 = vector.broadcast %shift_right_arithmetic3A_1818 : i32 to vector<16xi32>
        %shift_right_arithmetic3A_1820 = arith.shrsi %get3A_1817, %shift_right_arithmetic3A_1819 : vector<16xi32>
        %and3A_1821 = arith.constant 127 : i32
        %and3A_1822 = vector.broadcast %and3A_1821 : i32 to vector<16xi32>
        %and3A_1823 = arith.andi %get3A_1817, %and3A_1822 : vector<16xi32>
        %gather3A_1824 = tpu.vector_load_idx %arg8[%shift_right_arithmetic3A_1820, %and3A_1823] : memref<782x128xf32, #tpu.memory_space<vmem>>[vector<16xi32>, vector<16xi32>], vector<16xf32>,
        %add3A_1825 = arith.addf %add3A_1801, %gather3A_1824 : vector<16xf32>
        %get3A_1826 = arith.constant 19 : i32
        %get3A_1827 = arith.index_cast %get3A_1826 : i32 to index
        %get3A_1828 = arith.constant 96 : index
        %get3A_1829 = tpu.vector_load %arg9[%get3A_1827, %get3A_1828] {strides = array<i32>} : memref<20x128xi32, #tpu.memory_space<vmem>>, vector<16xi32>,
        %shift_right_arithmetic3A_1830 = arith.constant 7 : i32
        %shift_right_arithmetic3A_1831 = vector.broadcast %shift_right_arithmetic3A_1830 : i32 to vector<16xi32>
        %shift_right_arithmetic3A_1832 = arith.shrsi %get3A_1829, %shift_right_arithmetic3A_1831 : vector<16xi32>
        %and3A_1833 = arith.constant 127 : i32
        %and3A_1834 = vector.broadcast %and3A_1833 : i32 to vector<16xi32>
        %and3A_1835 = arith.andi %get3A_1829, %and3A_1834 : vector<16xi32>
        %gather3A_1836 = tpu.vector_load_idx %arg8[%shift_right_arithmetic3A_1832, %and3A_1835] : memref<782x128xf32, #tpu.memory_space<vmem>>[vector<16xi32>, vector<16xi32>], vector<16xf32>,
        %add3A_1837 = arith.addf %add3A_1813, %gather3A_1836 : vector<16xf32>
        %add3A_1838 = arith.addf %add3A_1825, %add3A_1837 : vector<16xf32>
        %mul3A_1839 = arith.constant 128 : i32
        %mul3A_1840 = arith.muli %add3A_75, %mul3A_1839 : i32
        %add3A_1841 = arith.constant 96 : i32
        %add3A_1842 = arith.addi %mul3A_1840, %add3A_1841 : i32
        %swap3A_1843 = arith.index_cast %add3A_1842 : i32 to index
        %swap3A_1844 = tpu.vector_load %arg11[%swap3A_1843] {strides = array<i32>} : memref<4096xf32, #tpu.memory_space<vmem>>, vector<16xf32>,
        tpu.vector_store %arg11[%swap3A_1843], %add3A_1838 {strides = array<i32>} : memref<4096xf32, #tpu.memory_space<vmem>>, vector<16xf32>,
        %broadcast_in_dim3A_1845 = arith.constant 0.000000e+00 : f32
        %broadcast_in_dim3A_1846 = vector.broadcast %broadcast_in_dim3A_1845 : f32 to vector<16xf32>
        %broadcast_in_dim3A_1847 = arith.constant 0.000000e+00 : f32
        %broadcast_in_dim3A_1848 = vector.broadcast %broadcast_in_dim3A_1847 : f32 to vector<16xf32>
        %get3A_1849 = arith.constant 0 : i32
        %get3A_1850 = arith.index_cast %get3A_1849 : i32 to index
        %get3A_1851 = arith.constant 112 : index
        %get3A_1852 = tpu.vector_load %arg9[%get3A_1850, %get3A_1851] {strides = array<i32>} : memref<20x128xi32, #tpu.memory_space<vmem>>, vector<16xi32>,
        %shift_right_arithmetic3A_1853 = arith.constant 7 : i32
        %shift_right_arithmetic3A_1854 = vector.broadcast %shift_right_arithmetic3A_1853 : i32 to vector<16xi32>
        %shift_right_arithmetic3A_1855 = arith.shrsi %get3A_1852, %shift_right_arithmetic3A_1854 : vector<16xi32>
        %and3A_1856 = arith.constant 127 : i32
        %and3A_1857 = vector.broadcast %and3A_1856 : i32 to vector<16xi32>
        %and3A_1858 = arith.andi %get3A_1852, %and3A_1857 : vector<16xi32>
        %gather3A_1859 = tpu.vector_load_idx %arg8[%shift_right_arithmetic3A_1855, %and3A_1858] : memref<782x128xf32, #tpu.memory_space<vmem>>[vector<16xi32>, vector<16xi32>], vector<16xf32>,
        %add3A_1860 = arith.addf %broadcast_in_dim3A_1846, %gather3A_1859 : vector<16xf32>
        %get3A_1861 = arith.constant 1 : i32
        %get3A_1862 = arith.index_cast %get3A_1861 : i32 to index
        %get3A_1863 = arith.constant 112 : index
        %get3A_1864 = tpu.vector_load %arg9[%get3A_1862, %get3A_1863] {strides = array<i32>} : memref<20x128xi32, #tpu.memory_space<vmem>>, vector<16xi32>,
        %shift_right_arithmetic3A_1865 = arith.constant 7 : i32
        %shift_right_arithmetic3A_1866 = vector.broadcast %shift_right_arithmetic3A_1865 : i32 to vector<16xi32>
        %shift_right_arithmetic3A_1867 = arith.shrsi %get3A_1864, %shift_right_arithmetic3A_1866 : vector<16xi32>
        %and3A_1868 = arith.constant 127 : i32
        %and3A_1869 = vector.broadcast %and3A_1868 : i32 to vector<16xi32>
        %and3A_1870 = arith.andi %get3A_1864, %and3A_1869 : vector<16xi32>
        %gather3A_1871 = tpu.vector_load_idx %arg8[%shift_right_arithmetic3A_1867, %and3A_1870] : memref<782x128xf32, #tpu.memory_space<vmem>>[vector<16xi32>, vector<16xi32>], vector<16xf32>,
        %add3A_1872 = arith.addf %broadcast_in_dim3A_1848, %gather3A_1871 : vector<16xf32>
        %get3A_1873 = arith.constant 2 : i32
        %get3A_1874 = arith.index_cast %get3A_1873 : i32 to index
        %get3A_1875 = arith.constant 112 : index
        %get3A_1876 = tpu.vector_load %arg9[%get3A_1874, %get3A_1875] {strides = array<i32>} : memref<20x128xi32, #tpu.memory_space<vmem>>, vector<16xi32>,
        %shift_right_arithmetic3A_1877 = arith.constant 7 : i32
        %shift_right_arithmetic3A_1878 = vector.broadcast %shift_right_arithmetic3A_1877 : i32 to vector<16xi32>
        %shift_right_arithmetic3A_1879 = arith.shrsi %get3A_1876, %shift_right_arithmetic3A_1878 : vector<16xi32>
        %and3A_1880 = arith.constant 127 : i32
        %and3A_1881 = vector.broadcast %and3A_1880 : i32 to vector<16xi32>
        %and3A_1882 = arith.andi %get3A_1876, %and3A_1881 : vector<16xi32>
        %gather3A_1883 = tpu.vector_load_idx %arg8[%shift_right_arithmetic3A_1879, %and3A_1882] : memref<782x128xf32, #tpu.memory_space<vmem>>[vector<16xi32>, vector<16xi32>], vector<16xf32>,
        %add3A_1884 = arith.addf %add3A_1860, %gather3A_1883 : vector<16xf32>
        %get3A_1885 = arith.constant 3 : i32
        %get3A_1886 = arith.index_cast %get3A_1885 : i32 to index
        %get3A_1887 = arith.constant 112 : index
        %get3A_1888 = tpu.vector_load %arg9[%get3A_1886, %get3A_1887] {strides = array<i32>} : memref<20x128xi32, #tpu.memory_space<vmem>>, vector<16xi32>,
        %shift_right_arithmetic3A_1889 = arith.constant 7 : i32
        %shift_right_arithmetic3A_1890 = vector.broadcast %shift_right_arithmetic3A_1889 : i32 to vector<16xi32>
        %shift_right_arithmetic3A_1891 = arith.shrsi %get3A_1888, %shift_right_arithmetic3A_1890 : vector<16xi32>
        %and3A_1892 = arith.constant 127 : i32
        %and3A_1893 = vector.broadcast %and3A_1892 : i32 to vector<16xi32>
        %and3A_1894 = arith.andi %get3A_1888, %and3A_1893 : vector<16xi32>
        %gather3A_1895 = tpu.vector_load_idx %arg8[%shift_right_arithmetic3A_1891, %and3A_1894] : memref<782x128xf32, #tpu.memory_space<vmem>>[vector<16xi32>, vector<16xi32>], vector<16xf32>,
        %add3A_1896 = arith.addf %add3A_1872, %gather3A_1895 : vector<16xf32>
        %get3A_1897 = arith.constant 4 : i32
        %get3A_1898 = arith.index_cast %get3A_1897 : i32 to index
        %get3A_1899 = arith.constant 112 : index
        %get3A_1900 = tpu.vector_load %arg9[%get3A_1898, %get3A_1899] {strides = array<i32>} : memref<20x128xi32, #tpu.memory_space<vmem>>, vector<16xi32>,
        %shift_right_arithmetic3A_1901 = arith.constant 7 : i32
        %shift_right_arithmetic3A_1902 = vector.broadcast %shift_right_arithmetic3A_1901 : i32 to vector<16xi32>
        %shift_right_arithmetic3A_1903 = arith.shrsi %get3A_1900, %shift_right_arithmetic3A_1902 : vector<16xi32>
        %and3A_1904 = arith.constant 127 : i32
        %and3A_1905 = vector.broadcast %and3A_1904 : i32 to vector<16xi32>
        %and3A_1906 = arith.andi %get3A_1900, %and3A_1905 : vector<16xi32>
        %gather3A_1907 = tpu.vector_load_idx %arg8[%shift_right_arithmetic3A_1903, %and3A_1906] : memref<782x128xf32, #tpu.memory_space<vmem>>[vector<16xi32>, vector<16xi32>], vector<16xf32>,
        %add3A_1908 = arith.addf %add3A_1884, %gather3A_1907 : vector<16xf32>
        %get3A_1909 = arith.constant 5 : i32
        %get3A_1910 = arith.index_cast %get3A_1909 : i32 to index
        %get3A_1911 = arith.constant 112 : index
        %get3A_1912 = tpu.vector_load %arg9[%get3A_1910, %get3A_1911] {strides = array<i32>} : memref<20x128xi32, #tpu.memory_space<vmem>>, vector<16xi32>,
        %shift_right_arithmetic3A_1913 = arith.constant 7 : i32
        %shift_right_arithmetic3A_1914 = vector.broadcast %shift_right_arithmetic3A_1913 : i32 to vector<16xi32>
        %shift_right_arithmetic3A_1915 = arith.shrsi %get3A_1912, %shift_right_arithmetic3A_1914 : vector<16xi32>
        %and3A_1916 = arith.constant 127 : i32
        %and3A_1917 = vector.broadcast %and3A_1916 : i32 to vector<16xi32>
        %and3A_1918 = arith.andi %get3A_1912, %and3A_1917 : vector<16xi32>
        %gather3A_1919 = tpu.vector_load_idx %arg8[%shift_right_arithmetic3A_1915, %and3A_1918] : memref<782x128xf32, #tpu.memory_space<vmem>>[vector<16xi32>, vector<16xi32>], vector<16xf32>,
        %add3A_1920 = arith.addf %add3A_1896, %gather3A_1919 : vector<16xf32>
        %get3A_1921 = arith.constant 6 : i32
        %get3A_1922 = arith.index_cast %get3A_1921 : i32 to index
        %get3A_1923 = arith.constant 112 : index
        %get3A_1924 = tpu.vector_load %arg9[%get3A_1922, %get3A_1923] {strides = array<i32>} : memref<20x128xi32, #tpu.memory_space<vmem>>, vector<16xi32>,
        %shift_right_arithmetic3A_1925 = arith.constant 7 : i32
        %shift_right_arithmetic3A_1926 = vector.broadcast %shift_right_arithmetic3A_1925 : i32 to vector<16xi32>
        %shift_right_arithmetic3A_1927 = arith.shrsi %get3A_1924, %shift_right_arithmetic3A_1926 : vector<16xi32>
        %and3A_1928 = arith.constant 127 : i32
        %and3A_1929 = vector.broadcast %and3A_1928 : i32 to vector<16xi32>
        %and3A_1930 = arith.andi %get3A_1924, %and3A_1929 : vector<16xi32>
        %gather3A_1931 = tpu.vector_load_idx %arg8[%shift_right_arithmetic3A_1927, %and3A_1930] : memref<782x128xf32, #tpu.memory_space<vmem>>[vector<16xi32>, vector<16xi32>], vector<16xf32>,
        %add3A_1932 = arith.addf %add3A_1908, %gather3A_1931 : vector<16xf32>
        %get3A_1933 = arith.constant 7 : i32
        %get3A_1934 = arith.index_cast %get3A_1933 : i32 to index
        %get3A_1935 = arith.constant 112 : index
        %get3A_1936 = tpu.vector_load %arg9[%get3A_1934, %get3A_1935] {strides = array<i32>} : memref<20x128xi32, #tpu.memory_space<vmem>>, vector<16xi32>,
        %shift_right_arithmetic3A_1937 = arith.constant 7 : i32
        %shift_right_arithmetic3A_1938 = vector.broadcast %shift_right_arithmetic3A_1937 : i32 to vector<16xi32>
        %shift_right_arithmetic3A_1939 = arith.shrsi %get3A_1936, %shift_right_arithmetic3A_1938 : vector<16xi32>
        %and3A_1940 = arith.constant 127 : i32
        %and3A_1941 = vector.broadcast %and3A_1940 : i32 to vector<16xi32>
        %and3A_1942 = arith.andi %get3A_1936, %and3A_1941 : vector<16xi32>
        %gather3A_1943 = tpu.vector_load_idx %arg8[%shift_right_arithmetic3A_1939, %and3A_1942] : memref<782x128xf32, #tpu.memory_space<vmem>>[vector<16xi32>, vector<16xi32>], vector<16xf32>,
        %add3A_1944 = arith.addf %add3A_1920, %gather3A_1943 : vector<16xf32>
        %get3A_1945 = arith.constant 8 : i32
        %get3A_1946 = arith.index_cast %get3A_1945 : i32 to index
        %get3A_1947 = arith.constant 112 : index
        %get3A_1948 = tpu.vector_load %arg9[%get3A_1946, %get3A_1947] {strides = array<i32>} : memref<20x128xi32, #tpu.memory_space<vmem>>, vector<16xi32>,
        %shift_right_arithmetic3A_1949 = arith.constant 7 : i32
        %shift_right_arithmetic3A_1950 = vector.broadcast %shift_right_arithmetic3A_1949 : i32 to vector<16xi32>
        %shift_right_arithmetic3A_1951 = arith.shrsi %get3A_1948, %shift_right_arithmetic3A_1950 : vector<16xi32>
        %and3A_1952 = arith.constant 127 : i32
        %and3A_1953 = vector.broadcast %and3A_1952 : i32 to vector<16xi32>
        %and3A_1954 = arith.andi %get3A_1948, %and3A_1953 : vector<16xi32>
        %gather3A_1955 = tpu.vector_load_idx %arg8[%shift_right_arithmetic3A_1951, %and3A_1954] : memref<782x128xf32, #tpu.memory_space<vmem>>[vector<16xi32>, vector<16xi32>], vector<16xf32>,
        %add3A_1956 = arith.addf %add3A_1932, %gather3A_1955 : vector<16xf32>
        %get3A_1957 = arith.constant 9 : i32
        %get3A_1958 = arith.index_cast %get3A_1957 : i32 to index
        %get3A_1959 = arith.constant 112 : index
        %get3A_1960 = tpu.vector_load %arg9[%get3A_1958, %get3A_1959] {strides = array<i32>} : memref<20x128xi32, #tpu.memory_space<vmem>>, vector<16xi32>,
        %shift_right_arithmetic3A_1961 = arith.constant 7 : i32
        %shift_right_arithmetic3A_1962 = vector.broadcast %shift_right_arithmetic3A_1961 : i32 to vector<16xi32>
        %shift_right_arithmetic3A_1963 = arith.shrsi %get3A_1960, %shift_right_arithmetic3A_1962 : vector<16xi32>
        %and3A_1964 = arith.constant 127 : i32
        %and3A_1965 = vector.broadcast %and3A_1964 : i32 to vector<16xi32>
        %and3A_1966 = arith.andi %get3A_1960, %and3A_1965 : vector<16xi32>
        %gather3A_1967 = tpu.vector_load_idx %arg8[%shift_right_arithmetic3A_1963, %and3A_1966] : memref<782x128xf32, #tpu.memory_space<vmem>>[vector<16xi32>, vector<16xi32>], vector<16xf32>,
        %add3A_1968 = arith.addf %add3A_1944, %gather3A_1967 : vector<16xf32>
        %get3A_1969 = arith.constant 10 : i32
        %get3A_1970 = arith.index_cast %get3A_1969 : i32 to index
        %get3A_1971 = arith.constant 112 : index
        %get3A_1972 = tpu.vector_load %arg9[%get3A_1970, %get3A_1971] {strides = array<i32>} : memref<20x128xi32, #tpu.memory_space<vmem>>, vector<16xi32>,
        %shift_right_arithmetic3A_1973 = arith.constant 7 : i32
        %shift_right_arithmetic3A_1974 = vector.broadcast %shift_right_arithmetic3A_1973 : i32 to vector<16xi32>
        %shift_right_arithmetic3A_1975 = arith.shrsi %get3A_1972, %shift_right_arithmetic3A_1974 : vector<16xi32>
        %and3A_1976 = arith.constant 127 : i32
        %and3A_1977 = vector.broadcast %and3A_1976 : i32 to vector<16xi32>
        %and3A_1978 = arith.andi %get3A_1972, %and3A_1977 : vector<16xi32>
        %gather3A_1979 = tpu.vector_load_idx %arg8[%shift_right_arithmetic3A_1975, %and3A_1978] : memref<782x128xf32, #tpu.memory_space<vmem>>[vector<16xi32>, vector<16xi32>], vector<16xf32>,
        %add3A_1980 = arith.addf %add3A_1956, %gather3A_1979 : vector<16xf32>
        %get3A_1981 = arith.constant 11 : i32
        %get3A_1982 = arith.index_cast %get3A_1981 : i32 to index
        %get3A_1983 = arith.constant 112 : index
        %get3A_1984 = tpu.vector_load %arg9[%get3A_1982, %get3A_1983] {strides = array<i32>} : memref<20x128xi32, #tpu.memory_space<vmem>>, vector<16xi32>,
        %shift_right_arithmetic3A_1985 = arith.constant 7 : i32
        %shift_right_arithmetic3A_1986 = vector.broadcast %shift_right_arithmetic3A_1985 : i32 to vector<16xi32>
        %shift_right_arithmetic3A_1987 = arith.shrsi %get3A_1984, %shift_right_arithmetic3A_1986 : vector<16xi32>
        %and3A_1988 = arith.constant 127 : i32
        %and3A_1989 = vector.broadcast %and3A_1988 : i32 to vector<16xi32>
        %and3A_1990 = arith.andi %get3A_1984, %and3A_1989 : vector<16xi32>
        %gather3A_1991 = tpu.vector_load_idx %arg8[%shift_right_arithmetic3A_1987, %and3A_1990] : memref<782x128xf32, #tpu.memory_space<vmem>>[vector<16xi32>, vector<16xi32>], vector<16xf32>,
        %add3A_1992 = arith.addf %add3A_1968, %gather3A_1991 : vector<16xf32>
        %get3A_1993 = arith.constant 12 : i32
        %get3A_1994 = arith.index_cast %get3A_1993 : i32 to index
        %get3A_1995 = arith.constant 112 : index
        %get3A_1996 = tpu.vector_load %arg9[%get3A_1994, %get3A_1995] {strides = array<i32>} : memref<20x128xi32, #tpu.memory_space<vmem>>, vector<16xi32>,
        %shift_right_arithmetic3A_1997 = arith.constant 7 : i32
        %shift_right_arithmetic3A_1998 = vector.broadcast %shift_right_arithmetic3A_1997 : i32 to vector<16xi32>
        %shift_right_arithmetic3A_1999 = arith.shrsi %get3A_1996, %shift_right_arithmetic3A_1998 : vector<16xi32>
        %and3A_2000 = arith.constant 127 : i32
        %and3A_2001 = vector.broadcast %and3A_2000 : i32 to vector<16xi32>
        %and3A_2002 = arith.andi %get3A_1996, %and3A_2001 : vector<16xi32>
        %gather3A_2003 = tpu.vector_load_idx %arg8[%shift_right_arithmetic3A_1999, %and3A_2002] : memref<782x128xf32, #tpu.memory_space<vmem>>[vector<16xi32>, vector<16xi32>], vector<16xf32>,
        %add3A_2004 = arith.addf %add3A_1980, %gather3A_2003 : vector<16xf32>
        %get3A_2005 = arith.constant 13 : i32
        %get3A_2006 = arith.index_cast %get3A_2005 : i32 to index
        %get3A_2007 = arith.constant 112 : index
        %get3A_2008 = tpu.vector_load %arg9[%get3A_2006, %get3A_2007] {strides = array<i32>} : memref<20x128xi32, #tpu.memory_space<vmem>>, vector<16xi32>,
        %shift_right_arithmetic3A_2009 = arith.constant 7 : i32
        %shift_right_arithmetic3A_2010 = vector.broadcast %shift_right_arithmetic3A_2009 : i32 to vector<16xi32>
        %shift_right_arithmetic3A_2011 = arith.shrsi %get3A_2008, %shift_right_arithmetic3A_2010 : vector<16xi32>
        %and3A_2012 = arith.constant 127 : i32
        %and3A_2013 = vector.broadcast %and3A_2012 : i32 to vector<16xi32>
        %and3A_2014 = arith.andi %get3A_2008, %and3A_2013 : vector<16xi32>
        %gather3A_2015 = tpu.vector_load_idx %arg8[%shift_right_arithmetic3A_2011, %and3A_2014] : memref<782x128xf32, #tpu.memory_space<vmem>>[vector<16xi32>, vector<16xi32>], vector<16xf32>,
        %add3A_2016 = arith.addf %add3A_1992, %gather3A_2015 : vector<16xf32>
        %get3A_2017 = arith.constant 14 : i32
        %get3A_2018 = arith.index_cast %get3A_2017 : i32 to index
        %get3A_2019 = arith.constant 112 : index
        %get3A_2020 = tpu.vector_load %arg9[%get3A_2018, %get3A_2019] {strides = array<i32>} : memref<20x128xi32, #tpu.memory_space<vmem>>, vector<16xi32>,
        %shift_right_arithmetic3A_2021 = arith.constant 7 : i32
        %shift_right_arithmetic3A_2022 = vector.broadcast %shift_right_arithmetic3A_2021 : i32 to vector<16xi32>
        %shift_right_arithmetic3A_2023 = arith.shrsi %get3A_2020, %shift_right_arithmetic3A_2022 : vector<16xi32>
        %and3A_2024 = arith.constant 127 : i32
        %and3A_2025 = vector.broadcast %and3A_2024 : i32 to vector<16xi32>
        %and3A_2026 = arith.andi %get3A_2020, %and3A_2025 : vector<16xi32>
        %gather3A_2027 = tpu.vector_load_idx %arg8[%shift_right_arithmetic3A_2023, %and3A_2026] : memref<782x128xf32, #tpu.memory_space<vmem>>[vector<16xi32>, vector<16xi32>], vector<16xf32>,
        %add3A_2028 = arith.addf %add3A_2004, %gather3A_2027 : vector<16xf32>
        %get3A_2029 = arith.constant 15 : i32
        %get3A_2030 = arith.index_cast %get3A_2029 : i32 to index
        %get3A_2031 = arith.constant 112 : index
        %get3A_2032 = tpu.vector_load %arg9[%get3A_2030, %get3A_2031] {strides = array<i32>} : memref<20x128xi32, #tpu.memory_space<vmem>>, vector<16xi32>,
        %shift_right_arithmetic3A_2033 = arith.constant 7 : i32
        %shift_right_arithmetic3A_2034 = vector.broadcast %shift_right_arithmetic3A_2033 : i32 to vector<16xi32>
        %shift_right_arithmetic3A_2035 = arith.shrsi %get3A_2032, %shift_right_arithmetic3A_2034 : vector<16xi32>
        %and3A_2036 = arith.constant 127 : i32
        %and3A_2037 = vector.broadcast %and3A_2036 : i32 to vector<16xi32>
        %and3A_2038 = arith.andi %get3A_2032, %and3A_2037 : vector<16xi32>
        %gather3A_2039 = tpu.vector_load_idx %arg8[%shift_right_arithmetic3A_2035, %and3A_2038] : memref<782x128xf32, #tpu.memory_space<vmem>>[vector<16xi32>, vector<16xi32>], vector<16xf32>,
        %add3A_2040 = arith.addf %add3A_2016, %gather3A_2039 : vector<16xf32>
        %get3A_2041 = arith.constant 16 : i32
        %get3A_2042 = arith.index_cast %get3A_2041 : i32 to index
        %get3A_2043 = arith.constant 112 : index
        %get3A_2044 = tpu.vector_load %arg9[%get3A_2042, %get3A_2043] {strides = array<i32>} : memref<20x128xi32, #tpu.memory_space<vmem>>, vector<16xi32>,
        %shift_right_arithmetic3A_2045 = arith.constant 7 : i32
        %shift_right_arithmetic3A_2046 = vector.broadcast %shift_right_arithmetic3A_2045 : i32 to vector<16xi32>
        %shift_right_arithmetic3A_2047 = arith.shrsi %get3A_2044, %shift_right_arithmetic3A_2046 : vector<16xi32>
        %and3A_2048 = arith.constant 127 : i32
        %and3A_2049 = vector.broadcast %and3A_2048 : i32 to vector<16xi32>
        %and3A_2050 = arith.andi %get3A_2044, %and3A_2049 : vector<16xi32>
        %gather3A_2051 = tpu.vector_load_idx %arg8[%shift_right_arithmetic3A_2047, %and3A_2050] : memref<782x128xf32, #tpu.memory_space<vmem>>[vector<16xi32>, vector<16xi32>], vector<16xf32>,
        %add3A_2052 = arith.addf %add3A_2028, %gather3A_2051 : vector<16xf32>
        %get3A_2053 = arith.constant 17 : i32
        %get3A_2054 = arith.index_cast %get3A_2053 : i32 to index
        %get3A_2055 = arith.constant 112 : index
        %get3A_2056 = tpu.vector_load %arg9[%get3A_2054, %get3A_2055] {strides = array<i32>} : memref<20x128xi32, #tpu.memory_space<vmem>>, vector<16xi32>,
        %shift_right_arithmetic3A_2057 = arith.constant 7 : i32
        %shift_right_arithmetic3A_2058 = vector.broadcast %shift_right_arithmetic3A_2057 : i32 to vector<16xi32>
        %shift_right_arithmetic3A_2059 = arith.shrsi %get3A_2056, %shift_right_arithmetic3A_2058 : vector<16xi32>
        %and3A_2060 = arith.constant 127 : i32
        %and3A_2061 = vector.broadcast %and3A_2060 : i32 to vector<16xi32>
        %and3A_2062 = arith.andi %get3A_2056, %and3A_2061 : vector<16xi32>
        %gather3A_2063 = tpu.vector_load_idx %arg8[%shift_right_arithmetic3A_2059, %and3A_2062] : memref<782x128xf32, #tpu.memory_space<vmem>>[vector<16xi32>, vector<16xi32>], vector<16xf32>,
        %add3A_2064 = arith.addf %add3A_2040, %gather3A_2063 : vector<16xf32>
        %get3A_2065 = arith.constant 18 : i32
        %get3A_2066 = arith.index_cast %get3A_2065 : i32 to index
        %get3A_2067 = arith.constant 112 : index
        %get3A_2068 = tpu.vector_load %arg9[%get3A_2066, %get3A_2067] {strides = array<i32>} : memref<20x128xi32, #tpu.memory_space<vmem>>, vector<16xi32>,
        %shift_right_arithmetic3A_2069 = arith.constant 7 : i32
        %shift_right_arithmetic3A_2070 = vector.broadcast %shift_right_arithmetic3A_2069 : i32 to vector<16xi32>
        %shift_right_arithmetic3A_2071 = arith.shrsi %get3A_2068, %shift_right_arithmetic3A_2070 : vector<16xi32>
        %and3A_2072 = arith.constant 127 : i32
        %and3A_2073 = vector.broadcast %and3A_2072 : i32 to vector<16xi32>
        %and3A_2074 = arith.andi %get3A_2068, %and3A_2073 : vector<16xi32>
        %gather3A_2075 = tpu.vector_load_idx %arg8[%shift_right_arithmetic3A_2071, %and3A_2074] : memref<782x128xf32, #tpu.memory_space<vmem>>[vector<16xi32>, vector<16xi32>], vector<16xf32>,
        %add3A_2076 = arith.addf %add3A_2052, %gather3A_2075 : vector<16xf32>
        %get3A_2077 = arith.constant 19 : i32
        %get3A_2078 = arith.index_cast %get3A_2077 : i32 to index
        %get3A_2079 = arith.constant 112 : index
        %get3A_2080 = tpu.vector_load %arg9[%get3A_2078, %get3A_2079] {strides = array<i32>} : memref<20x128xi32, #tpu.memory_space<vmem>>, vector<16xi32>,
        %shift_right_arithmetic3A_2081 = arith.constant 7 : i32
        %shift_right_arithmetic3A_2082 = vector.broadcast %shift_right_arithmetic3A_2081 : i32 to vector<16xi32>
        %shift_right_arithmetic3A_2083 = arith.shrsi %get3A_2080, %shift_right_arithmetic3A_2082 : vector<16xi32>
        %and3A_2084 = arith.constant 127 : i32
        %and3A_2085 = vector.broadcast %and3A_2084 : i32 to vector<16xi32>
        %and3A_2086 = arith.andi %get3A_2080, %and3A_2085 : vector<16xi32>
        %gather3A_2087 = tpu.vector_load_idx %arg8[%shift_right_arithmetic3A_2083, %and3A_2086] : memref<782x128xf32, #tpu.memory_space<vmem>>[vector<16xi32>, vector<16xi32>], vector<16xf32>,
        %add3A_2088 = arith.addf %add3A_2064, %gather3A_2087 : vector<16xf32>
        %add3A_2089 = arith.addf %add3A_2076, %add3A_2088 : vector<16xf32>
        %mul3A_2090 = arith.constant 128 : i32
        %mul3A_2091 = arith.muli %add3A_75, %mul3A_2090 : i32
        %add3A_2092 = arith.constant 112 : i32
        %add3A_2093 = arith.addi %mul3A_2091, %add3A_2092 : i32
        %swap3A_2094 = arith.index_cast %add3A_2093 : i32 to index
        %swap3A_2095 = tpu.vector_load %arg11[%swap3A_2094] {strides = array<i32>} : memref<4096xf32, #tpu.memory_space<vmem>>, vector<16xf32>,
        tpu.vector_store %arg11[%swap3A_2094], %add3A_2089 {strides = array<i32>} : memref<4096xf32, #tpu.memory_space<vmem>>, vector<16xf32>,
        %mul3A_2096 = arith.constant 2 : i32
        %mul3A_2097 = arith.muli %add3A_71, %mul3A_2096 : i32
        %add3A_2098 = arith.constant 1 : i32
        %add3A_2099 = arith.addi %mul3A_2097, %add3A_2098 : i32
        %dma_wait3A_2100 = arith.constant 0 : i32
        %dma_wait3A_2101 = arith.constant 0 : i32
        %dma_wait3A_2102 = tpu.memref_slice %arg2[%shift_right_arithmetic3A_40, %dma_wait3A_2100, %dma_wait3A_2101] : memref<26x20x4096xi32, #tpu.memory_space<hbm>> -> memref<1x20x128xi32, #tpu.memory_space<hbm>>
        %dma_wait3A_2103 = tpu.memref_squeeze %dma_wait3A_2102 : memref<1x20x128xi32, #tpu.memory_space<hbm>> -> memref<20x128xi32, #tpu.memory_space<hbm>>
        %dma_wait3A_2104 = arith.constant 0 : i32
        %dma_wait3A_2105 = arith.constant 0 : i32
        %dma_wait3A_2106 = tpu.memref_slice %arg2[%shift_right_arithmetic3A_40, %dma_wait3A_2104, %dma_wait3A_2105] : memref<26x20x4096xi32, #tpu.memory_space<hbm>> -> memref<1x20x128xi32, #tpu.memory_space<hbm>>
        %dma_wait3A_2107 = tpu.memref_squeeze %dma_wait3A_2106 : memref<1x20x128xi32, #tpu.memory_space<hbm>> -> memref<20x128xi32, #tpu.memory_space<hbm>>
        tpu.wait_dma2 semaphore(%arg12 : memref<!tpu.dma_semaphore, #tpu.memory_space<semaphore_mem>>) src(%dma_wait3A_2107 : memref<20x128xi32, #tpu.memory_space<hbm>>) dst(%arg10 : memref<20x128xi32, #tpu.memory_space<vmem>>)
        %add3A_2108 = arith.constant 1 : i32
        %add3A_2109 = arith.addi %add3A_2099, %add3A_2108 : i32
        %lt3A_2110 = arith.constant 32 : i32
        %lt3A_2111 = arith.cmpi slt, %add3A_2109, %lt3A_2110 : i32
        %convert_element_type3A_2112 = arith.extui %lt3A_2111 : i1 to i32
        %cond3A_2113 = arith.constant 0 : i32
        %cond3A_2114 = arith.cmpi ne, %convert_element_type3A_2112, %cond3A_2113 : i32
        scf.if %cond3A_2114 {
          %add3A_4123 = arith.constant 1 : i32
          %add3A_4124 = arith.addi %add3A_2099, %add3A_4123 : i32
          %mul3A_4125 = arith.constant 128 : i32
          %mul3A_4126 = arith.muli %add3A_4124, %mul3A_4125 : i32
          %dma_start3A_4127 = arith.constant 0 : i32
          %dma_start3A_4128 = tpu.memref_slice %arg2[%shift_right_arithmetic3A_40, %dma_start3A_4127, %mul3A_4126] : memref<26x20x4096xi32, #tpu.memory_space<hbm>> -> memref<1x20x128xi32, #tpu.memory_space<hbm>>
          %dma_start3A_4129 = tpu.memref_squeeze %dma_start3A_4128 : memref<1x20x128xi32, #tpu.memory_space<hbm>> -> memref<20x128xi32, #tpu.memory_space<hbm>>
          %dma_start3A_4130 = arith.constant 0 : i32
          %dma_start3A_4131 = tpu.memref_slice %arg2[%shift_right_arithmetic3A_40, %dma_start3A_4130, %mul3A_4126] : memref<26x20x4096xi32, #tpu.memory_space<hbm>> -> memref<1x20x128xi32, #tpu.memory_space<hbm>>
          %dma_start3A_4132 = tpu.memref_squeeze %dma_start3A_4131 : memref<1x20x128xi32, #tpu.memory_space<hbm>> -> memref<20x128xi32, #tpu.memory_space<hbm>>
          tpu.enqueue_dma source(%dma_start3A_4132 : memref<20x128xi32, #tpu.memory_space<hbm>>) target(%arg9 : memref<20x128xi32, #tpu.memory_space<vmem>>) target_semaphore(%arg12 : memref<!tpu.dma_semaphore, #tpu.memory_space<semaphore_mem>>)
        } else {
        }
        %broadcast_in_dim3A_2115 = arith.constant 0.000000e+00 : f32
        %broadcast_in_dim3A_2116 = vector.broadcast %broadcast_in_dim3A_2115 : f32 to vector<16xf32>
        %broadcast_in_dim3A_2117 = arith.constant 0.000000e+00 : f32
        %broadcast_in_dim3A_2118 = vector.broadcast %broadcast_in_dim3A_2117 : f32 to vector<16xf32>
        %get3A_2119 = arith.constant 0 : i32
        %get3A_2120 = arith.index_cast %get3A_2119 : i32 to index
        %get3A_2121 = arith.constant 0 : index
        %get3A_2122 = tpu.vector_load %arg10[%get3A_2120, %get3A_2121] {strides = array<i32>} : memref<20x128xi32, #tpu.memory_space<vmem>>, vector<16xi32>,
        %shift_right_arithmetic3A_2123 = arith.constant 7 : i32
        %shift_right_arithmetic3A_2124 = vector.broadcast %shift_right_arithmetic3A_2123 : i32 to vector<16xi32>
        %shift_right_arithmetic3A_2125 = arith.shrsi %get3A_2122, %shift_right_arithmetic3A_2124 : vector<16xi32>
        %and3A_2126 = arith.constant 127 : i32
        %and3A_2127 = vector.broadcast %and3A_2126 : i32 to vector<16xi32>
        %and3A_2128 = arith.andi %get3A_2122, %and3A_2127 : vector<16xi32>
        %gather3A_2129 = tpu.vector_load_idx %arg8[%shift_right_arithmetic3A_2125, %and3A_2128] : memref<782x128xf32, #tpu.memory_space<vmem>>[vector<16xi32>, vector<16xi32>], vector<16xf32>,
        %add3A_2130 = arith.addf %broadcast_in_dim3A_2116, %gather3A_2129 : vector<16xf32>
        %get3A_2131 = arith.constant 1 : i32
        %get3A_2132 = arith.index_cast %get3A_2131 : i32 to index
        %get3A_2133 = arith.constant 0 : index
        %get3A_2134 = tpu.vector_load %arg10[%get3A_2132, %get3A_2133] {strides = array<i32>} : memref<20x128xi32, #tpu.memory_space<vmem>>, vector<16xi32>,
        %shift_right_arithmetic3A_2135 = arith.constant 7 : i32
        %shift_right_arithmetic3A_2136 = vector.broadcast %shift_right_arithmetic3A_2135 : i32 to vector<16xi32>
        %shift_right_arithmetic3A_2137 = arith.shrsi %get3A_2134, %shift_right_arithmetic3A_2136 : vector<16xi32>
        %and3A_2138 = arith.constant 127 : i32
        %and3A_2139 = vector.broadcast %and3A_2138 : i32 to vector<16xi32>
        %and3A_2140 = arith.andi %get3A_2134, %and3A_2139 : vector<16xi32>
        %gather3A_2141 = tpu.vector_load_idx %arg8[%shift_right_arithmetic3A_2137, %and3A_2140] : memref<782x128xf32, #tpu.memory_space<vmem>>[vector<16xi32>, vector<16xi32>], vector<16xf32>,
        %add3A_2142 = arith.addf %broadcast_in_dim3A_2118, %gather3A_2141 : vector<16xf32>
        %get3A_2143 = arith.constant 2 : i32
        %get3A_2144 = arith.index_cast %get3A_2143 : i32 to index
        %get3A_2145 = arith.constant 0 : index
        %get3A_2146 = tpu.vector_load %arg10[%get3A_2144, %get3A_2145] {strides = array<i32>} : memref<20x128xi32, #tpu.memory_space<vmem>>, vector<16xi32>,
        %shift_right_arithmetic3A_2147 = arith.constant 7 : i32
        %shift_right_arithmetic3A_2148 = vector.broadcast %shift_right_arithmetic3A_2147 : i32 to vector<16xi32>
        %shift_right_arithmetic3A_2149 = arith.shrsi %get3A_2146, %shift_right_arithmetic3A_2148 : vector<16xi32>
        %and3A_2150 = arith.constant 127 : i32
        %and3A_2151 = vector.broadcast %and3A_2150 : i32 to vector<16xi32>
        %and3A_2152 = arith.andi %get3A_2146, %and3A_2151 : vector<16xi32>
        %gather3A_2153 = tpu.vector_load_idx %arg8[%shift_right_arithmetic3A_2149, %and3A_2152] : memref<782x128xf32, #tpu.memory_space<vmem>>[vector<16xi32>, vector<16xi32>], vector<16xf32>,
        %add3A_2154 = arith.addf %add3A_2130, %gather3A_2153 : vector<16xf32>
        %get3A_2155 = arith.constant 3 : i32
        %get3A_2156 = arith.index_cast %get3A_2155 : i32 to index
        %get3A_2157 = arith.constant 0 : index
        %get3A_2158 = tpu.vector_load %arg10[%get3A_2156, %get3A_2157] {strides = array<i32>} : memref<20x128xi32, #tpu.memory_space<vmem>>, vector<16xi32>,
        %shift_right_arithmetic3A_2159 = arith.constant 7 : i32
        %shift_right_arithmetic3A_2160 = vector.broadcast %shift_right_arithmetic3A_2159 : i32 to vector<16xi32>
        %shift_right_arithmetic3A_2161 = arith.shrsi %get3A_2158, %shift_right_arithmetic3A_2160 : vector<16xi32>
        %and3A_2162 = arith.constant 127 : i32
        %and3A_2163 = vector.broadcast %and3A_2162 : i32 to vector<16xi32>
        %and3A_2164 = arith.andi %get3A_2158, %and3A_2163 : vector<16xi32>
        %gather3A_2165 = tpu.vector_load_idx %arg8[%shift_right_arithmetic3A_2161, %and3A_2164] : memref<782x128xf32, #tpu.memory_space<vmem>>[vector<16xi32>, vector<16xi32>], vector<16xf32>,
        %add3A_2166 = arith.addf %add3A_2142, %gather3A_2165 : vector<16xf32>
        %get3A_2167 = arith.constant 4 : i32
        %get3A_2168 = arith.index_cast %get3A_2167 : i32 to index
        %get3A_2169 = arith.constant 0 : index
        %get3A_2170 = tpu.vector_load %arg10[%get3A_2168, %get3A_2169] {strides = array<i32>} : memref<20x128xi32, #tpu.memory_space<vmem>>, vector<16xi32>,
        %shift_right_arithmetic3A_2171 = arith.constant 7 : i32
        %shift_right_arithmetic3A_2172 = vector.broadcast %shift_right_arithmetic3A_2171 : i32 to vector<16xi32>
        %shift_right_arithmetic3A_2173 = arith.shrsi %get3A_2170, %shift_right_arithmetic3A_2172 : vector<16xi32>
        %and3A_2174 = arith.constant 127 : i32
        %and3A_2175 = vector.broadcast %and3A_2174 : i32 to vector<16xi32>
        %and3A_2176 = arith.andi %get3A_2170, %and3A_2175 : vector<16xi32>
        %gather3A_2177 = tpu.vector_load_idx %arg8[%shift_right_arithmetic3A_2173, %and3A_2176] : memref<782x128xf32, #tpu.memory_space<vmem>>[vector<16xi32>, vector<16xi32>], vector<16xf32>,
        %add3A_2178 = arith.addf %add3A_2154, %gather3A_2177 : vector<16xf32>
        %get3A_2179 = arith.constant 5 : i32
        %get3A_2180 = arith.index_cast %get3A_2179 : i32 to index
        %get3A_2181 = arith.constant 0 : index
        %get3A_2182 = tpu.vector_load %arg10[%get3A_2180, %get3A_2181] {strides = array<i32>} : memref<20x128xi32, #tpu.memory_space<vmem>>, vector<16xi32>,
        %shift_right_arithmetic3A_2183 = arith.constant 7 : i32
        %shift_right_arithmetic3A_2184 = vector.broadcast %shift_right_arithmetic3A_2183 : i32 to vector<16xi32>
        %shift_right_arithmetic3A_2185 = arith.shrsi %get3A_2182, %shift_right_arithmetic3A_2184 : vector<16xi32>
        %and3A_2186 = arith.constant 127 : i32
        %and3A_2187 = vector.broadcast %and3A_2186 : i32 to vector<16xi32>
        %and3A_2188 = arith.andi %get3A_2182, %and3A_2187 : vector<16xi32>
        %gather3A_2189 = tpu.vector_load_idx %arg8[%shift_right_arithmetic3A_2185, %and3A_2188] : memref<782x128xf32, #tpu.memory_space<vmem>>[vector<16xi32>, vector<16xi32>], vector<16xf32>,
        %add3A_2190 = arith.addf %add3A_2166, %gather3A_2189 : vector<16xf32>
        %get3A_2191 = arith.constant 6 : i32
        %get3A_2192 = arith.index_cast %get3A_2191 : i32 to index
        %get3A_2193 = arith.constant 0 : index
        %get3A_2194 = tpu.vector_load %arg10[%get3A_2192, %get3A_2193] {strides = array<i32>} : memref<20x128xi32, #tpu.memory_space<vmem>>, vector<16xi32>,
        %shift_right_arithmetic3A_2195 = arith.constant 7 : i32
        %shift_right_arithmetic3A_2196 = vector.broadcast %shift_right_arithmetic3A_2195 : i32 to vector<16xi32>
        %shift_right_arithmetic3A_2197 = arith.shrsi %get3A_2194, %shift_right_arithmetic3A_2196 : vector<16xi32>
        %and3A_2198 = arith.constant 127 : i32
        %and3A_2199 = vector.broadcast %and3A_2198 : i32 to vector<16xi32>
        %and3A_2200 = arith.andi %get3A_2194, %and3A_2199 : vector<16xi32>
        %gather3A_2201 = tpu.vector_load_idx %arg8[%shift_right_arithmetic3A_2197, %and3A_2200] : memref<782x128xf32, #tpu.memory_space<vmem>>[vector<16xi32>, vector<16xi32>], vector<16xf32>,
        %add3A_2202 = arith.addf %add3A_2178, %gather3A_2201 : vector<16xf32>
        %get3A_2203 = arith.constant 7 : i32
        %get3A_2204 = arith.index_cast %get3A_2203 : i32 to index
        %get3A_2205 = arith.constant 0 : index
        %get3A_2206 = tpu.vector_load %arg10[%get3A_2204, %get3A_2205] {strides = array<i32>} : memref<20x128xi32, #tpu.memory_space<vmem>>, vector<16xi32>,
        %shift_right_arithmetic3A_2207 = arith.constant 7 : i32
        %shift_right_arithmetic3A_2208 = vector.broadcast %shift_right_arithmetic3A_2207 : i32 to vector<16xi32>
        %shift_right_arithmetic3A_2209 = arith.shrsi %get3A_2206, %shift_right_arithmetic3A_2208 : vector<16xi32>
        %and3A_2210 = arith.constant 127 : i32
        %and3A_2211 = vector.broadcast %and3A_2210 : i32 to vector<16xi32>
        %and3A_2212 = arith.andi %get3A_2206, %and3A_2211 : vector<16xi32>
        %gather3A_2213 = tpu.vector_load_idx %arg8[%shift_right_arithmetic3A_2209, %and3A_2212] : memref<782x128xf32, #tpu.memory_space<vmem>>[vector<16xi32>, vector<16xi32>], vector<16xf32>,
        %add3A_2214 = arith.addf %add3A_2190, %gather3A_2213 : vector<16xf32>
        %get3A_2215 = arith.constant 8 : i32
        %get3A_2216 = arith.index_cast %get3A_2215 : i32 to index
        %get3A_2217 = arith.constant 0 : index
        %get3A_2218 = tpu.vector_load %arg10[%get3A_2216, %get3A_2217] {strides = array<i32>} : memref<20x128xi32, #tpu.memory_space<vmem>>, vector<16xi32>,
        %shift_right_arithmetic3A_2219 = arith.constant 7 : i32
        %shift_right_arithmetic3A_2220 = vector.broadcast %shift_right_arithmetic3A_2219 : i32 to vector<16xi32>
        %shift_right_arithmetic3A_2221 = arith.shrsi %get3A_2218, %shift_right_arithmetic3A_2220 : vector<16xi32>
        %and3A_2222 = arith.constant 127 : i32
        %and3A_2223 = vector.broadcast %and3A_2222 : i32 to vector<16xi32>
        %and3A_2224 = arith.andi %get3A_2218, %and3A_2223 : vector<16xi32>
        %gather3A_2225 = tpu.vector_load_idx %arg8[%shift_right_arithmetic3A_2221, %and3A_2224] : memref<782x128xf32, #tpu.memory_space<vmem>>[vector<16xi32>, vector<16xi32>], vector<16xf32>,
        %add3A_2226 = arith.addf %add3A_2202, %gather3A_2225 : vector<16xf32>
        %get3A_2227 = arith.constant 9 : i32
        %get3A_2228 = arith.index_cast %get3A_2227 : i32 to index
        %get3A_2229 = arith.constant 0 : index
        %get3A_2230 = tpu.vector_load %arg10[%get3A_2228, %get3A_2229] {strides = array<i32>} : memref<20x128xi32, #tpu.memory_space<vmem>>, vector<16xi32>,
        %shift_right_arithmetic3A_2231 = arith.constant 7 : i32
        %shift_right_arithmetic3A_2232 = vector.broadcast %shift_right_arithmetic3A_2231 : i32 to vector<16xi32>
        %shift_right_arithmetic3A_2233 = arith.shrsi %get3A_2230, %shift_right_arithmetic3A_2232 : vector<16xi32>
        %and3A_2234 = arith.constant 127 : i32
        %and3A_2235 = vector.broadcast %and3A_2234 : i32 to vector<16xi32>
        %and3A_2236 = arith.andi %get3A_2230, %and3A_2235 : vector<16xi32>
        %gather3A_2237 = tpu.vector_load_idx %arg8[%shift_right_arithmetic3A_2233, %and3A_2236] : memref<782x128xf32, #tpu.memory_space<vmem>>[vector<16xi32>, vector<16xi32>], vector<16xf32>,
        %add3A_2238 = arith.addf %add3A_2214, %gather3A_2237 : vector<16xf32>
        %get3A_2239 = arith.constant 10 : i32
        %get3A_2240 = arith.index_cast %get3A_2239 : i32 to index
        %get3A_2241 = arith.constant 0 : index
        %get3A_2242 = tpu.vector_load %arg10[%get3A_2240, %get3A_2241] {strides = array<i32>} : memref<20x128xi32, #tpu.memory_space<vmem>>, vector<16xi32>,
        %shift_right_arithmetic3A_2243 = arith.constant 7 : i32
        %shift_right_arithmetic3A_2244 = vector.broadcast %shift_right_arithmetic3A_2243 : i32 to vector<16xi32>
        %shift_right_arithmetic3A_2245 = arith.shrsi %get3A_2242, %shift_right_arithmetic3A_2244 : vector<16xi32>
        %and3A_2246 = arith.constant 127 : i32
        %and3A_2247 = vector.broadcast %and3A_2246 : i32 to vector<16xi32>
        %and3A_2248 = arith.andi %get3A_2242, %and3A_2247 : vector<16xi32>
        %gather3A_2249 = tpu.vector_load_idx %arg8[%shift_right_arithmetic3A_2245, %and3A_2248] : memref<782x128xf32, #tpu.memory_space<vmem>>[vector<16xi32>, vector<16xi32>], vector<16xf32>,
        %add3A_2250 = arith.addf %add3A_2226, %gather3A_2249 : vector<16xf32>
        %get3A_2251 = arith.constant 11 : i32
        %get3A_2252 = arith.index_cast %get3A_2251 : i32 to index
        %get3A_2253 = arith.constant 0 : index
        %get3A_2254 = tpu.vector_load %arg10[%get3A_2252, %get3A_2253] {strides = array<i32>} : memref<20x128xi32, #tpu.memory_space<vmem>>, vector<16xi32>,
        %shift_right_arithmetic3A_2255 = arith.constant 7 : i32
        %shift_right_arithmetic3A_2256 = vector.broadcast %shift_right_arithmetic3A_2255 : i32 to vector<16xi32>
        %shift_right_arithmetic3A_2257 = arith.shrsi %get3A_2254, %shift_right_arithmetic3A_2256 : vector<16xi32>
        %and3A_2258 = arith.constant 127 : i32
        %and3A_2259 = vector.broadcast %and3A_2258 : i32 to vector<16xi32>
        %and3A_2260 = arith.andi %get3A_2254, %and3A_2259 : vector<16xi32>
        %gather3A_2261 = tpu.vector_load_idx %arg8[%shift_right_arithmetic3A_2257, %and3A_2260] : memref<782x128xf32, #tpu.memory_space<vmem>>[vector<16xi32>, vector<16xi32>], vector<16xf32>,
        %add3A_2262 = arith.addf %add3A_2238, %gather3A_2261 : vector<16xf32>
        %get3A_2263 = arith.constant 12 : i32
        %get3A_2264 = arith.index_cast %get3A_2263 : i32 to index
        %get3A_2265 = arith.constant 0 : index
        %get3A_2266 = tpu.vector_load %arg10[%get3A_2264, %get3A_2265] {strides = array<i32>} : memref<20x128xi32, #tpu.memory_space<vmem>>, vector<16xi32>,
        %shift_right_arithmetic3A_2267 = arith.constant 7 : i32
        %shift_right_arithmetic3A_2268 = vector.broadcast %shift_right_arithmetic3A_2267 : i32 to vector<16xi32>
        %shift_right_arithmetic3A_2269 = arith.shrsi %get3A_2266, %shift_right_arithmetic3A_2268 : vector<16xi32>
        %and3A_2270 = arith.constant 127 : i32
        %and3A_2271 = vector.broadcast %and3A_2270 : i32 to vector<16xi32>
        %and3A_2272 = arith.andi %get3A_2266, %and3A_2271 : vector<16xi32>
        %gather3A_2273 = tpu.vector_load_idx %arg8[%shift_right_arithmetic3A_2269, %and3A_2272] : memref<782x128xf32, #tpu.memory_space<vmem>>[vector<16xi32>, vector<16xi32>], vector<16xf32>,
        %add3A_2274 = arith.addf %add3A_2250, %gather3A_2273 : vector<16xf32>
        %get3A_2275 = arith.constant 13 : i32
        %get3A_2276 = arith.index_cast %get3A_2275 : i32 to index
        %get3A_2277 = arith.constant 0 : index
        %get3A_2278 = tpu.vector_load %arg10[%get3A_2276, %get3A_2277] {strides = array<i32>} : memref<20x128xi32, #tpu.memory_space<vmem>>, vector<16xi32>,
        %shift_right_arithmetic3A_2279 = arith.constant 7 : i32
        %shift_right_arithmetic3A_2280 = vector.broadcast %shift_right_arithmetic3A_2279 : i32 to vector<16xi32>
        %shift_right_arithmetic3A_2281 = arith.shrsi %get3A_2278, %shift_right_arithmetic3A_2280 : vector<16xi32>
        %and3A_2282 = arith.constant 127 : i32
        %and3A_2283 = vector.broadcast %and3A_2282 : i32 to vector<16xi32>
        %and3A_2284 = arith.andi %get3A_2278, %and3A_2283 : vector<16xi32>
        %gather3A_2285 = tpu.vector_load_idx %arg8[%shift_right_arithmetic3A_2281, %and3A_2284] : memref<782x128xf32, #tpu.memory_space<vmem>>[vector<16xi32>, vector<16xi32>], vector<16xf32>,
        %add3A_2286 = arith.addf %add3A_2262, %gather3A_2285 : vector<16xf32>
        %get3A_2287 = arith.constant 14 : i32
        %get3A_2288 = arith.index_cast %get3A_2287 : i32 to index
        %get3A_2289 = arith.constant 0 : index
        %get3A_2290 = tpu.vector_load %arg10[%get3A_2288, %get3A_2289] {strides = array<i32>} : memref<20x128xi32, #tpu.memory_space<vmem>>, vector<16xi32>,
        %shift_right_arithmetic3A_2291 = arith.constant 7 : i32
        %shift_right_arithmetic3A_2292 = vector.broadcast %shift_right_arithmetic3A_2291 : i32 to vector<16xi32>
        %shift_right_arithmetic3A_2293 = arith.shrsi %get3A_2290, %shift_right_arithmetic3A_2292 : vector<16xi32>
        %and3A_2294 = arith.constant 127 : i32
        %and3A_2295 = vector.broadcast %and3A_2294 : i32 to vector<16xi32>
        %and3A_2296 = arith.andi %get3A_2290, %and3A_2295 : vector<16xi32>
        %gather3A_2297 = tpu.vector_load_idx %arg8[%shift_right_arithmetic3A_2293, %and3A_2296] : memref<782x128xf32, #tpu.memory_space<vmem>>[vector<16xi32>, vector<16xi32>], vector<16xf32>,
        %add3A_2298 = arith.addf %add3A_2274, %gather3A_2297 : vector<16xf32>
        %get3A_2299 = arith.constant 15 : i32
        %get3A_2300 = arith.index_cast %get3A_2299 : i32 to index
        %get3A_2301 = arith.constant 0 : index
        %get3A_2302 = tpu.vector_load %arg10[%get3A_2300, %get3A_2301] {strides = array<i32>} : memref<20x128xi32, #tpu.memory_space<vmem>>, vector<16xi32>,
        %shift_right_arithmetic3A_2303 = arith.constant 7 : i32
        %shift_right_arithmetic3A_2304 = vector.broadcast %shift_right_arithmetic3A_2303 : i32 to vector<16xi32>
        %shift_right_arithmetic3A_2305 = arith.shrsi %get3A_2302, %shift_right_arithmetic3A_2304 : vector<16xi32>
        %and3A_2306 = arith.constant 127 : i32
        %and3A_2307 = vector.broadcast %and3A_2306 : i32 to vector<16xi32>
        %and3A_2308 = arith.andi %get3A_2302, %and3A_2307 : vector<16xi32>
        %gather3A_2309 = tpu.vector_load_idx %arg8[%shift_right_arithmetic3A_2305, %and3A_2308] : memref<782x128xf32, #tpu.memory_space<vmem>>[vector<16xi32>, vector<16xi32>], vector<16xf32>,
        %add3A_2310 = arith.addf %add3A_2286, %gather3A_2309 : vector<16xf32>
        %get3A_2311 = arith.constant 16 : i32
        %get3A_2312 = arith.index_cast %get3A_2311 : i32 to index
        %get3A_2313 = arith.constant 0 : index
        %get3A_2314 = tpu.vector_load %arg10[%get3A_2312, %get3A_2313] {strides = array<i32>} : memref<20x128xi32, #tpu.memory_space<vmem>>, vector<16xi32>,
        %shift_right_arithmetic3A_2315 = arith.constant 7 : i32
        %shift_right_arithmetic3A_2316 = vector.broadcast %shift_right_arithmetic3A_2315 : i32 to vector<16xi32>
        %shift_right_arithmetic3A_2317 = arith.shrsi %get3A_2314, %shift_right_arithmetic3A_2316 : vector<16xi32>
        %and3A_2318 = arith.constant 127 : i32
        %and3A_2319 = vector.broadcast %and3A_2318 : i32 to vector<16xi32>
        %and3A_2320 = arith.andi %get3A_2314, %and3A_2319 : vector<16xi32>
        %gather3A_2321 = tpu.vector_load_idx %arg8[%shift_right_arithmetic3A_2317, %and3A_2320] : memref<782x128xf32, #tpu.memory_space<vmem>>[vector<16xi32>, vector<16xi32>], vector<16xf32>,
        %add3A_2322 = arith.addf %add3A_2298, %gather3A_2321 : vector<16xf32>
        %get3A_2323 = arith.constant 17 : i32
        %get3A_2324 = arith.index_cast %get3A_2323 : i32 to index
        %get3A_2325 = arith.constant 0 : index
        %get3A_2326 = tpu.vector_load %arg10[%get3A_2324, %get3A_2325] {strides = array<i32>} : memref<20x128xi32, #tpu.memory_space<vmem>>, vector<16xi32>,
        %shift_right_arithmetic3A_2327 = arith.constant 7 : i32
        %shift_right_arithmetic3A_2328 = vector.broadcast %shift_right_arithmetic3A_2327 : i32 to vector<16xi32>
        %shift_right_arithmetic3A_2329 = arith.shrsi %get3A_2326, %shift_right_arithmetic3A_2328 : vector<16xi32>
        %and3A_2330 = arith.constant 127 : i32
        %and3A_2331 = vector.broadcast %and3A_2330 : i32 to vector<16xi32>
        %and3A_2332 = arith.andi %get3A_2326, %and3A_2331 : vector<16xi32>
        %gather3A_2333 = tpu.vector_load_idx %arg8[%shift_right_arithmetic3A_2329, %and3A_2332] : memref<782x128xf32, #tpu.memory_space<vmem>>[vector<16xi32>, vector<16xi32>], vector<16xf32>,
        %add3A_2334 = arith.addf %add3A_2310, %gather3A_2333 : vector<16xf32>
        %get3A_2335 = arith.constant 18 : i32
        %get3A_2336 = arith.index_cast %get3A_2335 : i32 to index
        %get3A_2337 = arith.constant 0 : index
        %get3A_2338 = tpu.vector_load %arg10[%get3A_2336, %get3A_2337] {strides = array<i32>} : memref<20x128xi32, #tpu.memory_space<vmem>>, vector<16xi32>,
        %shift_right_arithmetic3A_2339 = arith.constant 7 : i32
        %shift_right_arithmetic3A_2340 = vector.broadcast %shift_right_arithmetic3A_2339 : i32 to vector<16xi32>
        %shift_right_arithmetic3A_2341 = arith.shrsi %get3A_2338, %shift_right_arithmetic3A_2340 : vector<16xi32>
        %and3A_2342 = arith.constant 127 : i32
        %and3A_2343 = vector.broadcast %and3A_2342 : i32 to vector<16xi32>
        %and3A_2344 = arith.andi %get3A_2338, %and3A_2343 : vector<16xi32>
        %gather3A_2345 = tpu.vector_load_idx %arg8[%shift_right_arithmetic3A_2341, %and3A_2344] : memref<782x128xf32, #tpu.memory_space<vmem>>[vector<16xi32>, vector<16xi32>], vector<16xf32>,
        %add3A_2346 = arith.addf %add3A_2322, %gather3A_2345 : vector<16xf32>
        %get3A_2347 = arith.constant 19 : i32
        %get3A_2348 = arith.index_cast %get3A_2347 : i32 to index
        %get3A_2349 = arith.constant 0 : index
        %get3A_2350 = tpu.vector_load %arg10[%get3A_2348, %get3A_2349] {strides = array<i32>} : memref<20x128xi32, #tpu.memory_space<vmem>>, vector<16xi32>,
        %shift_right_arithmetic3A_2351 = arith.constant 7 : i32
        %shift_right_arithmetic3A_2352 = vector.broadcast %shift_right_arithmetic3A_2351 : i32 to vector<16xi32>
        %shift_right_arithmetic3A_2353 = arith.shrsi %get3A_2350, %shift_right_arithmetic3A_2352 : vector<16xi32>
        %and3A_2354 = arith.constant 127 : i32
        %and3A_2355 = vector.broadcast %and3A_2354 : i32 to vector<16xi32>
        %and3A_2356 = arith.andi %get3A_2350, %and3A_2355 : vector<16xi32>
        %gather3A_2357 = tpu.vector_load_idx %arg8[%shift_right_arithmetic3A_2353, %and3A_2356] : memref<782x128xf32, #tpu.memory_space<vmem>>[vector<16xi32>, vector<16xi32>], vector<16xf32>,
        %add3A_2358 = arith.addf %add3A_2334, %gather3A_2357 : vector<16xf32>
        %add3A_2359 = arith.addf %add3A_2346, %add3A_2358 : vector<16xf32>
        %mul3A_2360 = arith.constant 128 : i32
        %mul3A_2361 = arith.muli %add3A_2099, %mul3A_2360 : i32
        %add3A_2362 = arith.constant 0 : i32
        %add3A_2363 = arith.addi %mul3A_2361, %add3A_2362 : i32
        %swap3A_2364 = arith.index_cast %add3A_2363 : i32 to index
        %swap3A_2365 = tpu.vector_load %arg11[%swap3A_2364] {strides = array<i32>} : memref<4096xf32, #tpu.memory_space<vmem>>, vector<16xf32>,
        tpu.vector_store %arg11[%swap3A_2364], %add3A_2359 {strides = array<i32>} : memref<4096xf32, #tpu.memory_space<vmem>>, vector<16xf32>,
        %broadcast_in_dim3A_2366 = arith.constant 0.000000e+00 : f32
        %broadcast_in_dim3A_2367 = vector.broadcast %broadcast_in_dim3A_2366 : f32 to vector<16xf32>
        %broadcast_in_dim3A_2368 = arith.constant 0.000000e+00 : f32
        %broadcast_in_dim3A_2369 = vector.broadcast %broadcast_in_dim3A_2368 : f32 to vector<16xf32>
        %get3A_2370 = arith.constant 0 : i32
        %get3A_2371 = arith.index_cast %get3A_2370 : i32 to index
        %get3A_2372 = arith.constant 16 : index
        %get3A_2373 = tpu.vector_load %arg10[%get3A_2371, %get3A_2372] {strides = array<i32>} : memref<20x128xi32, #tpu.memory_space<vmem>>, vector<16xi32>,
        %shift_right_arithmetic3A_2374 = arith.constant 7 : i32
        %shift_right_arithmetic3A_2375 = vector.broadcast %shift_right_arithmetic3A_2374 : i32 to vector<16xi32>
        %shift_right_arithmetic3A_2376 = arith.shrsi %get3A_2373, %shift_right_arithmetic3A_2375 : vector<16xi32>
        %and3A_2377 = arith.constant 127 : i32
        %and3A_2378 = vector.broadcast %and3A_2377 : i32 to vector<16xi32>
        %and3A_2379 = arith.andi %get3A_2373, %and3A_2378 : vector<16xi32>
        %gather3A_2380 = tpu.vector_load_idx %arg8[%shift_right_arithmetic3A_2376, %and3A_2379] : memref<782x128xf32, #tpu.memory_space<vmem>>[vector<16xi32>, vector<16xi32>], vector<16xf32>,
        %add3A_2381 = arith.addf %broadcast_in_dim3A_2367, %gather3A_2380 : vector<16xf32>
        %get3A_2382 = arith.constant 1 : i32
        %get3A_2383 = arith.index_cast %get3A_2382 : i32 to index
        %get3A_2384 = arith.constant 16 : index
        %get3A_2385 = tpu.vector_load %arg10[%get3A_2383, %get3A_2384] {strides = array<i32>} : memref<20x128xi32, #tpu.memory_space<vmem>>, vector<16xi32>,
        %shift_right_arithmetic3A_2386 = arith.constant 7 : i32
        %shift_right_arithmetic3A_2387 = vector.broadcast %shift_right_arithmetic3A_2386 : i32 to vector<16xi32>
        %shift_right_arithmetic3A_2388 = arith.shrsi %get3A_2385, %shift_right_arithmetic3A_2387 : vector<16xi32>
        %and3A_2389 = arith.constant 127 : i32
        %and3A_2390 = vector.broadcast %and3A_2389 : i32 to vector<16xi32>
        %and3A_2391 = arith.andi %get3A_2385, %and3A_2390 : vector<16xi32>
        %gather3A_2392 = tpu.vector_load_idx %arg8[%shift_right_arithmetic3A_2388, %and3A_2391] : memref<782x128xf32, #tpu.memory_space<vmem>>[vector<16xi32>, vector<16xi32>], vector<16xf32>,
        %add3A_2393 = arith.addf %broadcast_in_dim3A_2369, %gather3A_2392 : vector<16xf32>
        %get3A_2394 = arith.constant 2 : i32
        %get3A_2395 = arith.index_cast %get3A_2394 : i32 to index
        %get3A_2396 = arith.constant 16 : index
        %get3A_2397 = tpu.vector_load %arg10[%get3A_2395, %get3A_2396] {strides = array<i32>} : memref<20x128xi32, #tpu.memory_space<vmem>>, vector<16xi32>,
        %shift_right_arithmetic3A_2398 = arith.constant 7 : i32
        %shift_right_arithmetic3A_2399 = vector.broadcast %shift_right_arithmetic3A_2398 : i32 to vector<16xi32>
        %shift_right_arithmetic3A_2400 = arith.shrsi %get3A_2397, %shift_right_arithmetic3A_2399 : vector<16xi32>
        %and3A_2401 = arith.constant 127 : i32
        %and3A_2402 = vector.broadcast %and3A_2401 : i32 to vector<16xi32>
        %and3A_2403 = arith.andi %get3A_2397, %and3A_2402 : vector<16xi32>
        %gather3A_2404 = tpu.vector_load_idx %arg8[%shift_right_arithmetic3A_2400, %and3A_2403] : memref<782x128xf32, #tpu.memory_space<vmem>>[vector<16xi32>, vector<16xi32>], vector<16xf32>,
        %add3A_2405 = arith.addf %add3A_2381, %gather3A_2404 : vector<16xf32>
        %get3A_2406 = arith.constant 3 : i32
        %get3A_2407 = arith.index_cast %get3A_2406 : i32 to index
        %get3A_2408 = arith.constant 16 : index
        %get3A_2409 = tpu.vector_load %arg10[%get3A_2407, %get3A_2408] {strides = array<i32>} : memref<20x128xi32, #tpu.memory_space<vmem>>, vector<16xi32>,
        %shift_right_arithmetic3A_2410 = arith.constant 7 : i32
        %shift_right_arithmetic3A_2411 = vector.broadcast %shift_right_arithmetic3A_2410 : i32 to vector<16xi32>
        %shift_right_arithmetic3A_2412 = arith.shrsi %get3A_2409, %shift_right_arithmetic3A_2411 : vector<16xi32>
        %and3A_2413 = arith.constant 127 : i32
        %and3A_2414 = vector.broadcast %and3A_2413 : i32 to vector<16xi32>
        %and3A_2415 = arith.andi %get3A_2409, %and3A_2414 : vector<16xi32>
        %gather3A_2416 = tpu.vector_load_idx %arg8[%shift_right_arithmetic3A_2412, %and3A_2415] : memref<782x128xf32, #tpu.memory_space<vmem>>[vector<16xi32>, vector<16xi32>], vector<16xf32>,
        %add3A_2417 = arith.addf %add3A_2393, %gather3A_2416 : vector<16xf32>
        %get3A_2418 = arith.constant 4 : i32
        %get3A_2419 = arith.index_cast %get3A_2418 : i32 to index
        %get3A_2420 = arith.constant 16 : index
        %get3A_2421 = tpu.vector_load %arg10[%get3A_2419, %get3A_2420] {strides = array<i32>} : memref<20x128xi32, #tpu.memory_space<vmem>>, vector<16xi32>,
        %shift_right_arithmetic3A_2422 = arith.constant 7 : i32
        %shift_right_arithmetic3A_2423 = vector.broadcast %shift_right_arithmetic3A_2422 : i32 to vector<16xi32>
        %shift_right_arithmetic3A_2424 = arith.shrsi %get3A_2421, %shift_right_arithmetic3A_2423 : vector<16xi32>
        %and3A_2425 = arith.constant 127 : i32
        %and3A_2426 = vector.broadcast %and3A_2425 : i32 to vector<16xi32>
        %and3A_2427 = arith.andi %get3A_2421, %and3A_2426 : vector<16xi32>
        %gather3A_2428 = tpu.vector_load_idx %arg8[%shift_right_arithmetic3A_2424, %and3A_2427] : memref<782x128xf32, #tpu.memory_space<vmem>>[vector<16xi32>, vector<16xi32>], vector<16xf32>,
        %add3A_2429 = arith.addf %add3A_2405, %gather3A_2428 : vector<16xf32>
        %get3A_2430 = arith.constant 5 : i32
        %get3A_2431 = arith.index_cast %get3A_2430 : i32 to index
        %get3A_2432 = arith.constant 16 : index
        %get3A_2433 = tpu.vector_load %arg10[%get3A_2431, %get3A_2432] {strides = array<i32>} : memref<20x128xi32, #tpu.memory_space<vmem>>, vector<16xi32>,
        %shift_right_arithmetic3A_2434 = arith.constant 7 : i32
        %shift_right_arithmetic3A_2435 = vector.broadcast %shift_right_arithmetic3A_2434 : i32 to vector<16xi32>
        %shift_right_arithmetic3A_2436 = arith.shrsi %get3A_2433, %shift_right_arithmetic3A_2435 : vector<16xi32>
        %and3A_2437 = arith.constant 127 : i32
        %and3A_2438 = vector.broadcast %and3A_2437 : i32 to vector<16xi32>
        %and3A_2439 = arith.andi %get3A_2433, %and3A_2438 : vector<16xi32>
        %gather3A_2440 = tpu.vector_load_idx %arg8[%shift_right_arithmetic3A_2436, %and3A_2439] : memref<782x128xf32, #tpu.memory_space<vmem>>[vector<16xi32>, vector<16xi32>], vector<16xf32>,
        %add3A_2441 = arith.addf %add3A_2417, %gather3A_2440 : vector<16xf32>
        %get3A_2442 = arith.constant 6 : i32
        %get3A_2443 = arith.index_cast %get3A_2442 : i32 to index
        %get3A_2444 = arith.constant 16 : index
        %get3A_2445 = tpu.vector_load %arg10[%get3A_2443, %get3A_2444] {strides = array<i32>} : memref<20x128xi32, #tpu.memory_space<vmem>>, vector<16xi32>,
        %shift_right_arithmetic3A_2446 = arith.constant 7 : i32
        %shift_right_arithmetic3A_2447 = vector.broadcast %shift_right_arithmetic3A_2446 : i32 to vector<16xi32>
        %shift_right_arithmetic3A_2448 = arith.shrsi %get3A_2445, %shift_right_arithmetic3A_2447 : vector<16xi32>
        %and3A_2449 = arith.constant 127 : i32
        %and3A_2450 = vector.broadcast %and3A_2449 : i32 to vector<16xi32>
        %and3A_2451 = arith.andi %get3A_2445, %and3A_2450 : vector<16xi32>
        %gather3A_2452 = tpu.vector_load_idx %arg8[%shift_right_arithmetic3A_2448, %and3A_2451] : memref<782x128xf32, #tpu.memory_space<vmem>>[vector<16xi32>, vector<16xi32>], vector<16xf32>,
        %add3A_2453 = arith.addf %add3A_2429, %gather3A_2452 : vector<16xf32>
        %get3A_2454 = arith.constant 7 : i32
        %get3A_2455 = arith.index_cast %get3A_2454 : i32 to index
        %get3A_2456 = arith.constant 16 : index
        %get3A_2457 = tpu.vector_load %arg10[%get3A_2455, %get3A_2456] {strides = array<i32>} : memref<20x128xi32, #tpu.memory_space<vmem>>, vector<16xi32>,
        %shift_right_arithmetic3A_2458 = arith.constant 7 : i32
        %shift_right_arithmetic3A_2459 = vector.broadcast %shift_right_arithmetic3A_2458 : i32 to vector<16xi32>
        %shift_right_arithmetic3A_2460 = arith.shrsi %get3A_2457, %shift_right_arithmetic3A_2459 : vector<16xi32>
        %and3A_2461 = arith.constant 127 : i32
        %and3A_2462 = vector.broadcast %and3A_2461 : i32 to vector<16xi32>
        %and3A_2463 = arith.andi %get3A_2457, %and3A_2462 : vector<16xi32>
        %gather3A_2464 = tpu.vector_load_idx %arg8[%shift_right_arithmetic3A_2460, %and3A_2463] : memref<782x128xf32, #tpu.memory_space<vmem>>[vector<16xi32>, vector<16xi32>], vector<16xf32>,
        %add3A_2465 = arith.addf %add3A_2441, %gather3A_2464 : vector<16xf32>
        %get3A_2466 = arith.constant 8 : i32
        %get3A_2467 = arith.index_cast %get3A_2466 : i32 to index
        %get3A_2468 = arith.constant 16 : index
        %get3A_2469 = tpu.vector_load %arg10[%get3A_2467, %get3A_2468] {strides = array<i32>} : memref<20x128xi32, #tpu.memory_space<vmem>>, vector<16xi32>,
        %shift_right_arithmetic3A_2470 = arith.constant 7 : i32
        %shift_right_arithmetic3A_2471 = vector.broadcast %shift_right_arithmetic3A_2470 : i32 to vector<16xi32>
        %shift_right_arithmetic3A_2472 = arith.shrsi %get3A_2469, %shift_right_arithmetic3A_2471 : vector<16xi32>
        %and3A_2473 = arith.constant 127 : i32
        %and3A_2474 = vector.broadcast %and3A_2473 : i32 to vector<16xi32>
        %and3A_2475 = arith.andi %get3A_2469, %and3A_2474 : vector<16xi32>
        %gather3A_2476 = tpu.vector_load_idx %arg8[%shift_right_arithmetic3A_2472, %and3A_2475] : memref<782x128xf32, #tpu.memory_space<vmem>>[vector<16xi32>, vector<16xi32>], vector<16xf32>,
        %add3A_2477 = arith.addf %add3A_2453, %gather3A_2476 : vector<16xf32>
        %get3A_2478 = arith.constant 9 : i32
        %get3A_2479 = arith.index_cast %get3A_2478 : i32 to index
        %get3A_2480 = arith.constant 16 : index
        %get3A_2481 = tpu.vector_load %arg10[%get3A_2479, %get3A_2480] {strides = array<i32>} : memref<20x128xi32, #tpu.memory_space<vmem>>, vector<16xi32>,
        %shift_right_arithmetic3A_2482 = arith.constant 7 : i32
        %shift_right_arithmetic3A_2483 = vector.broadcast %shift_right_arithmetic3A_2482 : i32 to vector<16xi32>
        %shift_right_arithmetic3A_2484 = arith.shrsi %get3A_2481, %shift_right_arithmetic3A_2483 : vector<16xi32>
        %and3A_2485 = arith.constant 127 : i32
        %and3A_2486 = vector.broadcast %and3A_2485 : i32 to vector<16xi32>
        %and3A_2487 = arith.andi %get3A_2481, %and3A_2486 : vector<16xi32>
        %gather3A_2488 = tpu.vector_load_idx %arg8[%shift_right_arithmetic3A_2484, %and3A_2487] : memref<782x128xf32, #tpu.memory_space<vmem>>[vector<16xi32>, vector<16xi32>], vector<16xf32>,
        %add3A_2489 = arith.addf %add3A_2465, %gather3A_2488 : vector<16xf32>
        %get3A_2490 = arith.constant 10 : i32
        %get3A_2491 = arith.index_cast %get3A_2490 : i32 to index
        %get3A_2492 = arith.constant 16 : index
        %get3A_2493 = tpu.vector_load %arg10[%get3A_2491, %get3A_2492] {strides = array<i32>} : memref<20x128xi32, #tpu.memory_space<vmem>>, vector<16xi32>,
        %shift_right_arithmetic3A_2494 = arith.constant 7 : i32
        %shift_right_arithmetic3A_2495 = vector.broadcast %shift_right_arithmetic3A_2494 : i32 to vector<16xi32>
        %shift_right_arithmetic3A_2496 = arith.shrsi %get3A_2493, %shift_right_arithmetic3A_2495 : vector<16xi32>
        %and3A_2497 = arith.constant 127 : i32
        %and3A_2498 = vector.broadcast %and3A_2497 : i32 to vector<16xi32>
        %and3A_2499 = arith.andi %get3A_2493, %and3A_2498 : vector<16xi32>
        %gather3A_2500 = tpu.vector_load_idx %arg8[%shift_right_arithmetic3A_2496, %and3A_2499] : memref<782x128xf32, #tpu.memory_space<vmem>>[vector<16xi32>, vector<16xi32>], vector<16xf32>,
        %add3A_2501 = arith.addf %add3A_2477, %gather3A_2500 : vector<16xf32>
        %get3A_2502 = arith.constant 11 : i32
        %get3A_2503 = arith.index_cast %get3A_2502 : i32 to index
        %get3A_2504 = arith.constant 16 : index
        %get3A_2505 = tpu.vector_load %arg10[%get3A_2503, %get3A_2504] {strides = array<i32>} : memref<20x128xi32, #tpu.memory_space<vmem>>, vector<16xi32>,
        %shift_right_arithmetic3A_2506 = arith.constant 7 : i32
        %shift_right_arithmetic3A_2507 = vector.broadcast %shift_right_arithmetic3A_2506 : i32 to vector<16xi32>
        %shift_right_arithmetic3A_2508 = arith.shrsi %get3A_2505, %shift_right_arithmetic3A_2507 : vector<16xi32>
        %and3A_2509 = arith.constant 127 : i32
        %and3A_2510 = vector.broadcast %and3A_2509 : i32 to vector<16xi32>
        %and3A_2511 = arith.andi %get3A_2505, %and3A_2510 : vector<16xi32>
        %gather3A_2512 = tpu.vector_load_idx %arg8[%shift_right_arithmetic3A_2508, %and3A_2511] : memref<782x128xf32, #tpu.memory_space<vmem>>[vector<16xi32>, vector<16xi32>], vector<16xf32>,
        %add3A_2513 = arith.addf %add3A_2489, %gather3A_2512 : vector<16xf32>
        %get3A_2514 = arith.constant 12 : i32
        %get3A_2515 = arith.index_cast %get3A_2514 : i32 to index
        %get3A_2516 = arith.constant 16 : index
        %get3A_2517 = tpu.vector_load %arg10[%get3A_2515, %get3A_2516] {strides = array<i32>} : memref<20x128xi32, #tpu.memory_space<vmem>>, vector<16xi32>,
        %shift_right_arithmetic3A_2518 = arith.constant 7 : i32
        %shift_right_arithmetic3A_2519 = vector.broadcast %shift_right_arithmetic3A_2518 : i32 to vector<16xi32>
        %shift_right_arithmetic3A_2520 = arith.shrsi %get3A_2517, %shift_right_arithmetic3A_2519 : vector<16xi32>
        %and3A_2521 = arith.constant 127 : i32
        %and3A_2522 = vector.broadcast %and3A_2521 : i32 to vector<16xi32>
        %and3A_2523 = arith.andi %get3A_2517, %and3A_2522 : vector<16xi32>
        %gather3A_2524 = tpu.vector_load_idx %arg8[%shift_right_arithmetic3A_2520, %and3A_2523] : memref<782x128xf32, #tpu.memory_space<vmem>>[vector<16xi32>, vector<16xi32>], vector<16xf32>,
        %add3A_2525 = arith.addf %add3A_2501, %gather3A_2524 : vector<16xf32>
        %get3A_2526 = arith.constant 13 : i32
        %get3A_2527 = arith.index_cast %get3A_2526 : i32 to index
        %get3A_2528 = arith.constant 16 : index
        %get3A_2529 = tpu.vector_load %arg10[%get3A_2527, %get3A_2528] {strides = array<i32>} : memref<20x128xi32, #tpu.memory_space<vmem>>, vector<16xi32>,
        %shift_right_arithmetic3A_2530 = arith.constant 7 : i32
        %shift_right_arithmetic3A_2531 = vector.broadcast %shift_right_arithmetic3A_2530 : i32 to vector<16xi32>
        %shift_right_arithmetic3A_2532 = arith.shrsi %get3A_2529, %shift_right_arithmetic3A_2531 : vector<16xi32>
        %and3A_2533 = arith.constant 127 : i32
        %and3A_2534 = vector.broadcast %and3A_2533 : i32 to vector<16xi32>
        %and3A_2535 = arith.andi %get3A_2529, %and3A_2534 : vector<16xi32>
        %gather3A_2536 = tpu.vector_load_idx %arg8[%shift_right_arithmetic3A_2532, %and3A_2535] : memref<782x128xf32, #tpu.memory_space<vmem>>[vector<16xi32>, vector<16xi32>], vector<16xf32>,
        %add3A_2537 = arith.addf %add3A_2513, %gather3A_2536 : vector<16xf32>
        %get3A_2538 = arith.constant 14 : i32
        %get3A_2539 = arith.index_cast %get3A_2538 : i32 to index
        %get3A_2540 = arith.constant 16 : index
        %get3A_2541 = tpu.vector_load %arg10[%get3A_2539, %get3A_2540] {strides = array<i32>} : memref<20x128xi32, #tpu.memory_space<vmem>>, vector<16xi32>,
        %shift_right_arithmetic3A_2542 = arith.constant 7 : i32
        %shift_right_arithmetic3A_2543 = vector.broadcast %shift_right_arithmetic3A_2542 : i32 to vector<16xi32>
        %shift_right_arithmetic3A_2544 = arith.shrsi %get3A_2541, %shift_right_arithmetic3A_2543 : vector<16xi32>
        %and3A_2545 = arith.constant 127 : i32
        %and3A_2546 = vector.broadcast %and3A_2545 : i32 to vector<16xi32>
        %and3A_2547 = arith.andi %get3A_2541, %and3A_2546 : vector<16xi32>
        %gather3A_2548 = tpu.vector_load_idx %arg8[%shift_right_arithmetic3A_2544, %and3A_2547] : memref<782x128xf32, #tpu.memory_space<vmem>>[vector<16xi32>, vector<16xi32>], vector<16xf32>,
        %add3A_2549 = arith.addf %add3A_2525, %gather3A_2548 : vector<16xf32>
        %get3A_2550 = arith.constant 15 : i32
        %get3A_2551 = arith.index_cast %get3A_2550 : i32 to index
        %get3A_2552 = arith.constant 16 : index
        %get3A_2553 = tpu.vector_load %arg10[%get3A_2551, %get3A_2552] {strides = array<i32>} : memref<20x128xi32, #tpu.memory_space<vmem>>, vector<16xi32>,
        %shift_right_arithmetic3A_2554 = arith.constant 7 : i32
        %shift_right_arithmetic3A_2555 = vector.broadcast %shift_right_arithmetic3A_2554 : i32 to vector<16xi32>
        %shift_right_arithmetic3A_2556 = arith.shrsi %get3A_2553, %shift_right_arithmetic3A_2555 : vector<16xi32>
        %and3A_2557 = arith.constant 127 : i32
        %and3A_2558 = vector.broadcast %and3A_2557 : i32 to vector<16xi32>
        %and3A_2559 = arith.andi %get3A_2553, %and3A_2558 : vector<16xi32>
        %gather3A_2560 = tpu.vector_load_idx %arg8[%shift_right_arithmetic3A_2556, %and3A_2559] : memref<782x128xf32, #tpu.memory_space<vmem>>[vector<16xi32>, vector<16xi32>], vector<16xf32>,
        %add3A_2561 = arith.addf %add3A_2537, %gather3A_2560 : vector<16xf32>
        %get3A_2562 = arith.constant 16 : i32
        %get3A_2563 = arith.index_cast %get3A_2562 : i32 to index
        %get3A_2564 = arith.constant 16 : index
        %get3A_2565 = tpu.vector_load %arg10[%get3A_2563, %get3A_2564] {strides = array<i32>} : memref<20x128xi32, #tpu.memory_space<vmem>>, vector<16xi32>,
        %shift_right_arithmetic3A_2566 = arith.constant 7 : i32
        %shift_right_arithmetic3A_2567 = vector.broadcast %shift_right_arithmetic3A_2566 : i32 to vector<16xi32>
        %shift_right_arithmetic3A_2568 = arith.shrsi %get3A_2565, %shift_right_arithmetic3A_2567 : vector<16xi32>
        %and3A_2569 = arith.constant 127 : i32
        %and3A_2570 = vector.broadcast %and3A_2569 : i32 to vector<16xi32>
        %and3A_2571 = arith.andi %get3A_2565, %and3A_2570 : vector<16xi32>
        %gather3A_2572 = tpu.vector_load_idx %arg8[%shift_right_arithmetic3A_2568, %and3A_2571] : memref<782x128xf32, #tpu.memory_space<vmem>>[vector<16xi32>, vector<16xi32>], vector<16xf32>,
        %add3A_2573 = arith.addf %add3A_2549, %gather3A_2572 : vector<16xf32>
        %get3A_2574 = arith.constant 17 : i32
        %get3A_2575 = arith.index_cast %get3A_2574 : i32 to index
        %get3A_2576 = arith.constant 16 : index
        %get3A_2577 = tpu.vector_load %arg10[%get3A_2575, %get3A_2576] {strides = array<i32>} : memref<20x128xi32, #tpu.memory_space<vmem>>, vector<16xi32>,
        %shift_right_arithmetic3A_2578 = arith.constant 7 : i32
        %shift_right_arithmetic3A_2579 = vector.broadcast %shift_right_arithmetic3A_2578 : i32 to vector<16xi32>
        %shift_right_arithmetic3A_2580 = arith.shrsi %get3A_2577, %shift_right_arithmetic3A_2579 : vector<16xi32>
        %and3A_2581 = arith.constant 127 : i32
        %and3A_2582 = vector.broadcast %and3A_2581 : i32 to vector<16xi32>
        %and3A_2583 = arith.andi %get3A_2577, %and3A_2582 : vector<16xi32>
        %gather3A_2584 = tpu.vector_load_idx %arg8[%shift_right_arithmetic3A_2580, %and3A_2583] : memref<782x128xf32, #tpu.memory_space<vmem>>[vector<16xi32>, vector<16xi32>], vector<16xf32>,
        %add3A_2585 = arith.addf %add3A_2561, %gather3A_2584 : vector<16xf32>
        %get3A_2586 = arith.constant 18 : i32
        %get3A_2587 = arith.index_cast %get3A_2586 : i32 to index
        %get3A_2588 = arith.constant 16 : index
        %get3A_2589 = tpu.vector_load %arg10[%get3A_2587, %get3A_2588] {strides = array<i32>} : memref<20x128xi32, #tpu.memory_space<vmem>>, vector<16xi32>,
        %shift_right_arithmetic3A_2590 = arith.constant 7 : i32
        %shift_right_arithmetic3A_2591 = vector.broadcast %shift_right_arithmetic3A_2590 : i32 to vector<16xi32>
        %shift_right_arithmetic3A_2592 = arith.shrsi %get3A_2589, %shift_right_arithmetic3A_2591 : vector<16xi32>
        %and3A_2593 = arith.constant 127 : i32
        %and3A_2594 = vector.broadcast %and3A_2593 : i32 to vector<16xi32>
        %and3A_2595 = arith.andi %get3A_2589, %and3A_2594 : vector<16xi32>
        %gather3A_2596 = tpu.vector_load_idx %arg8[%shift_right_arithmetic3A_2592, %and3A_2595] : memref<782x128xf32, #tpu.memory_space<vmem>>[vector<16xi32>, vector<16xi32>], vector<16xf32>,
        %add3A_2597 = arith.addf %add3A_2573, %gather3A_2596 : vector<16xf32>
        %get3A_2598 = arith.constant 19 : i32
        %get3A_2599 = arith.index_cast %get3A_2598 : i32 to index
        %get3A_2600 = arith.constant 16 : index
        %get3A_2601 = tpu.vector_load %arg10[%get3A_2599, %get3A_2600] {strides = array<i32>} : memref<20x128xi32, #tpu.memory_space<vmem>>, vector<16xi32>,
        %shift_right_arithmetic3A_2602 = arith.constant 7 : i32
        %shift_right_arithmetic3A_2603 = vector.broadcast %shift_right_arithmetic3A_2602 : i32 to vector<16xi32>
        %shift_right_arithmetic3A_2604 = arith.shrsi %get3A_2601, %shift_right_arithmetic3A_2603 : vector<16xi32>
        %and3A_2605 = arith.constant 127 : i32
        %and3A_2606 = vector.broadcast %and3A_2605 : i32 to vector<16xi32>
        %and3A_2607 = arith.andi %get3A_2601, %and3A_2606 : vector<16xi32>
        %gather3A_2608 = tpu.vector_load_idx %arg8[%shift_right_arithmetic3A_2604, %and3A_2607] : memref<782x128xf32, #tpu.memory_space<vmem>>[vector<16xi32>, vector<16xi32>], vector<16xf32>,
        %add3A_2609 = arith.addf %add3A_2585, %gather3A_2608 : vector<16xf32>
        %add3A_2610 = arith.addf %add3A_2597, %add3A_2609 : vector<16xf32>
        %mul3A_2611 = arith.constant 128 : i32
        %mul3A_2612 = arith.muli %add3A_2099, %mul3A_2611 : i32
        %add3A_2613 = arith.constant 16 : i32
        %add3A_2614 = arith.addi %mul3A_2612, %add3A_2613 : i32
        %swap3A_2615 = arith.index_cast %add3A_2614 : i32 to index
        %swap3A_2616 = tpu.vector_load %arg11[%swap3A_2615] {strides = array<i32>} : memref<4096xf32, #tpu.memory_space<vmem>>, vector<16xf32>,
        tpu.vector_store %arg11[%swap3A_2615], %add3A_2610 {strides = array<i32>} : memref<4096xf32, #tpu.memory_space<vmem>>, vector<16xf32>,
        %broadcast_in_dim3A_2617 = arith.constant 0.000000e+00 : f32
        %broadcast_in_dim3A_2618 = vector.broadcast %broadcast_in_dim3A_2617 : f32 to vector<16xf32>
        %broadcast_in_dim3A_2619 = arith.constant 0.000000e+00 : f32
        %broadcast_in_dim3A_2620 = vector.broadcast %broadcast_in_dim3A_2619 : f32 to vector<16xf32>
        %get3A_2621 = arith.constant 0 : i32
        %get3A_2622 = arith.index_cast %get3A_2621 : i32 to index
        %get3A_2623 = arith.constant 32 : index
        %get3A_2624 = tpu.vector_load %arg10[%get3A_2622, %get3A_2623] {strides = array<i32>} : memref<20x128xi32, #tpu.memory_space<vmem>>, vector<16xi32>,
        %shift_right_arithmetic3A_2625 = arith.constant 7 : i32
        %shift_right_arithmetic3A_2626 = vector.broadcast %shift_right_arithmetic3A_2625 : i32 to vector<16xi32>
        %shift_right_arithmetic3A_2627 = arith.shrsi %get3A_2624, %shift_right_arithmetic3A_2626 : vector<16xi32>
        %and3A_2628 = arith.constant 127 : i32
        %and3A_2629 = vector.broadcast %and3A_2628 : i32 to vector<16xi32>
        %and3A_2630 = arith.andi %get3A_2624, %and3A_2629 : vector<16xi32>
        %gather3A_2631 = tpu.vector_load_idx %arg8[%shift_right_arithmetic3A_2627, %and3A_2630] : memref<782x128xf32, #tpu.memory_space<vmem>>[vector<16xi32>, vector<16xi32>], vector<16xf32>,
        %add3A_2632 = arith.addf %broadcast_in_dim3A_2618, %gather3A_2631 : vector<16xf32>
        %get3A_2633 = arith.constant 1 : i32
        %get3A_2634 = arith.index_cast %get3A_2633 : i32 to index
        %get3A_2635 = arith.constant 32 : index
        %get3A_2636 = tpu.vector_load %arg10[%get3A_2634, %get3A_2635] {strides = array<i32>} : memref<20x128xi32, #tpu.memory_space<vmem>>, vector<16xi32>,
        %shift_right_arithmetic3A_2637 = arith.constant 7 : i32
        %shift_right_arithmetic3A_2638 = vector.broadcast %shift_right_arithmetic3A_2637 : i32 to vector<16xi32>
        %shift_right_arithmetic3A_2639 = arith.shrsi %get3A_2636, %shift_right_arithmetic3A_2638 : vector<16xi32>
        %and3A_2640 = arith.constant 127 : i32
        %and3A_2641 = vector.broadcast %and3A_2640 : i32 to vector<16xi32>
        %and3A_2642 = arith.andi %get3A_2636, %and3A_2641 : vector<16xi32>
        %gather3A_2643 = tpu.vector_load_idx %arg8[%shift_right_arithmetic3A_2639, %and3A_2642] : memref<782x128xf32, #tpu.memory_space<vmem>>[vector<16xi32>, vector<16xi32>], vector<16xf32>,
        %add3A_2644 = arith.addf %broadcast_in_dim3A_2620, %gather3A_2643 : vector<16xf32>
        %get3A_2645 = arith.constant 2 : i32
        %get3A_2646 = arith.index_cast %get3A_2645 : i32 to index
        %get3A_2647 = arith.constant 32 : index
        %get3A_2648 = tpu.vector_load %arg10[%get3A_2646, %get3A_2647] {strides = array<i32>} : memref<20x128xi32, #tpu.memory_space<vmem>>, vector<16xi32>,
        %shift_right_arithmetic3A_2649 = arith.constant 7 : i32
        %shift_right_arithmetic3A_2650 = vector.broadcast %shift_right_arithmetic3A_2649 : i32 to vector<16xi32>
        %shift_right_arithmetic3A_2651 = arith.shrsi %get3A_2648, %shift_right_arithmetic3A_2650 : vector<16xi32>
        %and3A_2652 = arith.constant 127 : i32
        %and3A_2653 = vector.broadcast %and3A_2652 : i32 to vector<16xi32>
        %and3A_2654 = arith.andi %get3A_2648, %and3A_2653 : vector<16xi32>
        %gather3A_2655 = tpu.vector_load_idx %arg8[%shift_right_arithmetic3A_2651, %and3A_2654] : memref<782x128xf32, #tpu.memory_space<vmem>>[vector<16xi32>, vector<16xi32>], vector<16xf32>,
        %add3A_2656 = arith.addf %add3A_2632, %gather3A_2655 : vector<16xf32>
        %get3A_2657 = arith.constant 3 : i32
        %get3A_2658 = arith.index_cast %get3A_2657 : i32 to index
        %get3A_2659 = arith.constant 32 : index
        %get3A_2660 = tpu.vector_load %arg10[%get3A_2658, %get3A_2659] {strides = array<i32>} : memref<20x128xi32, #tpu.memory_space<vmem>>, vector<16xi32>,
        %shift_right_arithmetic3A_2661 = arith.constant 7 : i32
        %shift_right_arithmetic3A_2662 = vector.broadcast %shift_right_arithmetic3A_2661 : i32 to vector<16xi32>
        %shift_right_arithmetic3A_2663 = arith.shrsi %get3A_2660, %shift_right_arithmetic3A_2662 : vector<16xi32>
        %and3A_2664 = arith.constant 127 : i32
        %and3A_2665 = vector.broadcast %and3A_2664 : i32 to vector<16xi32>
        %and3A_2666 = arith.andi %get3A_2660, %and3A_2665 : vector<16xi32>
        %gather3A_2667 = tpu.vector_load_idx %arg8[%shift_right_arithmetic3A_2663, %and3A_2666] : memref<782x128xf32, #tpu.memory_space<vmem>>[vector<16xi32>, vector<16xi32>], vector<16xf32>,
        %add3A_2668 = arith.addf %add3A_2644, %gather3A_2667 : vector<16xf32>
        %get3A_2669 = arith.constant 4 : i32
        %get3A_2670 = arith.index_cast %get3A_2669 : i32 to index
        %get3A_2671 = arith.constant 32 : index
        %get3A_2672 = tpu.vector_load %arg10[%get3A_2670, %get3A_2671] {strides = array<i32>} : memref<20x128xi32, #tpu.memory_space<vmem>>, vector<16xi32>,
        %shift_right_arithmetic3A_2673 = arith.constant 7 : i32
        %shift_right_arithmetic3A_2674 = vector.broadcast %shift_right_arithmetic3A_2673 : i32 to vector<16xi32>
        %shift_right_arithmetic3A_2675 = arith.shrsi %get3A_2672, %shift_right_arithmetic3A_2674 : vector<16xi32>
        %and3A_2676 = arith.constant 127 : i32
        %and3A_2677 = vector.broadcast %and3A_2676 : i32 to vector<16xi32>
        %and3A_2678 = arith.andi %get3A_2672, %and3A_2677 : vector<16xi32>
        %gather3A_2679 = tpu.vector_load_idx %arg8[%shift_right_arithmetic3A_2675, %and3A_2678] : memref<782x128xf32, #tpu.memory_space<vmem>>[vector<16xi32>, vector<16xi32>], vector<16xf32>,
        %add3A_2680 = arith.addf %add3A_2656, %gather3A_2679 : vector<16xf32>
        %get3A_2681 = arith.constant 5 : i32
        %get3A_2682 = arith.index_cast %get3A_2681 : i32 to index
        %get3A_2683 = arith.constant 32 : index
        %get3A_2684 = tpu.vector_load %arg10[%get3A_2682, %get3A_2683] {strides = array<i32>} : memref<20x128xi32, #tpu.memory_space<vmem>>, vector<16xi32>,
        %shift_right_arithmetic3A_2685 = arith.constant 7 : i32
        %shift_right_arithmetic3A_2686 = vector.broadcast %shift_right_arithmetic3A_2685 : i32 to vector<16xi32>
        %shift_right_arithmetic3A_2687 = arith.shrsi %get3A_2684, %shift_right_arithmetic3A_2686 : vector<16xi32>
        %and3A_2688 = arith.constant 127 : i32
        %and3A_2689 = vector.broadcast %and3A_2688 : i32 to vector<16xi32>
        %and3A_2690 = arith.andi %get3A_2684, %and3A_2689 : vector<16xi32>
        %gather3A_2691 = tpu.vector_load_idx %arg8[%shift_right_arithmetic3A_2687, %and3A_2690] : memref<782x128xf32, #tpu.memory_space<vmem>>[vector<16xi32>, vector<16xi32>], vector<16xf32>,
        %add3A_2692 = arith.addf %add3A_2668, %gather3A_2691 : vector<16xf32>
        %get3A_2693 = arith.constant 6 : i32
        %get3A_2694 = arith.index_cast %get3A_2693 : i32 to index
        %get3A_2695 = arith.constant 32 : index
        %get3A_2696 = tpu.vector_load %arg10[%get3A_2694, %get3A_2695] {strides = array<i32>} : memref<20x128xi32, #tpu.memory_space<vmem>>, vector<16xi32>,
        %shift_right_arithmetic3A_2697 = arith.constant 7 : i32
        %shift_right_arithmetic3A_2698 = vector.broadcast %shift_right_arithmetic3A_2697 : i32 to vector<16xi32>
        %shift_right_arithmetic3A_2699 = arith.shrsi %get3A_2696, %shift_right_arithmetic3A_2698 : vector<16xi32>
        %and3A_2700 = arith.constant 127 : i32
        %and3A_2701 = vector.broadcast %and3A_2700 : i32 to vector<16xi32>
        %and3A_2702 = arith.andi %get3A_2696, %and3A_2701 : vector<16xi32>
        %gather3A_2703 = tpu.vector_load_idx %arg8[%shift_right_arithmetic3A_2699, %and3A_2702] : memref<782x128xf32, #tpu.memory_space<vmem>>[vector<16xi32>, vector<16xi32>], vector<16xf32>,
        %add3A_2704 = arith.addf %add3A_2680, %gather3A_2703 : vector<16xf32>
        %get3A_2705 = arith.constant 7 : i32
        %get3A_2706 = arith.index_cast %get3A_2705 : i32 to index
        %get3A_2707 = arith.constant 32 : index
        %get3A_2708 = tpu.vector_load %arg10[%get3A_2706, %get3A_2707] {strides = array<i32>} : memref<20x128xi32, #tpu.memory_space<vmem>>, vector<16xi32>,
        %shift_right_arithmetic3A_2709 = arith.constant 7 : i32
        %shift_right_arithmetic3A_2710 = vector.broadcast %shift_right_arithmetic3A_2709 : i32 to vector<16xi32>
        %shift_right_arithmetic3A_2711 = arith.shrsi %get3A_2708, %shift_right_arithmetic3A_2710 : vector<16xi32>
        %and3A_2712 = arith.constant 127 : i32
        %and3A_2713 = vector.broadcast %and3A_2712 : i32 to vector<16xi32>
        %and3A_2714 = arith.andi %get3A_2708, %and3A_2713 : vector<16xi32>
        %gather3A_2715 = tpu.vector_load_idx %arg8[%shift_right_arithmetic3A_2711, %and3A_2714] : memref<782x128xf32, #tpu.memory_space<vmem>>[vector<16xi32>, vector<16xi32>], vector<16xf32>,
        %add3A_2716 = arith.addf %add3A_2692, %gather3A_2715 : vector<16xf32>
        %get3A_2717 = arith.constant 8 : i32
        %get3A_2718 = arith.index_cast %get3A_2717 : i32 to index
        %get3A_2719 = arith.constant 32 : index
        %get3A_2720 = tpu.vector_load %arg10[%get3A_2718, %get3A_2719] {strides = array<i32>} : memref<20x128xi32, #tpu.memory_space<vmem>>, vector<16xi32>,
        %shift_right_arithmetic3A_2721 = arith.constant 7 : i32
        %shift_right_arithmetic3A_2722 = vector.broadcast %shift_right_arithmetic3A_2721 : i32 to vector<16xi32>
        %shift_right_arithmetic3A_2723 = arith.shrsi %get3A_2720, %shift_right_arithmetic3A_2722 : vector<16xi32>
        %and3A_2724 = arith.constant 127 : i32
        %and3A_2725 = vector.broadcast %and3A_2724 : i32 to vector<16xi32>
        %and3A_2726 = arith.andi %get3A_2720, %and3A_2725 : vector<16xi32>
        %gather3A_2727 = tpu.vector_load_idx %arg8[%shift_right_arithmetic3A_2723, %and3A_2726] : memref<782x128xf32, #tpu.memory_space<vmem>>[vector<16xi32>, vector<16xi32>], vector<16xf32>,
        %add3A_2728 = arith.addf %add3A_2704, %gather3A_2727 : vector<16xf32>
        %get3A_2729 = arith.constant 9 : i32
        %get3A_2730 = arith.index_cast %get3A_2729 : i32 to index
        %get3A_2731 = arith.constant 32 : index
        %get3A_2732 = tpu.vector_load %arg10[%get3A_2730, %get3A_2731] {strides = array<i32>} : memref<20x128xi32, #tpu.memory_space<vmem>>, vector<16xi32>,
        %shift_right_arithmetic3A_2733 = arith.constant 7 : i32
        %shift_right_arithmetic3A_2734 = vector.broadcast %shift_right_arithmetic3A_2733 : i32 to vector<16xi32>
        %shift_right_arithmetic3A_2735 = arith.shrsi %get3A_2732, %shift_right_arithmetic3A_2734 : vector<16xi32>
        %and3A_2736 = arith.constant 127 : i32
        %and3A_2737 = vector.broadcast %and3A_2736 : i32 to vector<16xi32>
        %and3A_2738 = arith.andi %get3A_2732, %and3A_2737 : vector<16xi32>
        %gather3A_2739 = tpu.vector_load_idx %arg8[%shift_right_arithmetic3A_2735, %and3A_2738] : memref<782x128xf32, #tpu.memory_space<vmem>>[vector<16xi32>, vector<16xi32>], vector<16xf32>,
        %add3A_2740 = arith.addf %add3A_2716, %gather3A_2739 : vector<16xf32>
        %get3A_2741 = arith.constant 10 : i32
        %get3A_2742 = arith.index_cast %get3A_2741 : i32 to index
        %get3A_2743 = arith.constant 32 : index
        %get3A_2744 = tpu.vector_load %arg10[%get3A_2742, %get3A_2743] {strides = array<i32>} : memref<20x128xi32, #tpu.memory_space<vmem>>, vector<16xi32>,
        %shift_right_arithmetic3A_2745 = arith.constant 7 : i32
        %shift_right_arithmetic3A_2746 = vector.broadcast %shift_right_arithmetic3A_2745 : i32 to vector<16xi32>
        %shift_right_arithmetic3A_2747 = arith.shrsi %get3A_2744, %shift_right_arithmetic3A_2746 : vector<16xi32>
        %and3A_2748 = arith.constant 127 : i32
        %and3A_2749 = vector.broadcast %and3A_2748 : i32 to vector<16xi32>
        %and3A_2750 = arith.andi %get3A_2744, %and3A_2749 : vector<16xi32>
        %gather3A_2751 = tpu.vector_load_idx %arg8[%shift_right_arithmetic3A_2747, %and3A_2750] : memref<782x128xf32, #tpu.memory_space<vmem>>[vector<16xi32>, vector<16xi32>], vector<16xf32>,
        %add3A_2752 = arith.addf %add3A_2728, %gather3A_2751 : vector<16xf32>
        %get3A_2753 = arith.constant 11 : i32
        %get3A_2754 = arith.index_cast %get3A_2753 : i32 to index
        %get3A_2755 = arith.constant 32 : index
        %get3A_2756 = tpu.vector_load %arg10[%get3A_2754, %get3A_2755] {strides = array<i32>} : memref<20x128xi32, #tpu.memory_space<vmem>>, vector<16xi32>,
        %shift_right_arithmetic3A_2757 = arith.constant 7 : i32
        %shift_right_arithmetic3A_2758 = vector.broadcast %shift_right_arithmetic3A_2757 : i32 to vector<16xi32>
        %shift_right_arithmetic3A_2759 = arith.shrsi %get3A_2756, %shift_right_arithmetic3A_2758 : vector<16xi32>
        %and3A_2760 = arith.constant 127 : i32
        %and3A_2761 = vector.broadcast %and3A_2760 : i32 to vector<16xi32>
        %and3A_2762 = arith.andi %get3A_2756, %and3A_2761 : vector<16xi32>
        %gather3A_2763 = tpu.vector_load_idx %arg8[%shift_right_arithmetic3A_2759, %and3A_2762] : memref<782x128xf32, #tpu.memory_space<vmem>>[vector<16xi32>, vector<16xi32>], vector<16xf32>,
        %add3A_2764 = arith.addf %add3A_2740, %gather3A_2763 : vector<16xf32>
        %get3A_2765 = arith.constant 12 : i32
        %get3A_2766 = arith.index_cast %get3A_2765 : i32 to index
        %get3A_2767 = arith.constant 32 : index
        %get3A_2768 = tpu.vector_load %arg10[%get3A_2766, %get3A_2767] {strides = array<i32>} : memref<20x128xi32, #tpu.memory_space<vmem>>, vector<16xi32>,
        %shift_right_arithmetic3A_2769 = arith.constant 7 : i32
        %shift_right_arithmetic3A_2770 = vector.broadcast %shift_right_arithmetic3A_2769 : i32 to vector<16xi32>
        %shift_right_arithmetic3A_2771 = arith.shrsi %get3A_2768, %shift_right_arithmetic3A_2770 : vector<16xi32>
        %and3A_2772 = arith.constant 127 : i32
        %and3A_2773 = vector.broadcast %and3A_2772 : i32 to vector<16xi32>
        %and3A_2774 = arith.andi %get3A_2768, %and3A_2773 : vector<16xi32>
        %gather3A_2775 = tpu.vector_load_idx %arg8[%shift_right_arithmetic3A_2771, %and3A_2774] : memref<782x128xf32, #tpu.memory_space<vmem>>[vector<16xi32>, vector<16xi32>], vector<16xf32>,
        %add3A_2776 = arith.addf %add3A_2752, %gather3A_2775 : vector<16xf32>
        %get3A_2777 = arith.constant 13 : i32
        %get3A_2778 = arith.index_cast %get3A_2777 : i32 to index
        %get3A_2779 = arith.constant 32 : index
        %get3A_2780 = tpu.vector_load %arg10[%get3A_2778, %get3A_2779] {strides = array<i32>} : memref<20x128xi32, #tpu.memory_space<vmem>>, vector<16xi32>,
        %shift_right_arithmetic3A_2781 = arith.constant 7 : i32
        %shift_right_arithmetic3A_2782 = vector.broadcast %shift_right_arithmetic3A_2781 : i32 to vector<16xi32>
        %shift_right_arithmetic3A_2783 = arith.shrsi %get3A_2780, %shift_right_arithmetic3A_2782 : vector<16xi32>
        %and3A_2784 = arith.constant 127 : i32
        %and3A_2785 = vector.broadcast %and3A_2784 : i32 to vector<16xi32>
        %and3A_2786 = arith.andi %get3A_2780, %and3A_2785 : vector<16xi32>
        %gather3A_2787 = tpu.vector_load_idx %arg8[%shift_right_arithmetic3A_2783, %and3A_2786] : memref<782x128xf32, #tpu.memory_space<vmem>>[vector<16xi32>, vector<16xi32>], vector<16xf32>,
        %add3A_2788 = arith.addf %add3A_2764, %gather3A_2787 : vector<16xf32>
        %get3A_2789 = arith.constant 14 : i32
        %get3A_2790 = arith.index_cast %get3A_2789 : i32 to index
        %get3A_2791 = arith.constant 32 : index
        %get3A_2792 = tpu.vector_load %arg10[%get3A_2790, %get3A_2791] {strides = array<i32>} : memref<20x128xi32, #tpu.memory_space<vmem>>, vector<16xi32>,
        %shift_right_arithmetic3A_2793 = arith.constant 7 : i32
        %shift_right_arithmetic3A_2794 = vector.broadcast %shift_right_arithmetic3A_2793 : i32 to vector<16xi32>
        %shift_right_arithmetic3A_2795 = arith.shrsi %get3A_2792, %shift_right_arithmetic3A_2794 : vector<16xi32>
        %and3A_2796 = arith.constant 127 : i32
        %and3A_2797 = vector.broadcast %and3A_2796 : i32 to vector<16xi32>
        %and3A_2798 = arith.andi %get3A_2792, %and3A_2797 : vector<16xi32>
        %gather3A_2799 = tpu.vector_load_idx %arg8[%shift_right_arithmetic3A_2795, %and3A_2798] : memref<782x128xf32, #tpu.memory_space<vmem>>[vector<16xi32>, vector<16xi32>], vector<16xf32>,
        %add3A_2800 = arith.addf %add3A_2776, %gather3A_2799 : vector<16xf32>
        %get3A_2801 = arith.constant 15 : i32
        %get3A_2802 = arith.index_cast %get3A_2801 : i32 to index
        %get3A_2803 = arith.constant 32 : index
        %get3A_2804 = tpu.vector_load %arg10[%get3A_2802, %get3A_2803] {strides = array<i32>} : memref<20x128xi32, #tpu.memory_space<vmem>>, vector<16xi32>,
        %shift_right_arithmetic3A_2805 = arith.constant 7 : i32
        %shift_right_arithmetic3A_2806 = vector.broadcast %shift_right_arithmetic3A_2805 : i32 to vector<16xi32>
        %shift_right_arithmetic3A_2807 = arith.shrsi %get3A_2804, %shift_right_arithmetic3A_2806 : vector<16xi32>
        %and3A_2808 = arith.constant 127 : i32
        %and3A_2809 = vector.broadcast %and3A_2808 : i32 to vector<16xi32>
        %and3A_2810 = arith.andi %get3A_2804, %and3A_2809 : vector<16xi32>
        %gather3A_2811 = tpu.vector_load_idx %arg8[%shift_right_arithmetic3A_2807, %and3A_2810] : memref<782x128xf32, #tpu.memory_space<vmem>>[vector<16xi32>, vector<16xi32>], vector<16xf32>,
        %add3A_2812 = arith.addf %add3A_2788, %gather3A_2811 : vector<16xf32>
        %get3A_2813 = arith.constant 16 : i32
        %get3A_2814 = arith.index_cast %get3A_2813 : i32 to index
        %get3A_2815 = arith.constant 32 : index
        %get3A_2816 = tpu.vector_load %arg10[%get3A_2814, %get3A_2815] {strides = array<i32>} : memref<20x128xi32, #tpu.memory_space<vmem>>, vector<16xi32>,
        %shift_right_arithmetic3A_2817 = arith.constant 7 : i32
        %shift_right_arithmetic3A_2818 = vector.broadcast %shift_right_arithmetic3A_2817 : i32 to vector<16xi32>
        %shift_right_arithmetic3A_2819 = arith.shrsi %get3A_2816, %shift_right_arithmetic3A_2818 : vector<16xi32>
        %and3A_2820 = arith.constant 127 : i32
        %and3A_2821 = vector.broadcast %and3A_2820 : i32 to vector<16xi32>
        %and3A_2822 = arith.andi %get3A_2816, %and3A_2821 : vector<16xi32>
        %gather3A_2823 = tpu.vector_load_idx %arg8[%shift_right_arithmetic3A_2819, %and3A_2822] : memref<782x128xf32, #tpu.memory_space<vmem>>[vector<16xi32>, vector<16xi32>], vector<16xf32>,
        %add3A_2824 = arith.addf %add3A_2800, %gather3A_2823 : vector<16xf32>
        %get3A_2825 = arith.constant 17 : i32
        %get3A_2826 = arith.index_cast %get3A_2825 : i32 to index
        %get3A_2827 = arith.constant 32 : index
        %get3A_2828 = tpu.vector_load %arg10[%get3A_2826, %get3A_2827] {strides = array<i32>} : memref<20x128xi32, #tpu.memory_space<vmem>>, vector<16xi32>,
        %shift_right_arithmetic3A_2829 = arith.constant 7 : i32
        %shift_right_arithmetic3A_2830 = vector.broadcast %shift_right_arithmetic3A_2829 : i32 to vector<16xi32>
        %shift_right_arithmetic3A_2831 = arith.shrsi %get3A_2828, %shift_right_arithmetic3A_2830 : vector<16xi32>
        %and3A_2832 = arith.constant 127 : i32
        %and3A_2833 = vector.broadcast %and3A_2832 : i32 to vector<16xi32>
        %and3A_2834 = arith.andi %get3A_2828, %and3A_2833 : vector<16xi32>
        %gather3A_2835 = tpu.vector_load_idx %arg8[%shift_right_arithmetic3A_2831, %and3A_2834] : memref<782x128xf32, #tpu.memory_space<vmem>>[vector<16xi32>, vector<16xi32>], vector<16xf32>,
        %add3A_2836 = arith.addf %add3A_2812, %gather3A_2835 : vector<16xf32>
        %get3A_2837 = arith.constant 18 : i32
        %get3A_2838 = arith.index_cast %get3A_2837 : i32 to index
        %get3A_2839 = arith.constant 32 : index
        %get3A_2840 = tpu.vector_load %arg10[%get3A_2838, %get3A_2839] {strides = array<i32>} : memref<20x128xi32, #tpu.memory_space<vmem>>, vector<16xi32>,
        %shift_right_arithmetic3A_2841 = arith.constant 7 : i32
        %shift_right_arithmetic3A_2842 = vector.broadcast %shift_right_arithmetic3A_2841 : i32 to vector<16xi32>
        %shift_right_arithmetic3A_2843 = arith.shrsi %get3A_2840, %shift_right_arithmetic3A_2842 : vector<16xi32>
        %and3A_2844 = arith.constant 127 : i32
        %and3A_2845 = vector.broadcast %and3A_2844 : i32 to vector<16xi32>
        %and3A_2846 = arith.andi %get3A_2840, %and3A_2845 : vector<16xi32>
        %gather3A_2847 = tpu.vector_load_idx %arg8[%shift_right_arithmetic3A_2843, %and3A_2846] : memref<782x128xf32, #tpu.memory_space<vmem>>[vector<16xi32>, vector<16xi32>], vector<16xf32>,
        %add3A_2848 = arith.addf %add3A_2824, %gather3A_2847 : vector<16xf32>
        %get3A_2849 = arith.constant 19 : i32
        %get3A_2850 = arith.index_cast %get3A_2849 : i32 to index
        %get3A_2851 = arith.constant 32 : index
        %get3A_2852 = tpu.vector_load %arg10[%get3A_2850, %get3A_2851] {strides = array<i32>} : memref<20x128xi32, #tpu.memory_space<vmem>>, vector<16xi32>,
        %shift_right_arithmetic3A_2853 = arith.constant 7 : i32
        %shift_right_arithmetic3A_2854 = vector.broadcast %shift_right_arithmetic3A_2853 : i32 to vector<16xi32>
        %shift_right_arithmetic3A_2855 = arith.shrsi %get3A_2852, %shift_right_arithmetic3A_2854 : vector<16xi32>
        %and3A_2856 = arith.constant 127 : i32
        %and3A_2857 = vector.broadcast %and3A_2856 : i32 to vector<16xi32>
        %and3A_2858 = arith.andi %get3A_2852, %and3A_2857 : vector<16xi32>
        %gather3A_2859 = tpu.vector_load_idx %arg8[%shift_right_arithmetic3A_2855, %and3A_2858] : memref<782x128xf32, #tpu.memory_space<vmem>>[vector<16xi32>, vector<16xi32>], vector<16xf32>,
        %add3A_2860 = arith.addf %add3A_2836, %gather3A_2859 : vector<16xf32>
        %add3A_2861 = arith.addf %add3A_2848, %add3A_2860 : vector<16xf32>
        %mul3A_2862 = arith.constant 128 : i32
        %mul3A_2863 = arith.muli %add3A_2099, %mul3A_2862 : i32
        %add3A_2864 = arith.constant 32 : i32
        %add3A_2865 = arith.addi %mul3A_2863, %add3A_2864 : i32
        %swap3A_2866 = arith.index_cast %add3A_2865 : i32 to index
        %swap3A_2867 = tpu.vector_load %arg11[%swap3A_2866] {strides = array<i32>} : memref<4096xf32, #tpu.memory_space<vmem>>, vector<16xf32>,
        tpu.vector_store %arg11[%swap3A_2866], %add3A_2861 {strides = array<i32>} : memref<4096xf32, #tpu.memory_space<vmem>>, vector<16xf32>,
        %broadcast_in_dim3A_2868 = arith.constant 0.000000e+00 : f32
        %broadcast_in_dim3A_2869 = vector.broadcast %broadcast_in_dim3A_2868 : f32 to vector<16xf32>
        %broadcast_in_dim3A_2870 = arith.constant 0.000000e+00 : f32
        %broadcast_in_dim3A_2871 = vector.broadcast %broadcast_in_dim3A_2870 : f32 to vector<16xf32>
        %get3A_2872 = arith.constant 0 : i32
        %get3A_2873 = arith.index_cast %get3A_2872 : i32 to index
        %get3A_2874 = arith.constant 48 : index
        %get3A_2875 = tpu.vector_load %arg10[%get3A_2873, %get3A_2874] {strides = array<i32>} : memref<20x128xi32, #tpu.memory_space<vmem>>, vector<16xi32>,
        %shift_right_arithmetic3A_2876 = arith.constant 7 : i32
        %shift_right_arithmetic3A_2877 = vector.broadcast %shift_right_arithmetic3A_2876 : i32 to vector<16xi32>
        %shift_right_arithmetic3A_2878 = arith.shrsi %get3A_2875, %shift_right_arithmetic3A_2877 : vector<16xi32>
        %and3A_2879 = arith.constant 127 : i32
        %and3A_2880 = vector.broadcast %and3A_2879 : i32 to vector<16xi32>
        %and3A_2881 = arith.andi %get3A_2875, %and3A_2880 : vector<16xi32>
        %gather3A_2882 = tpu.vector_load_idx %arg8[%shift_right_arithmetic3A_2878, %and3A_2881] : memref<782x128xf32, #tpu.memory_space<vmem>>[vector<16xi32>, vector<16xi32>], vector<16xf32>,
        %add3A_2883 = arith.addf %broadcast_in_dim3A_2869, %gather3A_2882 : vector<16xf32>
        %get3A_2884 = arith.constant 1 : i32
        %get3A_2885 = arith.index_cast %get3A_2884 : i32 to index
        %get3A_2886 = arith.constant 48 : index
        %get3A_2887 = tpu.vector_load %arg10[%get3A_2885, %get3A_2886] {strides = array<i32>} : memref<20x128xi32, #tpu.memory_space<vmem>>, vector<16xi32>,
        %shift_right_arithmetic3A_2888 = arith.constant 7 : i32
        %shift_right_arithmetic3A_2889 = vector.broadcast %shift_right_arithmetic3A_2888 : i32 to vector<16xi32>
        %shift_right_arithmetic3A_2890 = arith.shrsi %get3A_2887, %shift_right_arithmetic3A_2889 : vector<16xi32>
        %and3A_2891 = arith.constant 127 : i32
        %and3A_2892 = vector.broadcast %and3A_2891 : i32 to vector<16xi32>
        %and3A_2893 = arith.andi %get3A_2887, %and3A_2892 : vector<16xi32>
        %gather3A_2894 = tpu.vector_load_idx %arg8[%shift_right_arithmetic3A_2890, %and3A_2893] : memref<782x128xf32, #tpu.memory_space<vmem>>[vector<16xi32>, vector<16xi32>], vector<16xf32>,
        %add3A_2895 = arith.addf %broadcast_in_dim3A_2871, %gather3A_2894 : vector<16xf32>
        %get3A_2896 = arith.constant 2 : i32
        %get3A_2897 = arith.index_cast %get3A_2896 : i32 to index
        %get3A_2898 = arith.constant 48 : index
        %get3A_2899 = tpu.vector_load %arg10[%get3A_2897, %get3A_2898] {strides = array<i32>} : memref<20x128xi32, #tpu.memory_space<vmem>>, vector<16xi32>,
        %shift_right_arithmetic3A_2900 = arith.constant 7 : i32
        %shift_right_arithmetic3A_2901 = vector.broadcast %shift_right_arithmetic3A_2900 : i32 to vector<16xi32>
        %shift_right_arithmetic3A_2902 = arith.shrsi %get3A_2899, %shift_right_arithmetic3A_2901 : vector<16xi32>
        %and3A_2903 = arith.constant 127 : i32
        %and3A_2904 = vector.broadcast %and3A_2903 : i32 to vector<16xi32>
        %and3A_2905 = arith.andi %get3A_2899, %and3A_2904 : vector<16xi32>
        %gather3A_2906 = tpu.vector_load_idx %arg8[%shift_right_arithmetic3A_2902, %and3A_2905] : memref<782x128xf32, #tpu.memory_space<vmem>>[vector<16xi32>, vector<16xi32>], vector<16xf32>,
        %add3A_2907 = arith.addf %add3A_2883, %gather3A_2906 : vector<16xf32>
        %get3A_2908 = arith.constant 3 : i32
        %get3A_2909 = arith.index_cast %get3A_2908 : i32 to index
        %get3A_2910 = arith.constant 48 : index
        %get3A_2911 = tpu.vector_load %arg10[%get3A_2909, %get3A_2910] {strides = array<i32>} : memref<20x128xi32, #tpu.memory_space<vmem>>, vector<16xi32>,
        %shift_right_arithmetic3A_2912 = arith.constant 7 : i32
        %shift_right_arithmetic3A_2913 = vector.broadcast %shift_right_arithmetic3A_2912 : i32 to vector<16xi32>
        %shift_right_arithmetic3A_2914 = arith.shrsi %get3A_2911, %shift_right_arithmetic3A_2913 : vector<16xi32>
        %and3A_2915 = arith.constant 127 : i32
        %and3A_2916 = vector.broadcast %and3A_2915 : i32 to vector<16xi32>
        %and3A_2917 = arith.andi %get3A_2911, %and3A_2916 : vector<16xi32>
        %gather3A_2918 = tpu.vector_load_idx %arg8[%shift_right_arithmetic3A_2914, %and3A_2917] : memref<782x128xf32, #tpu.memory_space<vmem>>[vector<16xi32>, vector<16xi32>], vector<16xf32>,
        %add3A_2919 = arith.addf %add3A_2895, %gather3A_2918 : vector<16xf32>
        %get3A_2920 = arith.constant 4 : i32
        %get3A_2921 = arith.index_cast %get3A_2920 : i32 to index
        %get3A_2922 = arith.constant 48 : index
        %get3A_2923 = tpu.vector_load %arg10[%get3A_2921, %get3A_2922] {strides = array<i32>} : memref<20x128xi32, #tpu.memory_space<vmem>>, vector<16xi32>,
        %shift_right_arithmetic3A_2924 = arith.constant 7 : i32
        %shift_right_arithmetic3A_2925 = vector.broadcast %shift_right_arithmetic3A_2924 : i32 to vector<16xi32>
        %shift_right_arithmetic3A_2926 = arith.shrsi %get3A_2923, %shift_right_arithmetic3A_2925 : vector<16xi32>
        %and3A_2927 = arith.constant 127 : i32
        %and3A_2928 = vector.broadcast %and3A_2927 : i32 to vector<16xi32>
        %and3A_2929 = arith.andi %get3A_2923, %and3A_2928 : vector<16xi32>
        %gather3A_2930 = tpu.vector_load_idx %arg8[%shift_right_arithmetic3A_2926, %and3A_2929] : memref<782x128xf32, #tpu.memory_space<vmem>>[vector<16xi32>, vector<16xi32>], vector<16xf32>,
        %add3A_2931 = arith.addf %add3A_2907, %gather3A_2930 : vector<16xf32>
        %get3A_2932 = arith.constant 5 : i32
        %get3A_2933 = arith.index_cast %get3A_2932 : i32 to index
        %get3A_2934 = arith.constant 48 : index
        %get3A_2935 = tpu.vector_load %arg10[%get3A_2933, %get3A_2934] {strides = array<i32>} : memref<20x128xi32, #tpu.memory_space<vmem>>, vector<16xi32>,
        %shift_right_arithmetic3A_2936 = arith.constant 7 : i32
        %shift_right_arithmetic3A_2937 = vector.broadcast %shift_right_arithmetic3A_2936 : i32 to vector<16xi32>
        %shift_right_arithmetic3A_2938 = arith.shrsi %get3A_2935, %shift_right_arithmetic3A_2937 : vector<16xi32>
        %and3A_2939 = arith.constant 127 : i32
        %and3A_2940 = vector.broadcast %and3A_2939 : i32 to vector<16xi32>
        %and3A_2941 = arith.andi %get3A_2935, %and3A_2940 : vector<16xi32>
        %gather3A_2942 = tpu.vector_load_idx %arg8[%shift_right_arithmetic3A_2938, %and3A_2941] : memref<782x128xf32, #tpu.memory_space<vmem>>[vector<16xi32>, vector<16xi32>], vector<16xf32>,
        %add3A_2943 = arith.addf %add3A_2919, %gather3A_2942 : vector<16xf32>
        %get3A_2944 = arith.constant 6 : i32
        %get3A_2945 = arith.index_cast %get3A_2944 : i32 to index
        %get3A_2946 = arith.constant 48 : index
        %get3A_2947 = tpu.vector_load %arg10[%get3A_2945, %get3A_2946] {strides = array<i32>} : memref<20x128xi32, #tpu.memory_space<vmem>>, vector<16xi32>,
        %shift_right_arithmetic3A_2948 = arith.constant 7 : i32
        %shift_right_arithmetic3A_2949 = vector.broadcast %shift_right_arithmetic3A_2948 : i32 to vector<16xi32>
        %shift_right_arithmetic3A_2950 = arith.shrsi %get3A_2947, %shift_right_arithmetic3A_2949 : vector<16xi32>
        %and3A_2951 = arith.constant 127 : i32
        %and3A_2952 = vector.broadcast %and3A_2951 : i32 to vector<16xi32>
        %and3A_2953 = arith.andi %get3A_2947, %and3A_2952 : vector<16xi32>
        %gather3A_2954 = tpu.vector_load_idx %arg8[%shift_right_arithmetic3A_2950, %and3A_2953] : memref<782x128xf32, #tpu.memory_space<vmem>>[vector<16xi32>, vector<16xi32>], vector<16xf32>,
        %add3A_2955 = arith.addf %add3A_2931, %gather3A_2954 : vector<16xf32>
        %get3A_2956 = arith.constant 7 : i32
        %get3A_2957 = arith.index_cast %get3A_2956 : i32 to index
        %get3A_2958 = arith.constant 48 : index
        %get3A_2959 = tpu.vector_load %arg10[%get3A_2957, %get3A_2958] {strides = array<i32>} : memref<20x128xi32, #tpu.memory_space<vmem>>, vector<16xi32>,
        %shift_right_arithmetic3A_2960 = arith.constant 7 : i32
        %shift_right_arithmetic3A_2961 = vector.broadcast %shift_right_arithmetic3A_2960 : i32 to vector<16xi32>
        %shift_right_arithmetic3A_2962 = arith.shrsi %get3A_2959, %shift_right_arithmetic3A_2961 : vector<16xi32>
        %and3A_2963 = arith.constant 127 : i32
        %and3A_2964 = vector.broadcast %and3A_2963 : i32 to vector<16xi32>
        %and3A_2965 = arith.andi %get3A_2959, %and3A_2964 : vector<16xi32>
        %gather3A_2966 = tpu.vector_load_idx %arg8[%shift_right_arithmetic3A_2962, %and3A_2965] : memref<782x128xf32, #tpu.memory_space<vmem>>[vector<16xi32>, vector<16xi32>], vector<16xf32>,
        %add3A_2967 = arith.addf %add3A_2943, %gather3A_2966 : vector<16xf32>
        %get3A_2968 = arith.constant 8 : i32
        %get3A_2969 = arith.index_cast %get3A_2968 : i32 to index
        %get3A_2970 = arith.constant 48 : index
        %get3A_2971 = tpu.vector_load %arg10[%get3A_2969, %get3A_2970] {strides = array<i32>} : memref<20x128xi32, #tpu.memory_space<vmem>>, vector<16xi32>,
        %shift_right_arithmetic3A_2972 = arith.constant 7 : i32
        %shift_right_arithmetic3A_2973 = vector.broadcast %shift_right_arithmetic3A_2972 : i32 to vector<16xi32>
        %shift_right_arithmetic3A_2974 = arith.shrsi %get3A_2971, %shift_right_arithmetic3A_2973 : vector<16xi32>
        %and3A_2975 = arith.constant 127 : i32
        %and3A_2976 = vector.broadcast %and3A_2975 : i32 to vector<16xi32>
        %and3A_2977 = arith.andi %get3A_2971, %and3A_2976 : vector<16xi32>
        %gather3A_2978 = tpu.vector_load_idx %arg8[%shift_right_arithmetic3A_2974, %and3A_2977] : memref<782x128xf32, #tpu.memory_space<vmem>>[vector<16xi32>, vector<16xi32>], vector<16xf32>,
        %add3A_2979 = arith.addf %add3A_2955, %gather3A_2978 : vector<16xf32>
        %get3A_2980 = arith.constant 9 : i32
        %get3A_2981 = arith.index_cast %get3A_2980 : i32 to index
        %get3A_2982 = arith.constant 48 : index
        %get3A_2983 = tpu.vector_load %arg10[%get3A_2981, %get3A_2982] {strides = array<i32>} : memref<20x128xi32, #tpu.memory_space<vmem>>, vector<16xi32>,
        %shift_right_arithmetic3A_2984 = arith.constant 7 : i32
        %shift_right_arithmetic3A_2985 = vector.broadcast %shift_right_arithmetic3A_2984 : i32 to vector<16xi32>
        %shift_right_arithmetic3A_2986 = arith.shrsi %get3A_2983, %shift_right_arithmetic3A_2985 : vector<16xi32>
        %and3A_2987 = arith.constant 127 : i32
        %and3A_2988 = vector.broadcast %and3A_2987 : i32 to vector<16xi32>
        %and3A_2989 = arith.andi %get3A_2983, %and3A_2988 : vector<16xi32>
        %gather3A_2990 = tpu.vector_load_idx %arg8[%shift_right_arithmetic3A_2986, %and3A_2989] : memref<782x128xf32, #tpu.memory_space<vmem>>[vector<16xi32>, vector<16xi32>], vector<16xf32>,
        %add3A_2991 = arith.addf %add3A_2967, %gather3A_2990 : vector<16xf32>
        %get3A_2992 = arith.constant 10 : i32
        %get3A_2993 = arith.index_cast %get3A_2992 : i32 to index
        %get3A_2994 = arith.constant 48 : index
        %get3A_2995 = tpu.vector_load %arg10[%get3A_2993, %get3A_2994] {strides = array<i32>} : memref<20x128xi32, #tpu.memory_space<vmem>>, vector<16xi32>,
        %shift_right_arithmetic3A_2996 = arith.constant 7 : i32
        %shift_right_arithmetic3A_2997 = vector.broadcast %shift_right_arithmetic3A_2996 : i32 to vector<16xi32>
        %shift_right_arithmetic3A_2998 = arith.shrsi %get3A_2995, %shift_right_arithmetic3A_2997 : vector<16xi32>
        %and3A_2999 = arith.constant 127 : i32
        %and3A_3000 = vector.broadcast %and3A_2999 : i32 to vector<16xi32>
        %and3A_3001 = arith.andi %get3A_2995, %and3A_3000 : vector<16xi32>
        %gather3A_3002 = tpu.vector_load_idx %arg8[%shift_right_arithmetic3A_2998, %and3A_3001] : memref<782x128xf32, #tpu.memory_space<vmem>>[vector<16xi32>, vector<16xi32>], vector<16xf32>,
        %add3A_3003 = arith.addf %add3A_2979, %gather3A_3002 : vector<16xf32>
        %get3A_3004 = arith.constant 11 : i32
        %get3A_3005 = arith.index_cast %get3A_3004 : i32 to index
        %get3A_3006 = arith.constant 48 : index
        %get3A_3007 = tpu.vector_load %arg10[%get3A_3005, %get3A_3006] {strides = array<i32>} : memref<20x128xi32, #tpu.memory_space<vmem>>, vector<16xi32>,
        %shift_right_arithmetic3A_3008 = arith.constant 7 : i32
        %shift_right_arithmetic3A_3009 = vector.broadcast %shift_right_arithmetic3A_3008 : i32 to vector<16xi32>
        %shift_right_arithmetic3A_3010 = arith.shrsi %get3A_3007, %shift_right_arithmetic3A_3009 : vector<16xi32>
        %and3A_3011 = arith.constant 127 : i32
        %and3A_3012 = vector.broadcast %and3A_3011 : i32 to vector<16xi32>
        %and3A_3013 = arith.andi %get3A_3007, %and3A_3012 : vector<16xi32>
        %gather3A_3014 = tpu.vector_load_idx %arg8[%shift_right_arithmetic3A_3010, %and3A_3013] : memref<782x128xf32, #tpu.memory_space<vmem>>[vector<16xi32>, vector<16xi32>], vector<16xf32>,
        %add3A_3015 = arith.addf %add3A_2991, %gather3A_3014 : vector<16xf32>
        %get3A_3016 = arith.constant 12 : i32
        %get3A_3017 = arith.index_cast %get3A_3016 : i32 to index
        %get3A_3018 = arith.constant 48 : index
        %get3A_3019 = tpu.vector_load %arg10[%get3A_3017, %get3A_3018] {strides = array<i32>} : memref<20x128xi32, #tpu.memory_space<vmem>>, vector<16xi32>,
        %shift_right_arithmetic3A_3020 = arith.constant 7 : i32
        %shift_right_arithmetic3A_3021 = vector.broadcast %shift_right_arithmetic3A_3020 : i32 to vector<16xi32>
        %shift_right_arithmetic3A_3022 = arith.shrsi %get3A_3019, %shift_right_arithmetic3A_3021 : vector<16xi32>
        %and3A_3023 = arith.constant 127 : i32
        %and3A_3024 = vector.broadcast %and3A_3023 : i32 to vector<16xi32>
        %and3A_3025 = arith.andi %get3A_3019, %and3A_3024 : vector<16xi32>
        %gather3A_3026 = tpu.vector_load_idx %arg8[%shift_right_arithmetic3A_3022, %and3A_3025] : memref<782x128xf32, #tpu.memory_space<vmem>>[vector<16xi32>, vector<16xi32>], vector<16xf32>,
        %add3A_3027 = arith.addf %add3A_3003, %gather3A_3026 : vector<16xf32>
        %get3A_3028 = arith.constant 13 : i32
        %get3A_3029 = arith.index_cast %get3A_3028 : i32 to index
        %get3A_3030 = arith.constant 48 : index
        %get3A_3031 = tpu.vector_load %arg10[%get3A_3029, %get3A_3030] {strides = array<i32>} : memref<20x128xi32, #tpu.memory_space<vmem>>, vector<16xi32>,
        %shift_right_arithmetic3A_3032 = arith.constant 7 : i32
        %shift_right_arithmetic3A_3033 = vector.broadcast %shift_right_arithmetic3A_3032 : i32 to vector<16xi32>
        %shift_right_arithmetic3A_3034 = arith.shrsi %get3A_3031, %shift_right_arithmetic3A_3033 : vector<16xi32>
        %and3A_3035 = arith.constant 127 : i32
        %and3A_3036 = vector.broadcast %and3A_3035 : i32 to vector<16xi32>
        %and3A_3037 = arith.andi %get3A_3031, %and3A_3036 : vector<16xi32>
        %gather3A_3038 = tpu.vector_load_idx %arg8[%shift_right_arithmetic3A_3034, %and3A_3037] : memref<782x128xf32, #tpu.memory_space<vmem>>[vector<16xi32>, vector<16xi32>], vector<16xf32>,
        %add3A_3039 = arith.addf %add3A_3015, %gather3A_3038 : vector<16xf32>
        %get3A_3040 = arith.constant 14 : i32
        %get3A_3041 = arith.index_cast %get3A_3040 : i32 to index
        %get3A_3042 = arith.constant 48 : index
        %get3A_3043 = tpu.vector_load %arg10[%get3A_3041, %get3A_3042] {strides = array<i32>} : memref<20x128xi32, #tpu.memory_space<vmem>>, vector<16xi32>,
        %shift_right_arithmetic3A_3044 = arith.constant 7 : i32
        %shift_right_arithmetic3A_3045 = vector.broadcast %shift_right_arithmetic3A_3044 : i32 to vector<16xi32>
        %shift_right_arithmetic3A_3046 = arith.shrsi %get3A_3043, %shift_right_arithmetic3A_3045 : vector<16xi32>
        %and3A_3047 = arith.constant 127 : i32
        %and3A_3048 = vector.broadcast %and3A_3047 : i32 to vector<16xi32>
        %and3A_3049 = arith.andi %get3A_3043, %and3A_3048 : vector<16xi32>
        %gather3A_3050 = tpu.vector_load_idx %arg8[%shift_right_arithmetic3A_3046, %and3A_3049] : memref<782x128xf32, #tpu.memory_space<vmem>>[vector<16xi32>, vector<16xi32>], vector<16xf32>,
        %add3A_3051 = arith.addf %add3A_3027, %gather3A_3050 : vector<16xf32>
        %get3A_3052 = arith.constant 15 : i32
        %get3A_3053 = arith.index_cast %get3A_3052 : i32 to index
        %get3A_3054 = arith.constant 48 : index
        %get3A_3055 = tpu.vector_load %arg10[%get3A_3053, %get3A_3054] {strides = array<i32>} : memref<20x128xi32, #tpu.memory_space<vmem>>, vector<16xi32>,
        %shift_right_arithmetic3A_3056 = arith.constant 7 : i32
        %shift_right_arithmetic3A_3057 = vector.broadcast %shift_right_arithmetic3A_3056 : i32 to vector<16xi32>
        %shift_right_arithmetic3A_3058 = arith.shrsi %get3A_3055, %shift_right_arithmetic3A_3057 : vector<16xi32>
        %and3A_3059 = arith.constant 127 : i32
        %and3A_3060 = vector.broadcast %and3A_3059 : i32 to vector<16xi32>
        %and3A_3061 = arith.andi %get3A_3055, %and3A_3060 : vector<16xi32>
        %gather3A_3062 = tpu.vector_load_idx %arg8[%shift_right_arithmetic3A_3058, %and3A_3061] : memref<782x128xf32, #tpu.memory_space<vmem>>[vector<16xi32>, vector<16xi32>], vector<16xf32>,
        %add3A_3063 = arith.addf %add3A_3039, %gather3A_3062 : vector<16xf32>
        %get3A_3064 = arith.constant 16 : i32
        %get3A_3065 = arith.index_cast %get3A_3064 : i32 to index
        %get3A_3066 = arith.constant 48 : index
        %get3A_3067 = tpu.vector_load %arg10[%get3A_3065, %get3A_3066] {strides = array<i32>} : memref<20x128xi32, #tpu.memory_space<vmem>>, vector<16xi32>,
        %shift_right_arithmetic3A_3068 = arith.constant 7 : i32
        %shift_right_arithmetic3A_3069 = vector.broadcast %shift_right_arithmetic3A_3068 : i32 to vector<16xi32>
        %shift_right_arithmetic3A_3070 = arith.shrsi %get3A_3067, %shift_right_arithmetic3A_3069 : vector<16xi32>
        %and3A_3071 = arith.constant 127 : i32
        %and3A_3072 = vector.broadcast %and3A_3071 : i32 to vector<16xi32>
        %and3A_3073 = arith.andi %get3A_3067, %and3A_3072 : vector<16xi32>
        %gather3A_3074 = tpu.vector_load_idx %arg8[%shift_right_arithmetic3A_3070, %and3A_3073] : memref<782x128xf32, #tpu.memory_space<vmem>>[vector<16xi32>, vector<16xi32>], vector<16xf32>,
        %add3A_3075 = arith.addf %add3A_3051, %gather3A_3074 : vector<16xf32>
        %get3A_3076 = arith.constant 17 : i32
        %get3A_3077 = arith.index_cast %get3A_3076 : i32 to index
        %get3A_3078 = arith.constant 48 : index
        %get3A_3079 = tpu.vector_load %arg10[%get3A_3077, %get3A_3078] {strides = array<i32>} : memref<20x128xi32, #tpu.memory_space<vmem>>, vector<16xi32>,
        %shift_right_arithmetic3A_3080 = arith.constant 7 : i32
        %shift_right_arithmetic3A_3081 = vector.broadcast %shift_right_arithmetic3A_3080 : i32 to vector<16xi32>
        %shift_right_arithmetic3A_3082 = arith.shrsi %get3A_3079, %shift_right_arithmetic3A_3081 : vector<16xi32>
        %and3A_3083 = arith.constant 127 : i32
        %and3A_3084 = vector.broadcast %and3A_3083 : i32 to vector<16xi32>
        %and3A_3085 = arith.andi %get3A_3079, %and3A_3084 : vector<16xi32>
        %gather3A_3086 = tpu.vector_load_idx %arg8[%shift_right_arithmetic3A_3082, %and3A_3085] : memref<782x128xf32, #tpu.memory_space<vmem>>[vector<16xi32>, vector<16xi32>], vector<16xf32>,
        %add3A_3087 = arith.addf %add3A_3063, %gather3A_3086 : vector<16xf32>
        %get3A_3088 = arith.constant 18 : i32
        %get3A_3089 = arith.index_cast %get3A_3088 : i32 to index
        %get3A_3090 = arith.constant 48 : index
        %get3A_3091 = tpu.vector_load %arg10[%get3A_3089, %get3A_3090] {strides = array<i32>} : memref<20x128xi32, #tpu.memory_space<vmem>>, vector<16xi32>,
        %shift_right_arithmetic3A_3092 = arith.constant 7 : i32
        %shift_right_arithmetic3A_3093 = vector.broadcast %shift_right_arithmetic3A_3092 : i32 to vector<16xi32>
        %shift_right_arithmetic3A_3094 = arith.shrsi %get3A_3091, %shift_right_arithmetic3A_3093 : vector<16xi32>
        %and3A_3095 = arith.constant 127 : i32
        %and3A_3096 = vector.broadcast %and3A_3095 : i32 to vector<16xi32>
        %and3A_3097 = arith.andi %get3A_3091, %and3A_3096 : vector<16xi32>
        %gather3A_3098 = tpu.vector_load_idx %arg8[%shift_right_arithmetic3A_3094, %and3A_3097] : memref<782x128xf32, #tpu.memory_space<vmem>>[vector<16xi32>, vector<16xi32>], vector<16xf32>,
        %add3A_3099 = arith.addf %add3A_3075, %gather3A_3098 : vector<16xf32>
        %get3A_3100 = arith.constant 19 : i32
        %get3A_3101 = arith.index_cast %get3A_3100 : i32 to index
        %get3A_3102 = arith.constant 48 : index
        %get3A_3103 = tpu.vector_load %arg10[%get3A_3101, %get3A_3102] {strides = array<i32>} : memref<20x128xi32, #tpu.memory_space<vmem>>, vector<16xi32>,
        %shift_right_arithmetic3A_3104 = arith.constant 7 : i32
        %shift_right_arithmetic3A_3105 = vector.broadcast %shift_right_arithmetic3A_3104 : i32 to vector<16xi32>
        %shift_right_arithmetic3A_3106 = arith.shrsi %get3A_3103, %shift_right_arithmetic3A_3105 : vector<16xi32>
        %and3A_3107 = arith.constant 127 : i32
        %and3A_3108 = vector.broadcast %and3A_3107 : i32 to vector<16xi32>
        %and3A_3109 = arith.andi %get3A_3103, %and3A_3108 : vector<16xi32>
        %gather3A_3110 = tpu.vector_load_idx %arg8[%shift_right_arithmetic3A_3106, %and3A_3109] : memref<782x128xf32, #tpu.memory_space<vmem>>[vector<16xi32>, vector<16xi32>], vector<16xf32>,
        %add3A_3111 = arith.addf %add3A_3087, %gather3A_3110 : vector<16xf32>
        %add3A_3112 = arith.addf %add3A_3099, %add3A_3111 : vector<16xf32>
        %mul3A_3113 = arith.constant 128 : i32
        %mul3A_3114 = arith.muli %add3A_2099, %mul3A_3113 : i32
        %add3A_3115 = arith.constant 48 : i32
        %add3A_3116 = arith.addi %mul3A_3114, %add3A_3115 : i32
        %swap3A_3117 = arith.index_cast %add3A_3116 : i32 to index
        %swap3A_3118 = tpu.vector_load %arg11[%swap3A_3117] {strides = array<i32>} : memref<4096xf32, #tpu.memory_space<vmem>>, vector<16xf32>,
        tpu.vector_store %arg11[%swap3A_3117], %add3A_3112 {strides = array<i32>} : memref<4096xf32, #tpu.memory_space<vmem>>, vector<16xf32>,
        %broadcast_in_dim3A_3119 = arith.constant 0.000000e+00 : f32
        %broadcast_in_dim3A_3120 = vector.broadcast %broadcast_in_dim3A_3119 : f32 to vector<16xf32>
        %broadcast_in_dim3A_3121 = arith.constant 0.000000e+00 : f32
        %broadcast_in_dim3A_3122 = vector.broadcast %broadcast_in_dim3A_3121 : f32 to vector<16xf32>
        %get3A_3123 = arith.constant 0 : i32
        %get3A_3124 = arith.index_cast %get3A_3123 : i32 to index
        %get3A_3125 = arith.constant 64 : index
        %get3A_3126 = tpu.vector_load %arg10[%get3A_3124, %get3A_3125] {strides = array<i32>} : memref<20x128xi32, #tpu.memory_space<vmem>>, vector<16xi32>,
        %shift_right_arithmetic3A_3127 = arith.constant 7 : i32
        %shift_right_arithmetic3A_3128 = vector.broadcast %shift_right_arithmetic3A_3127 : i32 to vector<16xi32>
        %shift_right_arithmetic3A_3129 = arith.shrsi %get3A_3126, %shift_right_arithmetic3A_3128 : vector<16xi32>
        %and3A_3130 = arith.constant 127 : i32
        %and3A_3131 = vector.broadcast %and3A_3130 : i32 to vector<16xi32>
        %and3A_3132 = arith.andi %get3A_3126, %and3A_3131 : vector<16xi32>
        %gather3A_3133 = tpu.vector_load_idx %arg8[%shift_right_arithmetic3A_3129, %and3A_3132] : memref<782x128xf32, #tpu.memory_space<vmem>>[vector<16xi32>, vector<16xi32>], vector<16xf32>,
        %add3A_3134 = arith.addf %broadcast_in_dim3A_3120, %gather3A_3133 : vector<16xf32>
        %get3A_3135 = arith.constant 1 : i32
        %get3A_3136 = arith.index_cast %get3A_3135 : i32 to index
        %get3A_3137 = arith.constant 64 : index
        %get3A_3138 = tpu.vector_load %arg10[%get3A_3136, %get3A_3137] {strides = array<i32>} : memref<20x128xi32, #tpu.memory_space<vmem>>, vector<16xi32>,
        %shift_right_arithmetic3A_3139 = arith.constant 7 : i32
        %shift_right_arithmetic3A_3140 = vector.broadcast %shift_right_arithmetic3A_3139 : i32 to vector<16xi32>
        %shift_right_arithmetic3A_3141 = arith.shrsi %get3A_3138, %shift_right_arithmetic3A_3140 : vector<16xi32>
        %and3A_3142 = arith.constant 127 : i32
        %and3A_3143 = vector.broadcast %and3A_3142 : i32 to vector<16xi32>
        %and3A_3144 = arith.andi %get3A_3138, %and3A_3143 : vector<16xi32>
        %gather3A_3145 = tpu.vector_load_idx %arg8[%shift_right_arithmetic3A_3141, %and3A_3144] : memref<782x128xf32, #tpu.memory_space<vmem>>[vector<16xi32>, vector<16xi32>], vector<16xf32>,
        %add3A_3146 = arith.addf %broadcast_in_dim3A_3122, %gather3A_3145 : vector<16xf32>
        %get3A_3147 = arith.constant 2 : i32
        %get3A_3148 = arith.index_cast %get3A_3147 : i32 to index
        %get3A_3149 = arith.constant 64 : index
        %get3A_3150 = tpu.vector_load %arg10[%get3A_3148, %get3A_3149] {strides = array<i32>} : memref<20x128xi32, #tpu.memory_space<vmem>>, vector<16xi32>,
        %shift_right_arithmetic3A_3151 = arith.constant 7 : i32
        %shift_right_arithmetic3A_3152 = vector.broadcast %shift_right_arithmetic3A_3151 : i32 to vector<16xi32>
        %shift_right_arithmetic3A_3153 = arith.shrsi %get3A_3150, %shift_right_arithmetic3A_3152 : vector<16xi32>
        %and3A_3154 = arith.constant 127 : i32
        %and3A_3155 = vector.broadcast %and3A_3154 : i32 to vector<16xi32>
        %and3A_3156 = arith.andi %get3A_3150, %and3A_3155 : vector<16xi32>
        %gather3A_3157 = tpu.vector_load_idx %arg8[%shift_right_arithmetic3A_3153, %and3A_3156] : memref<782x128xf32, #tpu.memory_space<vmem>>[vector<16xi32>, vector<16xi32>], vector<16xf32>,
        %add3A_3158 = arith.addf %add3A_3134, %gather3A_3157 : vector<16xf32>
        %get3A_3159 = arith.constant 3 : i32
        %get3A_3160 = arith.index_cast %get3A_3159 : i32 to index
        %get3A_3161 = arith.constant 64 : index
        %get3A_3162 = tpu.vector_load %arg10[%get3A_3160, %get3A_3161] {strides = array<i32>} : memref<20x128xi32, #tpu.memory_space<vmem>>, vector<16xi32>,
        %shift_right_arithmetic3A_3163 = arith.constant 7 : i32
        %shift_right_arithmetic3A_3164 = vector.broadcast %shift_right_arithmetic3A_3163 : i32 to vector<16xi32>
        %shift_right_arithmetic3A_3165 = arith.shrsi %get3A_3162, %shift_right_arithmetic3A_3164 : vector<16xi32>
        %and3A_3166 = arith.constant 127 : i32
        %and3A_3167 = vector.broadcast %and3A_3166 : i32 to vector<16xi32>
        %and3A_3168 = arith.andi %get3A_3162, %and3A_3167 : vector<16xi32>
        %gather3A_3169 = tpu.vector_load_idx %arg8[%shift_right_arithmetic3A_3165, %and3A_3168] : memref<782x128xf32, #tpu.memory_space<vmem>>[vector<16xi32>, vector<16xi32>], vector<16xf32>,
        %add3A_3170 = arith.addf %add3A_3146, %gather3A_3169 : vector<16xf32>
        %get3A_3171 = arith.constant 4 : i32
        %get3A_3172 = arith.index_cast %get3A_3171 : i32 to index
        %get3A_3173 = arith.constant 64 : index
        %get3A_3174 = tpu.vector_load %arg10[%get3A_3172, %get3A_3173] {strides = array<i32>} : memref<20x128xi32, #tpu.memory_space<vmem>>, vector<16xi32>,
        %shift_right_arithmetic3A_3175 = arith.constant 7 : i32
        %shift_right_arithmetic3A_3176 = vector.broadcast %shift_right_arithmetic3A_3175 : i32 to vector<16xi32>
        %shift_right_arithmetic3A_3177 = arith.shrsi %get3A_3174, %shift_right_arithmetic3A_3176 : vector<16xi32>
        %and3A_3178 = arith.constant 127 : i32
        %and3A_3179 = vector.broadcast %and3A_3178 : i32 to vector<16xi32>
        %and3A_3180 = arith.andi %get3A_3174, %and3A_3179 : vector<16xi32>
        %gather3A_3181 = tpu.vector_load_idx %arg8[%shift_right_arithmetic3A_3177, %and3A_3180] : memref<782x128xf32, #tpu.memory_space<vmem>>[vector<16xi32>, vector<16xi32>], vector<16xf32>,
        %add3A_3182 = arith.addf %add3A_3158, %gather3A_3181 : vector<16xf32>
        %get3A_3183 = arith.constant 5 : i32
        %get3A_3184 = arith.index_cast %get3A_3183 : i32 to index
        %get3A_3185 = arith.constant 64 : index
        %get3A_3186 = tpu.vector_load %arg10[%get3A_3184, %get3A_3185] {strides = array<i32>} : memref<20x128xi32, #tpu.memory_space<vmem>>, vector<16xi32>,
        %shift_right_arithmetic3A_3187 = arith.constant 7 : i32
        %shift_right_arithmetic3A_3188 = vector.broadcast %shift_right_arithmetic3A_3187 : i32 to vector<16xi32>
        %shift_right_arithmetic3A_3189 = arith.shrsi %get3A_3186, %shift_right_arithmetic3A_3188 : vector<16xi32>
        %and3A_3190 = arith.constant 127 : i32
        %and3A_3191 = vector.broadcast %and3A_3190 : i32 to vector<16xi32>
        %and3A_3192 = arith.andi %get3A_3186, %and3A_3191 : vector<16xi32>
        %gather3A_3193 = tpu.vector_load_idx %arg8[%shift_right_arithmetic3A_3189, %and3A_3192] : memref<782x128xf32, #tpu.memory_space<vmem>>[vector<16xi32>, vector<16xi32>], vector<16xf32>,
        %add3A_3194 = arith.addf %add3A_3170, %gather3A_3193 : vector<16xf32>
        %get3A_3195 = arith.constant 6 : i32
        %get3A_3196 = arith.index_cast %get3A_3195 : i32 to index
        %get3A_3197 = arith.constant 64 : index
        %get3A_3198 = tpu.vector_load %arg10[%get3A_3196, %get3A_3197] {strides = array<i32>} : memref<20x128xi32, #tpu.memory_space<vmem>>, vector<16xi32>,
        %shift_right_arithmetic3A_3199 = arith.constant 7 : i32
        %shift_right_arithmetic3A_3200 = vector.broadcast %shift_right_arithmetic3A_3199 : i32 to vector<16xi32>
        %shift_right_arithmetic3A_3201 = arith.shrsi %get3A_3198, %shift_right_arithmetic3A_3200 : vector<16xi32>
        %and3A_3202 = arith.constant 127 : i32
        %and3A_3203 = vector.broadcast %and3A_3202 : i32 to vector<16xi32>
        %and3A_3204 = arith.andi %get3A_3198, %and3A_3203 : vector<16xi32>
        %gather3A_3205 = tpu.vector_load_idx %arg8[%shift_right_arithmetic3A_3201, %and3A_3204] : memref<782x128xf32, #tpu.memory_space<vmem>>[vector<16xi32>, vector<16xi32>], vector<16xf32>,
        %add3A_3206 = arith.addf %add3A_3182, %gather3A_3205 : vector<16xf32>
        %get3A_3207 = arith.constant 7 : i32
        %get3A_3208 = arith.index_cast %get3A_3207 : i32 to index
        %get3A_3209 = arith.constant 64 : index
        %get3A_3210 = tpu.vector_load %arg10[%get3A_3208, %get3A_3209] {strides = array<i32>} : memref<20x128xi32, #tpu.memory_space<vmem>>, vector<16xi32>,
        %shift_right_arithmetic3A_3211 = arith.constant 7 : i32
        %shift_right_arithmetic3A_3212 = vector.broadcast %shift_right_arithmetic3A_3211 : i32 to vector<16xi32>
        %shift_right_arithmetic3A_3213 = arith.shrsi %get3A_3210, %shift_right_arithmetic3A_3212 : vector<16xi32>
        %and3A_3214 = arith.constant 127 : i32
        %and3A_3215 = vector.broadcast %and3A_3214 : i32 to vector<16xi32>
        %and3A_3216 = arith.andi %get3A_3210, %and3A_3215 : vector<16xi32>
        %gather3A_3217 = tpu.vector_load_idx %arg8[%shift_right_arithmetic3A_3213, %and3A_3216] : memref<782x128xf32, #tpu.memory_space<vmem>>[vector<16xi32>, vector<16xi32>], vector<16xf32>,
        %add3A_3218 = arith.addf %add3A_3194, %gather3A_3217 : vector<16xf32>
        %get3A_3219 = arith.constant 8 : i32
        %get3A_3220 = arith.index_cast %get3A_3219 : i32 to index
        %get3A_3221 = arith.constant 64 : index
        %get3A_3222 = tpu.vector_load %arg10[%get3A_3220, %get3A_3221] {strides = array<i32>} : memref<20x128xi32, #tpu.memory_space<vmem>>, vector<16xi32>,
        %shift_right_arithmetic3A_3223 = arith.constant 7 : i32
        %shift_right_arithmetic3A_3224 = vector.broadcast %shift_right_arithmetic3A_3223 : i32 to vector<16xi32>
        %shift_right_arithmetic3A_3225 = arith.shrsi %get3A_3222, %shift_right_arithmetic3A_3224 : vector<16xi32>
        %and3A_3226 = arith.constant 127 : i32
        %and3A_3227 = vector.broadcast %and3A_3226 : i32 to vector<16xi32>
        %and3A_3228 = arith.andi %get3A_3222, %and3A_3227 : vector<16xi32>
        %gather3A_3229 = tpu.vector_load_idx %arg8[%shift_right_arithmetic3A_3225, %and3A_3228] : memref<782x128xf32, #tpu.memory_space<vmem>>[vector<16xi32>, vector<16xi32>], vector<16xf32>,
        %add3A_3230 = arith.addf %add3A_3206, %gather3A_3229 : vector<16xf32>
        %get3A_3231 = arith.constant 9 : i32
        %get3A_3232 = arith.index_cast %get3A_3231 : i32 to index
        %get3A_3233 = arith.constant 64 : index
        %get3A_3234 = tpu.vector_load %arg10[%get3A_3232, %get3A_3233] {strides = array<i32>} : memref<20x128xi32, #tpu.memory_space<vmem>>, vector<16xi32>,
        %shift_right_arithmetic3A_3235 = arith.constant 7 : i32
        %shift_right_arithmetic3A_3236 = vector.broadcast %shift_right_arithmetic3A_3235 : i32 to vector<16xi32>
        %shift_right_arithmetic3A_3237 = arith.shrsi %get3A_3234, %shift_right_arithmetic3A_3236 : vector<16xi32>
        %and3A_3238 = arith.constant 127 : i32
        %and3A_3239 = vector.broadcast %and3A_3238 : i32 to vector<16xi32>
        %and3A_3240 = arith.andi %get3A_3234, %and3A_3239 : vector<16xi32>
        %gather3A_3241 = tpu.vector_load_idx %arg8[%shift_right_arithmetic3A_3237, %and3A_3240] : memref<782x128xf32, #tpu.memory_space<vmem>>[vector<16xi32>, vector<16xi32>], vector<16xf32>,
        %add3A_3242 = arith.addf %add3A_3218, %gather3A_3241 : vector<16xf32>
        %get3A_3243 = arith.constant 10 : i32
        %get3A_3244 = arith.index_cast %get3A_3243 : i32 to index
        %get3A_3245 = arith.constant 64 : index
        %get3A_3246 = tpu.vector_load %arg10[%get3A_3244, %get3A_3245] {strides = array<i32>} : memref<20x128xi32, #tpu.memory_space<vmem>>, vector<16xi32>,
        %shift_right_arithmetic3A_3247 = arith.constant 7 : i32
        %shift_right_arithmetic3A_3248 = vector.broadcast %shift_right_arithmetic3A_3247 : i32 to vector<16xi32>
        %shift_right_arithmetic3A_3249 = arith.shrsi %get3A_3246, %shift_right_arithmetic3A_3248 : vector<16xi32>
        %and3A_3250 = arith.constant 127 : i32
        %and3A_3251 = vector.broadcast %and3A_3250 : i32 to vector<16xi32>
        %and3A_3252 = arith.andi %get3A_3246, %and3A_3251 : vector<16xi32>
        %gather3A_3253 = tpu.vector_load_idx %arg8[%shift_right_arithmetic3A_3249, %and3A_3252] : memref<782x128xf32, #tpu.memory_space<vmem>>[vector<16xi32>, vector<16xi32>], vector<16xf32>,
        %add3A_3254 = arith.addf %add3A_3230, %gather3A_3253 : vector<16xf32>
        %get3A_3255 = arith.constant 11 : i32
        %get3A_3256 = arith.index_cast %get3A_3255 : i32 to index
        %get3A_3257 = arith.constant 64 : index
        %get3A_3258 = tpu.vector_load %arg10[%get3A_3256, %get3A_3257] {strides = array<i32>} : memref<20x128xi32, #tpu.memory_space<vmem>>, vector<16xi32>,
        %shift_right_arithmetic3A_3259 = arith.constant 7 : i32
        %shift_right_arithmetic3A_3260 = vector.broadcast %shift_right_arithmetic3A_3259 : i32 to vector<16xi32>
        %shift_right_arithmetic3A_3261 = arith.shrsi %get3A_3258, %shift_right_arithmetic3A_3260 : vector<16xi32>
        %and3A_3262 = arith.constant 127 : i32
        %and3A_3263 = vector.broadcast %and3A_3262 : i32 to vector<16xi32>
        %and3A_3264 = arith.andi %get3A_3258, %and3A_3263 : vector<16xi32>
        %gather3A_3265 = tpu.vector_load_idx %arg8[%shift_right_arithmetic3A_3261, %and3A_3264] : memref<782x128xf32, #tpu.memory_space<vmem>>[vector<16xi32>, vector<16xi32>], vector<16xf32>,
        %add3A_3266 = arith.addf %add3A_3242, %gather3A_3265 : vector<16xf32>
        %get3A_3267 = arith.constant 12 : i32
        %get3A_3268 = arith.index_cast %get3A_3267 : i32 to index
        %get3A_3269 = arith.constant 64 : index
        %get3A_3270 = tpu.vector_load %arg10[%get3A_3268, %get3A_3269] {strides = array<i32>} : memref<20x128xi32, #tpu.memory_space<vmem>>, vector<16xi32>,
        %shift_right_arithmetic3A_3271 = arith.constant 7 : i32
        %shift_right_arithmetic3A_3272 = vector.broadcast %shift_right_arithmetic3A_3271 : i32 to vector<16xi32>
        %shift_right_arithmetic3A_3273 = arith.shrsi %get3A_3270, %shift_right_arithmetic3A_3272 : vector<16xi32>
        %and3A_3274 = arith.constant 127 : i32
        %and3A_3275 = vector.broadcast %and3A_3274 : i32 to vector<16xi32>
        %and3A_3276 = arith.andi %get3A_3270, %and3A_3275 : vector<16xi32>
        %gather3A_3277 = tpu.vector_load_idx %arg8[%shift_right_arithmetic3A_3273, %and3A_3276] : memref<782x128xf32, #tpu.memory_space<vmem>>[vector<16xi32>, vector<16xi32>], vector<16xf32>,
        %add3A_3278 = arith.addf %add3A_3254, %gather3A_3277 : vector<16xf32>
        %get3A_3279 = arith.constant 13 : i32
        %get3A_3280 = arith.index_cast %get3A_3279 : i32 to index
        %get3A_3281 = arith.constant 64 : index
        %get3A_3282 = tpu.vector_load %arg10[%get3A_3280, %get3A_3281] {strides = array<i32>} : memref<20x128xi32, #tpu.memory_space<vmem>>, vector<16xi32>,
        %shift_right_arithmetic3A_3283 = arith.constant 7 : i32
        %shift_right_arithmetic3A_3284 = vector.broadcast %shift_right_arithmetic3A_3283 : i32 to vector<16xi32>
        %shift_right_arithmetic3A_3285 = arith.shrsi %get3A_3282, %shift_right_arithmetic3A_3284 : vector<16xi32>
        %and3A_3286 = arith.constant 127 : i32
        %and3A_3287 = vector.broadcast %and3A_3286 : i32 to vector<16xi32>
        %and3A_3288 = arith.andi %get3A_3282, %and3A_3287 : vector<16xi32>
        %gather3A_3289 = tpu.vector_load_idx %arg8[%shift_right_arithmetic3A_3285, %and3A_3288] : memref<782x128xf32, #tpu.memory_space<vmem>>[vector<16xi32>, vector<16xi32>], vector<16xf32>,
        %add3A_3290 = arith.addf %add3A_3266, %gather3A_3289 : vector<16xf32>
        %get3A_3291 = arith.constant 14 : i32
        %get3A_3292 = arith.index_cast %get3A_3291 : i32 to index
        %get3A_3293 = arith.constant 64 : index
        %get3A_3294 = tpu.vector_load %arg10[%get3A_3292, %get3A_3293] {strides = array<i32>} : memref<20x128xi32, #tpu.memory_space<vmem>>, vector<16xi32>,
        %shift_right_arithmetic3A_3295 = arith.constant 7 : i32
        %shift_right_arithmetic3A_3296 = vector.broadcast %shift_right_arithmetic3A_3295 : i32 to vector<16xi32>
        %shift_right_arithmetic3A_3297 = arith.shrsi %get3A_3294, %shift_right_arithmetic3A_3296 : vector<16xi32>
        %and3A_3298 = arith.constant 127 : i32
        %and3A_3299 = vector.broadcast %and3A_3298 : i32 to vector<16xi32>
        %and3A_3300 = arith.andi %get3A_3294, %and3A_3299 : vector<16xi32>
        %gather3A_3301 = tpu.vector_load_idx %arg8[%shift_right_arithmetic3A_3297, %and3A_3300] : memref<782x128xf32, #tpu.memory_space<vmem>>[vector<16xi32>, vector<16xi32>], vector<16xf32>,
        %add3A_3302 = arith.addf %add3A_3278, %gather3A_3301 : vector<16xf32>
        %get3A_3303 = arith.constant 15 : i32
        %get3A_3304 = arith.index_cast %get3A_3303 : i32 to index
        %get3A_3305 = arith.constant 64 : index
        %get3A_3306 = tpu.vector_load %arg10[%get3A_3304, %get3A_3305] {strides = array<i32>} : memref<20x128xi32, #tpu.memory_space<vmem>>, vector<16xi32>,
        %shift_right_arithmetic3A_3307 = arith.constant 7 : i32
        %shift_right_arithmetic3A_3308 = vector.broadcast %shift_right_arithmetic3A_3307 : i32 to vector<16xi32>
        %shift_right_arithmetic3A_3309 = arith.shrsi %get3A_3306, %shift_right_arithmetic3A_3308 : vector<16xi32>
        %and3A_3310 = arith.constant 127 : i32
        %and3A_3311 = vector.broadcast %and3A_3310 : i32 to vector<16xi32>
        %and3A_3312 = arith.andi %get3A_3306, %and3A_3311 : vector<16xi32>
        %gather3A_3313 = tpu.vector_load_idx %arg8[%shift_right_arithmetic3A_3309, %and3A_3312] : memref<782x128xf32, #tpu.memory_space<vmem>>[vector<16xi32>, vector<16xi32>], vector<16xf32>,
        %add3A_3314 = arith.addf %add3A_3290, %gather3A_3313 : vector<16xf32>
        %get3A_3315 = arith.constant 16 : i32
        %get3A_3316 = arith.index_cast %get3A_3315 : i32 to index
        %get3A_3317 = arith.constant 64 : index
        %get3A_3318 = tpu.vector_load %arg10[%get3A_3316, %get3A_3317] {strides = array<i32>} : memref<20x128xi32, #tpu.memory_space<vmem>>, vector<16xi32>,
        %shift_right_arithmetic3A_3319 = arith.constant 7 : i32
        %shift_right_arithmetic3A_3320 = vector.broadcast %shift_right_arithmetic3A_3319 : i32 to vector<16xi32>
        %shift_right_arithmetic3A_3321 = arith.shrsi %get3A_3318, %shift_right_arithmetic3A_3320 : vector<16xi32>
        %and3A_3322 = arith.constant 127 : i32
        %and3A_3323 = vector.broadcast %and3A_3322 : i32 to vector<16xi32>
        %and3A_3324 = arith.andi %get3A_3318, %and3A_3323 : vector<16xi32>
        %gather3A_3325 = tpu.vector_load_idx %arg8[%shift_right_arithmetic3A_3321, %and3A_3324] : memref<782x128xf32, #tpu.memory_space<vmem>>[vector<16xi32>, vector<16xi32>], vector<16xf32>,
        %add3A_3326 = arith.addf %add3A_3302, %gather3A_3325 : vector<16xf32>
        %get3A_3327 = arith.constant 17 : i32
        %get3A_3328 = arith.index_cast %get3A_3327 : i32 to index
        %get3A_3329 = arith.constant 64 : index
        %get3A_3330 = tpu.vector_load %arg10[%get3A_3328, %get3A_3329] {strides = array<i32>} : memref<20x128xi32, #tpu.memory_space<vmem>>, vector<16xi32>,
        %shift_right_arithmetic3A_3331 = arith.constant 7 : i32
        %shift_right_arithmetic3A_3332 = vector.broadcast %shift_right_arithmetic3A_3331 : i32 to vector<16xi32>
        %shift_right_arithmetic3A_3333 = arith.shrsi %get3A_3330, %shift_right_arithmetic3A_3332 : vector<16xi32>
        %and3A_3334 = arith.constant 127 : i32
        %and3A_3335 = vector.broadcast %and3A_3334 : i32 to vector<16xi32>
        %and3A_3336 = arith.andi %get3A_3330, %and3A_3335 : vector<16xi32>
        %gather3A_3337 = tpu.vector_load_idx %arg8[%shift_right_arithmetic3A_3333, %and3A_3336] : memref<782x128xf32, #tpu.memory_space<vmem>>[vector<16xi32>, vector<16xi32>], vector<16xf32>,
        %add3A_3338 = arith.addf %add3A_3314, %gather3A_3337 : vector<16xf32>
        %get3A_3339 = arith.constant 18 : i32
        %get3A_3340 = arith.index_cast %get3A_3339 : i32 to index
        %get3A_3341 = arith.constant 64 : index
        %get3A_3342 = tpu.vector_load %arg10[%get3A_3340, %get3A_3341] {strides = array<i32>} : memref<20x128xi32, #tpu.memory_space<vmem>>, vector<16xi32>,
        %shift_right_arithmetic3A_3343 = arith.constant 7 : i32
        %shift_right_arithmetic3A_3344 = vector.broadcast %shift_right_arithmetic3A_3343 : i32 to vector<16xi32>
        %shift_right_arithmetic3A_3345 = arith.shrsi %get3A_3342, %shift_right_arithmetic3A_3344 : vector<16xi32>
        %and3A_3346 = arith.constant 127 : i32
        %and3A_3347 = vector.broadcast %and3A_3346 : i32 to vector<16xi32>
        %and3A_3348 = arith.andi %get3A_3342, %and3A_3347 : vector<16xi32>
        %gather3A_3349 = tpu.vector_load_idx %arg8[%shift_right_arithmetic3A_3345, %and3A_3348] : memref<782x128xf32, #tpu.memory_space<vmem>>[vector<16xi32>, vector<16xi32>], vector<16xf32>,
        %add3A_3350 = arith.addf %add3A_3326, %gather3A_3349 : vector<16xf32>
        %get3A_3351 = arith.constant 19 : i32
        %get3A_3352 = arith.index_cast %get3A_3351 : i32 to index
        %get3A_3353 = arith.constant 64 : index
        %get3A_3354 = tpu.vector_load %arg10[%get3A_3352, %get3A_3353] {strides = array<i32>} : memref<20x128xi32, #tpu.memory_space<vmem>>, vector<16xi32>,
        %shift_right_arithmetic3A_3355 = arith.constant 7 : i32
        %shift_right_arithmetic3A_3356 = vector.broadcast %shift_right_arithmetic3A_3355 : i32 to vector<16xi32>
        %shift_right_arithmetic3A_3357 = arith.shrsi %get3A_3354, %shift_right_arithmetic3A_3356 : vector<16xi32>
        %and3A_3358 = arith.constant 127 : i32
        %and3A_3359 = vector.broadcast %and3A_3358 : i32 to vector<16xi32>
        %and3A_3360 = arith.andi %get3A_3354, %and3A_3359 : vector<16xi32>
        %gather3A_3361 = tpu.vector_load_idx %arg8[%shift_right_arithmetic3A_3357, %and3A_3360] : memref<782x128xf32, #tpu.memory_space<vmem>>[vector<16xi32>, vector<16xi32>], vector<16xf32>,
        %add3A_3362 = arith.addf %add3A_3338, %gather3A_3361 : vector<16xf32>
        %add3A_3363 = arith.addf %add3A_3350, %add3A_3362 : vector<16xf32>
        %mul3A_3364 = arith.constant 128 : i32
        %mul3A_3365 = arith.muli %add3A_2099, %mul3A_3364 : i32
        %add3A_3366 = arith.constant 64 : i32
        %add3A_3367 = arith.addi %mul3A_3365, %add3A_3366 : i32
        %swap3A_3368 = arith.index_cast %add3A_3367 : i32 to index
        %swap3A_3369 = tpu.vector_load %arg11[%swap3A_3368] {strides = array<i32>} : memref<4096xf32, #tpu.memory_space<vmem>>, vector<16xf32>,
        tpu.vector_store %arg11[%swap3A_3368], %add3A_3363 {strides = array<i32>} : memref<4096xf32, #tpu.memory_space<vmem>>, vector<16xf32>,
        %broadcast_in_dim3A_3370 = arith.constant 0.000000e+00 : f32
        %broadcast_in_dim3A_3371 = vector.broadcast %broadcast_in_dim3A_3370 : f32 to vector<16xf32>
        %broadcast_in_dim3A_3372 = arith.constant 0.000000e+00 : f32
        %broadcast_in_dim3A_3373 = vector.broadcast %broadcast_in_dim3A_3372 : f32 to vector<16xf32>
        %get3A_3374 = arith.constant 0 : i32
        %get3A_3375 = arith.index_cast %get3A_3374 : i32 to index
        %get3A_3376 = arith.constant 80 : index
        %get3A_3377 = tpu.vector_load %arg10[%get3A_3375, %get3A_3376] {strides = array<i32>} : memref<20x128xi32, #tpu.memory_space<vmem>>, vector<16xi32>,
        %shift_right_arithmetic3A_3378 = arith.constant 7 : i32
        %shift_right_arithmetic3A_3379 = vector.broadcast %shift_right_arithmetic3A_3378 : i32 to vector<16xi32>
        %shift_right_arithmetic3A_3380 = arith.shrsi %get3A_3377, %shift_right_arithmetic3A_3379 : vector<16xi32>
        %and3A_3381 = arith.constant 127 : i32
        %and3A_3382 = vector.broadcast %and3A_3381 : i32 to vector<16xi32>
        %and3A_3383 = arith.andi %get3A_3377, %and3A_3382 : vector<16xi32>
        %gather3A_3384 = tpu.vector_load_idx %arg8[%shift_right_arithmetic3A_3380, %and3A_3383] : memref<782x128xf32, #tpu.memory_space<vmem>>[vector<16xi32>, vector<16xi32>], vector<16xf32>,
        %add3A_3385 = arith.addf %broadcast_in_dim3A_3371, %gather3A_3384 : vector<16xf32>
        %get3A_3386 = arith.constant 1 : i32
        %get3A_3387 = arith.index_cast %get3A_3386 : i32 to index
        %get3A_3388 = arith.constant 80 : index
        %get3A_3389 = tpu.vector_load %arg10[%get3A_3387, %get3A_3388] {strides = array<i32>} : memref<20x128xi32, #tpu.memory_space<vmem>>, vector<16xi32>,
        %shift_right_arithmetic3A_3390 = arith.constant 7 : i32
        %shift_right_arithmetic3A_3391 = vector.broadcast %shift_right_arithmetic3A_3390 : i32 to vector<16xi32>
        %shift_right_arithmetic3A_3392 = arith.shrsi %get3A_3389, %shift_right_arithmetic3A_3391 : vector<16xi32>
        %and3A_3393 = arith.constant 127 : i32
        %and3A_3394 = vector.broadcast %and3A_3393 : i32 to vector<16xi32>
        %and3A_3395 = arith.andi %get3A_3389, %and3A_3394 : vector<16xi32>
        %gather3A_3396 = tpu.vector_load_idx %arg8[%shift_right_arithmetic3A_3392, %and3A_3395] : memref<782x128xf32, #tpu.memory_space<vmem>>[vector<16xi32>, vector<16xi32>], vector<16xf32>,
        %add3A_3397 = arith.addf %broadcast_in_dim3A_3373, %gather3A_3396 : vector<16xf32>
        %get3A_3398 = arith.constant 2 : i32
        %get3A_3399 = arith.index_cast %get3A_3398 : i32 to index
        %get3A_3400 = arith.constant 80 : index
        %get3A_3401 = tpu.vector_load %arg10[%get3A_3399, %get3A_3400] {strides = array<i32>} : memref<20x128xi32, #tpu.memory_space<vmem>>, vector<16xi32>,
        %shift_right_arithmetic3A_3402 = arith.constant 7 : i32
        %shift_right_arithmetic3A_3403 = vector.broadcast %shift_right_arithmetic3A_3402 : i32 to vector<16xi32>
        %shift_right_arithmetic3A_3404 = arith.shrsi %get3A_3401, %shift_right_arithmetic3A_3403 : vector<16xi32>
        %and3A_3405 = arith.constant 127 : i32
        %and3A_3406 = vector.broadcast %and3A_3405 : i32 to vector<16xi32>
        %and3A_3407 = arith.andi %get3A_3401, %and3A_3406 : vector<16xi32>
        %gather3A_3408 = tpu.vector_load_idx %arg8[%shift_right_arithmetic3A_3404, %and3A_3407] : memref<782x128xf32, #tpu.memory_space<vmem>>[vector<16xi32>, vector<16xi32>], vector<16xf32>,
        %add3A_3409 = arith.addf %add3A_3385, %gather3A_3408 : vector<16xf32>
        %get3A_3410 = arith.constant 3 : i32
        %get3A_3411 = arith.index_cast %get3A_3410 : i32 to index
        %get3A_3412 = arith.constant 80 : index
        %get3A_3413 = tpu.vector_load %arg10[%get3A_3411, %get3A_3412] {strides = array<i32>} : memref<20x128xi32, #tpu.memory_space<vmem>>, vector<16xi32>,
        %shift_right_arithmetic3A_3414 = arith.constant 7 : i32
        %shift_right_arithmetic3A_3415 = vector.broadcast %shift_right_arithmetic3A_3414 : i32 to vector<16xi32>
        %shift_right_arithmetic3A_3416 = arith.shrsi %get3A_3413, %shift_right_arithmetic3A_3415 : vector<16xi32>
        %and3A_3417 = arith.constant 127 : i32
        %and3A_3418 = vector.broadcast %and3A_3417 : i32 to vector<16xi32>
        %and3A_3419 = arith.andi %get3A_3413, %and3A_3418 : vector<16xi32>
        %gather3A_3420 = tpu.vector_load_idx %arg8[%shift_right_arithmetic3A_3416, %and3A_3419] : memref<782x128xf32, #tpu.memory_space<vmem>>[vector<16xi32>, vector<16xi32>], vector<16xf32>,
        %add3A_3421 = arith.addf %add3A_3397, %gather3A_3420 : vector<16xf32>
        %get3A_3422 = arith.constant 4 : i32
        %get3A_3423 = arith.index_cast %get3A_3422 : i32 to index
        %get3A_3424 = arith.constant 80 : index
        %get3A_3425 = tpu.vector_load %arg10[%get3A_3423, %get3A_3424] {strides = array<i32>} : memref<20x128xi32, #tpu.memory_space<vmem>>, vector<16xi32>,
        %shift_right_arithmetic3A_3426 = arith.constant 7 : i32
        %shift_right_arithmetic3A_3427 = vector.broadcast %shift_right_arithmetic3A_3426 : i32 to vector<16xi32>
        %shift_right_arithmetic3A_3428 = arith.shrsi %get3A_3425, %shift_right_arithmetic3A_3427 : vector<16xi32>
        %and3A_3429 = arith.constant 127 : i32
        %and3A_3430 = vector.broadcast %and3A_3429 : i32 to vector<16xi32>
        %and3A_3431 = arith.andi %get3A_3425, %and3A_3430 : vector<16xi32>
        %gather3A_3432 = tpu.vector_load_idx %arg8[%shift_right_arithmetic3A_3428, %and3A_3431] : memref<782x128xf32, #tpu.memory_space<vmem>>[vector<16xi32>, vector<16xi32>], vector<16xf32>,
        %add3A_3433 = arith.addf %add3A_3409, %gather3A_3432 : vector<16xf32>
        %get3A_3434 = arith.constant 5 : i32
        %get3A_3435 = arith.index_cast %get3A_3434 : i32 to index
        %get3A_3436 = arith.constant 80 : index
        %get3A_3437 = tpu.vector_load %arg10[%get3A_3435, %get3A_3436] {strides = array<i32>} : memref<20x128xi32, #tpu.memory_space<vmem>>, vector<16xi32>,
        %shift_right_arithmetic3A_3438 = arith.constant 7 : i32
        %shift_right_arithmetic3A_3439 = vector.broadcast %shift_right_arithmetic3A_3438 : i32 to vector<16xi32>
        %shift_right_arithmetic3A_3440 = arith.shrsi %get3A_3437, %shift_right_arithmetic3A_3439 : vector<16xi32>
        %and3A_3441 = arith.constant 127 : i32
        %and3A_3442 = vector.broadcast %and3A_3441 : i32 to vector<16xi32>
        %and3A_3443 = arith.andi %get3A_3437, %and3A_3442 : vector<16xi32>
        %gather3A_3444 = tpu.vector_load_idx %arg8[%shift_right_arithmetic3A_3440, %and3A_3443] : memref<782x128xf32, #tpu.memory_space<vmem>>[vector<16xi32>, vector<16xi32>], vector<16xf32>,
        %add3A_3445 = arith.addf %add3A_3421, %gather3A_3444 : vector<16xf32>
        %get3A_3446 = arith.constant 6 : i32
        %get3A_3447 = arith.index_cast %get3A_3446 : i32 to index
        %get3A_3448 = arith.constant 80 : index
        %get3A_3449 = tpu.vector_load %arg10[%get3A_3447, %get3A_3448] {strides = array<i32>} : memref<20x128xi32, #tpu.memory_space<vmem>>, vector<16xi32>,
        %shift_right_arithmetic3A_3450 = arith.constant 7 : i32
        %shift_right_arithmetic3A_3451 = vector.broadcast %shift_right_arithmetic3A_3450 : i32 to vector<16xi32>
        %shift_right_arithmetic3A_3452 = arith.shrsi %get3A_3449, %shift_right_arithmetic3A_3451 : vector<16xi32>
        %and3A_3453 = arith.constant 127 : i32
        %and3A_3454 = vector.broadcast %and3A_3453 : i32 to vector<16xi32>
        %and3A_3455 = arith.andi %get3A_3449, %and3A_3454 : vector<16xi32>
        %gather3A_3456 = tpu.vector_load_idx %arg8[%shift_right_arithmetic3A_3452, %and3A_3455] : memref<782x128xf32, #tpu.memory_space<vmem>>[vector<16xi32>, vector<16xi32>], vector<16xf32>,
        %add3A_3457 = arith.addf %add3A_3433, %gather3A_3456 : vector<16xf32>
        %get3A_3458 = arith.constant 7 : i32
        %get3A_3459 = arith.index_cast %get3A_3458 : i32 to index
        %get3A_3460 = arith.constant 80 : index
        %get3A_3461 = tpu.vector_load %arg10[%get3A_3459, %get3A_3460] {strides = array<i32>} : memref<20x128xi32, #tpu.memory_space<vmem>>, vector<16xi32>,
        %shift_right_arithmetic3A_3462 = arith.constant 7 : i32
        %shift_right_arithmetic3A_3463 = vector.broadcast %shift_right_arithmetic3A_3462 : i32 to vector<16xi32>
        %shift_right_arithmetic3A_3464 = arith.shrsi %get3A_3461, %shift_right_arithmetic3A_3463 : vector<16xi32>
        %and3A_3465 = arith.constant 127 : i32
        %and3A_3466 = vector.broadcast %and3A_3465 : i32 to vector<16xi32>
        %and3A_3467 = arith.andi %get3A_3461, %and3A_3466 : vector<16xi32>
        %gather3A_3468 = tpu.vector_load_idx %arg8[%shift_right_arithmetic3A_3464, %and3A_3467] : memref<782x128xf32, #tpu.memory_space<vmem>>[vector<16xi32>, vector<16xi32>], vector<16xf32>,
        %add3A_3469 = arith.addf %add3A_3445, %gather3A_3468 : vector<16xf32>
        %get3A_3470 = arith.constant 8 : i32
        %get3A_3471 = arith.index_cast %get3A_3470 : i32 to index
        %get3A_3472 = arith.constant 80 : index
        %get3A_3473 = tpu.vector_load %arg10[%get3A_3471, %get3A_3472] {strides = array<i32>} : memref<20x128xi32, #tpu.memory_space<vmem>>, vector<16xi32>,
        %shift_right_arithmetic3A_3474 = arith.constant 7 : i32
        %shift_right_arithmetic3A_3475 = vector.broadcast %shift_right_arithmetic3A_3474 : i32 to vector<16xi32>
        %shift_right_arithmetic3A_3476 = arith.shrsi %get3A_3473, %shift_right_arithmetic3A_3475 : vector<16xi32>
        %and3A_3477 = arith.constant 127 : i32
        %and3A_3478 = vector.broadcast %and3A_3477 : i32 to vector<16xi32>
        %and3A_3479 = arith.andi %get3A_3473, %and3A_3478 : vector<16xi32>
        %gather3A_3480 = tpu.vector_load_idx %arg8[%shift_right_arithmetic3A_3476, %and3A_3479] : memref<782x128xf32, #tpu.memory_space<vmem>>[vector<16xi32>, vector<16xi32>], vector<16xf32>,
        %add3A_3481 = arith.addf %add3A_3457, %gather3A_3480 : vector<16xf32>
        %get3A_3482 = arith.constant 9 : i32
        %get3A_3483 = arith.index_cast %get3A_3482 : i32 to index
        %get3A_3484 = arith.constant 80 : index
        %get3A_3485 = tpu.vector_load %arg10[%get3A_3483, %get3A_3484] {strides = array<i32>} : memref<20x128xi32, #tpu.memory_space<vmem>>, vector<16xi32>,
        %shift_right_arithmetic3A_3486 = arith.constant 7 : i32
        %shift_right_arithmetic3A_3487 = vector.broadcast %shift_right_arithmetic3A_3486 : i32 to vector<16xi32>
        %shift_right_arithmetic3A_3488 = arith.shrsi %get3A_3485, %shift_right_arithmetic3A_3487 : vector<16xi32>
        %and3A_3489 = arith.constant 127 : i32
        %and3A_3490 = vector.broadcast %and3A_3489 : i32 to vector<16xi32>
        %and3A_3491 = arith.andi %get3A_3485, %and3A_3490 : vector<16xi32>
        %gather3A_3492 = tpu.vector_load_idx %arg8[%shift_right_arithmetic3A_3488, %and3A_3491] : memref<782x128xf32, #tpu.memory_space<vmem>>[vector<16xi32>, vector<16xi32>], vector<16xf32>,
        %add3A_3493 = arith.addf %add3A_3469, %gather3A_3492 : vector<16xf32>
        %get3A_3494 = arith.constant 10 : i32
        %get3A_3495 = arith.index_cast %get3A_3494 : i32 to index
        %get3A_3496 = arith.constant 80 : index
        %get3A_3497 = tpu.vector_load %arg10[%get3A_3495, %get3A_3496] {strides = array<i32>} : memref<20x128xi32, #tpu.memory_space<vmem>>, vector<16xi32>,
        %shift_right_arithmetic3A_3498 = arith.constant 7 : i32
        %shift_right_arithmetic3A_3499 = vector.broadcast %shift_right_arithmetic3A_3498 : i32 to vector<16xi32>
        %shift_right_arithmetic3A_3500 = arith.shrsi %get3A_3497, %shift_right_arithmetic3A_3499 : vector<16xi32>
        %and3A_3501 = arith.constant 127 : i32
        %and3A_3502 = vector.broadcast %and3A_3501 : i32 to vector<16xi32>
        %and3A_3503 = arith.andi %get3A_3497, %and3A_3502 : vector<16xi32>
        %gather3A_3504 = tpu.vector_load_idx %arg8[%shift_right_arithmetic3A_3500, %and3A_3503] : memref<782x128xf32, #tpu.memory_space<vmem>>[vector<16xi32>, vector<16xi32>], vector<16xf32>,
        %add3A_3505 = arith.addf %add3A_3481, %gather3A_3504 : vector<16xf32>
        %get3A_3506 = arith.constant 11 : i32
        %get3A_3507 = arith.index_cast %get3A_3506 : i32 to index
        %get3A_3508 = arith.constant 80 : index
        %get3A_3509 = tpu.vector_load %arg10[%get3A_3507, %get3A_3508] {strides = array<i32>} : memref<20x128xi32, #tpu.memory_space<vmem>>, vector<16xi32>,
        %shift_right_arithmetic3A_3510 = arith.constant 7 : i32
        %shift_right_arithmetic3A_3511 = vector.broadcast %shift_right_arithmetic3A_3510 : i32 to vector<16xi32>
        %shift_right_arithmetic3A_3512 = arith.shrsi %get3A_3509, %shift_right_arithmetic3A_3511 : vector<16xi32>
        %and3A_3513 = arith.constant 127 : i32
        %and3A_3514 = vector.broadcast %and3A_3513 : i32 to vector<16xi32>
        %and3A_3515 = arith.andi %get3A_3509, %and3A_3514 : vector<16xi32>
        %gather3A_3516 = tpu.vector_load_idx %arg8[%shift_right_arithmetic3A_3512, %and3A_3515] : memref<782x128xf32, #tpu.memory_space<vmem>>[vector<16xi32>, vector<16xi32>], vector<16xf32>,
        %add3A_3517 = arith.addf %add3A_3493, %gather3A_3516 : vector<16xf32>
        %get3A_3518 = arith.constant 12 : i32
        %get3A_3519 = arith.index_cast %get3A_3518 : i32 to index
        %get3A_3520 = arith.constant 80 : index
        %get3A_3521 = tpu.vector_load %arg10[%get3A_3519, %get3A_3520] {strides = array<i32>} : memref<20x128xi32, #tpu.memory_space<vmem>>, vector<16xi32>,
        %shift_right_arithmetic3A_3522 = arith.constant 7 : i32
        %shift_right_arithmetic3A_3523 = vector.broadcast %shift_right_arithmetic3A_3522 : i32 to vector<16xi32>
        %shift_right_arithmetic3A_3524 = arith.shrsi %get3A_3521, %shift_right_arithmetic3A_3523 : vector<16xi32>
        %and3A_3525 = arith.constant 127 : i32
        %and3A_3526 = vector.broadcast %and3A_3525 : i32 to vector<16xi32>
        %and3A_3527 = arith.andi %get3A_3521, %and3A_3526 : vector<16xi32>
        %gather3A_3528 = tpu.vector_load_idx %arg8[%shift_right_arithmetic3A_3524, %and3A_3527] : memref<782x128xf32, #tpu.memory_space<vmem>>[vector<16xi32>, vector<16xi32>], vector<16xf32>,
        %add3A_3529 = arith.addf %add3A_3505, %gather3A_3528 : vector<16xf32>
        %get3A_3530 = arith.constant 13 : i32
        %get3A_3531 = arith.index_cast %get3A_3530 : i32 to index
        %get3A_3532 = arith.constant 80 : index
        %get3A_3533 = tpu.vector_load %arg10[%get3A_3531, %get3A_3532] {strides = array<i32>} : memref<20x128xi32, #tpu.memory_space<vmem>>, vector<16xi32>,
        %shift_right_arithmetic3A_3534 = arith.constant 7 : i32
        %shift_right_arithmetic3A_3535 = vector.broadcast %shift_right_arithmetic3A_3534 : i32 to vector<16xi32>
        %shift_right_arithmetic3A_3536 = arith.shrsi %get3A_3533, %shift_right_arithmetic3A_3535 : vector<16xi32>
        %and3A_3537 = arith.constant 127 : i32
        %and3A_3538 = vector.broadcast %and3A_3537 : i32 to vector<16xi32>
        %and3A_3539 = arith.andi %get3A_3533, %and3A_3538 : vector<16xi32>
        %gather3A_3540 = tpu.vector_load_idx %arg8[%shift_right_arithmetic3A_3536, %and3A_3539] : memref<782x128xf32, #tpu.memory_space<vmem>>[vector<16xi32>, vector<16xi32>], vector<16xf32>,
        %add3A_3541 = arith.addf %add3A_3517, %gather3A_3540 : vector<16xf32>
        %get3A_3542 = arith.constant 14 : i32
        %get3A_3543 = arith.index_cast %get3A_3542 : i32 to index
        %get3A_3544 = arith.constant 80 : index
        %get3A_3545 = tpu.vector_load %arg10[%get3A_3543, %get3A_3544] {strides = array<i32>} : memref<20x128xi32, #tpu.memory_space<vmem>>, vector<16xi32>,
        %shift_right_arithmetic3A_3546 = arith.constant 7 : i32
        %shift_right_arithmetic3A_3547 = vector.broadcast %shift_right_arithmetic3A_3546 : i32 to vector<16xi32>
        %shift_right_arithmetic3A_3548 = arith.shrsi %get3A_3545, %shift_right_arithmetic3A_3547 : vector<16xi32>
        %and3A_3549 = arith.constant 127 : i32
        %and3A_3550 = vector.broadcast %and3A_3549 : i32 to vector<16xi32>
        %and3A_3551 = arith.andi %get3A_3545, %and3A_3550 : vector<16xi32>
        %gather3A_3552 = tpu.vector_load_idx %arg8[%shift_right_arithmetic3A_3548, %and3A_3551] : memref<782x128xf32, #tpu.memory_space<vmem>>[vector<16xi32>, vector<16xi32>], vector<16xf32>,
        %add3A_3553 = arith.addf %add3A_3529, %gather3A_3552 : vector<16xf32>
        %get3A_3554 = arith.constant 15 : i32
        %get3A_3555 = arith.index_cast %get3A_3554 : i32 to index
        %get3A_3556 = arith.constant 80 : index
        %get3A_3557 = tpu.vector_load %arg10[%get3A_3555, %get3A_3556] {strides = array<i32>} : memref<20x128xi32, #tpu.memory_space<vmem>>, vector<16xi32>,
        %shift_right_arithmetic3A_3558 = arith.constant 7 : i32
        %shift_right_arithmetic3A_3559 = vector.broadcast %shift_right_arithmetic3A_3558 : i32 to vector<16xi32>
        %shift_right_arithmetic3A_3560 = arith.shrsi %get3A_3557, %shift_right_arithmetic3A_3559 : vector<16xi32>
        %and3A_3561 = arith.constant 127 : i32
        %and3A_3562 = vector.broadcast %and3A_3561 : i32 to vector<16xi32>
        %and3A_3563 = arith.andi %get3A_3557, %and3A_3562 : vector<16xi32>
        %gather3A_3564 = tpu.vector_load_idx %arg8[%shift_right_arithmetic3A_3560, %and3A_3563] : memref<782x128xf32, #tpu.memory_space<vmem>>[vector<16xi32>, vector<16xi32>], vector<16xf32>,
        %add3A_3565 = arith.addf %add3A_3541, %gather3A_3564 : vector<16xf32>
        %get3A_3566 = arith.constant 16 : i32
        %get3A_3567 = arith.index_cast %get3A_3566 : i32 to index
        %get3A_3568 = arith.constant 80 : index
        %get3A_3569 = tpu.vector_load %arg10[%get3A_3567, %get3A_3568] {strides = array<i32>} : memref<20x128xi32, #tpu.memory_space<vmem>>, vector<16xi32>,
        %shift_right_arithmetic3A_3570 = arith.constant 7 : i32
        %shift_right_arithmetic3A_3571 = vector.broadcast %shift_right_arithmetic3A_3570 : i32 to vector<16xi32>
        %shift_right_arithmetic3A_3572 = arith.shrsi %get3A_3569, %shift_right_arithmetic3A_3571 : vector<16xi32>
        %and3A_3573 = arith.constant 127 : i32
        %and3A_3574 = vector.broadcast %and3A_3573 : i32 to vector<16xi32>
        %and3A_3575 = arith.andi %get3A_3569, %and3A_3574 : vector<16xi32>
        %gather3A_3576 = tpu.vector_load_idx %arg8[%shift_right_arithmetic3A_3572, %and3A_3575] : memref<782x128xf32, #tpu.memory_space<vmem>>[vector<16xi32>, vector<16xi32>], vector<16xf32>,
        %add3A_3577 = arith.addf %add3A_3553, %gather3A_3576 : vector<16xf32>
        %get3A_3578 = arith.constant 17 : i32
        %get3A_3579 = arith.index_cast %get3A_3578 : i32 to index
        %get3A_3580 = arith.constant 80 : index
        %get3A_3581 = tpu.vector_load %arg10[%get3A_3579, %get3A_3580] {strides = array<i32>} : memref<20x128xi32, #tpu.memory_space<vmem>>, vector<16xi32>,
        %shift_right_arithmetic3A_3582 = arith.constant 7 : i32
        %shift_right_arithmetic3A_3583 = vector.broadcast %shift_right_arithmetic3A_3582 : i32 to vector<16xi32>
        %shift_right_arithmetic3A_3584 = arith.shrsi %get3A_3581, %shift_right_arithmetic3A_3583 : vector<16xi32>
        %and3A_3585 = arith.constant 127 : i32
        %and3A_3586 = vector.broadcast %and3A_3585 : i32 to vector<16xi32>
        %and3A_3587 = arith.andi %get3A_3581, %and3A_3586 : vector<16xi32>
        %gather3A_3588 = tpu.vector_load_idx %arg8[%shift_right_arithmetic3A_3584, %and3A_3587] : memref<782x128xf32, #tpu.memory_space<vmem>>[vector<16xi32>, vector<16xi32>], vector<16xf32>,
        %add3A_3589 = arith.addf %add3A_3565, %gather3A_3588 : vector<16xf32>
        %get3A_3590 = arith.constant 18 : i32
        %get3A_3591 = arith.index_cast %get3A_3590 : i32 to index
        %get3A_3592 = arith.constant 80 : index
        %get3A_3593 = tpu.vector_load %arg10[%get3A_3591, %get3A_3592] {strides = array<i32>} : memref<20x128xi32, #tpu.memory_space<vmem>>, vector<16xi32>,
        %shift_right_arithmetic3A_3594 = arith.constant 7 : i32
        %shift_right_arithmetic3A_3595 = vector.broadcast %shift_right_arithmetic3A_3594 : i32 to vector<16xi32>
        %shift_right_arithmetic3A_3596 = arith.shrsi %get3A_3593, %shift_right_arithmetic3A_3595 : vector<16xi32>
        %and3A_3597 = arith.constant 127 : i32
        %and3A_3598 = vector.broadcast %and3A_3597 : i32 to vector<16xi32>
        %and3A_3599 = arith.andi %get3A_3593, %and3A_3598 : vector<16xi32>
        %gather3A_3600 = tpu.vector_load_idx %arg8[%shift_right_arithmetic3A_3596, %and3A_3599] : memref<782x128xf32, #tpu.memory_space<vmem>>[vector<16xi32>, vector<16xi32>], vector<16xf32>,
        %add3A_3601 = arith.addf %add3A_3577, %gather3A_3600 : vector<16xf32>
        %get3A_3602 = arith.constant 19 : i32
        %get3A_3603 = arith.index_cast %get3A_3602 : i32 to index
        %get3A_3604 = arith.constant 80 : index
        %get3A_3605 = tpu.vector_load %arg10[%get3A_3603, %get3A_3604] {strides = array<i32>} : memref<20x128xi32, #tpu.memory_space<vmem>>, vector<16xi32>,
        %shift_right_arithmetic3A_3606 = arith.constant 7 : i32
        %shift_right_arithmetic3A_3607 = vector.broadcast %shift_right_arithmetic3A_3606 : i32 to vector<16xi32>
        %shift_right_arithmetic3A_3608 = arith.shrsi %get3A_3605, %shift_right_arithmetic3A_3607 : vector<16xi32>
        %and3A_3609 = arith.constant 127 : i32
        %and3A_3610 = vector.broadcast %and3A_3609 : i32 to vector<16xi32>
        %and3A_3611 = arith.andi %get3A_3605, %and3A_3610 : vector<16xi32>
        %gather3A_3612 = tpu.vector_load_idx %arg8[%shift_right_arithmetic3A_3608, %and3A_3611] : memref<782x128xf32, #tpu.memory_space<vmem>>[vector<16xi32>, vector<16xi32>], vector<16xf32>,
        %add3A_3613 = arith.addf %add3A_3589, %gather3A_3612 : vector<16xf32>
        %add3A_3614 = arith.addf %add3A_3601, %add3A_3613 : vector<16xf32>
        %mul3A_3615 = arith.constant 128 : i32
        %mul3A_3616 = arith.muli %add3A_2099, %mul3A_3615 : i32
        %add3A_3617 = arith.constant 80 : i32
        %add3A_3618 = arith.addi %mul3A_3616, %add3A_3617 : i32
        %swap3A_3619 = arith.index_cast %add3A_3618 : i32 to index
        %swap3A_3620 = tpu.vector_load %arg11[%swap3A_3619] {strides = array<i32>} : memref<4096xf32, #tpu.memory_space<vmem>>, vector<16xf32>,
        tpu.vector_store %arg11[%swap3A_3619], %add3A_3614 {strides = array<i32>} : memref<4096xf32, #tpu.memory_space<vmem>>, vector<16xf32>,
        %broadcast_in_dim3A_3621 = arith.constant 0.000000e+00 : f32
        %broadcast_in_dim3A_3622 = vector.broadcast %broadcast_in_dim3A_3621 : f32 to vector<16xf32>
        %broadcast_in_dim3A_3623 = arith.constant 0.000000e+00 : f32
        %broadcast_in_dim3A_3624 = vector.broadcast %broadcast_in_dim3A_3623 : f32 to vector<16xf32>
        %get3A_3625 = arith.constant 0 : i32
        %get3A_3626 = arith.index_cast %get3A_3625 : i32 to index
        %get3A_3627 = arith.constant 96 : index
        %get3A_3628 = tpu.vector_load %arg10[%get3A_3626, %get3A_3627] {strides = array<i32>} : memref<20x128xi32, #tpu.memory_space<vmem>>, vector<16xi32>,
        %shift_right_arithmetic3A_3629 = arith.constant 7 : i32
        %shift_right_arithmetic3A_3630 = vector.broadcast %shift_right_arithmetic3A_3629 : i32 to vector<16xi32>
        %shift_right_arithmetic3A_3631 = arith.shrsi %get3A_3628, %shift_right_arithmetic3A_3630 : vector<16xi32>
        %and3A_3632 = arith.constant 127 : i32
        %and3A_3633 = vector.broadcast %and3A_3632 : i32 to vector<16xi32>
        %and3A_3634 = arith.andi %get3A_3628, %and3A_3633 : vector<16xi32>
        %gather3A_3635 = tpu.vector_load_idx %arg8[%shift_right_arithmetic3A_3631, %and3A_3634] : memref<782x128xf32, #tpu.memory_space<vmem>>[vector<16xi32>, vector<16xi32>], vector<16xf32>,
        %add3A_3636 = arith.addf %broadcast_in_dim3A_3622, %gather3A_3635 : vector<16xf32>
        %get3A_3637 = arith.constant 1 : i32
        %get3A_3638 = arith.index_cast %get3A_3637 : i32 to index
        %get3A_3639 = arith.constant 96 : index
        %get3A_3640 = tpu.vector_load %arg10[%get3A_3638, %get3A_3639] {strides = array<i32>} : memref<20x128xi32, #tpu.memory_space<vmem>>, vector<16xi32>,
        %shift_right_arithmetic3A_3641 = arith.constant 7 : i32
        %shift_right_arithmetic3A_3642 = vector.broadcast %shift_right_arithmetic3A_3641 : i32 to vector<16xi32>
        %shift_right_arithmetic3A_3643 = arith.shrsi %get3A_3640, %shift_right_arithmetic3A_3642 : vector<16xi32>
        %and3A_3644 = arith.constant 127 : i32
        %and3A_3645 = vector.broadcast %and3A_3644 : i32 to vector<16xi32>
        %and3A_3646 = arith.andi %get3A_3640, %and3A_3645 : vector<16xi32>
        %gather3A_3647 = tpu.vector_load_idx %arg8[%shift_right_arithmetic3A_3643, %and3A_3646] : memref<782x128xf32, #tpu.memory_space<vmem>>[vector<16xi32>, vector<16xi32>], vector<16xf32>,
        %add3A_3648 = arith.addf %broadcast_in_dim3A_3624, %gather3A_3647 : vector<16xf32>
        %get3A_3649 = arith.constant 2 : i32
        %get3A_3650 = arith.index_cast %get3A_3649 : i32 to index
        %get3A_3651 = arith.constant 96 : index
        %get3A_3652 = tpu.vector_load %arg10[%get3A_3650, %get3A_3651] {strides = array<i32>} : memref<20x128xi32, #tpu.memory_space<vmem>>, vector<16xi32>,
        %shift_right_arithmetic3A_3653 = arith.constant 7 : i32
        %shift_right_arithmetic3A_3654 = vector.broadcast %shift_right_arithmetic3A_3653 : i32 to vector<16xi32>
        %shift_right_arithmetic3A_3655 = arith.shrsi %get3A_3652, %shift_right_arithmetic3A_3654 : vector<16xi32>
        %and3A_3656 = arith.constant 127 : i32
        %and3A_3657 = vector.broadcast %and3A_3656 : i32 to vector<16xi32>
        %and3A_3658 = arith.andi %get3A_3652, %and3A_3657 : vector<16xi32>
        %gather3A_3659 = tpu.vector_load_idx %arg8[%shift_right_arithmetic3A_3655, %and3A_3658] : memref<782x128xf32, #tpu.memory_space<vmem>>[vector<16xi32>, vector<16xi32>], vector<16xf32>,
        %add3A_3660 = arith.addf %add3A_3636, %gather3A_3659 : vector<16xf32>
        %get3A_3661 = arith.constant 3 : i32
        %get3A_3662 = arith.index_cast %get3A_3661 : i32 to index
        %get3A_3663 = arith.constant 96 : index
        %get3A_3664 = tpu.vector_load %arg10[%get3A_3662, %get3A_3663] {strides = array<i32>} : memref<20x128xi32, #tpu.memory_space<vmem>>, vector<16xi32>,
        %shift_right_arithmetic3A_3665 = arith.constant 7 : i32
        %shift_right_arithmetic3A_3666 = vector.broadcast %shift_right_arithmetic3A_3665 : i32 to vector<16xi32>
        %shift_right_arithmetic3A_3667 = arith.shrsi %get3A_3664, %shift_right_arithmetic3A_3666 : vector<16xi32>
        %and3A_3668 = arith.constant 127 : i32
        %and3A_3669 = vector.broadcast %and3A_3668 : i32 to vector<16xi32>
        %and3A_3670 = arith.andi %get3A_3664, %and3A_3669 : vector<16xi32>
        %gather3A_3671 = tpu.vector_load_idx %arg8[%shift_right_arithmetic3A_3667, %and3A_3670] : memref<782x128xf32, #tpu.memory_space<vmem>>[vector<16xi32>, vector<16xi32>], vector<16xf32>,
        %add3A_3672 = arith.addf %add3A_3648, %gather3A_3671 : vector<16xf32>
        %get3A_3673 = arith.constant 4 : i32
        %get3A_3674 = arith.index_cast %get3A_3673 : i32 to index
        %get3A_3675 = arith.constant 96 : index
        %get3A_3676 = tpu.vector_load %arg10[%get3A_3674, %get3A_3675] {strides = array<i32>} : memref<20x128xi32, #tpu.memory_space<vmem>>, vector<16xi32>,
        %shift_right_arithmetic3A_3677 = arith.constant 7 : i32
        %shift_right_arithmetic3A_3678 = vector.broadcast %shift_right_arithmetic3A_3677 : i32 to vector<16xi32>
        %shift_right_arithmetic3A_3679 = arith.shrsi %get3A_3676, %shift_right_arithmetic3A_3678 : vector<16xi32>
        %and3A_3680 = arith.constant 127 : i32
        %and3A_3681 = vector.broadcast %and3A_3680 : i32 to vector<16xi32>
        %and3A_3682 = arith.andi %get3A_3676, %and3A_3681 : vector<16xi32>
        %gather3A_3683 = tpu.vector_load_idx %arg8[%shift_right_arithmetic3A_3679, %and3A_3682] : memref<782x128xf32, #tpu.memory_space<vmem>>[vector<16xi32>, vector<16xi32>], vector<16xf32>,
        %add3A_3684 = arith.addf %add3A_3660, %gather3A_3683 : vector<16xf32>
        %get3A_3685 = arith.constant 5 : i32
        %get3A_3686 = arith.index_cast %get3A_3685 : i32 to index
        %get3A_3687 = arith.constant 96 : index
        %get3A_3688 = tpu.vector_load %arg10[%get3A_3686, %get3A_3687] {strides = array<i32>} : memref<20x128xi32, #tpu.memory_space<vmem>>, vector<16xi32>,
        %shift_right_arithmetic3A_3689 = arith.constant 7 : i32
        %shift_right_arithmetic3A_3690 = vector.broadcast %shift_right_arithmetic3A_3689 : i32 to vector<16xi32>
        %shift_right_arithmetic3A_3691 = arith.shrsi %get3A_3688, %shift_right_arithmetic3A_3690 : vector<16xi32>
        %and3A_3692 = arith.constant 127 : i32
        %and3A_3693 = vector.broadcast %and3A_3692 : i32 to vector<16xi32>
        %and3A_3694 = arith.andi %get3A_3688, %and3A_3693 : vector<16xi32>
        %gather3A_3695 = tpu.vector_load_idx %arg8[%shift_right_arithmetic3A_3691, %and3A_3694] : memref<782x128xf32, #tpu.memory_space<vmem>>[vector<16xi32>, vector<16xi32>], vector<16xf32>,
        %add3A_3696 = arith.addf %add3A_3672, %gather3A_3695 : vector<16xf32>
        %get3A_3697 = arith.constant 6 : i32
        %get3A_3698 = arith.index_cast %get3A_3697 : i32 to index
        %get3A_3699 = arith.constant 96 : index
        %get3A_3700 = tpu.vector_load %arg10[%get3A_3698, %get3A_3699] {strides = array<i32>} : memref<20x128xi32, #tpu.memory_space<vmem>>, vector<16xi32>,
        %shift_right_arithmetic3A_3701 = arith.constant 7 : i32
        %shift_right_arithmetic3A_3702 = vector.broadcast %shift_right_arithmetic3A_3701 : i32 to vector<16xi32>
        %shift_right_arithmetic3A_3703 = arith.shrsi %get3A_3700, %shift_right_arithmetic3A_3702 : vector<16xi32>
        %and3A_3704 = arith.constant 127 : i32
        %and3A_3705 = vector.broadcast %and3A_3704 : i32 to vector<16xi32>
        %and3A_3706 = arith.andi %get3A_3700, %and3A_3705 : vector<16xi32>
        %gather3A_3707 = tpu.vector_load_idx %arg8[%shift_right_arithmetic3A_3703, %and3A_3706] : memref<782x128xf32, #tpu.memory_space<vmem>>[vector<16xi32>, vector<16xi32>], vector<16xf32>,
        %add3A_3708 = arith.addf %add3A_3684, %gather3A_3707 : vector<16xf32>
        %get3A_3709 = arith.constant 7 : i32
        %get3A_3710 = arith.index_cast %get3A_3709 : i32 to index
        %get3A_3711 = arith.constant 96 : index
        %get3A_3712 = tpu.vector_load %arg10[%get3A_3710, %get3A_3711] {strides = array<i32>} : memref<20x128xi32, #tpu.memory_space<vmem>>, vector<16xi32>,
        %shift_right_arithmetic3A_3713 = arith.constant 7 : i32
        %shift_right_arithmetic3A_3714 = vector.broadcast %shift_right_arithmetic3A_3713 : i32 to vector<16xi32>
        %shift_right_arithmetic3A_3715 = arith.shrsi %get3A_3712, %shift_right_arithmetic3A_3714 : vector<16xi32>
        %and3A_3716 = arith.constant 127 : i32
        %and3A_3717 = vector.broadcast %and3A_3716 : i32 to vector<16xi32>
        %and3A_3718 = arith.andi %get3A_3712, %and3A_3717 : vector<16xi32>
        %gather3A_3719 = tpu.vector_load_idx %arg8[%shift_right_arithmetic3A_3715, %and3A_3718] : memref<782x128xf32, #tpu.memory_space<vmem>>[vector<16xi32>, vector<16xi32>], vector<16xf32>,
        %add3A_3720 = arith.addf %add3A_3696, %gather3A_3719 : vector<16xf32>
        %get3A_3721 = arith.constant 8 : i32
        %get3A_3722 = arith.index_cast %get3A_3721 : i32 to index
        %get3A_3723 = arith.constant 96 : index
        %get3A_3724 = tpu.vector_load %arg10[%get3A_3722, %get3A_3723] {strides = array<i32>} : memref<20x128xi32, #tpu.memory_space<vmem>>, vector<16xi32>,
        %shift_right_arithmetic3A_3725 = arith.constant 7 : i32
        %shift_right_arithmetic3A_3726 = vector.broadcast %shift_right_arithmetic3A_3725 : i32 to vector<16xi32>
        %shift_right_arithmetic3A_3727 = arith.shrsi %get3A_3724, %shift_right_arithmetic3A_3726 : vector<16xi32>
        %and3A_3728 = arith.constant 127 : i32
        %and3A_3729 = vector.broadcast %and3A_3728 : i32 to vector<16xi32>
        %and3A_3730 = arith.andi %get3A_3724, %and3A_3729 : vector<16xi32>
        %gather3A_3731 = tpu.vector_load_idx %arg8[%shift_right_arithmetic3A_3727, %and3A_3730] : memref<782x128xf32, #tpu.memory_space<vmem>>[vector<16xi32>, vector<16xi32>], vector<16xf32>,
        %add3A_3732 = arith.addf %add3A_3708, %gather3A_3731 : vector<16xf32>
        %get3A_3733 = arith.constant 9 : i32
        %get3A_3734 = arith.index_cast %get3A_3733 : i32 to index
        %get3A_3735 = arith.constant 96 : index
        %get3A_3736 = tpu.vector_load %arg10[%get3A_3734, %get3A_3735] {strides = array<i32>} : memref<20x128xi32, #tpu.memory_space<vmem>>, vector<16xi32>,
        %shift_right_arithmetic3A_3737 = arith.constant 7 : i32
        %shift_right_arithmetic3A_3738 = vector.broadcast %shift_right_arithmetic3A_3737 : i32 to vector<16xi32>
        %shift_right_arithmetic3A_3739 = arith.shrsi %get3A_3736, %shift_right_arithmetic3A_3738 : vector<16xi32>
        %and3A_3740 = arith.constant 127 : i32
        %and3A_3741 = vector.broadcast %and3A_3740 : i32 to vector<16xi32>
        %and3A_3742 = arith.andi %get3A_3736, %and3A_3741 : vector<16xi32>
        %gather3A_3743 = tpu.vector_load_idx %arg8[%shift_right_arithmetic3A_3739, %and3A_3742] : memref<782x128xf32, #tpu.memory_space<vmem>>[vector<16xi32>, vector<16xi32>], vector<16xf32>,
        %add3A_3744 = arith.addf %add3A_3720, %gather3A_3743 : vector<16xf32>
        %get3A_3745 = arith.constant 10 : i32
        %get3A_3746 = arith.index_cast %get3A_3745 : i32 to index
        %get3A_3747 = arith.constant 96 : index
        %get3A_3748 = tpu.vector_load %arg10[%get3A_3746, %get3A_3747] {strides = array<i32>} : memref<20x128xi32, #tpu.memory_space<vmem>>, vector<16xi32>,
        %shift_right_arithmetic3A_3749 = arith.constant 7 : i32
        %shift_right_arithmetic3A_3750 = vector.broadcast %shift_right_arithmetic3A_3749 : i32 to vector<16xi32>
        %shift_right_arithmetic3A_3751 = arith.shrsi %get3A_3748, %shift_right_arithmetic3A_3750 : vector<16xi32>
        %and3A_3752 = arith.constant 127 : i32
        %and3A_3753 = vector.broadcast %and3A_3752 : i32 to vector<16xi32>
        %and3A_3754 = arith.andi %get3A_3748, %and3A_3753 : vector<16xi32>
        %gather3A_3755 = tpu.vector_load_idx %arg8[%shift_right_arithmetic3A_3751, %and3A_3754] : memref<782x128xf32, #tpu.memory_space<vmem>>[vector<16xi32>, vector<16xi32>], vector<16xf32>,
        %add3A_3756 = arith.addf %add3A_3732, %gather3A_3755 : vector<16xf32>
        %get3A_3757 = arith.constant 11 : i32
        %get3A_3758 = arith.index_cast %get3A_3757 : i32 to index
        %get3A_3759 = arith.constant 96 : index
        %get3A_3760 = tpu.vector_load %arg10[%get3A_3758, %get3A_3759] {strides = array<i32>} : memref<20x128xi32, #tpu.memory_space<vmem>>, vector<16xi32>,
        %shift_right_arithmetic3A_3761 = arith.constant 7 : i32
        %shift_right_arithmetic3A_3762 = vector.broadcast %shift_right_arithmetic3A_3761 : i32 to vector<16xi32>
        %shift_right_arithmetic3A_3763 = arith.shrsi %get3A_3760, %shift_right_arithmetic3A_3762 : vector<16xi32>
        %and3A_3764 = arith.constant 127 : i32
        %and3A_3765 = vector.broadcast %and3A_3764 : i32 to vector<16xi32>
        %and3A_3766 = arith.andi %get3A_3760, %and3A_3765 : vector<16xi32>
        %gather3A_3767 = tpu.vector_load_idx %arg8[%shift_right_arithmetic3A_3763, %and3A_3766] : memref<782x128xf32, #tpu.memory_space<vmem>>[vector<16xi32>, vector<16xi32>], vector<16xf32>,
        %add3A_3768 = arith.addf %add3A_3744, %gather3A_3767 : vector<16xf32>
        %get3A_3769 = arith.constant 12 : i32
        %get3A_3770 = arith.index_cast %get3A_3769 : i32 to index
        %get3A_3771 = arith.constant 96 : index
        %get3A_3772 = tpu.vector_load %arg10[%get3A_3770, %get3A_3771] {strides = array<i32>} : memref<20x128xi32, #tpu.memory_space<vmem>>, vector<16xi32>,
        %shift_right_arithmetic3A_3773 = arith.constant 7 : i32
        %shift_right_arithmetic3A_3774 = vector.broadcast %shift_right_arithmetic3A_3773 : i32 to vector<16xi32>
        %shift_right_arithmetic3A_3775 = arith.shrsi %get3A_3772, %shift_right_arithmetic3A_3774 : vector<16xi32>
        %and3A_3776 = arith.constant 127 : i32
        %and3A_3777 = vector.broadcast %and3A_3776 : i32 to vector<16xi32>
        %and3A_3778 = arith.andi %get3A_3772, %and3A_3777 : vector<16xi32>
        %gather3A_3779 = tpu.vector_load_idx %arg8[%shift_right_arithmetic3A_3775, %and3A_3778] : memref<782x128xf32, #tpu.memory_space<vmem>>[vector<16xi32>, vector<16xi32>], vector<16xf32>,
        %add3A_3780 = arith.addf %add3A_3756, %gather3A_3779 : vector<16xf32>
        %get3A_3781 = arith.constant 13 : i32
        %get3A_3782 = arith.index_cast %get3A_3781 : i32 to index
        %get3A_3783 = arith.constant 96 : index
        %get3A_3784 = tpu.vector_load %arg10[%get3A_3782, %get3A_3783] {strides = array<i32>} : memref<20x128xi32, #tpu.memory_space<vmem>>, vector<16xi32>,
        %shift_right_arithmetic3A_3785 = arith.constant 7 : i32
        %shift_right_arithmetic3A_3786 = vector.broadcast %shift_right_arithmetic3A_3785 : i32 to vector<16xi32>
        %shift_right_arithmetic3A_3787 = arith.shrsi %get3A_3784, %shift_right_arithmetic3A_3786 : vector<16xi32>
        %and3A_3788 = arith.constant 127 : i32
        %and3A_3789 = vector.broadcast %and3A_3788 : i32 to vector<16xi32>
        %and3A_3790 = arith.andi %get3A_3784, %and3A_3789 : vector<16xi32>
        %gather3A_3791 = tpu.vector_load_idx %arg8[%shift_right_arithmetic3A_3787, %and3A_3790] : memref<782x128xf32, #tpu.memory_space<vmem>>[vector<16xi32>, vector<16xi32>], vector<16xf32>,
        %add3A_3792 = arith.addf %add3A_3768, %gather3A_3791 : vector<16xf32>
        %get3A_3793 = arith.constant 14 : i32
        %get3A_3794 = arith.index_cast %get3A_3793 : i32 to index
        %get3A_3795 = arith.constant 96 : index
        %get3A_3796 = tpu.vector_load %arg10[%get3A_3794, %get3A_3795] {strides = array<i32>} : memref<20x128xi32, #tpu.memory_space<vmem>>, vector<16xi32>,
        %shift_right_arithmetic3A_3797 = arith.constant 7 : i32
        %shift_right_arithmetic3A_3798 = vector.broadcast %shift_right_arithmetic3A_3797 : i32 to vector<16xi32>
        %shift_right_arithmetic3A_3799 = arith.shrsi %get3A_3796, %shift_right_arithmetic3A_3798 : vector<16xi32>
        %and3A_3800 = arith.constant 127 : i32
        %and3A_3801 = vector.broadcast %and3A_3800 : i32 to vector<16xi32>
        %and3A_3802 = arith.andi %get3A_3796, %and3A_3801 : vector<16xi32>
        %gather3A_3803 = tpu.vector_load_idx %arg8[%shift_right_arithmetic3A_3799, %and3A_3802] : memref<782x128xf32, #tpu.memory_space<vmem>>[vector<16xi32>, vector<16xi32>], vector<16xf32>,
        %add3A_3804 = arith.addf %add3A_3780, %gather3A_3803 : vector<16xf32>
        %get3A_3805 = arith.constant 15 : i32
        %get3A_3806 = arith.index_cast %get3A_3805 : i32 to index
        %get3A_3807 = arith.constant 96 : index
        %get3A_3808 = tpu.vector_load %arg10[%get3A_3806, %get3A_3807] {strides = array<i32>} : memref<20x128xi32, #tpu.memory_space<vmem>>, vector<16xi32>,
        %shift_right_arithmetic3A_3809 = arith.constant 7 : i32
        %shift_right_arithmetic3A_3810 = vector.broadcast %shift_right_arithmetic3A_3809 : i32 to vector<16xi32>
        %shift_right_arithmetic3A_3811 = arith.shrsi %get3A_3808, %shift_right_arithmetic3A_3810 : vector<16xi32>
        %and3A_3812 = arith.constant 127 : i32
        %and3A_3813 = vector.broadcast %and3A_3812 : i32 to vector<16xi32>
        %and3A_3814 = arith.andi %get3A_3808, %and3A_3813 : vector<16xi32>
        %gather3A_3815 = tpu.vector_load_idx %arg8[%shift_right_arithmetic3A_3811, %and3A_3814] : memref<782x128xf32, #tpu.memory_space<vmem>>[vector<16xi32>, vector<16xi32>], vector<16xf32>,
        %add3A_3816 = arith.addf %add3A_3792, %gather3A_3815 : vector<16xf32>
        %get3A_3817 = arith.constant 16 : i32
        %get3A_3818 = arith.index_cast %get3A_3817 : i32 to index
        %get3A_3819 = arith.constant 96 : index
        %get3A_3820 = tpu.vector_load %arg10[%get3A_3818, %get3A_3819] {strides = array<i32>} : memref<20x128xi32, #tpu.memory_space<vmem>>, vector<16xi32>,
        %shift_right_arithmetic3A_3821 = arith.constant 7 : i32
        %shift_right_arithmetic3A_3822 = vector.broadcast %shift_right_arithmetic3A_3821 : i32 to vector<16xi32>
        %shift_right_arithmetic3A_3823 = arith.shrsi %get3A_3820, %shift_right_arithmetic3A_3822 : vector<16xi32>
        %and3A_3824 = arith.constant 127 : i32
        %and3A_3825 = vector.broadcast %and3A_3824 : i32 to vector<16xi32>
        %and3A_3826 = arith.andi %get3A_3820, %and3A_3825 : vector<16xi32>
        %gather3A_3827 = tpu.vector_load_idx %arg8[%shift_right_arithmetic3A_3823, %and3A_3826] : memref<782x128xf32, #tpu.memory_space<vmem>>[vector<16xi32>, vector<16xi32>], vector<16xf32>,
        %add3A_3828 = arith.addf %add3A_3804, %gather3A_3827 : vector<16xf32>
        %get3A_3829 = arith.constant 17 : i32
        %get3A_3830 = arith.index_cast %get3A_3829 : i32 to index
        %get3A_3831 = arith.constant 96 : index
        %get3A_3832 = tpu.vector_load %arg10[%get3A_3830, %get3A_3831] {strides = array<i32>} : memref<20x128xi32, #tpu.memory_space<vmem>>, vector<16xi32>,
        %shift_right_arithmetic3A_3833 = arith.constant 7 : i32
        %shift_right_arithmetic3A_3834 = vector.broadcast %shift_right_arithmetic3A_3833 : i32 to vector<16xi32>
        %shift_right_arithmetic3A_3835 = arith.shrsi %get3A_3832, %shift_right_arithmetic3A_3834 : vector<16xi32>
        %and3A_3836 = arith.constant 127 : i32
        %and3A_3837 = vector.broadcast %and3A_3836 : i32 to vector<16xi32>
        %and3A_3838 = arith.andi %get3A_3832, %and3A_3837 : vector<16xi32>
        %gather3A_3839 = tpu.vector_load_idx %arg8[%shift_right_arithmetic3A_3835, %and3A_3838] : memref<782x128xf32, #tpu.memory_space<vmem>>[vector<16xi32>, vector<16xi32>], vector<16xf32>,
        %add3A_3840 = arith.addf %add3A_3816, %gather3A_3839 : vector<16xf32>
        %get3A_3841 = arith.constant 18 : i32
        %get3A_3842 = arith.index_cast %get3A_3841 : i32 to index
        %get3A_3843 = arith.constant 96 : index
        %get3A_3844 = tpu.vector_load %arg10[%get3A_3842, %get3A_3843] {strides = array<i32>} : memref<20x128xi32, #tpu.memory_space<vmem>>, vector<16xi32>,
        %shift_right_arithmetic3A_3845 = arith.constant 7 : i32
        %shift_right_arithmetic3A_3846 = vector.broadcast %shift_right_arithmetic3A_3845 : i32 to vector<16xi32>
        %shift_right_arithmetic3A_3847 = arith.shrsi %get3A_3844, %shift_right_arithmetic3A_3846 : vector<16xi32>
        %and3A_3848 = arith.constant 127 : i32
        %and3A_3849 = vector.broadcast %and3A_3848 : i32 to vector<16xi32>
        %and3A_3850 = arith.andi %get3A_3844, %and3A_3849 : vector<16xi32>
        %gather3A_3851 = tpu.vector_load_idx %arg8[%shift_right_arithmetic3A_3847, %and3A_3850] : memref<782x128xf32, #tpu.memory_space<vmem>>[vector<16xi32>, vector<16xi32>], vector<16xf32>,
        %add3A_3852 = arith.addf %add3A_3828, %gather3A_3851 : vector<16xf32>
        %get3A_3853 = arith.constant 19 : i32
        %get3A_3854 = arith.index_cast %get3A_3853 : i32 to index
        %get3A_3855 = arith.constant 96 : index
        %get3A_3856 = tpu.vector_load %arg10[%get3A_3854, %get3A_3855] {strides = array<i32>} : memref<20x128xi32, #tpu.memory_space<vmem>>, vector<16xi32>,
        %shift_right_arithmetic3A_3857 = arith.constant 7 : i32
        %shift_right_arithmetic3A_3858 = vector.broadcast %shift_right_arithmetic3A_3857 : i32 to vector<16xi32>
        %shift_right_arithmetic3A_3859 = arith.shrsi %get3A_3856, %shift_right_arithmetic3A_3858 : vector<16xi32>
        %and3A_3860 = arith.constant 127 : i32
        %and3A_3861 = vector.broadcast %and3A_3860 : i32 to vector<16xi32>
        %and3A_3862 = arith.andi %get3A_3856, %and3A_3861 : vector<16xi32>
        %gather3A_3863 = tpu.vector_load_idx %arg8[%shift_right_arithmetic3A_3859, %and3A_3862] : memref<782x128xf32, #tpu.memory_space<vmem>>[vector<16xi32>, vector<16xi32>], vector<16xf32>,
        %add3A_3864 = arith.addf %add3A_3840, %gather3A_3863 : vector<16xf32>
        %add3A_3865 = arith.addf %add3A_3852, %add3A_3864 : vector<16xf32>
        %mul3A_3866 = arith.constant 128 : i32
        %mul3A_3867 = arith.muli %add3A_2099, %mul3A_3866 : i32
        %add3A_3868 = arith.constant 96 : i32
        %add3A_3869 = arith.addi %mul3A_3867, %add3A_3868 : i32
        %swap3A_3870 = arith.index_cast %add3A_3869 : i32 to index
        %swap3A_3871 = tpu.vector_load %arg11[%swap3A_3870] {strides = array<i32>} : memref<4096xf32, #tpu.memory_space<vmem>>, vector<16xf32>,
        tpu.vector_store %arg11[%swap3A_3870], %add3A_3865 {strides = array<i32>} : memref<4096xf32, #tpu.memory_space<vmem>>, vector<16xf32>,
        %broadcast_in_dim3A_3872 = arith.constant 0.000000e+00 : f32
        %broadcast_in_dim3A_3873 = vector.broadcast %broadcast_in_dim3A_3872 : f32 to vector<16xf32>
        %broadcast_in_dim3A_3874 = arith.constant 0.000000e+00 : f32
        %broadcast_in_dim3A_3875 = vector.broadcast %broadcast_in_dim3A_3874 : f32 to vector<16xf32>
        %get3A_3876 = arith.constant 0 : i32
        %get3A_3877 = arith.index_cast %get3A_3876 : i32 to index
        %get3A_3878 = arith.constant 112 : index
        %get3A_3879 = tpu.vector_load %arg10[%get3A_3877, %get3A_3878] {strides = array<i32>} : memref<20x128xi32, #tpu.memory_space<vmem>>, vector<16xi32>,
        %shift_right_arithmetic3A_3880 = arith.constant 7 : i32
        %shift_right_arithmetic3A_3881 = vector.broadcast %shift_right_arithmetic3A_3880 : i32 to vector<16xi32>
        %shift_right_arithmetic3A_3882 = arith.shrsi %get3A_3879, %shift_right_arithmetic3A_3881 : vector<16xi32>
        %and3A_3883 = arith.constant 127 : i32
        %and3A_3884 = vector.broadcast %and3A_3883 : i32 to vector<16xi32>
        %and3A_3885 = arith.andi %get3A_3879, %and3A_3884 : vector<16xi32>
        %gather3A_3886 = tpu.vector_load_idx %arg8[%shift_right_arithmetic3A_3882, %and3A_3885] : memref<782x128xf32, #tpu.memory_space<vmem>>[vector<16xi32>, vector<16xi32>], vector<16xf32>,
        %add3A_3887 = arith.addf %broadcast_in_dim3A_3873, %gather3A_3886 : vector<16xf32>
        %get3A_3888 = arith.constant 1 : i32
        %get3A_3889 = arith.index_cast %get3A_3888 : i32 to index
        %get3A_3890 = arith.constant 112 : index
        %get3A_3891 = tpu.vector_load %arg10[%get3A_3889, %get3A_3890] {strides = array<i32>} : memref<20x128xi32, #tpu.memory_space<vmem>>, vector<16xi32>,
        %shift_right_arithmetic3A_3892 = arith.constant 7 : i32
        %shift_right_arithmetic3A_3893 = vector.broadcast %shift_right_arithmetic3A_3892 : i32 to vector<16xi32>
        %shift_right_arithmetic3A_3894 = arith.shrsi %get3A_3891, %shift_right_arithmetic3A_3893 : vector<16xi32>
        %and3A_3895 = arith.constant 127 : i32
        %and3A_3896 = vector.broadcast %and3A_3895 : i32 to vector<16xi32>
        %and3A_3897 = arith.andi %get3A_3891, %and3A_3896 : vector<16xi32>
        %gather3A_3898 = tpu.vector_load_idx %arg8[%shift_right_arithmetic3A_3894, %and3A_3897] : memref<782x128xf32, #tpu.memory_space<vmem>>[vector<16xi32>, vector<16xi32>], vector<16xf32>,
        %add3A_3899 = arith.addf %broadcast_in_dim3A_3875, %gather3A_3898 : vector<16xf32>
        %get3A_3900 = arith.constant 2 : i32
        %get3A_3901 = arith.index_cast %get3A_3900 : i32 to index
        %get3A_3902 = arith.constant 112 : index
        %get3A_3903 = tpu.vector_load %arg10[%get3A_3901, %get3A_3902] {strides = array<i32>} : memref<20x128xi32, #tpu.memory_space<vmem>>, vector<16xi32>,
        %shift_right_arithmetic3A_3904 = arith.constant 7 : i32
        %shift_right_arithmetic3A_3905 = vector.broadcast %shift_right_arithmetic3A_3904 : i32 to vector<16xi32>
        %shift_right_arithmetic3A_3906 = arith.shrsi %get3A_3903, %shift_right_arithmetic3A_3905 : vector<16xi32>
        %and3A_3907 = arith.constant 127 : i32
        %and3A_3908 = vector.broadcast %and3A_3907 : i32 to vector<16xi32>
        %and3A_3909 = arith.andi %get3A_3903, %and3A_3908 : vector<16xi32>
        %gather3A_3910 = tpu.vector_load_idx %arg8[%shift_right_arithmetic3A_3906, %and3A_3909] : memref<782x128xf32, #tpu.memory_space<vmem>>[vector<16xi32>, vector<16xi32>], vector<16xf32>,
        %add3A_3911 = arith.addf %add3A_3887, %gather3A_3910 : vector<16xf32>
        %get3A_3912 = arith.constant 3 : i32
        %get3A_3913 = arith.index_cast %get3A_3912 : i32 to index
        %get3A_3914 = arith.constant 112 : index
        %get3A_3915 = tpu.vector_load %arg10[%get3A_3913, %get3A_3914] {strides = array<i32>} : memref<20x128xi32, #tpu.memory_space<vmem>>, vector<16xi32>,
        %shift_right_arithmetic3A_3916 = arith.constant 7 : i32
        %shift_right_arithmetic3A_3917 = vector.broadcast %shift_right_arithmetic3A_3916 : i32 to vector<16xi32>
        %shift_right_arithmetic3A_3918 = arith.shrsi %get3A_3915, %shift_right_arithmetic3A_3917 : vector<16xi32>
        %and3A_3919 = arith.constant 127 : i32
        %and3A_3920 = vector.broadcast %and3A_3919 : i32 to vector<16xi32>
        %and3A_3921 = arith.andi %get3A_3915, %and3A_3920 : vector<16xi32>
        %gather3A_3922 = tpu.vector_load_idx %arg8[%shift_right_arithmetic3A_3918, %and3A_3921] : memref<782x128xf32, #tpu.memory_space<vmem>>[vector<16xi32>, vector<16xi32>], vector<16xf32>,
        %add3A_3923 = arith.addf %add3A_3899, %gather3A_3922 : vector<16xf32>
        %get3A_3924 = arith.constant 4 : i32
        %get3A_3925 = arith.index_cast %get3A_3924 : i32 to index
        %get3A_3926 = arith.constant 112 : index
        %get3A_3927 = tpu.vector_load %arg10[%get3A_3925, %get3A_3926] {strides = array<i32>} : memref<20x128xi32, #tpu.memory_space<vmem>>, vector<16xi32>,
        %shift_right_arithmetic3A_3928 = arith.constant 7 : i32
        %shift_right_arithmetic3A_3929 = vector.broadcast %shift_right_arithmetic3A_3928 : i32 to vector<16xi32>
        %shift_right_arithmetic3A_3930 = arith.shrsi %get3A_3927, %shift_right_arithmetic3A_3929 : vector<16xi32>
        %and3A_3931 = arith.constant 127 : i32
        %and3A_3932 = vector.broadcast %and3A_3931 : i32 to vector<16xi32>
        %and3A_3933 = arith.andi %get3A_3927, %and3A_3932 : vector<16xi32>
        %gather3A_3934 = tpu.vector_load_idx %arg8[%shift_right_arithmetic3A_3930, %and3A_3933] : memref<782x128xf32, #tpu.memory_space<vmem>>[vector<16xi32>, vector<16xi32>], vector<16xf32>,
        %add3A_3935 = arith.addf %add3A_3911, %gather3A_3934 : vector<16xf32>
        %get3A_3936 = arith.constant 5 : i32
        %get3A_3937 = arith.index_cast %get3A_3936 : i32 to index
        %get3A_3938 = arith.constant 112 : index
        %get3A_3939 = tpu.vector_load %arg10[%get3A_3937, %get3A_3938] {strides = array<i32>} : memref<20x128xi32, #tpu.memory_space<vmem>>, vector<16xi32>,
        %shift_right_arithmetic3A_3940 = arith.constant 7 : i32
        %shift_right_arithmetic3A_3941 = vector.broadcast %shift_right_arithmetic3A_3940 : i32 to vector<16xi32>
        %shift_right_arithmetic3A_3942 = arith.shrsi %get3A_3939, %shift_right_arithmetic3A_3941 : vector<16xi32>
        %and3A_3943 = arith.constant 127 : i32
        %and3A_3944 = vector.broadcast %and3A_3943 : i32 to vector<16xi32>
        %and3A_3945 = arith.andi %get3A_3939, %and3A_3944 : vector<16xi32>
        %gather3A_3946 = tpu.vector_load_idx %arg8[%shift_right_arithmetic3A_3942, %and3A_3945] : memref<782x128xf32, #tpu.memory_space<vmem>>[vector<16xi32>, vector<16xi32>], vector<16xf32>,
        %add3A_3947 = arith.addf %add3A_3923, %gather3A_3946 : vector<16xf32>
        %get3A_3948 = arith.constant 6 : i32
        %get3A_3949 = arith.index_cast %get3A_3948 : i32 to index
        %get3A_3950 = arith.constant 112 : index
        %get3A_3951 = tpu.vector_load %arg10[%get3A_3949, %get3A_3950] {strides = array<i32>} : memref<20x128xi32, #tpu.memory_space<vmem>>, vector<16xi32>,
        %shift_right_arithmetic3A_3952 = arith.constant 7 : i32
        %shift_right_arithmetic3A_3953 = vector.broadcast %shift_right_arithmetic3A_3952 : i32 to vector<16xi32>
        %shift_right_arithmetic3A_3954 = arith.shrsi %get3A_3951, %shift_right_arithmetic3A_3953 : vector<16xi32>
        %and3A_3955 = arith.constant 127 : i32
        %and3A_3956 = vector.broadcast %and3A_3955 : i32 to vector<16xi32>
        %and3A_3957 = arith.andi %get3A_3951, %and3A_3956 : vector<16xi32>
        %gather3A_3958 = tpu.vector_load_idx %arg8[%shift_right_arithmetic3A_3954, %and3A_3957] : memref<782x128xf32, #tpu.memory_space<vmem>>[vector<16xi32>, vector<16xi32>], vector<16xf32>,
        %add3A_3959 = arith.addf %add3A_3935, %gather3A_3958 : vector<16xf32>
        %get3A_3960 = arith.constant 7 : i32
        %get3A_3961 = arith.index_cast %get3A_3960 : i32 to index
        %get3A_3962 = arith.constant 112 : index
        %get3A_3963 = tpu.vector_load %arg10[%get3A_3961, %get3A_3962] {strides = array<i32>} : memref<20x128xi32, #tpu.memory_space<vmem>>, vector<16xi32>,
        %shift_right_arithmetic3A_3964 = arith.constant 7 : i32
        %shift_right_arithmetic3A_3965 = vector.broadcast %shift_right_arithmetic3A_3964 : i32 to vector<16xi32>
        %shift_right_arithmetic3A_3966 = arith.shrsi %get3A_3963, %shift_right_arithmetic3A_3965 : vector<16xi32>
        %and3A_3967 = arith.constant 127 : i32
        %and3A_3968 = vector.broadcast %and3A_3967 : i32 to vector<16xi32>
        %and3A_3969 = arith.andi %get3A_3963, %and3A_3968 : vector<16xi32>
        %gather3A_3970 = tpu.vector_load_idx %arg8[%shift_right_arithmetic3A_3966, %and3A_3969] : memref<782x128xf32, #tpu.memory_space<vmem>>[vector<16xi32>, vector<16xi32>], vector<16xf32>,
        %add3A_3971 = arith.addf %add3A_3947, %gather3A_3970 : vector<16xf32>
        %get3A_3972 = arith.constant 8 : i32
        %get3A_3973 = arith.index_cast %get3A_3972 : i32 to index
        %get3A_3974 = arith.constant 112 : index
        %get3A_3975 = tpu.vector_load %arg10[%get3A_3973, %get3A_3974] {strides = array<i32>} : memref<20x128xi32, #tpu.memory_space<vmem>>, vector<16xi32>,
        %shift_right_arithmetic3A_3976 = arith.constant 7 : i32
        %shift_right_arithmetic3A_3977 = vector.broadcast %shift_right_arithmetic3A_3976 : i32 to vector<16xi32>
        %shift_right_arithmetic3A_3978 = arith.shrsi %get3A_3975, %shift_right_arithmetic3A_3977 : vector<16xi32>
        %and3A_3979 = arith.constant 127 : i32
        %and3A_3980 = vector.broadcast %and3A_3979 : i32 to vector<16xi32>
        %and3A_3981 = arith.andi %get3A_3975, %and3A_3980 : vector<16xi32>
        %gather3A_3982 = tpu.vector_load_idx %arg8[%shift_right_arithmetic3A_3978, %and3A_3981] : memref<782x128xf32, #tpu.memory_space<vmem>>[vector<16xi32>, vector<16xi32>], vector<16xf32>,
        %add3A_3983 = arith.addf %add3A_3959, %gather3A_3982 : vector<16xf32>
        %get3A_3984 = arith.constant 9 : i32
        %get3A_3985 = arith.index_cast %get3A_3984 : i32 to index
        %get3A_3986 = arith.constant 112 : index
        %get3A_3987 = tpu.vector_load %arg10[%get3A_3985, %get3A_3986] {strides = array<i32>} : memref<20x128xi32, #tpu.memory_space<vmem>>, vector<16xi32>,
        %shift_right_arithmetic3A_3988 = arith.constant 7 : i32
        %shift_right_arithmetic3A_3989 = vector.broadcast %shift_right_arithmetic3A_3988 : i32 to vector<16xi32>
        %shift_right_arithmetic3A_3990 = arith.shrsi %get3A_3987, %shift_right_arithmetic3A_3989 : vector<16xi32>
        %and3A_3991 = arith.constant 127 : i32
        %and3A_3992 = vector.broadcast %and3A_3991 : i32 to vector<16xi32>
        %and3A_3993 = arith.andi %get3A_3987, %and3A_3992 : vector<16xi32>
        %gather3A_3994 = tpu.vector_load_idx %arg8[%shift_right_arithmetic3A_3990, %and3A_3993] : memref<782x128xf32, #tpu.memory_space<vmem>>[vector<16xi32>, vector<16xi32>], vector<16xf32>,
        %add3A_3995 = arith.addf %add3A_3971, %gather3A_3994 : vector<16xf32>
        %get3A_3996 = arith.constant 10 : i32
        %get3A_3997 = arith.index_cast %get3A_3996 : i32 to index
        %get3A_3998 = arith.constant 112 : index
        %get3A_3999 = tpu.vector_load %arg10[%get3A_3997, %get3A_3998] {strides = array<i32>} : memref<20x128xi32, #tpu.memory_space<vmem>>, vector<16xi32>,
        %shift_right_arithmetic3A_4000 = arith.constant 7 : i32
        %shift_right_arithmetic3A_4001 = vector.broadcast %shift_right_arithmetic3A_4000 : i32 to vector<16xi32>
        %shift_right_arithmetic3A_4002 = arith.shrsi %get3A_3999, %shift_right_arithmetic3A_4001 : vector<16xi32>
        %and3A_4003 = arith.constant 127 : i32
        %and3A_4004 = vector.broadcast %and3A_4003 : i32 to vector<16xi32>
        %and3A_4005 = arith.andi %get3A_3999, %and3A_4004 : vector<16xi32>
        %gather3A_4006 = tpu.vector_load_idx %arg8[%shift_right_arithmetic3A_4002, %and3A_4005] : memref<782x128xf32, #tpu.memory_space<vmem>>[vector<16xi32>, vector<16xi32>], vector<16xf32>,
        %add3A_4007 = arith.addf %add3A_3983, %gather3A_4006 : vector<16xf32>
        %get3A_4008 = arith.constant 11 : i32
        %get3A_4009 = arith.index_cast %get3A_4008 : i32 to index
        %get3A_4010 = arith.constant 112 : index
        %get3A_4011 = tpu.vector_load %arg10[%get3A_4009, %get3A_4010] {strides = array<i32>} : memref<20x128xi32, #tpu.memory_space<vmem>>, vector<16xi32>,
        %shift_right_arithmetic3A_4012 = arith.constant 7 : i32
        %shift_right_arithmetic3A_4013 = vector.broadcast %shift_right_arithmetic3A_4012 : i32 to vector<16xi32>
        %shift_right_arithmetic3A_4014 = arith.shrsi %get3A_4011, %shift_right_arithmetic3A_4013 : vector<16xi32>
        %and3A_4015 = arith.constant 127 : i32
        %and3A_4016 = vector.broadcast %and3A_4015 : i32 to vector<16xi32>
        %and3A_4017 = arith.andi %get3A_4011, %and3A_4016 : vector<16xi32>
        %gather3A_4018 = tpu.vector_load_idx %arg8[%shift_right_arithmetic3A_4014, %and3A_4017] : memref<782x128xf32, #tpu.memory_space<vmem>>[vector<16xi32>, vector<16xi32>], vector<16xf32>,
        %add3A_4019 = arith.addf %add3A_3995, %gather3A_4018 : vector<16xf32>
        %get3A_4020 = arith.constant 12 : i32
        %get3A_4021 = arith.index_cast %get3A_4020 : i32 to index
        %get3A_4022 = arith.constant 112 : index
        %get3A_4023 = tpu.vector_load %arg10[%get3A_4021, %get3A_4022] {strides = array<i32>} : memref<20x128xi32, #tpu.memory_space<vmem>>, vector<16xi32>,
        %shift_right_arithmetic3A_4024 = arith.constant 7 : i32
        %shift_right_arithmetic3A_4025 = vector.broadcast %shift_right_arithmetic3A_4024 : i32 to vector<16xi32>
        %shift_right_arithmetic3A_4026 = arith.shrsi %get3A_4023, %shift_right_arithmetic3A_4025 : vector<16xi32>
        %and3A_4027 = arith.constant 127 : i32
        %and3A_4028 = vector.broadcast %and3A_4027 : i32 to vector<16xi32>
        %and3A_4029 = arith.andi %get3A_4023, %and3A_4028 : vector<16xi32>
        %gather3A_4030 = tpu.vector_load_idx %arg8[%shift_right_arithmetic3A_4026, %and3A_4029] : memref<782x128xf32, #tpu.memory_space<vmem>>[vector<16xi32>, vector<16xi32>], vector<16xf32>,
        %add3A_4031 = arith.addf %add3A_4007, %gather3A_4030 : vector<16xf32>
        %get3A_4032 = arith.constant 13 : i32
        %get3A_4033 = arith.index_cast %get3A_4032 : i32 to index
        %get3A_4034 = arith.constant 112 : index
        %get3A_4035 = tpu.vector_load %arg10[%get3A_4033, %get3A_4034] {strides = array<i32>} : memref<20x128xi32, #tpu.memory_space<vmem>>, vector<16xi32>,
        %shift_right_arithmetic3A_4036 = arith.constant 7 : i32
        %shift_right_arithmetic3A_4037 = vector.broadcast %shift_right_arithmetic3A_4036 : i32 to vector<16xi32>
        %shift_right_arithmetic3A_4038 = arith.shrsi %get3A_4035, %shift_right_arithmetic3A_4037 : vector<16xi32>
        %and3A_4039 = arith.constant 127 : i32
        %and3A_4040 = vector.broadcast %and3A_4039 : i32 to vector<16xi32>
        %and3A_4041 = arith.andi %get3A_4035, %and3A_4040 : vector<16xi32>
        %gather3A_4042 = tpu.vector_load_idx %arg8[%shift_right_arithmetic3A_4038, %and3A_4041] : memref<782x128xf32, #tpu.memory_space<vmem>>[vector<16xi32>, vector<16xi32>], vector<16xf32>,
        %add3A_4043 = arith.addf %add3A_4019, %gather3A_4042 : vector<16xf32>
        %get3A_4044 = arith.constant 14 : i32
        %get3A_4045 = arith.index_cast %get3A_4044 : i32 to index
        %get3A_4046 = arith.constant 112 : index
        %get3A_4047 = tpu.vector_load %arg10[%get3A_4045, %get3A_4046] {strides = array<i32>} : memref<20x128xi32, #tpu.memory_space<vmem>>, vector<16xi32>,
        %shift_right_arithmetic3A_4048 = arith.constant 7 : i32
        %shift_right_arithmetic3A_4049 = vector.broadcast %shift_right_arithmetic3A_4048 : i32 to vector<16xi32>
        %shift_right_arithmetic3A_4050 = arith.shrsi %get3A_4047, %shift_right_arithmetic3A_4049 : vector<16xi32>
        %and3A_4051 = arith.constant 127 : i32
        %and3A_4052 = vector.broadcast %and3A_4051 : i32 to vector<16xi32>
        %and3A_4053 = arith.andi %get3A_4047, %and3A_4052 : vector<16xi32>
        %gather3A_4054 = tpu.vector_load_idx %arg8[%shift_right_arithmetic3A_4050, %and3A_4053] : memref<782x128xf32, #tpu.memory_space<vmem>>[vector<16xi32>, vector<16xi32>], vector<16xf32>,
        %add3A_4055 = arith.addf %add3A_4031, %gather3A_4054 : vector<16xf32>
        %get3A_4056 = arith.constant 15 : i32
        %get3A_4057 = arith.index_cast %get3A_4056 : i32 to index
        %get3A_4058 = arith.constant 112 : index
        %get3A_4059 = tpu.vector_load %arg10[%get3A_4057, %get3A_4058] {strides = array<i32>} : memref<20x128xi32, #tpu.memory_space<vmem>>, vector<16xi32>,
        %shift_right_arithmetic3A_4060 = arith.constant 7 : i32
        %shift_right_arithmetic3A_4061 = vector.broadcast %shift_right_arithmetic3A_4060 : i32 to vector<16xi32>
        %shift_right_arithmetic3A_4062 = arith.shrsi %get3A_4059, %shift_right_arithmetic3A_4061 : vector<16xi32>
        %and3A_4063 = arith.constant 127 : i32
        %and3A_4064 = vector.broadcast %and3A_4063 : i32 to vector<16xi32>
        %and3A_4065 = arith.andi %get3A_4059, %and3A_4064 : vector<16xi32>
        %gather3A_4066 = tpu.vector_load_idx %arg8[%shift_right_arithmetic3A_4062, %and3A_4065] : memref<782x128xf32, #tpu.memory_space<vmem>>[vector<16xi32>, vector<16xi32>], vector<16xf32>,
        %add3A_4067 = arith.addf %add3A_4043, %gather3A_4066 : vector<16xf32>
        %get3A_4068 = arith.constant 16 : i32
        %get3A_4069 = arith.index_cast %get3A_4068 : i32 to index
        %get3A_4070 = arith.constant 112 : index
        %get3A_4071 = tpu.vector_load %arg10[%get3A_4069, %get3A_4070] {strides = array<i32>} : memref<20x128xi32, #tpu.memory_space<vmem>>, vector<16xi32>,
        %shift_right_arithmetic3A_4072 = arith.constant 7 : i32
        %shift_right_arithmetic3A_4073 = vector.broadcast %shift_right_arithmetic3A_4072 : i32 to vector<16xi32>
        %shift_right_arithmetic3A_4074 = arith.shrsi %get3A_4071, %shift_right_arithmetic3A_4073 : vector<16xi32>
        %and3A_4075 = arith.constant 127 : i32
        %and3A_4076 = vector.broadcast %and3A_4075 : i32 to vector<16xi32>
        %and3A_4077 = arith.andi %get3A_4071, %and3A_4076 : vector<16xi32>
        %gather3A_4078 = tpu.vector_load_idx %arg8[%shift_right_arithmetic3A_4074, %and3A_4077] : memref<782x128xf32, #tpu.memory_space<vmem>>[vector<16xi32>, vector<16xi32>], vector<16xf32>,
        %add3A_4079 = arith.addf %add3A_4055, %gather3A_4078 : vector<16xf32>
        %get3A_4080 = arith.constant 17 : i32
        %get3A_4081 = arith.index_cast %get3A_4080 : i32 to index
        %get3A_4082 = arith.constant 112 : index
        %get3A_4083 = tpu.vector_load %arg10[%get3A_4081, %get3A_4082] {strides = array<i32>} : memref<20x128xi32, #tpu.memory_space<vmem>>, vector<16xi32>,
        %shift_right_arithmetic3A_4084 = arith.constant 7 : i32
        %shift_right_arithmetic3A_4085 = vector.broadcast %shift_right_arithmetic3A_4084 : i32 to vector<16xi32>
        %shift_right_arithmetic3A_4086 = arith.shrsi %get3A_4083, %shift_right_arithmetic3A_4085 : vector<16xi32>
        %and3A_4087 = arith.constant 127 : i32
        %and3A_4088 = vector.broadcast %and3A_4087 : i32 to vector<16xi32>
        %and3A_4089 = arith.andi %get3A_4083, %and3A_4088 : vector<16xi32>
        %gather3A_4090 = tpu.vector_load_idx %arg8[%shift_right_arithmetic3A_4086, %and3A_4089] : memref<782x128xf32, #tpu.memory_space<vmem>>[vector<16xi32>, vector<16xi32>], vector<16xf32>,
        %add3A_4091 = arith.addf %add3A_4067, %gather3A_4090 : vector<16xf32>
        %get3A_4092 = arith.constant 18 : i32
        %get3A_4093 = arith.index_cast %get3A_4092 : i32 to index
        %get3A_4094 = arith.constant 112 : index
        %get3A_4095 = tpu.vector_load %arg10[%get3A_4093, %get3A_4094] {strides = array<i32>} : memref<20x128xi32, #tpu.memory_space<vmem>>, vector<16xi32>,
        %shift_right_arithmetic3A_4096 = arith.constant 7 : i32
        %shift_right_arithmetic3A_4097 = vector.broadcast %shift_right_arithmetic3A_4096 : i32 to vector<16xi32>
        %shift_right_arithmetic3A_4098 = arith.shrsi %get3A_4095, %shift_right_arithmetic3A_4097 : vector<16xi32>
        %and3A_4099 = arith.constant 127 : i32
        %and3A_4100 = vector.broadcast %and3A_4099 : i32 to vector<16xi32>
        %and3A_4101 = arith.andi %get3A_4095, %and3A_4100 : vector<16xi32>
        %gather3A_4102 = tpu.vector_load_idx %arg8[%shift_right_arithmetic3A_4098, %and3A_4101] : memref<782x128xf32, #tpu.memory_space<vmem>>[vector<16xi32>, vector<16xi32>], vector<16xf32>,
        %add3A_4103 = arith.addf %add3A_4079, %gather3A_4102 : vector<16xf32>
        %get3A_4104 = arith.constant 19 : i32
        %get3A_4105 = arith.index_cast %get3A_4104 : i32 to index
        %get3A_4106 = arith.constant 112 : index
        %get3A_4107 = tpu.vector_load %arg10[%get3A_4105, %get3A_4106] {strides = array<i32>} : memref<20x128xi32, #tpu.memory_space<vmem>>, vector<16xi32>,
        %shift_right_arithmetic3A_4108 = arith.constant 7 : i32
        %shift_right_arithmetic3A_4109 = vector.broadcast %shift_right_arithmetic3A_4108 : i32 to vector<16xi32>
        %shift_right_arithmetic3A_4110 = arith.shrsi %get3A_4107, %shift_right_arithmetic3A_4109 : vector<16xi32>
        %and3A_4111 = arith.constant 127 : i32
        %and3A_4112 = vector.broadcast %and3A_4111 : i32 to vector<16xi32>
        %and3A_4113 = arith.andi %get3A_4107, %and3A_4112 : vector<16xi32>
        %gather3A_4114 = tpu.vector_load_idx %arg8[%shift_right_arithmetic3A_4110, %and3A_4113] : memref<782x128xf32, #tpu.memory_space<vmem>>[vector<16xi32>, vector<16xi32>], vector<16xf32>,
        %add3A_4115 = arith.addf %add3A_4091, %gather3A_4114 : vector<16xf32>
        %add3A_4116 = arith.addf %add3A_4103, %add3A_4115 : vector<16xf32>
        %mul3A_4117 = arith.constant 128 : i32
        %mul3A_4118 = arith.muli %add3A_2099, %mul3A_4117 : i32
        %add3A_4119 = arith.constant 112 : i32
        %add3A_4120 = arith.addi %mul3A_4118, %add3A_4119 : i32
        %swap3A_4121 = arith.index_cast %add3A_4120 : i32 to index
        %swap3A_4122 = tpu.vector_load %arg11[%swap3A_4121] {strides = array<i32>} : memref<4096xf32, #tpu.memory_space<vmem>>, vector<16xf32>,
        tpu.vector_store %arg11[%swap3A_4121], %add3A_4116 {strides = array<i32>} : memref<4096xf32, #tpu.memory_space<vmem>>, vector<16xf32>,
      }
      %scan3A_60 = arith.constant 16 : i32
      %dma_start3A_61 = arith.constant 0 : i32
      %dma_start3A_62 = tpu.memref_slice %arg6[%shift_right_arithmetic3A_40, %and3A_41, %dma_start3A_61] : memref<26x32x4096xf32, #tpu.memory_space<hbm>> -> memref<1x1x4096xf32, #tpu.memory_space<hbm>>
      %dma_start3A_63 = tpu.memref_squeeze %dma_start3A_62 : memref<1x1x4096xf32, #tpu.memory_space<hbm>> -> memref<4096xf32, #tpu.memory_space<hbm>>
      %dma_start3A_64 = arith.constant 0 : i32
      %dma_start3A_65 = tpu.memref_slice %arg6[%shift_right_arithmetic3A_40, %and3A_41, %dma_start3A_64] : memref<26x32x4096xf32, #tpu.memory_space<hbm>> -> memref<1x1x4096xf32, #tpu.memory_space<hbm>>
      %dma_start3A_66 = tpu.memref_squeeze %dma_start3A_65 : memref<1x1x4096xf32, #tpu.memory_space<hbm>> -> memref<4096xf32, #tpu.memory_space<hbm>>
      tpu.enqueue_dma source(%arg11 : memref<4096xf32, #tpu.memory_space<vmem>>) target(%dma_start3A_66 : memref<4096xf32, #tpu.memory_space<hbm>>) target_semaphore(%arg13 : memref<!tpu.dma_semaphore, #tpu.memory_space<semaphore_mem>>)
    }
    %scan3A_4 = arith.constant 26 : i32
    %dma_wait3A = arith.constant 0 : i32
    %dma_wait3A_5 = arith.constant 0 : i32
    %dma_wait3A_6 = arith.constant 0 : i32
    %dma_wait3A_7 = tpu.memref_slice %arg6[%dma_wait3A, %dma_wait3A_5, %dma_wait3A_6] : memref<26x32x4096xf32, #tpu.memory_space<hbm>> -> memref<1x1x4096xf32, #tpu.memory_space<hbm>>
    %dma_wait3A_8 = tpu.memref_squeeze %dma_wait3A_7 : memref<1x1x4096xf32, #tpu.memory_space<hbm>> -> memref<4096xf32, #tpu.memory_space<hbm>>
    %dma_wait3A_9 = arith.constant 0 : i32
    %dma_wait3A_10 = tpu.memref_slice %arg6[%dma_wait3A, %dma_wait3A_5, %dma_wait3A_9] : memref<26x32x4096xf32, #tpu.memory_space<hbm>> -> memref<1x1x4096xf32, #tpu.memory_space<hbm>>
    %dma_wait3A_11 = tpu.memref_squeeze %dma_wait3A_10 : memref<1x1x4096xf32, #tpu.memory_space<hbm>> -> memref<4096xf32, #tpu.memory_space<hbm>>
    tpu.wait_dma2 semaphore(%arg13 : memref<!tpu.dma_semaphore, #tpu.memory_space<semaphore_mem>>) src(%arg11 : memref<4096xf32, #tpu.memory_space<vmem>>) dst(%dma_wait3A_11 : memref<4096xf32, #tpu.memory_space<hbm>>)
    %mul3A_12 = arith.constant 26 : i32
    %mul3A_13 = arith.muli %add3A, %mul3A_12 : i32
    "tpu.region"() ({
      %run_scoped3A = tpu.sem_alloc : memref<!tpu.dma_semaphore, #tpu.memory_space<semaphore_mem>>
      %dma_start3A_32 = arith.constant 0 : i32
      %dma_start3A_33 = tpu.memref_slice %arg3[%mul3A_13, %dma_start3A_32] : memref<832x128xi32, #tpu.memory_space<hbm>> -> memref<26x128xi32, #tpu.memory_space<hbm>>
      %dma_start3A_34 = arith.constant 0 : i32
      %dma_start3A_35 = tpu.memref_slice %arg3[%mul3A_13, %dma_start3A_34] : memref<832x128xi32, #tpu.memory_space<hbm>> -> memref<26x128xi32, #tpu.memory_space<hbm>>
      tpu.enqueue_dma source(%dma_start3A_35 : memref<26x128xi32, #tpu.memory_space<hbm>>) target(%arg14 : memref<26x128xi32, #tpu.memory_space<vmem>>) target_semaphore(%run_scoped3A : memref<!tpu.dma_semaphore, #tpu.memory_space<semaphore_mem>>)
      %dma_wait3A_36 = arith.constant 0 : i32
      %dma_wait3A_37 = tpu.memref_slice %arg3[%mul3A_13, %dma_wait3A_36] : memref<832x128xi32, #tpu.memory_space<hbm>> -> memref<26x128xi32, #tpu.memory_space<hbm>>
      %dma_wait3A_38 = arith.constant 0 : i32
      %dma_wait3A_39 = tpu.memref_slice %arg3[%mul3A_13, %dma_wait3A_38] : memref<832x128xi32, #tpu.memory_space<hbm>> -> memref<26x128xi32, #tpu.memory_space<hbm>>
      tpu.wait_dma2 semaphore(%run_scoped3A : memref<!tpu.dma_semaphore, #tpu.memory_space<semaphore_mem>>) src(%dma_wait3A_39 : memref<26x128xi32, #tpu.memory_space<hbm>>) dst(%arg14 : memref<26x128xi32, #tpu.memory_space<vmem>>)
      tpu.yield
    }) : () -> ()
    %scan3A_14 = arith.constant 0 : i32
    %scan3A_15 = arith.constant 26 : i32
    %scan3A_16 = arith.addi %scan3A_14, %scan3A_15 : i32
    %scan3A_17 = arith.constant 1 : i32
    scf.for %scan3A_32 = %scan3A_14 to %scan3A_16 step %scan3A_17  : i32 {
      %mul3A_33 = arith.constant 1 : i32
      %mul3A_34 = arith.muli %scan3A_32, %mul3A_33 : i32
      %add3A_35 = arith.constant 0 : i32
      %add3A_36 = arith.addi %add3A_35, %mul3A_34 : i32
      %get3A = arith.index_cast %add3A_36 : i32 to index
      %get3A_37 = arith.constant 0 : index
      %get3A_38 = tpu.vector_load %arg14[%get3A, %get3A_37] {strides = array<i32>} : memref<26x128xi32, #tpu.memory_space<vmem>>, vector<16xi32>,
      %shift_right_arithmetic3A = arith.constant 7 : i32
      %shift_right_arithmetic3A_39 = vector.broadcast %shift_right_arithmetic3A : i32 to vector<16xi32>
      %shift_right_arithmetic3A_40 = arith.shrsi %get3A_38, %shift_right_arithmetic3A_39 : vector<16xi32>
      %swap3A_41 = arith.index_cast %add3A_36 : i32 to index
      %swap3A_42 = arith.constant 0 : index
      %swap3A_43 = tpu.vector_load %arg15[%swap3A_41, %swap3A_42] {strides = array<i32>} : memref<26x128xi32, #tpu.memory_space<vmem>>, vector<16xi32>,
      tpu.vector_store %arg15[%swap3A_41, %swap3A_42], %shift_right_arithmetic3A_40 {strides = array<i32>} : memref<26x128xi32, #tpu.memory_space<vmem>>, vector<16xi32>,
      %get3A_44 = arith.index_cast %add3A_36 : i32 to index
      %get3A_45 = arith.constant 16 : index
      %get3A_46 = tpu.vector_load %arg14[%get3A_44, %get3A_45] {strides = array<i32>} : memref<26x128xi32, #tpu.memory_space<vmem>>, vector<16xi32>,
      %shift_right_arithmetic3A_47 = arith.constant 7 : i32
      %shift_right_arithmetic3A_48 = vector.broadcast %shift_right_arithmetic3A_47 : i32 to vector<16xi32>
      %shift_right_arithmetic3A_49 = arith.shrsi %get3A_46, %shift_right_arithmetic3A_48 : vector<16xi32>
      %swap3A_50 = arith.index_cast %add3A_36 : i32 to index
      %swap3A_51 = arith.constant 16 : index
      %swap3A_52 = tpu.vector_load %arg15[%swap3A_50, %swap3A_51] {strides = array<i32>} : memref<26x128xi32, #tpu.memory_space<vmem>>, vector<16xi32>,
      tpu.vector_store %arg15[%swap3A_50, %swap3A_51], %shift_right_arithmetic3A_49 {strides = array<i32>} : memref<26x128xi32, #tpu.memory_space<vmem>>, vector<16xi32>,
      %get3A_53 = arith.index_cast %add3A_36 : i32 to index
      %get3A_54 = arith.constant 32 : index
      %get3A_55 = tpu.vector_load %arg14[%get3A_53, %get3A_54] {strides = array<i32>} : memref<26x128xi32, #tpu.memory_space<vmem>>, vector<16xi32>,
      %shift_right_arithmetic3A_56 = arith.constant 7 : i32
      %shift_right_arithmetic3A_57 = vector.broadcast %shift_right_arithmetic3A_56 : i32 to vector<16xi32>
      %shift_right_arithmetic3A_58 = arith.shrsi %get3A_55, %shift_right_arithmetic3A_57 : vector<16xi32>
      %swap3A_59 = arith.index_cast %add3A_36 : i32 to index
      %swap3A_60 = arith.constant 32 : index
      %swap3A_61 = tpu.vector_load %arg15[%swap3A_59, %swap3A_60] {strides = array<i32>} : memref<26x128xi32, #tpu.memory_space<vmem>>, vector<16xi32>,
      tpu.vector_store %arg15[%swap3A_59, %swap3A_60], %shift_right_arithmetic3A_58 {strides = array<i32>} : memref<26x128xi32, #tpu.memory_space<vmem>>, vector<16xi32>,
      %get3A_62 = arith.index_cast %add3A_36 : i32 to index
      %get3A_63 = arith.constant 48 : index
      %get3A_64 = tpu.vector_load %arg14[%get3A_62, %get3A_63] {strides = array<i32>} : memref<26x128xi32, #tpu.memory_space<vmem>>, vector<16xi32>,
      %shift_right_arithmetic3A_65 = arith.constant 7 : i32
      %shift_right_arithmetic3A_66 = vector.broadcast %shift_right_arithmetic3A_65 : i32 to vector<16xi32>
      %shift_right_arithmetic3A_67 = arith.shrsi %get3A_64, %shift_right_arithmetic3A_66 : vector<16xi32>
      %swap3A_68 = arith.index_cast %add3A_36 : i32 to index
      %swap3A_69 = arith.constant 48 : index
      %swap3A_70 = tpu.vector_load %arg15[%swap3A_68, %swap3A_69] {strides = array<i32>} : memref<26x128xi32, #tpu.memory_space<vmem>>, vector<16xi32>,
      tpu.vector_store %arg15[%swap3A_68, %swap3A_69], %shift_right_arithmetic3A_67 {strides = array<i32>} : memref<26x128xi32, #tpu.memory_space<vmem>>, vector<16xi32>,
      %get3A_71 = arith.index_cast %add3A_36 : i32 to index
      %get3A_72 = arith.constant 64 : index
      %get3A_73 = tpu.vector_load %arg14[%get3A_71, %get3A_72] {strides = array<i32>} : memref<26x128xi32, #tpu.memory_space<vmem>>, vector<16xi32>,
      %shift_right_arithmetic3A_74 = arith.constant 7 : i32
      %shift_right_arithmetic3A_75 = vector.broadcast %shift_right_arithmetic3A_74 : i32 to vector<16xi32>
      %shift_right_arithmetic3A_76 = arith.shrsi %get3A_73, %shift_right_arithmetic3A_75 : vector<16xi32>
      %swap3A_77 = arith.index_cast %add3A_36 : i32 to index
      %swap3A_78 = arith.constant 64 : index
      %swap3A_79 = tpu.vector_load %arg15[%swap3A_77, %swap3A_78] {strides = array<i32>} : memref<26x128xi32, #tpu.memory_space<vmem>>, vector<16xi32>,
      tpu.vector_store %arg15[%swap3A_77, %swap3A_78], %shift_right_arithmetic3A_76 {strides = array<i32>} : memref<26x128xi32, #tpu.memory_space<vmem>>, vector<16xi32>,
      %get3A_80 = arith.index_cast %add3A_36 : i32 to index
      %get3A_81 = arith.constant 80 : index
      %get3A_82 = tpu.vector_load %arg14[%get3A_80, %get3A_81] {strides = array<i32>} : memref<26x128xi32, #tpu.memory_space<vmem>>, vector<16xi32>,
      %shift_right_arithmetic3A_83 = arith.constant 7 : i32
      %shift_right_arithmetic3A_84 = vector.broadcast %shift_right_arithmetic3A_83 : i32 to vector<16xi32>
      %shift_right_arithmetic3A_85 = arith.shrsi %get3A_82, %shift_right_arithmetic3A_84 : vector<16xi32>
      %swap3A_86 = arith.index_cast %add3A_36 : i32 to index
      %swap3A_87 = arith.constant 80 : index
      %swap3A_88 = tpu.vector_load %arg15[%swap3A_86, %swap3A_87] {strides = array<i32>} : memref<26x128xi32, #tpu.memory_space<vmem>>, vector<16xi32>,
      tpu.vector_store %arg15[%swap3A_86, %swap3A_87], %shift_right_arithmetic3A_85 {strides = array<i32>} : memref<26x128xi32, #tpu.memory_space<vmem>>, vector<16xi32>,
      %get3A_89 = arith.index_cast %add3A_36 : i32 to index
      %get3A_90 = arith.constant 96 : index
      %get3A_91 = tpu.vector_load %arg14[%get3A_89, %get3A_90] {strides = array<i32>} : memref<26x128xi32, #tpu.memory_space<vmem>>, vector<16xi32>,
      %shift_right_arithmetic3A_92 = arith.constant 7 : i32
      %shift_right_arithmetic3A_93 = vector.broadcast %shift_right_arithmetic3A_92 : i32 to vector<16xi32>
      %shift_right_arithmetic3A_94 = arith.shrsi %get3A_91, %shift_right_arithmetic3A_93 : vector<16xi32>
      %swap3A_95 = arith.index_cast %add3A_36 : i32 to index
      %swap3A_96 = arith.constant 96 : index
      %swap3A_97 = tpu.vector_load %arg15[%swap3A_95, %swap3A_96] {strides = array<i32>} : memref<26x128xi32, #tpu.memory_space<vmem>>, vector<16xi32>,
      tpu.vector_store %arg15[%swap3A_95, %swap3A_96], %shift_right_arithmetic3A_94 {strides = array<i32>} : memref<26x128xi32, #tpu.memory_space<vmem>>, vector<16xi32>,
      %get3A_98 = arith.index_cast %add3A_36 : i32 to index
      %get3A_99 = arith.constant 112 : index
      %get3A_100 = tpu.vector_load %arg14[%get3A_98, %get3A_99] {strides = array<i32>} : memref<26x128xi32, #tpu.memory_space<vmem>>, vector<16xi32>,
      %shift_right_arithmetic3A_101 = arith.constant 7 : i32
      %shift_right_arithmetic3A_102 = vector.broadcast %shift_right_arithmetic3A_101 : i32 to vector<16xi32>
      %shift_right_arithmetic3A_103 = arith.shrsi %get3A_100, %shift_right_arithmetic3A_102 : vector<16xi32>
      %swap3A_104 = arith.index_cast %add3A_36 : i32 to index
      %swap3A_105 = arith.constant 112 : index
      %swap3A_106 = tpu.vector_load %arg15[%swap3A_104, %swap3A_105] {strides = array<i32>} : memref<26x128xi32, #tpu.memory_space<vmem>>, vector<16xi32>,
      tpu.vector_store %arg15[%swap3A_104, %swap3A_105], %shift_right_arithmetic3A_103 {strides = array<i32>} : memref<26x128xi32, #tpu.memory_space<vmem>>, vector<16xi32>,
    }
    %scan3A_18 = arith.constant 26 : i32
    %iota3A = tpu.iota {dimensions = array<i32: 0>} : vector<16xi32>
    %broadcast_in_dim3A = arith.constant 0.000000e+00 : f32
    %broadcast_in_dim3A_19 = vector.broadcast %broadcast_in_dim3A : f32 to vector<16xf32>
    %swap3A = arith.constant 0 : index
    %swap3A_20 = tpu.vector_load %arg18[%swap3A] {strides = array<i32>} : memref<16xf32, #tpu.memory_space<vmem>>, vector<16xf32>,
    tpu.vector_store %arg18[%swap3A], %broadcast_in_dim3A_19 {strides = array<i32>} : memref<16xf32, #tpu.memory_space<vmem>>, vector<16xf32>,
    %dma_start3A = arith.constant 0 : i32
    %dma_start3A_21 = arith.constant 0 : i32
    %dma_start3A_22 = tpu.memref_slice %arg15[%dma_start3A, %dma_start3A_21] : memref<26x128xi32, #tpu.memory_space<vmem>> -> memref<1x32xi32, #tpu.memory_space<vmem>>
    %dma_start3A_23 = tpu.memref_squeeze %dma_start3A_22 : memref<1x32xi32, #tpu.memory_space<vmem>> -> memref<32xi32, #tpu.memory_space<vmem>>
    %dma_start3A_24 = arith.constant 0 : i32
    %dma_start3A_25 = arith.constant 0 : i32
    %dma_start3A_26 = tpu.memref_slice %arg5[%dma_start3A_24, %dma_start3A_25] : memref<20320x128xf32, #tpu.memory_space<hbm>> -> memref<20320x128xf32, #tpu.memory_space<hbm>>
    tpu.enqueue_indirect_dma source(%dma_start3A_26 : memref<20320x128xf32, #tpu.memory_space<hbm>>) target(%arg16 : memref<32x128xf32, #tpu.memory_space<vmem>>) offsets(%dma_start3A_23 : memref<32xi32, #tpu.memory_space<vmem>>) semaphore(%arg19 : memref<!tpu.dma_semaphore, #tpu.memory_space<semaphore_mem>>)
    %scan3A_27 = arith.constant 0 : i32
    %scan3A_28 = arith.constant 52 : i32
    %scan3A_29 = arith.addi %scan3A_27, %scan3A_28 : i32
    %scan3A_30 = arith.constant 1 : i32
    scf.for %scan3A_32 = %scan3A_27 to %scan3A_29 step %scan3A_30  : i32 {
      %mul3A_33 = arith.constant 1 : i32
      %mul3A_34 = arith.muli %scan3A_32, %mul3A_33 : i32
      %add3A_35 = arith.constant 0 : i32
      %add3A_36 = arith.addi %add3A_35, %mul3A_34 : i32
      %mul3A_37 = arith.constant 2 : i32
      %mul3A_38 = arith.muli %add3A_36, %mul3A_37 : i32
      %add3A_39 = arith.constant 0 : i32
      %add3A_40 = arith.addi %mul3A_38, %add3A_39 : i32
      %shift_right_arithmetic3A = arith.constant 2 : i32
      %shift_right_arithmetic3A_41 = arith.shrsi %add3A_40, %shift_right_arithmetic3A : i32
      %and3A = arith.constant 3 : i32
      %and3A_42 = arith.andi %add3A_40, %and3A : i32
      %mul3A_43 = arith.constant 32 : i32
      %mul3A_44 = arith.muli %and3A_42, %mul3A_43 : i32
      %dma_wait3A_45 = arith.constant 0 : i32
      %dma_wait3A_46 = arith.constant 0 : i32
      %dma_wait3A_47 = tpu.memref_slice %arg15[%dma_wait3A_45, %dma_wait3A_46] : memref<26x128xi32, #tpu.memory_space<vmem>> -> memref<1x32xi32, #tpu.memory_space<vmem>>
      %dma_wait3A_48 = tpu.memref_squeeze %dma_wait3A_47 : memref<1x32xi32, #tpu.memory_space<vmem>> -> memref<32xi32, #tpu.memory_space<vmem>>
      %dma_wait3A_49 = arith.constant 0 : i32
      %dma_wait3A_50 = arith.constant 0 : i32
      %dma_wait3A_51 = tpu.memref_slice %arg5[%dma_wait3A_49, %dma_wait3A_50] : memref<20320x128xf32, #tpu.memory_space<hbm>> -> memref<20320x128xf32, #tpu.memory_space<hbm>>
      tpu.wait_indirect_dma semaphore(%arg19 : memref<!tpu.dma_semaphore, #tpu.memory_space<semaphore_mem>>) src(%dma_wait3A_51 : memref<20320x128xf32, #tpu.memory_space<hbm>>) dst(%arg16 : memref<32x128xf32, #tpu.memory_space<vmem>>)
      %add3A_52 = arith.constant 1 : i32
      %add3A_53 = arith.addi %add3A_40, %add3A_52 : i32
      %lt3A = arith.constant 104 : i32
      %lt3A_54 = arith.cmpi slt, %add3A_53, %lt3A : i32
      %convert_element_type3A = arith.extui %lt3A_54 : i1 to i32
      %cond3A = arith.constant 0 : i32
      %cond3A_55 = arith.cmpi ne, %convert_element_type3A, %cond3A : i32
      scf.if %cond3A_55 {
        %add3A_138 = arith.constant 1 : i32
        %add3A_139 = arith.addi %add3A_40, %add3A_138 : i32
        %shift_right_arithmetic3A_140 = arith.constant 2 : i32
        %shift_right_arithmetic3A_141 = arith.shrsi %add3A_139, %shift_right_arithmetic3A_140 : i32
        %and3A_142 = arith.constant 3 : i32
        %and3A_143 = arith.andi %add3A_139, %and3A_142 : i32
        %mul3A_144 = arith.constant 32 : i32
        %mul3A_145 = arith.muli %and3A_143, %mul3A_144 : i32
        %dma_start3A_146 = tpu.memref_slice %arg15[%shift_right_arithmetic3A_141, %mul3A_145] : memref<26x128xi32, #tpu.memory_space<vmem>> -> memref<1x32xi32, #tpu.memory_space<vmem>>
        %dma_start3A_147 = tpu.memref_squeeze %dma_start3A_146 : memref<1x32xi32, #tpu.memory_space<vmem>> -> memref<32xi32, #tpu.memory_space<vmem>>
        %dma_start3A_148 = arith.constant 0 : i32
        %dma_start3A_149 = arith.constant 0 : i32
        %dma_start3A_150 = tpu.memref_slice %arg5[%dma_start3A_148, %dma_start3A_149] : memref<20320x128xf32, #tpu.memory_space<hbm>> -> memref<20320x128xf32, #tpu.memory_space<hbm>>
        tpu.enqueue_indirect_dma source(%dma_start3A_150 : memref<20320x128xf32, #tpu.memory_space<hbm>>) target(%arg17 : memref<32x128xf32, #tpu.memory_space<vmem>>) offsets(%dma_start3A_147 : memref<32xi32, #tpu.memory_space<vmem>>) semaphore(%arg19 : memref<!tpu.dma_semaphore, #tpu.memory_space<semaphore_mem>>)
      } else {
      }
      %get3A = arith.constant 0 : index
      %get3A_56 = tpu.vector_load %arg18[%get3A] {strides = array<i32>} : memref<16xf32, #tpu.memory_space<vmem>>, vector<16xf32>,
      %add3A_57 = arith.constant 0 : i32
      %add3A_58 = arith.addi %mul3A_44, %add3A_57 : i32
      %get3A_59 = arith.index_cast %shift_right_arithmetic3A_41 : i32 to index
      %get3A_60 = arith.index_cast %add3A_58 : i32 to index
      %get3A_61 = tpu.vector_load %arg14[%get3A_59, %get3A_60] {strides = array<i32>} : memref<26x128xi32, #tpu.memory_space<vmem>>, vector<16xi32>,
      %and3A_62 = arith.constant 127 : i32
      %and3A_63 = vector.broadcast %and3A_62 : i32 to vector<16xi32>
      %and3A_64 = arith.andi %get3A_61, %and3A_63 : vector<16xi32>
      %add3A_65 = arith.constant 0 : i32
      %add3A_66 = vector.broadcast %add3A_65 : i32 to vector<16xi32>
      %add3A_67 = arith.addi %iota3A, %add3A_66 : vector<16xi32>
      %gather3A = tpu.vector_load_idx %arg16[%add3A_67, %and3A_64] : memref<32x128xf32, #tpu.memory_space<vmem>>[vector<16xi32>, vector<16xi32>], vector<16xf32>,
      %add3A_68 = arith.addf %get3A_56, %gather3A : vector<16xf32>
      %add3A_69 = arith.constant 16 : i32
      %add3A_70 = arith.addi %mul3A_44, %add3A_69 : i32
      %get3A_71 = arith.index_cast %shift_right_arithmetic3A_41 : i32 to index
      %get3A_72 = arith.index_cast %add3A_70 : i32 to index
      %get3A_73 = tpu.vector_load %arg14[%get3A_71, %get3A_72] {strides = array<i32>} : memref<26x128xi32, #tpu.memory_space<vmem>>, vector<16xi32>,
      %and3A_74 = arith.constant 127 : i32
      %and3A_75 = vector.broadcast %and3A_74 : i32 to vector<16xi32>
      %and3A_76 = arith.andi %get3A_73, %and3A_75 : vector<16xi32>
      %add3A_77 = arith.constant 16 : i32
      %add3A_78 = vector.broadcast %add3A_77 : i32 to vector<16xi32>
      %add3A_79 = arith.addi %iota3A, %add3A_78 : vector<16xi32>
      %gather3A_80 = tpu.vector_load_idx %arg16[%add3A_79, %and3A_76] : memref<32x128xf32, #tpu.memory_space<vmem>>[vector<16xi32>, vector<16xi32>], vector<16xf32>,
      %add3A_81 = arith.addf %add3A_68, %gather3A_80 : vector<16xf32>
      %swap3A_82 = arith.constant 0 : index
      %swap3A_83 = tpu.vector_load %arg18[%swap3A_82] {strides = array<i32>} : memref<16xf32, #tpu.memory_space<vmem>>, vector<16xf32>,
      tpu.vector_store %arg18[%swap3A_82], %add3A_81 {strides = array<i32>} : memref<16xf32, #tpu.memory_space<vmem>>, vector<16xf32>,
      %mul3A_84 = arith.constant 2 : i32
      %mul3A_85 = arith.muli %add3A_36, %mul3A_84 : i32
      %add3A_86 = arith.constant 1 : i32
      %add3A_87 = arith.addi %mul3A_85, %add3A_86 : i32
      %shift_right_arithmetic3A_88 = arith.constant 2 : i32
      %shift_right_arithmetic3A_89 = arith.shrsi %add3A_87, %shift_right_arithmetic3A_88 : i32
      %and3A_90 = arith.constant 3 : i32
      %and3A_91 = arith.andi %add3A_87, %and3A_90 : i32
      %mul3A_92 = arith.constant 32 : i32
      %mul3A_93 = arith.muli %and3A_91, %mul3A_92 : i32
      %dma_wait3A_94 = arith.constant 0 : i32
      %dma_wait3A_95 = arith.constant 0 : i32
      %dma_wait3A_96 = tpu.memref_slice %arg15[%dma_wait3A_94, %dma_wait3A_95] : memref<26x128xi32, #tpu.memory_space<vmem>> -> memref<1x32xi32, #tpu.memory_space<vmem>>
      %dma_wait3A_97 = tpu.memref_squeeze %dma_wait3A_96 : memref<1x32xi32, #tpu.memory_space<vmem>> -> memref<32xi32, #tpu.memory_space<vmem>>
      %dma_wait3A_98 = arith.constant 0 : i32
      %dma_wait3A_99 = arith.constant 0 : i32
      %dma_wait3A_100 = tpu.memref_slice %arg5[%dma_wait3A_98, %dma_wait3A_99] : memref<20320x128xf32, #tpu.memory_space<hbm>> -> memref<20320x128xf32, #tpu.memory_space<hbm>>
      tpu.wait_indirect_dma semaphore(%arg19 : memref<!tpu.dma_semaphore, #tpu.memory_space<semaphore_mem>>) src(%dma_wait3A_100 : memref<20320x128xf32, #tpu.memory_space<hbm>>) dst(%arg17 : memref<32x128xf32, #tpu.memory_space<vmem>>)
      %add3A_101 = arith.constant 1 : i32
      %add3A_102 = arith.addi %add3A_87, %add3A_101 : i32
      %lt3A_103 = arith.constant 104 : i32
      %lt3A_104 = arith.cmpi slt, %add3A_102, %lt3A_103 : i32
      %convert_element_type3A_105 = arith.extui %lt3A_104 : i1 to i32
      %cond3A_106 = arith.constant 0 : i32
      %cond3A_107 = arith.cmpi ne, %convert_element_type3A_105, %cond3A_106 : i32
      scf.if %cond3A_107 {
        %add3A_138 = arith.constant 1 : i32
        %add3A_139 = arith.addi %add3A_87, %add3A_138 : i32
        %shift_right_arithmetic3A_140 = arith.constant 2 : i32
        %shift_right_arithmetic3A_141 = arith.shrsi %add3A_139, %shift_right_arithmetic3A_140 : i32
        %and3A_142 = arith.constant 3 : i32
        %and3A_143 = arith.andi %add3A_139, %and3A_142 : i32
        %mul3A_144 = arith.constant 32 : i32
        %mul3A_145 = arith.muli %and3A_143, %mul3A_144 : i32
        %dma_start3A_146 = tpu.memref_slice %arg15[%shift_right_arithmetic3A_141, %mul3A_145] : memref<26x128xi32, #tpu.memory_space<vmem>> -> memref<1x32xi32, #tpu.memory_space<vmem>>
        %dma_start3A_147 = tpu.memref_squeeze %dma_start3A_146 : memref<1x32xi32, #tpu.memory_space<vmem>> -> memref<32xi32, #tpu.memory_space<vmem>>
        %dma_start3A_148 = arith.constant 0 : i32
        %dma_start3A_149 = arith.constant 0 : i32
        %dma_start3A_150 = tpu.memref_slice %arg5[%dma_start3A_148, %dma_start3A_149] : memref<20320x128xf32, #tpu.memory_space<hbm>> -> memref<20320x128xf32, #tpu.memory_space<hbm>>
        tpu.enqueue_indirect_dma source(%dma_start3A_150 : memref<20320x128xf32, #tpu.memory_space<hbm>>) target(%arg16 : memref<32x128xf32, #tpu.memory_space<vmem>>) offsets(%dma_start3A_147 : memref<32xi32, #tpu.memory_space<vmem>>) semaphore(%arg19 : memref<!tpu.dma_semaphore, #tpu.memory_space<semaphore_mem>>)
      } else {
      }
      %get3A_108 = arith.constant 0 : index
      %get3A_109 = tpu.vector_load %arg18[%get3A_108] {strides = array<i32>} : memref<16xf32, #tpu.memory_space<vmem>>, vector<16xf32>,
      %add3A_110 = arith.constant 0 : i32
      %add3A_111 = arith.addi %mul3A_93, %add3A_110 : i32
      %get3A_112 = arith.index_cast %shift_right_arithmetic3A_89 : i32 to index
      %get3A_113 = arith.index_cast %add3A_111 : i32 to index
      %get3A_114 = tpu.vector_load %arg14[%get3A_112, %get3A_113] {strides = array<i32>} : memref<26x128xi32, #tpu.memory_space<vmem>>, vector<16xi32>,
      %and3A_115 = arith.constant 127 : i32
      %and3A_116 = vector.broadcast %and3A_115 : i32 to vector<16xi32>
      %and3A_117 = arith.andi %get3A_114, %and3A_116 : vector<16xi32>
      %add3A_118 = arith.constant 0 : i32
      %add3A_119 = vector.broadcast %add3A_118 : i32 to vector<16xi32>
      %add3A_120 = arith.addi %iota3A, %add3A_119 : vector<16xi32>
      %gather3A_121 = tpu.vector_load_idx %arg17[%add3A_120, %and3A_117] : memref<32x128xf32, #tpu.memory_space<vmem>>[vector<16xi32>, vector<16xi32>], vector<16xf32>,
      %add3A_122 = arith.addf %get3A_109, %gather3A_121 : vector<16xf32>
      %add3A_123 = arith.constant 16 : i32
      %add3A_124 = arith.addi %mul3A_93, %add3A_123 : i32
      %get3A_125 = arith.index_cast %shift_right_arithmetic3A_89 : i32 to index
      %get3A_126 = arith.index_cast %add3A_124 : i32 to index
      %get3A_127 = tpu.vector_load %arg14[%get3A_125, %get3A_126] {strides = array<i32>} : memref<26x128xi32, #tpu.memory_space<vmem>>, vector<16xi32>,
      %and3A_128 = arith.constant 127 : i32
      %and3A_129 = vector.broadcast %and3A_128 : i32 to vector<16xi32>
      %and3A_130 = arith.andi %get3A_127, %and3A_129 : vector<16xi32>
      %add3A_131 = arith.constant 16 : i32
      %add3A_132 = vector.broadcast %add3A_131 : i32 to vector<16xi32>
      %add3A_133 = arith.addi %iota3A, %add3A_132 : vector<16xi32>
      %gather3A_134 = tpu.vector_load_idx %arg17[%add3A_133, %and3A_130] : memref<32x128xf32, #tpu.memory_space<vmem>>[vector<16xi32>, vector<16xi32>], vector<16xf32>,
      %add3A_135 = arith.addf %add3A_122, %gather3A_134 : vector<16xf32>
      %swap3A_136 = arith.constant 0 : index
      %swap3A_137 = tpu.vector_load %arg18[%swap3A_136] {strides = array<i32>} : memref<16xf32, #tpu.memory_space<vmem>>, vector<16xf32>,
      tpu.vector_store %arg18[%swap3A_136], %add3A_135 {strides = array<i32>} : memref<16xf32, #tpu.memory_space<vmem>>, vector<16xf32>,
    }
    %scan3A_31 = arith.constant 52 : i32
    "tpu.region"() ({
      %run_scoped3A = tpu.sem_alloc : memref<!tpu.dma_semaphore, #tpu.memory_space<semaphore_mem>>
      %dma_start3A_32 = arith.constant 0 : i32
      %dma_start3A_33 = tpu.memref_slice %arg7[%add3A, %dma_start3A_32] : memref<32x16xf32, #tpu.memory_space<hbm>> -> memref<1x16xf32, #tpu.memory_space<hbm>>
      %dma_start3A_34 = tpu.memref_squeeze %dma_start3A_33 : memref<1x16xf32, #tpu.memory_space<hbm>> -> memref<16xf32, #tpu.memory_space<hbm>>
      %dma_start3A_35 = arith.constant 0 : i32
      %dma_start3A_36 = tpu.memref_slice %arg7[%add3A, %dma_start3A_35] : memref<32x16xf32, #tpu.memory_space<hbm>> -> memref<1x16xf32, #tpu.memory_space<hbm>>
      %dma_start3A_37 = tpu.memref_squeeze %dma_start3A_36 : memref<1x16xf32, #tpu.memory_space<hbm>> -> memref<16xf32, #tpu.memory_space<hbm>>
      tpu.enqueue_dma source(%arg18 : memref<16xf32, #tpu.memory_space<vmem>>) target(%dma_start3A_37 : memref<16xf32, #tpu.memory_space<hbm>>) target_semaphore(%run_scoped3A : memref<!tpu.dma_semaphore, #tpu.memory_space<semaphore_mem>>)
      %dma_wait3A_38 = arith.constant 0 : i32
      %dma_wait3A_39 = tpu.memref_slice %arg7[%add3A, %dma_wait3A_38] : memref<32x16xf32, #tpu.memory_space<hbm>> -> memref<1x16xf32, #tpu.memory_space<hbm>>
      %dma_wait3A_40 = tpu.memref_squeeze %dma_wait3A_39 : memref<1x16xf32, #tpu.memory_space<hbm>> -> memref<16xf32, #tpu.memory_space<hbm>>
      %dma_wait3A_41 = arith.constant 0 : i32
      %dma_wait3A_42 = tpu.memref_slice %arg7[%add3A, %dma_wait3A_41] : memref<32x16xf32, #tpu.memory_space<hbm>> -> memref<1x16xf32, #tpu.memory_space<hbm>>
      %dma_wait3A_43 = tpu.memref_squeeze %dma_wait3A_42 : memref<1x16xf32, #tpu.memory_space<hbm>> -> memref<16xf32, #tpu.memory_space<hbm>>
      tpu.wait_dma2 semaphore(%run_scoped3A : memref<!tpu.dma_semaphore, #tpu.memory_space<semaphore_mem>>) src(%arg18 : memref<16xf32, #tpu.memory_space<vmem>>) dst(%dma_wait3A_43 : memref<16xf32, #tpu.memory_space<hbm>>)
      tpu.yield
    }) : () -> ()
    return
  }
}

module attributes {stable_mosaic.version = 14 : i64} {
  func.func @_finish_body(%arg0: memref<32x16xf32, #tpu.memory_space<vmem>>, %arg1: memref<1x1xf32, #tpu.memory_space<smem>>) attributes {dimension_semantics = [], scalar_prefetch = 0 : i64, scratch_operands = 0 : i64, tpu.core_type = #tpu.core_type<tc>} {
    %get3A = arith.constant 0 : index
    %get3A_0 = arith.constant 0 : index
    %get3A_1 = vector.load %arg0[%get3A, %get3A_0] : memref<32x16xf32, #tpu.memory_space<vmem>>, vector<32x16xf32>
    %reduce_sum3A = vector.shape_cast %get3A_1 : vector<32x16xf32> to vector<1x32x16xf32>
    %reduce_sum3A_2 = arith.constant dense<0.000000e+00> : vector<1xf32>
    %reduce_sum3A_3 = vector.multi_reduction <add>, %reduce_sum3A, %reduce_sum3A_2 [1, 2] : vector<1x32x16xf32> to vector<1xf32>
    %reduce_sum3A_4 = vector.shape_cast %reduce_sum3A_3 : vector<1xf32> to vector<1x1x1xf32>
    %reduce_sum3A_5 = vector.extract %reduce_sum3A_4[0, 0, 0] : f32 from vector<1x1x1xf32>
    %logistic3A = arith.negf %reduce_sum3A_5 : f32
    %logistic3A_6 = math.exp %logistic3A : f32
    %logistic3A_7 = arith.constant 1.000000e+00 : f32
    %logistic3A_8 = arith.addf %logistic3A_7, %logistic3A_6 : f32
    %logistic3A_9 = arith.divf %logistic3A_7, %logistic3A_8 : f32
    %swap3A = arith.constant 0 : index
    %swap3A_10 = arith.constant 0 : index
    %swap3A_11 = memref.load %arg1[%swap3A, %swap3A_10] : memref<1x1xf32, #tpu.memory_space<smem>>
    memref.store %logistic3A_9, %arg1[%swap3A, %swap3A_10] : memref<1x1xf32, #tpu.memory_space<smem>>
    return
  }
}

</mosaic_0001>

<sc_bundles>
// kernel: kernel.4.cloned.1.call-start
scs
__scs_entry_jumppad:
0x0: {  	(pc) =	sbr.rel $0x88, $3  }
0x1: {  	(tag) =	ssettag $0x0;
	lr =	simm.s32 $0x1  }
0x2: {  	[smem:$0x3F9D] =	sst lr;
	_ =	strace $0xD0000000  }
0x3: {  	_ = 	snop  }
0x4: {  	_ = 	snop  }
0x5: {  	_ = 	snop  }
0x6: {  	_ = 	snop  }
0x7: {  	_ = 	snop  }
__scs_overlays_trampoline_lowered:
0x8: {  	[smem:$0x3FAC] =	sst s0  }
0x9: {  	[smem:$0x3FAD] =	sst s1  }
0xa: {  	[smem:$0x3FAE] =	sst s2  }
0xb: {  	[smem:$0x3FAF] =	sst s3  }
0xc: {  	[smem:$0x3FB0] =	sst s4  }
0xd: {  	[smem:$0x3FB1] =	sst s5  }
0xe: {  	[smem:$0x3FB2] =	sst s6  }
0xf: {  	[smem:$0x3FB3] =	sst s7  }
0x10: {  	[smem:$0x3FB4] =	sst s8  }
0x11: {  	[smem:$0x3FB5] =	sst s9;
	s0 =	simm.s32 @!p0 $0x0  }
0x12: {  	s1 =	sld [smem:$0x3F9B];
	s0 =	simm.s32 @p0 $0x1  }
0x13: {  	[smem:$0x3FB6] =	sst s0;
	s0 =	simm.s32 @!p1 $0x0  }
0x14: {  	s2 =	sld [smem:$0x3F9A];
	s0 =	simm.s32 @p1 $0x1  }
0x15: {  	[smem:$0x3FB7] =	sst s0;
	s0 =	simm.s32 @!p2 $0x0  }
0x16: {  	s3 =	sld [smem:$0x3FDB];
	s0 =	simm.s32 @p2 $0x1  }
0x17: {  	s4 =	simm.s32 $0x1BF5;
	[smem:$0x3FB9] =	sst s0  }
0x18: {  	s0 =	sld [smem:$0x3F9C];
	_ =	swait.ge [sflag:s4], $0x0  }
0x19: {  	s7 =	sld [smem:$0x3F9D]  }
0x1a: {  	s8 =	sadd.s32 $0xFFFFE003, lr  }
0x1b: {  	s9 =	sadd.s32 $0xFFFFFEF7, lr;
	s5 =	simm.s32 $0xFFFFFFFF;
	p2 =	slt.u32 s8, $0xFFFFF086  }
0x1c: {  	p1 =	slt.u32 s9, $0xF7A;
	s5 =	simm.s32 @!p2 $0x0  }
0x1d: {  	s5 =	simm.s32 @p1 $0x1;
	p0 =	seq.s32 s7, s2  }
0x1e: {  	s7 =	smul.u32 @!p0 $0xF7A, s2;
	p2 =	seq.s32 @!p0 s5, $0x0  }
0x1f: {  	s9 =	smul.u32 $0xF7A, s1;
	s8 =	simm.s32 @!p0 $0x1BF5;
	p2 =	por !p2, p0  }
0x20: {  	[sflag:s8] =	ssyncset.s32 @!p0 $0xFFFFF086;
	s6 =	sadd.s32 @!p0 s3, s7;
	s7 =	simm.s32 @!p0 $0x108  }
0x21: {  	s3 =	sadd.s32 s3, s9;
	s6 =	sadd.s32 @!p0 $0x88, s6;
	s7 =	simm.s32 @p2 $0x1082  }
0x22: {  	[simem:s7], [sflag:s8] =	dma.local @!p0 [hbm:s6], $0xF7A  }
0x23: {  	s9 =	sor.u32 $0xD0000000, s2;
	s6 =	simm.s32 $0x108;
	_ =	swait.ge @!p0 [sflag:s8], $0x0  }
0x24: {  	s3 =	sadd.s32 $0x88, s3;
	s6 =	simm.s32 @!p1 $0x1082;
	[sflag:s4] =	ssyncset.s32 $0xFFFFF086  }
0x25: {  	[simem:s6], [sflag:s4] =	dma.local [hbm:s3], $0xF7A  }
0x26: {  	[smem:$0x3F9D] =	sst s1;
	(tag) =	ssettag s2;
	_ =	strace s9  }
0x27: {  	s1 =	sld [smem:$0x3FAD]  }
0x28: {  	s2 =	sld [smem:$0x3FAE]  }
0x29: {  	s4 =	sld [smem:$0x3FB0]  }
0x2a: {  	p0 =	seq.s32 s5, $0x0;
	s5 =	sld [smem:$0x3FB1]  }
0x2b: {  	s6 =	sld [smem:$0x3FB2]  }
0x2c: {  	s7 =	sld [smem:$0x3FB3]  }
0x2d: {  	s3 =	simm.s32 $0x108;
	s8 =	sld [smem:$0x3FB4]  }
0x2e: {  	s3 =	simm.s32 @!p0 $0x1082;
	s9 =	sld [smem:$0x3FB5]  }
0x2f: {  	lr =	sadd.s32 s0, s3;
	s0 =	sld [smem:$0x3FAC]  }
0x30: {  	s3 =	sld [smem:$0x3FAF]  }
0x31: {  	[smem:$0x3FB8] =	sst s10  }
0x32: {  	s10 =	sld [smem:$0x3FB6];
	_ =	sdelay $0x3  }
0x33: {  	p0 =	seq.s32 s10, $0x1;
	s10 =	sld [smem:$0x3FB8];
	_ =	sdelay $0x3  }
0x34: {  	[smem:$0x3FB8] =	sst s10  }
0x35: {  	s10 =	sld [smem:$0x3FB7];
	_ =	sdelay $0x3  }
0x36: {  	p1 =	seq.s32 s10, $0x1;
	s10 =	sld [smem:$0x3FB8];
	_ =	sdelay $0x3  }
0x37: {  	[smem:$0x3FB8] =	sst s10  }
0x38: {  	s10 =	sld [smem:$0x3FB9]  }
0x39: {  	_ = 	snop;
	(pc) =	sbr.ind lr, $3  }
0x3a: {  	_ = 	snop  }
0x3b: {  	_ = 	snop  }
0x3c: {  	p2 =	seq.s32 s10, $0x1;
	s10 =	sld [smem:$0x3FB8]  }
0x3d: {  	_ =	shalt  }
0x3e: {  	_ =	shalt  }
0x3f: {  	_ =	shalt  }
0x40: {  	_ =	shalt  }
0x41: {  	_ =	shalt  }
0x42: {  	_ =	shalt  }
0x43: {  	_ =	shalt  }
0x44: {  	_ =	shalt  }
0x45: {  	_ =	shalt  }
0x46: {  	_ =	shalt  }
0x47: {  	_ =	shalt  }
0x48: {  	_ =	shalt  }
0x49: {  	_ =	shalt  }
0x4a: {  	_ =	shalt  }
0x4b: {  	_ =	shalt  }
0x4c: {  	_ =	shalt  }
0x4d: {  	_ =	shalt  }
0x4e: {  	_ =	shalt  }
0x4f: {  	_ =	shalt  }
0x50: {  	_ =	shalt  }
0x51: {  	_ =	shalt  }
0x52: {  	_ =	shalt  }
0x53: {  	_ =	shalt  }
0x54: {  	_ =	shalt  }
0x55: {  	_ =	shalt  }
0x56: {  	_ =	shalt  }
0x57: {  	_ =	shalt  }
0x58: {  	_ =	shalt  }
0x59: {  	_ =	shalt  }
0x5a: {  	_ =	shalt  }
0x5b: {  	_ =	shalt  }
0x5c: {  	_ =	shalt  }
0x5d: {  	_ =	shalt  }
0x5e: {  	_ =	shalt  }
0x5f: {  	_ =	shalt  }
0x60: {  	_ =	shalt  }
0x61: {  	_ =	shalt  }
0x62: {  	_ =	shalt  }
0x63: {  	_ =	shalt  }
0x64: {  	_ =	shalt  }
0x65: {  	_ =	shalt  }
0x66: {  	_ =	shalt  }
0x67: {  	_ =	shalt  }
0x68: {  	_ =	shalt  }
0x69: {  	_ =	shalt  }
0x6a: {  	_ =	shalt  }
0x6b: {  	_ =	shalt  }
0x6c: {  	_ =	shalt  }
0x6d: {  	_ =	shalt  }
0x6e: {  	_ =	shalt  }
0x6f: {  	_ =	shalt  }
0x70: {  	_ =	shalt  }
0x71: {  	_ =	shalt  }
0x72: {  	_ =	shalt  }
0x73: {  	_ =	shalt  }
0x74: {  	_ =	shalt  }
0x75: {  	_ =	shalt  }
0x76: {  	_ =	shalt  }
0x77: {  	_ =	shalt  }
0x78: {  	_ =	shalt  }
0x79: {  	_ =	shalt  }
0x7a: {  	_ =	shalt  }
0x7b: {  	_ =	shalt  }
0x7c: {  	_ =	shalt  }
0x7d: {  	_ =	shalt  }
0x7e: {  	_ =	shalt  }
0x7f: {  	_ =	shalt  }
0x80: {  	_ =	shalt  }
0x81: {  	_ =	shalt  }
0x82: {  	_ =	shalt  }
0x83: {  	_ =	shalt  }
0x84: {  	_ =	shalt  }
0x85: {  	_ =	shalt  }
0x86: {  	_ =	shalt  }
0x87: {  	_ =	shalt  }
.Lfunc_end0:
.L_simem_size_0:
called_computation_lowered:
.L_overlay_start_0:
0x88: {  	s2 =	sld [smem:$0x3FD9]  }
0x89: {  	s3 =	sld [smem:$0x3FFE];
	_ =	sdelay $0x1  }
0x8a: {  	s1 =	srdreg.scid  }
0x8b: {  	s0 =	sand.u32 $0x1, s1  }
0x8c: {  	s14 =	sshll.u32 s0, $0xA;
	s2 =	sadd.s32 s3, s2  }
0x8d: {  	s2 =	sadd.s32 s2, s14  }
0x8e: {  	[smem:$0x3FC4] =	sst s2  }
0x8f: {  	_ = 	snop  }
0x90: {  	s2 =	sld [smem:$0x3FD0];
	_ =	sdelay $0x2  }
0x91: {  	s15 =	simm.s32 $0xA;
	s4 =	simm.s32 $0x10  }
0x92: {  	[smem:s4], [sflag:s15] =	dma.local [hbm:s2], $0x1  }
0x93: {  	_ =	swait.eq [sflag:s15], $0x1  }
0x94: {  	[sflag:s15] =	ssyncset.done $0x0  }
0x95: {  	[sflag:s15] =	ssyncadd.s32 $0xFFFFFFFF  }
0x96: {  	s16 =	sld [smem:$0x10];
	(tm) =	ssettm $0x1  }
0x97: {  	s17 =	sld [smem:$0x3FFB];
	_ =	sdelay $0x3  }
0x98: {  	_ =	strace s17  }
0x99: {  	s3 =	sld [smem:$0x3FFC];
	_ =	sdelay $0x3  }
0x9a: {  	_ =	strace s3  }
0x9b: {  	s3 =	sld [smem:$0x3FFD];
	_ =	sdelay $0x3  }
0x9c: {  	_ =	strace s3  }
0x9d: {  	_ =	strace $0x8FFFFFFF  }
0x9e: {  	s18 =	sld [smem:$0x3FDB];
	_ =	sdelay $0x1  }
0x9f: {  	s19 =	simm.s32 $_scs_section_size  }
0xa0: {  	s5 =	simm.s32 $_size__tile_overlayer_lowered;
	s6 =	simm.s32 $_tile_overlayer_lowered  }
0xa1: {  	s22 =	simm.s32 $0x1BFF;
	s21 =	sshll.u32 s6, $0x1;
	s3 =	sadd.s32 s19, s18  }
0xa2: {  	s7 =	simm.s32 $0x0;
	s20 =	sshll.u32 s5, $0x1;
	s5 =	sadd.s32 s21, s3  }
0xa3: {  	[timem:s7], [sflag:s22] =	dma.local [hbm:s5], s20  }
0xa4: {  	_ =	swait.ge [sflag:s22], s20  }
0xa5: {  	s4 =	ssub.s32 $0x0, s20;
	[sflag:s22] =	ssyncset.done $0x0  }
0xa6: {  	[sflag:s22] =	ssyncadd.s32 s4;
	_ =	sdelay $0x1  }
0xa7: {  	s23 =	simm.s32 $0x1B8B  }
0xa8: {  	_ =	swait.ge [sflag:s23], $0x1  }
0xa9: {  	[sflag:s23] =	ssyncset.done $0x0  }
0xaa: {  	s25 =	simm.s32 $0x1B8E;
	s24 =	sld [smem:$0x3FFE];
	[sflag:s23] =	ssyncadd.s32 $0xFFFFFFFF  }
0xab: {  	s26 =	simm.s32 $execute0_lowered;
	[smem:$0x3FD2] =	sst s25  }
0xac: {  	s5 =	sshll.u32 s26, $0x1;
	_ =	strace $0x80000046;
	[dreg:$0x1] =	wrdreg $0xFFFFFFFF  }
0xad: {  	s28 =	simm.s32 $_size_execute0_lowered;
	s3 =	sadd.s32 s3, s5;
	[dreg:$0x0] =	wrdreg $0x0  }
0xae: {  	s5 =	sshll.u32 s28, $0x1;
	[dreg:$0x2] =	wrdreg s3  }
0xaf: {  	[dreg:$0x3] =	wrdreg s5  }
0xb0: {  	[dreg:$0x4] =	wrdreg $0xC0  }
0xb1: {  	_ =	task [dreg:s7], $0x5FFFF  }
0xb2: {  	[dreg:$0x1] =	wrdreg $0xFFFFFFFF  }
0xb3: {  	[dreg:$0x0] =	wrdreg $0x60  }
0xb4: {  	[dreg:$0x2] =	wrdreg s24  }
0xb5: {  	[dreg:$0x3] =	wrdreg s16  }
0xb6: {  	[dreg:$0x4] =	wrdreg $0x9  }
0xb7: {  	_ =	task.clear_ibuf [dreg:s7], $0x5FFFF;
	_ =	strace $0x90000046  }
0xb8: {  	s29 =	simm.s32 $0x9;
	_ =	strace $0x80000048  }
0xb9: {  	_ =	swait.ge [sflag:s29], $0x1  }
0xba: {  	[sflag:s29] =	ssyncadd.s32 $0xFFFFFFFF  }
0xbb: {  	_ =	strace $0x90000048  }
0xbc: {  	_ =	sfence  }
0xbd: {  	s30 =	sld [smem:$0x0];
	_ =	sdelay $0x2  }
0xbe: {  	s31 =	sshll.u32 s1, $0xD;
	s1 =	sshrl.u32 s1, $0x2  }
0xbf: {  	s3 =	sand.u32 $0x4000, s31;
	s1 =	sadd.s32 s1, s30  }
0xc0: {  	s0 =	sor.u32 s3, s0;
	s1 =	sshll.u32 s1, $0x11  }
0xc1: {  	s0 =	sor.u32 s1, s0  }
0xc2: {  	s0 =	sadd.s32 $0x8F2B, s0  }
0xc3: {  	[sflag:s0] =	ssyncadd.remote.s32 $0x1  }
0xc4: {  	_ =	sfence.sel $0xFFFF  }
0xc5: {  	[dreg:$0x0] =	wrdreg $0xFFFFFFFF;
	(pc) =	sbr.abs _section_cstart, $3  }
0xc6: {  	[dreg:$0x1] =	wrdreg $0xFFFFFFFF  }
0xc7: {  	_ =	task.clear_ibuf [dreg:s7], $0x2FFFF;
	_ =	strace $0x9FFFFFFF  }
0xc8: {  	(tm) =	ssettm $0x7FFFFFFF  }
0xc9: {  	_ =	shalt  }
tec
execute0_lowered:
.L_overlay_start_1:
0x0: {  	(tag) =	ssettag $0x1  }
0x1: {  	s0 =	rddreg [dreg:$0x0]  }
0x2: {  	s1 =	srdreg.scid;
	s11 =	stileid.u32  }
0x3: {  	s2 =	rddreg [dreg:$0x1];
	s3 =	simm.s32 $0x0;
	s12 =	simm.s32 $0x80  }
0x4: {  	s13 =	simm.s32 $0x400;
	s14 =	simm.s32 $0x4;
	s15 =	simm.s32 $0x1000  }
0x5: {  	s16 =	simm.s32 $0x18700;
	s17 =	simm.s32 $0x1;
	s18 =	simm.s32 $0x19100  }
0x6: {  	s19 =	simm.s32 $0x19B00;
	s20 =	simm.s32 $0x2;
	s22 =	simm.s32 $0x20  }
0x7: {  	s24 =	simm.s32 $0x1C500;
	s1 =	sand.u32 $0x1, s1;
	s4 =	sshll.u32 s11, $0x1  }
0x8: {  	[smem:$0x7FF] =	sst s3;
	s6 =	sadd.s32 $0xA33200, s0;
	s11 =	smul.u32 $0x34, s11  }
0x9: {  	s7 =	sor.u32 s1, s4;
	s10 =	ssub.s32 $0x2, s1;
	s1 =	smul.u32 $0x1A, s1  }
0xa: {  	s25 =	simm.s32 $0x3;
	_ =	strace $0x80000047;
	s5 =	smul.u32 $0x1A0, s7  }
0xb: {  	s4 =	sadd.s32 $0x4A00, s0;
	s9 =	sshll.u32 s7, $0x1;
	s28 =	sshrl.u32 s10, $0x1  }
0xc: {  	s10 =	ssub.s32 s10, s28;
	s31 =	sadd.s32 s1, s11;
	s8 =	sadd.s32 s5, s0  }
0xd: {  	v0 =	vlaneseq.u32;
	s5 =	sadd.s32 $0x45A00, s0;
	s29 =	smax.u32 s10, $0x1;
	[dreg:$0x6] =	wrdreg s31  }
0xe: {  	v0 =	vmul.u32 $0x80, v0;
	s0 =	sadd.s32 s9, s0;
	s8 =	sadd.s32 $0x1600, s8;
	[dreg:$0x5] =	wrdreg s29  }
0xf: {  	s26 =	simm.s32 $0x1D500;
	s0 =	sadd.s32 $0xA9B200, s0;
	[dreg:$0x3] =	wrdreg s8  }
0x10: {  	v1 =	vimm.f32 $0.0e+00;
	s30 =	simm.s32 $0x0;
	s7 =	smul.u32 $0x1A, s7;
	v2 =	vor.u32 $0x800, v0;
	[dreg:$0x4] =	wrdreg s0  }
.LBB2_1:
0x11: {  	s31 =	rddreg [dreg:$0x6];
	s1 =	simm.s32 $0x0  }
.LBB2_2:
0x12: {  	s23 =	sadd.s32 s7, s1  }
0x13: {  	s0 =	sshrl.u32 s23, $0x5;
	s21 =	sand.u32 $0x1F, s23  }
0x14: {  	s28 =	smul.u32 $0x30E000, s0;
	s29 =	sshrl.u32 s21, $0x3  }
0x15: {  	s29 =	smul.u32 $0xC3800, s29  }
0x16: {  	s23 =	sshll.u32 s23, $0x7  }
0x17: {  	s23 =	sand.u32 $0x380, s23;
	s28 =	sadd.s32 s28, s29  }
0x18: {  	s23 =	sor.u32 s23, s28  }
0x19: {  	s23 =	sshrl.u32 s23, $0x3  }
0x1a: {  	s10 =	smul.u32 $0x14000, s0;
	s23 =	sadd.s32 s5, s23  }
0x1b: {  	[tilespmem:s3], [sflag:$0x4] =	stream.strided.gather [hbm4b:s23+s12], $0x18700, s13, s12, $0x38;
	[tilespmem:$0x1E510] =	vst v63  }
0x1c: {  	s11 =	sshrl.u32 s31, $0x5;
	_ =	swait.ge [sflag:s14], $0x18700  }
0x1d: {  	p0 =	seq.s32 s1, $0x0;
	s23 =	sshrl.u32 s10, $0x3;
	[sflag:s14] =	ssyncset.done $0x0  }
0x1e: {  	s28 =	simm.s32 @!p0 $0x2;
	s23 =	sadd.s32 s4, s23;
	[sflag:s14] =	ssyncadd.s32 $0xFFFE7900  }
0x1f: {  	[tilespmem:s16], [sflag:$0x1] =	stream.strided.gather [hbm4b:s23+s12], $0xA00, s15, s12, $0x38;
	[tilespmem:$0x1E510] =	vst v63  }
0x20: {  	s23 =	smul.u32 $0x2800, s11;
	_ =	swait.ge @!p0 [sflag:s28], $0x1000  }
0x21: {  	s29 =	simm.s32 $0x19B80;
	[sflag:s28] =	ssyncset.done @!p0 $0x0  }
0x22: {  	s23 =	sadd.s32 s23, s4;
	[sflag:s28] =	ssyncadd.s32 @!p0 $0xFFFFF000;
	s28 =	simm.s32 $0x0  }
.LBB2_3:
0x23: {  	_ =	swait.ge [sflag:s17], $0xA00  }
0x24: {  	s8 =	sadd.s32 s28, s23;
	[sflag:s17] =	ssyncset.done $0x0  }
0x25: {  	s8 =	sadd.s32 $0x10, s8;
	[sflag:s17] =	ssyncadd.s32 $0xFFFFF600  }
0x26: {  	[tilespmem:s18], [sflag:$0x1] =	stream.strided.gather [hbm4b:s8+s12], $0xA00, s15, s12, $0x38;
	[tilespmem:$0x1E510] =	vst v63  }
0x27: {  	v3 =	vld [tilespmem:$0x18700]  }
0x28: {  	v4 =	vld [tilespmem:$0x18780]  }
0x29: {  	v5 =	vld [tilespmem:$0x18800]  }
0x2a: {  	v6 =	vld [tilespmem:$0x18880]  }
0x2b: {  	v7 =	vld [tilespmem:$0x18900]  }
0x2c: {  	v8 =	vld [tilespmem:$0x18980]  }
0x2d: {  	v9 =	vld [tilespmem:$0x18A00]  }
0x2e: {  	v10 =	vld [tilespmem:$0x18A80]  }
0x2f: {  	v11 =	vld [tilespmem:$0x18B00]  }
0x30: {  	v12 =	vld [tilespmem:$0x18B80]  }
0x31: {  	v13 =	vld [tilespmem:$0x18C00]  }
0x32: {  	v14 =	vld [tilespmem:$0x18C80]  }
0x33: {  	v15 =	vld [tilespmem:$0x18D00]  }
0x34: {  	v16 =	vld [tilespmem:$0x18D80]  }
0x35: {  	v17 =	vld [tilespmem:$0x18E00]  }
0x36: {  	v18 =	vld [tilespmem:$0x18E80]  }
0x37: {  	v38 =	vld [tilespmem:$0x18F00]  }
0x38: {  	v39 =	vld [tilespmem:$0x18F80]  }
0x39: {  	v40 =	vld [tilespmem:$0x19000]  }
0x3a: {  	v41 =	vld [tilespmem:$0x19080]  }
0x3b: {  	v3 =	vld.idx.msk [tilespmem:v3+s3+$0x0], $0xffff  }
0x3c: {  	v4 =	vld.idx.msk [tilespmem:v4+s3+$0x0], $0xffff  }
0x3d: {  	v5 =	vld.idx.msk [tilespmem:v5+s3+$0x0], $0xffff  }
0x3e: {  	v6 =	vld.idx.msk [tilespmem:v6+s3+$0x0], $0xffff  }
0x3f: {  	v7 =	vld.idx.msk [tilespmem:v7+s3+$0x0], $0xffff  }
0x40: {  	v8 =	vld.idx.msk [tilespmem:v8+s3+$0x0], $0xffff  }
0x41: {  	v9 =	vld.idx.msk [tilespmem:v9+s3+$0x0], $0xffff;
	v3 =	vadd.f32 $0.0e+00, v3;
	v4 =	vadd.f32 $0.0e+00, v4  }
0x42: {  	v10 =	vld.idx.msk [tilespmem:v10+s3+$0x0], $0xffff  }
0x43: {  	v11 =	vld.idx.msk [tilespmem:v11+s3+$0x0], $0xffff;
	v3 =	vadd.f32 v5, v3;
	v4 =	vadd.f32 v6, v4  }
0x44: {  	v12 =	vld.idx.msk [tilespmem:v12+s3+$0x0], $0xffff  }
0x45: {  	v13 =	vld.idx.msk [tilespmem:v13+s3+$0x0], $0xffff;
	v3 =	vadd.f32 v7, v3;
	v4 =	vadd.f32 v8, v4  }
0x46: {  	v14 =	vld.idx.msk [tilespmem:v14+s3+$0x0], $0xffff  }
0x47: {  	v42 =	vld.idx.msk [tilespmem:v15+s3+$0x0], $0xffff;
	v3 =	vadd.f32 v9, v3;
	v4 =	vadd.f32 v10, v4  }
0x48: {  	v43 =	vld.idx.msk [tilespmem:v16+s3+$0x0], $0xffff  }
0x49: {  	v44 =	vld.idx.msk [tilespmem:v17+s3+$0x0], $0xffff;
	v3 =	vadd.f32 v11, v3;
	v4 =	vadd.f32 v12, v4  }
0x4a: {  	v45 =	vld.idx.msk [tilespmem:v18+s3+$0x0], $0xffff  }
0x4b: {  	v5 =	vld.idx.msk [tilespmem:v38+s3+$0x0], $0xffff;
	v3 =	vadd.f32 v13, v3;
	v4 =	vadd.f32 v14, v4  }
0x4c: {  	v6 =	vld.idx.msk [tilespmem:v39+s3+$0x0], $0xffff  }
0x4d: {  	v7 =	vld.idx.msk [tilespmem:v40+s3+$0x0], $0xffff;
	v3 =	vadd.f32 v42, v3;
	v4 =	vadd.f32 v43, v4  }
0x4e: {  	v8 =	vld.idx.msk [tilespmem:v41+s3+$0x0], $0xffff  }
0x4f: {  	v3 =	vadd.f32 v44, v3;
	v4 =	vadd.f32 v45, v4;
	_ =	sdelay $0x1  }
0x50: {  	v3 =	vadd.f32 v5, v3;
	v4 =	vadd.f32 v6, v4;
	_ =	sdelay $0x1  }
0x51: {  	v3 =	vadd.f32 v7, v3;
	v4 =	vadd.f32 v8, v4;
	_ =	sdelay $0x1  }
0x52: {  	v3 =	vadd.f32 v4, v3;
	_ =	sdelay $0x1  }
0x53: {  	[tilespmem:s29+$0xFFFFFF80] =	vst v3  }
0x54: {  	v3 =	vld [tilespmem:$0x18710]  }
0x55: {  	v46 =	vld [tilespmem:$0x18790]  }
0x56: {  	v47 =	vld [tilespmem:$0x18810]  }
0x57: {  	v48 =	vld [tilespmem:$0x18890]  }
0x58: {  	v49 =	vld [tilespmem:$0x18910]  }
0x59: {  	v50 =	vld [tilespmem:$0x18990]  }
0x5a: {  	v51 =	vld [tilespmem:$0x18A10]  }
0x5b: {  	v52 =	vld [tilespmem:$0x18A90]  }
0x5c: {  	v53 =	vld [tilespmem:$0x18B10]  }
0x5d: {  	v54 =	vld [tilespmem:$0x18B90]  }
0x5e: {  	v55 =	vld [tilespmem:$0x18C10]  }
0x5f: {  	v56 =	vld [tilespmem:$0x18C90]  }
0x60: {  	v57 =	vld [tilespmem:$0x18D10]  }
0x61: {  	v58 =	vld [tilespmem:$0x18D90]  }
0x62: {  	v59 =	vld [tilespmem:$0x18E10]  }
0x63: {  	v60 =	vld [tilespmem:$0x18E90]  }
0x64: {  	v61 =	vld [tilespmem:$0x18F10]  }
0x65: {  	v62 =	vld [tilespmem:$0x18F90]  }
0x66: {  	v63 =	vld [tilespmem:$0x19010]  }
0x67: {  	v19 =	vld [tilespmem:$0x19090]  }
0x68: {  	v3 =	vld.idx.msk [tilespmem:v3+s3+$0x0], $0xffff  }
0x69: {  	v4 =	vld.idx.msk [tilespmem:v46+s3+$0x0], $0xffff  }
0x6a: {  	v5 =	vld.idx.msk [tilespmem:v47+s3+$0x0], $0xffff  }
0x6b: {  	v6 =	vld.idx.msk [tilespmem:v48+s3+$0x0], $0xffff  }
0x6c: {  	v7 =	vld.idx.msk [tilespmem:v49+s3+$0x0], $0xffff  }
0x6d: {  	v8 =	vld.idx.msk [tilespmem:v50+s3+$0x0], $0xffff  }
0x6e: {  	v9 =	vld.idx.msk [tilespmem:v51+s3+$0x0], $0xffff;
	v3 =	vadd.f32 $0.0e+00, v3;
	v4 =	vadd.f32 $0.0e+00, v4  }
0x6f: {  	v10 =	vld.idx.msk [tilespmem:v52+s3+$0x0], $0xffff  }
0x70: {  	v11 =	vld.idx.msk [tilespmem:v53+s3+$0x0], $0xffff;
	v3 =	vadd.f32 v5, v3;
	v4 =	vadd.f32 v6, v4  }
0x71: {  	v12 =	vld.idx.msk [tilespmem:v54+s3+$0x0], $0xffff  }
0x72: {  	v13 =	vld.idx.msk [tilespmem:v55+s3+$0x0], $0xffff;
	v3 =	vadd.f32 v7, v3;
	v4 =	vadd.f32 v8, v4  }
0x73: {  	v14 =	vld.idx.msk [tilespmem:v56+s3+$0x0], $0xffff  }
0x74: {  	v20 =	vld.idx.msk [tilespmem:v57+s3+$0x0], $0xffff;
	v3 =	vadd.f32 v9, v3;
	v4 =	vadd.f32 v10, v4  }
0x75: {  	v21 =	vld.idx.msk [tilespmem:v58+s3+$0x0], $0xffff  }
0x76: {  	v22 =	vld.idx.msk [tilespmem:v59+s3+$0x0], $0xffff;
	v3 =	vadd.f32 v11, v3;
	v4 =	vadd.f32 v12, v4  }
0x77: {  	v23 =	vld.idx.msk [tilespmem:v60+s3+$0x0], $0xffff  }
0x78: {  	v5 =	vld.idx.msk [tilespmem:v61+s3+$0x0], $0xffff;
	v3 =	vadd.f32 v13, v3;
	v4 =	vadd.f32 v14, v4  }
0x79: {  	v6 =	vld.idx.msk [tilespmem:v62+s3+$0x0], $0xffff  }
0x7a: {  	v7 =	vld.idx.msk [tilespmem:v63+s3+$0x0], $0xffff;
	v3 =	vadd.f32 v20, v3;
	v4 =	vadd.f32 v21, v4  }
0x7b: {  	v8 =	vld.idx.msk [tilespmem:v19+s3+$0x0], $0xffff  }
0x7c: {  	v3 =	vadd.f32 v22, v3;
	v4 =	vadd.f32 v23, v4;
	_ =	sdelay $0x1  }
0x7d: {  	v3 =	vadd.f32 v5, v3;
	v4 =	vadd.f32 v6, v4;
	_ =	sdelay $0x1  }
0x7e: {  	v3 =	vadd.f32 v7, v3;
	v4 =	vadd.f32 v8, v4;
	_ =	sdelay $0x1  }
0x7f: {  	v3 =	vadd.f32 v4, v3;
	_ =	sdelay $0x1  }
0x80: {  	[tilespmem:s29+$0xFFFFFF90] =	vst v3  }
0x81: {  	v3 =	vld [tilespmem:$0x18720]  }
0x82: {  	v24 =	vld [tilespmem:$0x187A0]  }
0x83: {  	v25 =	vld [tilespmem:$0x18820]  }
0x84: {  	v26 =	vld [tilespmem:$0x188A0]  }
0x85: {  	v27 =	vld [tilespmem:$0x18920]  }
0x86: {  	v28 =	vld [tilespmem:$0x189A0]  }
0x87: {  	v29 =	vld [tilespmem:$0x18A20]  }
0x88: {  	v30 =	vld [tilespmem:$0x18AA0]  }
0x89: {  	v31 =	vld [tilespmem:$0x18B20]  }
0x8a: {  	v32 =	vld [tilespmem:$0x18BA0]  }
0x8b: {  	v33 =	vld [tilespmem:$0x18C20]  }
0x8c: {  	v34 =	vld [tilespmem:$0x18CA0]  }
0x8d: {  	v35 =	vld [tilespmem:$0x18D20]  }
0x8e: {  	v36 =	vld [tilespmem:$0x18DA0]  }
0x8f: {  	v37 =	vld [tilespmem:$0x18E20]  }
0x90: {  	v38 =	vld [tilespmem:$0x18EA0]  }
0x91: {  	v39 =	vld [tilespmem:$0x18F20]  }
0x92: {  	v40 =	vld [tilespmem:$0x18FA0]  }
0x93: {  	v41 =	vld [tilespmem:$0x19020]  }
0x94: {  	v42 =	vld [tilespmem:$0x190A0]  }
0x95: {  	v3 =	vld.idx.msk [tilespmem:v3+s3+$0x0], $0xffff  }
0x96: {  	v4 =	vld.idx.msk [tilespmem:v24+s3+$0x0], $0xffff  }
0x97: {  	v5 =	vld.idx.msk [tilespmem:v25+s3+$0x0], $0xffff  }
0x98: {  	v6 =	vld.idx.msk [tilespmem:v26+s3+$0x0], $0xffff  }
0x99: {  	v7 =	vld.idx.msk [tilespmem:v27+s3+$0x0], $0xffff  }
0x9a: {  	v8 =	vld.idx.msk [tilespmem:v28+s3+$0x0], $0xffff  }
0x9b: {  	v9 =	vld.idx.msk [tilespmem:v29+s3+$0x0], $0xffff;
	v3 =	vadd.f32 $0.0e+00, v3;
	v4 =	vadd.f32 $0.0e+00, v4  }
0x9c: {  	v10 =	vld.idx.msk [tilespmem:v30+s3+$0x0], $0xffff  }
0x9d: {  	v11 =	vld.idx.msk [tilespmem:v31+s3+$0x0], $0xffff;
	v3 =	vadd.f32 v5, v3;
	v4 =	vadd.f32 v6, v4  }
0x9e: {  	v12 =	vld.idx.msk [tilespmem:v32+s3+$0x0], $0xffff  }
0x9f: {  	v13 =	vld.idx.msk [tilespmem:v33+s3+$0x0], $0xffff;
	v3 =	vadd.f32 v7, v3;
	v4 =	vadd.f32 v8, v4  }
0xa0: {  	v14 =	vld.idx.msk [tilespmem:v34+s3+$0x0], $0xffff  }
0xa1: {  	v43 =	vld.idx.msk [tilespmem:v35+s3+$0x0], $0xffff;
	v3 =	vadd.f32 v9, v3;
	v4 =	vadd.f32 v10, v4  }
0xa2: {  	v44 =	vld.idx.msk [tilespmem:v36+s3+$0x0], $0xffff  }
0xa3: {  	v45 =	vld.idx.msk [tilespmem:v37+s3+$0x0], $0xffff;
	v3 =	vadd.f32 v11, v3;
	v4 =	vadd.f32 v12, v4  }
0xa4: {  	v46 =	vld.idx.msk [tilespmem:v38+s3+$0x0], $0xffff  }
0xa5: {  	v5 =	vld.idx.msk [tilespmem:v39+s3+$0x0], $0xffff;
	v3 =	vadd.f32 v13, v3;
	v4 =	vadd.f32 v14, v4  }
0xa6: {  	v6 =	vld.idx.msk [tilespmem:v40+s3+$0x0], $0xffff  }
0xa7: {  	v7 =	vld.idx.msk [tilespmem:v41+s3+$0x0], $0xffff;
	v3 =	vadd.f32 v43, v3;
	v4 =	vadd.f32 v44, v4  }
0xa8: {  	v8 =	vld.idx.msk [tilespmem:v42+s3+$0x0], $0xffff  }
0xa9: {  	v3 =	vadd.f32 v45, v3;
	v4 =	vadd.f32 v46, v4;
	_ =	sdelay $0x1  }
0xaa: {  	v3 =	vadd.f32 v5, v3;
	v4 =	vadd.f32 v6, v4;
	_ =	sdelay $0x1  }
0xab: {  	v3 =	vadd.f32 v7, v3;
	v4 =	vadd.f32 v8, v4;
	_ =	sdelay $0x1  }
0xac: {  	v3 =	vadd.f32 v4, v3;
	_ =	sdelay $0x1  }
0xad: {  	[tilespmem:s29+$0xFFFFFFA0] =	vst v3  }
0xae: {  	v3 =	vld [tilespmem:$0x18730]  }
0xaf: {  	v47 =	vld [tilespmem:$0x187B0]  }
0xb0: {  	v48 =	vld [tilespmem:$0x18830]  }
0xb1: {  	v49 =	vld [tilespmem:$0x188B0]  }
0xb2: {  	v50 =	vld [tilespmem:$0x18930]  }
0xb3: {  	v51 =	vld [tilespmem:$0x189B0]  }
0xb4: {  	v52 =	vld [tilespmem:$0x18A30]  }
0xb5: {  	v53 =	vld [tilespmem:$0x18AB0]  }
0xb6: {  	v54 =	vld [tilespmem:$0x18B30]  }
0xb7: {  	v55 =	vld [tilespmem:$0x18BB0]  }
0xb8: {  	v56 =	vld [tilespmem:$0x18C30]  }
0xb9: {  	v57 =	vld [tilespmem:$0x18CB0]  }
0xba: {  	v58 =	vld [tilespmem:$0x18D30]  }
0xbb: {  	v59 =	vld [tilespmem:$0x18DB0]  }
0xbc: {  	v60 =	vld [tilespmem:$0x18E30]  }
0xbd: {  	v61 =	vld [tilespmem:$0x18EB0]  }
0xbe: {  	v19 =	vld [tilespmem:$0x18F30]  }
0xbf: {  	v20 =	vld [tilespmem:$0x18FB0]  }
0xc0: {  	v3 =	vld.idx.msk [tilespmem:v3+s3+$0x0], $0xffff  }
0xc1: {  	v4 =	vld.idx.msk [tilespmem:v47+s3+$0x0], $0xffff  }
0xc2: {  	v5 =	vld.idx.msk [tilespmem:v48+s3+$0x0], $0xffff  }
0xc3: {  	v6 =	vld.idx.msk [tilespmem:v49+s3+$0x0], $0xffff  }
0xc4: {  	v7 =	vld.idx.msk [tilespmem:v50+s3+$0x0], $0xffff  }
0xc5: {  	v8 =	vld.idx.msk [tilespmem:v51+s3+$0x0], $0xffff  }
0xc6: {  	v9 =	vld.idx.msk [tilespmem:v52+s3+$0x0], $0xffff  }
0xc7: {  	v10 =	vld.idx.msk [tilespmem:v53+s3+$0x0], $0xffff  }
0xc8: {  	v11 =	vld.idx.msk [tilespmem:v54+s3+$0x0], $0xffff  }
0xc9: {  	v12 =	vld.idx.msk [tilespmem:v55+s3+$0x0], $0xffff  }
0xca: {  	v13 =	vld.idx.msk [tilespmem:v56+s3+$0x0], $0xffff  }
0xcb: {  	v14 =	vld.idx.msk [tilespmem:v57+s3+$0x0], $0xffff  }
0xcc: {  	v15 =	vld.idx.msk [tilespmem:v58+s3+$0x0], $0xffff  }
0xcd: {  	v16 =	vld.idx.msk [tilespmem:v59+s3+$0x0], $0xffff  }
0xce: {  	v17 =	vld.idx.msk [tilespmem:v60+s3+$0x0], $0xffff;
	v3 =	vadd.f32 $0.0e+00, v3;
	v4 =	vadd.f32 $0.0e+00, v4  }
0xcf: {  	v18 =	vld.idx.msk [tilespmem:v61+s3+$0x0], $0xffff  }
0xd0: {  	v62 =	vld.idx.msk [tilespmem:v19+s3+$0x0], $0xffff;
	v3 =	vadd.f32 v5, v3;
	v4 =	vadd.f32 v6, v4  }
0xd1: {  	v63 =	vld.idx.msk [tilespmem:v20+s3+$0x0], $0xffff  }
0xd2: {  	v19 =	vld [tilespmem:$0x19030];
	v3 =	vadd.f32 v7, v3;
	v4 =	vadd.f32 v8, v4  }
0xd3: {  	v20 =	vld [tilespmem:$0x190B0]  }
0xd4: {  	v3 =	vadd.f32 v9, v3;
	v4 =	vadd.f32 v10, v4;
	_ =	sdelay $0x1  }
0xd5: {  	v3 =	vadd.f32 v11, v3;
	v4 =	vadd.f32 v12, v4;
	_ =	sdelay $0x1  }
0xd6: {  	v3 =	vadd.f32 v13, v3;
	v4 =	vadd.f32 v14, v4;
	_ =	sdelay $0x1  }
0xd7: {  	v7 =	vld.idx.msk [tilespmem:v19+s3+$0x0], $0xffff;
	v3 =	vadd.f32 v15, v3;
	v4 =	vadd.f32 v16, v4  }
0xd8: {  	v8 =	vld.idx.msk [tilespmem:v20+s3+$0x0], $0xffff  }
0xd9: {  	v3 =	vadd.f32 v17, v3;
	v4 =	vadd.f32 v18, v4;
	_ =	sdelay $0x1  }
0xda: {  	v3 =	vadd.f32 v62, v3;
	v4 =	vadd.f32 v63, v4;
	_ =	sdelay $0x1  }
0xdb: {  	v3 =	vadd.f32 v7, v3;
	v4 =	vadd.f32 v8, v4;
	_ =	sdelay $0x1  }
0xdc: {  	v3 =	vadd.f32 v4, v3;
	_ =	sdelay $0x1  }
0xdd: {  	[tilespmem:s29+$0xFFFFFFB0] =	vst v3  }
0xde: {  	v3 =	vld [tilespmem:$0x18740]  }
0xdf: {  	v21 =	vld [tilespmem:$0x187C0]  }
0xe0: {  	v22 =	vld [tilespmem:$0x18840]  }
0xe1: {  	v23 =	vld [tilespmem:$0x188C0]  }
0xe2: {  	v24 =	vld [tilespmem:$0x18940]  }
0xe3: {  	v25 =	vld [tilespmem:$0x189C0]  }
0xe4: {  	v26 =	vld [tilespmem:$0x18A40]  }
0xe5: {  	v27 =	vld [tilespmem:$0x18AC0]  }
0xe6: {  	v28 =	vld [tilespmem:$0x18B40]  }
0xe7: {  	v29 =	vld [tilespmem:$0x18BC0]  }
0xe8: {  	v30 =	vld [tilespmem:$0x18C40]  }
0xe9: {  	v31 =	vld [tilespmem:$0x18CC0]  }
0xea: {  	v32 =	vld [tilespmem:$0x18D40]  }
0xeb: {  	v33 =	vld [tilespmem:$0x18DC0]  }
0xec: {  	v34 =	vld [tilespmem:$0x18E40]  }
0xed: {  	v35 =	vld [tilespmem:$0x18EC0]  }
0xee: {  	v36 =	vld [tilespmem:$0x18F40]  }
0xef: {  	v37 =	vld [tilespmem:$0x18FC0]  }
0xf0: {  	v38 =	vld [tilespmem:$0x19040]  }
0xf1: {  	v39 =	vld [tilespmem:$0x190C0]  }
0xf2: {  	v3 =	vld.idx.msk [tilespmem:v3+s3+$0x0], $0xffff  }
0xf3: {  	v4 =	vld.idx.msk [tilespmem:v21+s3+$0x0], $0xffff  }
0xf4: {  	v5 =	vld.idx.msk [tilespmem:v22+s3+$0x0], $0xffff  }
0xf5: {  	v6 =	vld.idx.msk [tilespmem:v23+s3+$0x0], $0xffff  }
0xf6: {  	v7 =	vld.idx.msk [tilespmem:v24+s3+$0x0], $0xffff  }
0xf7: {  	v8 =	vld.idx.msk [tilespmem:v25+s3+$0x0], $0xffff  }
0xf8: {  	v9 =	vld.idx.msk [tilespmem:v26+s3+$0x0], $0xffff;
	v3 =	vadd.f32 $0.0e+00, v3;
	v4 =	vadd.f32 $0.0e+00, v4  }
0xf9: {  	v10 =	vld.idx.msk [tilespmem:v27+s3+$0x0], $0xffff  }
0xfa: {  	v11 =	vld.idx.msk [tilespmem:v28+s3+$0x0], $0xffff;
	v3 =	vadd.f32 v5, v3;
	v4 =	vadd.f32 v6, v4  }
0xfb: {  	v12 =	vld.idx.msk [tilespmem:v29+s3+$0x0], $0xffff  }
0xfc: {  	v13 =	vld.idx.msk [tilespmem:v30+s3+$0x0], $0xffff;
	v3 =	vadd.f32 v7, v3;
	v4 =	vadd.f32 v8, v4  }
0xfd: {  	v14 =	vld.idx.msk [tilespmem:v31+s3+$0x0], $0xffff  }
0xfe: {  	v40 =	vld.idx.msk [tilespmem:v32+s3+$0x0], $0xffff;
	v3 =	vadd.f32 v9, v3;
	v4 =	vadd.f32 v10, v4  }
0xff: {  	v41 =	vld.idx.msk [tilespmem:v33+s3+$0x0], $0xffff  }
0x100: {  	v42 =	vld.idx.msk [tilespmem:v34+s3+$0x0], $0xffff;
	v3 =	vadd.f32 v11, v3;
	v4 =	vadd.f32 v12, v4  }
0x101: {  	v43 =	vld.idx.msk [tilespmem:v35+s3+$0x0], $0xffff  }
0x102: {  	v5 =	vld.idx.msk [tilespmem:v36+s3+$0x0], $0xffff;
	v3 =	vadd.f32 v13, v3;
	v4 =	vadd.f32 v14, v4  }
0x103: {  	v6 =	vld.idx.msk [tilespmem:v37+s3+$0x0], $0xffff  }
0x104: {  	v7 =	vld.idx.msk [tilespmem:v38+s3+$0x0], $0xffff;
	v3 =	vadd.f32 v40, v3;
	v4 =	vadd.f32 v41, v4  }
0x105: {  	v8 =	vld.idx.msk [tilespmem:v39+s3+$0x0], $0xffff  }
0x106: {  	v3 =	vadd.f32 v42, v3;
	v4 =	vadd.f32 v43, v4;
	_ =	sdelay $0x1  }
0x107: {  	v3 =	vadd.f32 v5, v3;
	v4 =	vadd.f32 v6, v4;
	_ =	sdelay $0x1  }
0x108: {  	v3 =	vadd.f32 v7, v3;
	v4 =	vadd.f32 v8, v4;
	_ =	sdelay $0x1  }
0x109: {  	v3 =	vadd.f32 v4, v3;
	_ =	sdelay $0x1  }
0x10a: {  	[tilespmem:s29+$0xFFFFFFC0] =	vst v3  }
0x10b: {  	v3 =	vld [tilespmem:$0x18750]  }
0x10c: {  	v44 =	vld [tilespmem:$0x187D0]  }
0x10d: {  	v45 =	vld [tilespmem:$0x18850]  }
0x10e: {  	v46 =	vld [tilespmem:$0x188D0]  }
0x10f: {  	v47 =	vld [tilespmem:$0x18950]  }
0x110: {  	v48 =	vld [tilespmem:$0x189D0]  }
0x111: {  	v49 =	vld [tilespmem:$0x18A50]  }
0x112: {  	v50 =	vld [tilespmem:$0x18AD0]  }
0x113: {  	v51 =	vld [tilespmem:$0x18B50]  }
0x114: {  	v52 =	vld [tilespmem:$0x18BD0]  }
0x115: {  	v53 =	vld [tilespmem:$0x18C50]  }
0x116: {  	v54 =	vld [tilespmem:$0x18CD0]  }
0x117: {  	v55 =	vld [tilespmem:$0x18D50]  }
0x118: {  	v56 =	vld [tilespmem:$0x18DD0]  }
0x119: {  	v57 =	vld [tilespmem:$0x18E50]  }
0x11a: {  	v58 =	vld [tilespmem:$0x18ED0]  }
0x11b: {  	v59 =	vld [tilespmem:$0x18F50]  }
0x11c: {  	v60 =	vld [tilespmem:$0x18FD0]  }
0x11d: {  	v61 =	vld [tilespmem:$0x19050]  }
0x11e: {  	v62 =	vld [tilespmem:$0x190D0]  }
0x11f: {  	v3 =	vld.idx.msk [tilespmem:v3+s3+$0x0], $0xffff  }
0x120: {  	v4 =	vld.idx.msk [tilespmem:v44+s3+$0x0], $0xffff  }
0x121: {  	v5 =	vld.idx.msk [tilespmem:v45+s3+$0x0], $0xffff  }
0x122: {  	v6 =	vld.idx.msk [tilespmem:v46+s3+$0x0], $0xffff  }
0x123: {  	v7 =	vld.idx.msk [tilespmem:v47+s3+$0x0], $0xffff  }
0x124: {  	v8 =	vld.idx.msk [tilespmem:v48+s3+$0x0], $0xffff  }
0x125: {  	v9 =	vld.idx.msk [tilespmem:v49+s3+$0x0], $0xffff;
	v3 =	vadd.f32 $0.0e+00, v3;
	v4 =	vadd.f32 $0.0e+00, v4  }
0x126: {  	v10 =	vld.idx.msk [tilespmem:v50+s3+$0x0], $0xffff  }
0x127: {  	v11 =	vld.idx.msk [tilespmem:v51+s3+$0x0], $0xffff;
	v3 =	vadd.f32 v5, v3;
	v4 =	vadd.f32 v6, v4  }
0x128: {  	v12 =	vld.idx.msk [tilespmem:v52+s3+$0x0], $0xffff  }
0x129: {  	v13 =	vld.idx.msk [tilespmem:v53+s3+$0x0], $0xffff;
	v3 =	vadd.f32 v7, v3;
	v4 =	vadd.f32 v8, v4  }
0x12a: {  	v14 =	vld.idx.msk [tilespmem:v54+s3+$0x0], $0xffff  }
0x12b: {  	v63 =	vld.idx.msk [tilespmem:v55+s3+$0x0], $0xffff;
	v3 =	vadd.f32 v9, v3;
	v4 =	vadd.f32 v10, v4  }
0x12c: {  	v16 =	vld.idx.msk [tilespmem:v56+s3+$0x0], $0xffff  }
0x12d: {  	v19 =	vld.idx.msk [tilespmem:v57+s3+$0x0], $0xffff;
	v3 =	vadd.f32 v11, v3;
	v4 =	vadd.f32 v12, v4  }
0x12e: {  	v20 =	vld.idx.msk [tilespmem:v58+s3+$0x0], $0xffff  }
0x12f: {  	v5 =	vld.idx.msk [tilespmem:v59+s3+$0x0], $0xffff;
	v3 =	vadd.f32 v13, v3;
	v4 =	vadd.f32 v14, v4  }
0x130: {  	v6 =	vld.idx.msk [tilespmem:v60+s3+$0x0], $0xffff  }
0x131: {  	v7 =	vld.idx.msk [tilespmem:v61+s3+$0x0], $0xffff;
	v3 =	vadd.f32 v63, v3;
	v4 =	vadd.f32 v16, v4  }
0x132: {  	v8 =	vld.idx.msk [tilespmem:v62+s3+$0x0], $0xffff  }
0x133: {  	v3 =	vadd.f32 v19, v3;
	v4 =	vadd.f32 v20, v4;
	_ =	sdelay $0x1  }
0x134: {  	v3 =	vadd.f32 v5, v3;
	v4 =	vadd.f32 v6, v4;
	_ =	sdelay $0x1  }
0x135: {  	v3 =	vadd.f32 v7, v3;
	v4 =	vadd.f32 v8, v4;
	_ =	sdelay $0x1  }
0x136: {  	v3 =	vadd.f32 v4, v3;
	_ =	sdelay $0x1  }
0x137: {  	[tilespmem:s29+$0xFFFFFFD0] =	vst v3  }
0x138: {  	v3 =	vld [tilespmem:$0x18760]  }
0x139: {  	v21 =	vld [tilespmem:$0x187E0]  }
0x13a: {  	v22 =	vld [tilespmem:$0x18860]  }
0x13b: {  	v23 =	vld [tilespmem:$0x188E0]  }
0x13c: {  	v24 =	vld [tilespmem:$0x18960]  }
0x13d: {  	v25 =	vld [tilespmem:$0x189E0]  }
0x13e: {  	v26 =	vld [tilespmem:$0x18A60]  }
0x13f: {  	v27 =	vld [tilespmem:$0x18AE0]  }
0x140: {  	v28 =	vld [tilespmem:$0x18B60]  }
0x141: {  	v29 =	vld [tilespmem:$0x18BE0]  }
0x142: {  	v30 =	vld [tilespmem:$0x18C60]  }
0x143: {  	v31 =	vld [tilespmem:$0x18CE0]  }
0x144: {  	v32 =	vld [tilespmem:$0x18D60]  }
0x145: {  	v33 =	vld [tilespmem:$0x18DE0]  }
0x146: {  	v34 =	vld [tilespmem:$0x18E60]  }
0x147: {  	v35 =	vld [tilespmem:$0x18EE0]  }
0x148: {  	v36 =	vld [tilespmem:$0x18F60]  }
0x149: {  	v37 =	vld [tilespmem:$0x18FE0]  }
0x14a: {  	v38 =	vld [tilespmem:$0x19060]  }
0x14b: {  	v39 =	vld [tilespmem:$0x190E0]  }
0x14c: {  	v3 =	vld.idx.msk [tilespmem:v3+s3+$0x0], $0xffff  }
0x14d: {  	v4 =	vld.idx.msk [tilespmem:v21+s3+$0x0], $0xffff  }
0x14e: {  	v5 =	vld.idx.msk [tilespmem:v22+s3+$0x0], $0xffff  }
0x14f: {  	v6 =	vld.idx.msk [tilespmem:v23+s3+$0x0], $0xffff  }
0x150: {  	v7 =	vld.idx.msk [tilespmem:v24+s3+$0x0], $0xffff  }
0x151: {  	v8 =	vld.idx.msk [tilespmem:v25+s3+$0x0], $0xffff  }
0x152: {  	v9 =	vld.idx.msk [tilespmem:v26+s3+$0x0], $0xffff;
	v3 =	vadd.f32 $0.0e+00, v3;
	v4 =	vadd.f32 $0.0e+00, v4  }
0x153: {  	v10 =	vld.idx.msk [tilespmem:v27+s3+$0x0], $0xffff  }
0x154: {  	v11 =	vld.idx.msk [tilespmem:v28+s3+$0x0], $0xffff;
	v3 =	vadd.f32 v5, v3;
	v4 =	vadd.f32 v6, v4  }
0x155: {  	v12 =	vld.idx.msk [tilespmem:v29+s3+$0x0], $0xffff  }
0x156: {  	v13 =	vld.idx.msk [tilespmem:v30+s3+$0x0], $0xffff;
	v3 =	vadd.f32 v7, v3;
	v4 =	vadd.f32 v8, v4  }
0x157: {  	v14 =	vld.idx.msk [tilespmem:v31+s3+$0x0], $0xffff  }
0x158: {  	v40 =	vld.idx.msk [tilespmem:v32+s3+$0x0], $0xffff;
	v3 =	vadd.f32 v9, v3;
	v4 =	vadd.f32 v10, v4  }
0x159: {  	v41 =	vld.idx.msk [tilespmem:v33+s3+$0x0], $0xffff  }
0x15a: {  	v42 =	vld.idx.msk [tilespmem:v34+s3+$0x0], $0xffff;
	v3 =	vadd.f32 v11, v3;
	v4 =	vadd.f32 v12, v4  }
0x15b: {  	v43 =	vld.idx.msk [tilespmem:v35+s3+$0x0], $0xffff  }
0x15c: {  	v5 =	vld.idx.msk [tilespmem:v36+s3+$0x0], $0xffff;
	v3 =	vadd.f32 v13, v3;
	v4 =	vadd.f32 v14, v4  }
0x15d: {  	v6 =	vld.idx.msk [tilespmem:v37+s3+$0x0], $0xffff  }
0x15e: {  	v7 =	vld.idx.msk [tilespmem:v38+s3+$0x0], $0xffff;
	v3 =	vadd.f32 v40, v3;
	v4 =	vadd.f32 v41, v4  }
0x15f: {  	v8 =	vld.idx.msk [tilespmem:v39+s3+$0x0], $0xffff  }
0x160: {  	v3 =	vadd.f32 v42, v3;
	v4 =	vadd.f32 v43, v4;
	_ =	sdelay $0x1  }
0x161: {  	v3 =	vadd.f32 v5, v3;
	v4 =	vadd.f32 v6, v4;
	_ =	sdelay $0x1  }
0x162: {  	v3 =	vadd.f32 v7, v3;
	v4 =	vadd.f32 v8, v4;
	_ =	sdelay $0x1  }
0x163: {  	v3 =	vadd.f32 v4, v3;
	_ =	sdelay $0x1  }
0x164: {  	[tilespmem:s29+$0xFFFFFFE0] =	vst v3  }
0x165: {  	v3 =	vld [tilespmem:$0x18770]  }
0x166: {  	v44 =	vld [tilespmem:$0x187F0]  }
0x167: {  	v45 =	vld [tilespmem:$0x18870]  }
0x168: {  	v46 =	vld [tilespmem:$0x188F0]  }
0x169: {  	v47 =	vld [tilespmem:$0x18970]  }
0x16a: {  	v48 =	vld [tilespmem:$0x189F0]  }
0x16b: {  	v49 =	vld [tilespmem:$0x18A70]  }
0x16c: {  	v50 =	vld [tilespmem:$0x18AF0]  }
0x16d: {  	v51 =	vld [tilespmem:$0x18B70]  }
0x16e: {  	v52 =	vld [tilespmem:$0x18BF0]  }
0x16f: {  	v53 =	vld [tilespmem:$0x18C70]  }
0x170: {  	v54 =	vld [tilespmem:$0x18CF0]  }
0x171: {  	v55 =	vld [tilespmem:$0x18D70]  }
0x172: {  	v56 =	vld [tilespmem:$0x18DF0]  }
0x173: {  	v57 =	vld [tilespmem:$0x18E70]  }
0x174: {  	v58 =	vld [tilespmem:$0x18EF0]  }
0x175: {  	v59 =	vld [tilespmem:$0x18F70]  }
0x176: {  	v60 =	vld [tilespmem:$0x18FF0]  }
0x177: {  	v61 =	vld [tilespmem:$0x19070]  }
0x178: {  	v62 =	vld [tilespmem:$0x190F0]  }
0x179: {  	v3 =	vld.idx.msk [tilespmem:v3+s3+$0x0], $0xffff  }
0x17a: {  	v4 =	vld.idx.msk [tilespmem:v44+s3+$0x0], $0xffff  }
0x17b: {  	v5 =	vld.idx.msk [tilespmem:v45+s3+$0x0], $0xffff  }
0x17c: {  	v6 =	vld.idx.msk [tilespmem:v46+s3+$0x0], $0xffff  }
0x17d: {  	v7 =	vld.idx.msk [tilespmem:v47+s3+$0x0], $0xffff  }
0x17e: {  	v8 =	vld.idx.msk [tilespmem:v48+s3+$0x0], $0xffff  }
0x17f: {  	v9 =	vld.idx.msk [tilespmem:v49+s3+$0x0], $0xffff;
	v3 =	vadd.f32 $0.0e+00, v3;
	v4 =	vadd.f32 $0.0e+00, v4  }
0x180: {  	v10 =	vld.idx.msk [tilespmem:v50+s3+$0x0], $0xffff  }
0x181: {  	v11 =	vld.idx.msk [tilespmem:v51+s3+$0x0], $0xffff;
	v3 =	vadd.f32 v5, v3;
	v4 =	vadd.f32 v6, v4  }
0x182: {  	v12 =	vld.idx.msk [tilespmem:v52+s3+$0x0], $0xffff  }
0x183: {  	v13 =	vld.idx.msk [tilespmem:v53+s3+$0x0], $0xffff;
	v3 =	vadd.f32 v7, v3;
	v4 =	vadd.f32 v8, v4  }
0x184: {  	v14 =	vld.idx.msk [tilespmem:v54+s3+$0x0], $0xffff  }
0x185: {  	v63 =	vld.idx.msk [tilespmem:v55+s3+$0x0], $0xffff;
	v3 =	vadd.f32 v9, v3;
	v4 =	vadd.f32 v10, v4  }
0x186: {  	v16 =	vld.idx.msk [tilespmem:v56+s3+$0x0], $0xffff  }
0x187: {  	v19 =	vld.idx.msk [tilespmem:v57+s3+$0x0], $0xffff;
	v3 =	vadd.f32 v11, v3;
	v4 =	vadd.f32 v12, v4  }
0x188: {  	v20 =	vld.idx.msk [tilespmem:v58+s3+$0x0], $0xffff  }
0x189: {  	v5 =	vld.idx.msk [tilespmem:v59+s3+$0x0], $0xffff;
	v3 =	vadd.f32 v13, v3;
	v4 =	vadd.f32 v14, v4  }
0x18a: {  	v6 =	vld.idx.msk [tilespmem:v60+s3+$0x0], $0xffff  }
0x18b: {  	v7 =	vld.idx.msk [tilespmem:v61+s3+$0x0], $0xffff;
	v3 =	vadd.f32 v63, v3;
	v4 =	vadd.f32 v16, v4  }
0x18c: {  	v8 =	vld.idx.msk [tilespmem:v62+s3+$0x0], $0xffff  }
0x18d: {  	v3 =	vadd.f32 v19, v3;
	v4 =	vadd.f32 v20, v4;
	_ =	sdelay $0x1  }
0x18e: {  	v3 =	vadd.f32 v5, v3;
	v4 =	vadd.f32 v6, v4;
	_ =	sdelay $0x1  }
0x18f: {  	v3 =	vadd.f32 v7, v3;
	v4 =	vadd.f32 v8, v4;
	_ =	sdelay $0x1  }
0x190: {  	v3 =	vadd.f32 v4, v3;
	_ =	sdelay $0x1  }
0x191: {  	p0 =	seq.s32 s28, $0x1E0;
	[tilespmem:s29+$0xFFFFFFF0] =	vst v3  }
0x192: {  	s9 =	simm.s32 @!p0 $0x80;
	_ =	swait.ge [sflag:s17], $0xA00  }
0x193: {  	s10 =	simm.s32 @!p0 $0x1000;
	s8 =	sadd.s32 @!p0 s28, s23;
	[sflag:s17] =	ssyncset.done $0x0  }
0x194: {  	s11 =	simm.s32 @!p0 $0x18700;
	s8 =	sadd.s32 @!p0 $0x20, s8;
	[sflag:s17] =	ssyncadd.s32 $0xFFFFF600  }
0x195: {  	[tilespmem:s11], [sflag:$0x1] =	stream.strided.gather @!p0 [hbm4b:s8+s9], $0xA00, s10, s9, $0x38;
	[tilespmem:$0x1E510] =	vst v63  }
0x196: {  	v3 =	vld [tilespmem:$0x19100]  }
0x197: {  	v21 =	vld [tilespmem:$0x19180]  }
0x198: {  	v22 =	vld [tilespmem:$0x19200]  }
0x199: {  	v23 =	vld [tilespmem:$0x19280]  }
0x19a: {  	v24 =	vld [tilespmem:$0x19300]  }
0x19b: {  	v25 =	vld [tilespmem:$0x19380]  }
0x19c: {  	v26 =	vld [tilespmem:$0x19400]  }
0x19d: {  	v27 =	vld [tilespmem:$0x19480]  }
0x19e: {  	v28 =	vld [tilespmem:$0x19500]  }
0x19f: {  	v29 =	vld [tilespmem:$0x19580]  }
0x1a0: {  	v30 =	vld [tilespmem:$0x19600]  }
0x1a1: {  	v31 =	vld [tilespmem:$0x19680]  }
0x1a2: {  	v32 =	vld [tilespmem:$0x19700]  }
0x1a3: {  	v33 =	vld [tilespmem:$0x19780]  }
0x1a4: {  	v34 =	vld [tilespmem:$0x19800]  }
0x1a5: {  	v35 =	vld [tilespmem:$0x19880]  }
0x1a6: {  	v36 =	vld [tilespmem:$0x19900]  }
0x1a7: {  	v37 =	vld [tilespmem:$0x19980]  }
0x1a8: {  	v38 =	vld [tilespmem:$0x19A00]  }
0x1a9: {  	v39 =	vld [tilespmem:$0x19A80]  }
0x1aa: {  	v3 =	vld.idx.msk [tilespmem:v3+s3+$0x0], $0xffff  }
0x1ab: {  	v4 =	vld.idx.msk [tilespmem:v21+s3+$0x0], $0xffff  }
0x1ac: {  	v5 =	vld.idx.msk [tilespmem:v22+s3+$0x0], $0xffff  }
0x1ad: {  	v6 =	vld.idx.msk [tilespmem:v23+s3+$0x0], $0xffff  }
0x1ae: {  	v7 =	vld.idx.msk [tilespmem:v24+s3+$0x0], $0xffff  }
0x1af: {  	v8 =	vld.idx.msk [tilespmem:v25+s3+$0x0], $0xffff  }
0x1b0: {  	v9 =	vld.idx.msk [tilespmem:v26+s3+$0x0], $0xffff;
	v3 =	vadd.f32 $0.0e+00, v3;
	v4 =	vadd.f32 $0.0e+00, v4  }
0x1b1: {  	v10 =	vld.idx.msk [tilespmem:v27+s3+$0x0], $0xffff  }
0x1b2: {  	v11 =	vld.idx.msk [tilespmem:v28+s3+$0x0], $0xffff;
	v3 =	vadd.f32 v5, v3;
	v4 =	vadd.f32 v6, v4  }
0x1b3: {  	v12 =	vld.idx.msk [tilespmem:v29+s3+$0x0], $0xffff  }
0x1b4: {  	v13 =	vld.idx.msk [tilespmem:v30+s3+$0x0], $0xffff;
	v3 =	vadd.f32 v7, v3;
	v4 =	vadd.f32 v8, v4  }
0x1b5: {  	v14 =	vld.idx.msk [tilespmem:v31+s3+$0x0], $0xffff  }
0x1b6: {  	v40 =	vld.idx.msk [tilespmem:v32+s3+$0x0], $0xffff;
	v3 =	vadd.f32 v9, v3;
	v4 =	vadd.f32 v10, v4  }
0x1b7: {  	v41 =	vld.idx.msk [tilespmem:v33+s3+$0x0], $0xffff  }
0x1b8: {  	v42 =	vld.idx.msk [tilespmem:v34+s3+$0x0], $0xffff;
	v3 =	vadd.f32 v11, v3;
	v4 =	vadd.f32 v12, v4  }
0x1b9: {  	v43 =	vld.idx.msk [tilespmem:v35+s3+$0x0], $0xffff  }
0x1ba: {  	v5 =	vld.idx.msk [tilespmem:v36+s3+$0x0], $0xffff;
	v3 =	vadd.f32 v13, v3;
	v4 =	vadd.f32 v14, v4  }
0x1bb: {  	v6 =	vld.idx.msk [tilespmem:v37+s3+$0x0], $0xffff  }
0x1bc: {  	v7 =	vld.idx.msk [tilespmem:v38+s3+$0x0], $0xffff;
	v3 =	vadd.f32 v40, v3;
	v4 =	vadd.f32 v41, v4  }
0x1bd: {  	v8 =	vld.idx.msk [tilespmem:v39+s3+$0x0], $0xffff  }
0x1be: {  	v3 =	vadd.f32 v42, v3;
	v4 =	vadd.f32 v43, v4;
	_ =	sdelay $0x1  }
0x1bf: {  	v3 =	vadd.f32 v5, v3;
	v4 =	vadd.f32 v6, v4;
	_ =	sdelay $0x1  }
0x1c0: {  	v3 =	vadd.f32 v7, v3;
	v4 =	vadd.f32 v8, v4;
	_ =	sdelay $0x1  }
0x1c1: {  	v3 =	vadd.f32 v4, v3;
	_ =	sdelay $0x1  }
0x1c2: {  	[tilespmem:s29+$0x0] =	vst v3  }
0x1c3: {  	v3 =	vld [tilespmem:$0x19110]  }
0x1c4: {  	v44 =	vld [tilespmem:$0x19190]  }
0x1c5: {  	v45 =	vld [tilespmem:$0x19210]  }
0x1c6: {  	v46 =	vld [tilespmem:$0x19290]  }
0x1c7: {  	v47 =	vld [tilespmem:$0x19310]  }
0x1c8: {  	v48 =	vld [tilespmem:$0x19390]  }
0x1c9: {  	v49 =	vld [tilespmem:$0x19410]  }
0x1ca: {  	v50 =	vld [tilespmem:$0x19490]  }
0x1cb: {  	v51 =	vld [tilespmem:$0x19510]  }
0x1cc: {  	v52 =	vld [tilespmem:$0x19590]  }
0x1cd: {  	v53 =	vld [tilespmem:$0x19610]  }
0x1ce: {  	v54 =	vld [tilespmem:$0x19690]  }
0x1cf: {  	v55 =	vld [tilespmem:$0x19710]  }
0x1d0: {  	v56 =	vld [tilespmem:$0x19790]  }
0x1d1: {  	v57 =	vld [tilespmem:$0x19810]  }
0x1d2: {  	v58 =	vld [tilespmem:$0x19890]  }
0x1d3: {  	v59 =	vld [tilespmem:$0x19910]  }
0x1d4: {  	v60 =	vld [tilespmem:$0x19990]  }
0x1d5: {  	v61 =	vld [tilespmem:$0x19A10]  }
0x1d6: {  	v62 =	vld [tilespmem:$0x19A90]  }
0x1d7: {  	v3 =	vld.idx.msk [tilespmem:v3+s3+$0x0], $0xffff  }
0x1d8: {  	v4 =	vld.idx.msk [tilespmem:v44+s3+$0x0], $0xffff  }
0x1d9: {  	v5 =	vld.idx.msk [tilespmem:v45+s3+$0x0], $0xffff  }
0x1da: {  	v6 =	vld.idx.msk [tilespmem:v46+s3+$0x0], $0xffff  }
0x1db: {  	v7 =	vld.idx.msk [tilespmem:v47+s3+$0x0], $0xffff  }
0x1dc: {  	v8 =	vld.idx.msk [tilespmem:v48+s3+$0x0], $0xffff  }
0x1dd: {  	v9 =	vld.idx.msk [tilespmem:v49+s3+$0x0], $0xffff;
	v3 =	vadd.f32 $0.0e+00, v3;
	v4 =	vadd.f32 $0.0e+00, v4  }
0x1de: {  	v10 =	vld.idx.msk [tilespmem:v50+s3+$0x0], $0xffff  }
0x1df: {  	v11 =	vld.idx.msk [tilespmem:v51+s3+$0x0], $0xffff;
	v3 =	vadd.f32 v5, v3;
	v4 =	vadd.f32 v6, v4  }
0x1e0: {  	v12 =	vld.idx.msk [tilespmem:v52+s3+$0x0], $0xffff  }
0x1e1: {  	v13 =	vld.idx.msk [tilespmem:v53+s3+$0x0], $0xffff;
	v3 =	vadd.f32 v7, v3;
	v4 =	vadd.f32 v8, v4  }
0x1e2: {  	v14 =	vld.idx.msk [tilespmem:v54+s3+$0x0], $0xffff  }
0x1e3: {  	v63 =	vld.idx.msk [tilespmem:v55+s3+$0x0], $0xffff;
	v3 =	vadd.f32 v9, v3;
	v4 =	vadd.f32 v10, v4  }
0x1e4: {  	v16 =	vld.idx.msk [tilespmem:v56+s3+$0x0], $0xffff  }
0x1e5: {  	v19 =	vld.idx.msk [tilespmem:v57+s3+$0x0], $0xffff;
	v3 =	vadd.f32 v11, v3;
	v4 =	vadd.f32 v12, v4  }
0x1e6: {  	v20 =	vld.idx.msk [tilespmem:v58+s3+$0x0], $0xffff  }
0x1e7: {  	v5 =	vld.idx.msk [tilespmem:v59+s3+$0x0], $0xffff;
	v3 =	vadd.f32 v13, v3;
	v4 =	vadd.f32 v14, v4  }
0x1e8: {  	v6 =	vld.idx.msk [tilespmem:v60+s3+$0x0], $0xffff  }
0x1e9: {  	v7 =	vld.idx.msk [tilespmem:v61+s3+$0x0], $0xffff;
	v3 =	vadd.f32 v63, v3;
	v4 =	vadd.f32 v16, v4  }
0x1ea: {  	v8 =	vld.idx.msk [tilespmem:v62+s3+$0x0], $0xffff  }
0x1eb: {  	v3 =	vadd.f32 v19, v3;
	v4 =	vadd.f32 v20, v4;
	_ =	sdelay $0x1  }
0x1ec: {  	v3 =	vadd.f32 v5, v3;
	v4 =	vadd.f32 v6, v4;
	_ =	sdelay $0x1  }
0x1ed: {  	v3 =	vadd.f32 v7, v3;
	v4 =	vadd.f32 v8, v4;
	_ =	sdelay $0x1  }
0x1ee: {  	v3 =	vadd.f32 v4, v3;
	_ =	sdelay $0x1  }
0x1ef: {  	[tilespmem:s29+$0x10] =	vst v3  }
0x1f0: {  	v3 =	vld [tilespmem:$0x19120]  }
0x1f1: {  	v21 =	vld [tilespmem:$0x191A0]  }
0x1f2: {  	v22 =	vld [tilespmem:$0x19220]  }
0x1f3: {  	v23 =	vld [tilespmem:$0x192A0]  }
0x1f4: {  	v24 =	vld [tilespmem:$0x19320]  }
0x1f5: {  	v25 =	vld [tilespmem:$0x193A0]  }
0x1f6: {  	v26 =	vld [tilespmem:$0x19420]  }
0x1f7: {  	v27 =	vld [tilespmem:$0x194A0]  }
0x1f8: {  	v28 =	vld [tilespmem:$0x19520]  }
0x1f9: {  	v29 =	vld [tilespmem:$0x195A0]  }
0x1fa: {  	v30 =	vld [tilespmem:$0x19620]  }
0x1fb: {  	v31 =	vld [tilespmem:$0x196A0]  }
0x1fc: {  	v32 =	vld [tilespmem:$0x19720]  }
0x1fd: {  	v33 =	vld [tilespmem:$0x197A0]  }
0x1fe: {  	v34 =	vld [tilespmem:$0x19820]  }
0x1ff: {  	v35 =	vld [tilespmem:$0x198A0]  }
0x200: {  	v36 =	vld [tilespmem:$0x19920]  }
0x201: {  	v37 =	vld [tilespmem:$0x199A0]  }
0x202: {  	v38 =	vld [tilespmem:$0x19A20]  }
0x203: {  	v39 =	vld [tilespmem:$0x19AA0]  }
0x204: {  	v3 =	vld.idx.msk [tilespmem:v3+s3+$0x0], $0xffff  }
0x205: {  	v4 =	vld.idx.msk [tilespmem:v21+s3+$0x0], $0xffff  }
0x206: {  	v5 =	vld.idx.msk [tilespmem:v22+s3+$0x0], $0xffff  }
0x207: {  	v6 =	vld.idx.msk [tilespmem:v23+s3+$0x0], $0xffff  }
0x208: {  	v7 =	vld.idx.msk [tilespmem:v24+s3+$0x0], $0xffff  }
0x209: {  	v8 =	vld.idx.msk [tilespmem:v25+s3+$0x0], $0xffff  }
0x20a: {  	v9 =	vld.idx.msk [tilespmem:v26+s3+$0x0], $0xffff;
	v3 =	vadd.f32 $0.0e+00, v3;
	v4 =	vadd.f32 $0.0e+00, v4  }
0x20b: {  	v10 =	vld.idx.msk [tilespmem:v27+s3+$0x0], $0xffff  }
0x20c: {  	v11 =	vld.idx.msk [tilespmem:v28+s3+$0x0], $0xffff;
	v3 =	vadd.f32 v5, v3;
	v4 =	vadd.f32 v6, v4  }
0x20d: {  	v12 =	vld.idx.msk [tilespmem:v29+s3+$0x0], $0xffff  }
0x20e: {  	v13 =	vld.idx.msk [tilespmem:v30+s3+$0x0], $0xffff;
	v3 =	vadd.f32 v7, v3;
	v4 =	vadd.f32 v8, v4  }
0x20f: {  	v14 =	vld.idx.msk [tilespmem:v31+s3+$0x0], $0xffff  }
0x210: {  	v40 =	vld.idx.msk [tilespmem:v32+s3+$0x0], $0xffff;
	v3 =	vadd.f32 v9, v3;
	v4 =	vadd.f32 v10, v4  }
0x211: {  	v41 =	vld.idx.msk [tilespmem:v33+s3+$0x0], $0xffff  }
0x212: {  	v42 =	vld.idx.msk [tilespmem:v34+s3+$0x0], $0xffff;
	v3 =	vadd.f32 v11, v3;
	v4 =	vadd.f32 v12, v4  }
0x213: {  	v43 =	vld.idx.msk [tilespmem:v35+s3+$0x0], $0xffff  }
0x214: {  	v5 =	vld.idx.msk [tilespmem:v36+s3+$0x0], $0xffff;
	v3 =	vadd.f32 v13, v3;
	v4 =	vadd.f32 v14, v4  }
0x215: {  	v6 =	vld.idx.msk [tilespmem:v37+s3+$0x0], $0xffff  }
0x216: {  	v7 =	vld.idx.msk [tilespmem:v38+s3+$0x0], $0xffff;
	v3 =	vadd.f32 v40, v3;
	v4 =	vadd.f32 v41, v4  }
0x217: {  	v8 =	vld.idx.msk [tilespmem:v39+s3+$0x0], $0xffff  }
0x218: {  	v3 =	vadd.f32 v42, v3;
	v4 =	vadd.f32 v43, v4;
	_ =	sdelay $0x1  }
0x219: {  	v3 =	vadd.f32 v5, v3;
	v4 =	vadd.f32 v6, v4;
	_ =	sdelay $0x1  }
0x21a: {  	v3 =	vadd.f32 v7, v3;
	v4 =	vadd.f32 v8, v4;
	_ =	sdelay $0x1  }
0x21b: {  	v3 =	vadd.f32 v4, v3;
	_ =	sdelay $0x1  }
0x21c: {  	[tilespmem:s29+$0x20] =	vst v3  }
0x21d: {  	v3 =	vld [tilespmem:$0x19130]  }
0x21e: {  	v44 =	vld [tilespmem:$0x191B0]  }
0x21f: {  	v45 =	vld [tilespmem:$0x19230]  }
0x220: {  	v46 =	vld [tilespmem:$0x192B0]  }
0x221: {  	v47 =	vld [tilespmem:$0x19330]  }
0x222: {  	v48 =	vld [tilespmem:$0x193B0]  }
0x223: {  	v49 =	vld [tilespmem:$0x19430]  }
0x224: {  	v50 =	vld [tilespmem:$0x194B0]  }
0x225: {  	v51 =	vld [tilespmem:$0x19530]  }
0x226: {  	v52 =	vld [tilespmem:$0x195B0]  }
0x227: {  	v53 =	vld [tilespmem:$0x19630]  }
0x228: {  	v54 =	vld [tilespmem:$0x196B0]  }
0x229: {  	v55 =	vld [tilespmem:$0x19730]  }
0x22a: {  	v56 =	vld [tilespmem:$0x197B0]  }
0x22b: {  	v57 =	vld [tilespmem:$0x19830]  }
0x22c: {  	v58 =	vld [tilespmem:$0x198B0]  }
0x22d: {  	v59 =	vld [tilespmem:$0x19930]  }
0x22e: {  	v60 =	vld [tilespmem:$0x199B0]  }
0x22f: {  	v61 =	vld [tilespmem:$0x19A30]  }
0x230: {  	v62 =	vld [tilespmem:$0x19AB0]  }
0x231: {  	v3 =	vld.idx.msk [tilespmem:v3+s3+$0x0], $0xffff  }
0x232: {  	v4 =	vld.idx.msk [tilespmem:v44+s3+$0x0], $0xffff  }
0x233: {  	v5 =	vld.idx.msk [tilespmem:v45+s3+$0x0], $0xffff  }
0x234: {  	v6 =	vld.idx.msk [tilespmem:v46+s3+$0x0], $0xffff  }
0x235: {  	v7 =	vld.idx.msk [tilespmem:v47+s3+$0x0], $0xffff  }
0x236: {  	v8 =	vld.idx.msk [tilespmem:v48+s3+$0x0], $0xffff  }
0x237: {  	v9 =	vld.idx.msk [tilespmem:v49+s3+$0x0], $0xffff;
	v3 =	vadd.f32 $0.0e+00, v3;
	v4 =	vadd.f32 $0.0e+00, v4  }
0x238: {  	v10 =	vld.idx.msk [tilespmem:v50+s3+$0x0], $0xffff  }
0x239: {  	v11 =	vld.idx.msk [tilespmem:v51+s3+$0x0], $0xffff;
	v3 =	vadd.f32 v5, v3;
	v4 =	vadd.f32 v6, v4  }
0x23a: {  	v12 =	vld.idx.msk [tilespmem:v52+s3+$0x0], $0xffff  }
0x23b: {  	v13 =	vld.idx.msk [tilespmem:v53+s3+$0x0], $0xffff;
	v3 =	vadd.f32 v7, v3;
	v4 =	vadd.f32 v8, v4  }
0x23c: {  	v14 =	vld.idx.msk [tilespmem:v54+s3+$0x0], $0xffff  }
0x23d: {  	v63 =	vld.idx.msk [tilespmem:v55+s3+$0x0], $0xffff;
	v3 =	vadd.f32 v9, v3;
	v4 =	vadd.f32 v10, v4  }
0x23e: {  	v16 =	vld.idx.msk [tilespmem:v56+s3+$0x0], $0xffff  }
0x23f: {  	v17 =	vld.idx.msk [tilespmem:v57+s3+$0x0], $0xffff;
	v3 =	vadd.f32 v11, v3;
	v4 =	vadd.f32 v12, v4  }
0x240: {  	v19 =	vld.idx.msk [tilespmem:v58+s3+$0x0], $0xffff  }
0x241: {  	v5 =	vld.idx.msk [tilespmem:v59+s3+$0x0], $0xffff;
	v3 =	vadd.f32 v13, v3;
	v4 =	vadd.f32 v14, v4  }
0x242: {  	v6 =	vld.idx.msk [tilespmem:v60+s3+$0x0], $0xffff  }
0x243: {  	v7 =	vld.idx.msk [tilespmem:v61+s3+$0x0], $0xffff;
	v3 =	vadd.f32 v63, v3;
	v4 =	vadd.f32 v16, v4  }
0x244: {  	v8 =	vld.idx.msk [tilespmem:v62+s3+$0x0], $0xffff  }
0x245: {  	v3 =	vadd.f32 v17, v3;
	v4 =	vadd.f32 v19, v4;
	_ =	sdelay $0x1  }
0x246: {  	v3 =	vadd.f32 v5, v3;
	v4 =	vadd.f32 v6, v4;
	_ =	sdelay $0x1  }
0x247: {  	v3 =	vadd.f32 v7, v3;
	v4 =	vadd.f32 v8, v4;
	_ =	sdelay $0x1  }
0x248: {  	v3 =	vadd.f32 v4, v3;
	_ =	sdelay $0x1  }
0x249: {  	[tilespmem:s29+$0x30] =	vst v3  }
0x24a: {  	v3 =	vld [tilespmem:$0x19140]  }
0x24b: {  	v20 =	vld [tilespmem:$0x191C0]  }
0x24c: {  	v21 =	vld [tilespmem:$0x19240]  }
0x24d: {  	v22 =	vld [tilespmem:$0x192C0]  }
0x24e: {  	v23 =	vld [tilespmem:$0x19340]  }
0x24f: {  	v24 =	vld [tilespmem:$0x193C0]  }
0x250: {  	v25 =	vld [tilespmem:$0x19440]  }
0x251: {  	v26 =	vld [tilespmem:$0x194C0]  }
0x252: {  	v27 =	vld [tilespmem:$0x19540]  }
0x253: {  	v28 =	vld [tilespmem:$0x195C0]  }
0x254: {  	v29 =	vld [tilespmem:$0x19640]  }
0x255: {  	v30 =	vld [tilespmem:$0x196C0]  }
0x256: {  	v31 =	vld [tilespmem:$0x19740]  }
0x257: {  	v32 =	vld [tilespmem:$0x197C0]  }
0x258: {  	v33 =	vld [tilespmem:$0x19840]  }
0x259: {  	v34 =	vld [tilespmem:$0x198C0]  }
0x25a: {  	v35 =	vld [tilespmem:$0x19940]  }
0x25b: {  	v36 =	vld [tilespmem:$0x199C0]  }
0x25c: {  	v37 =	vld [tilespmem:$0x19A40]  }
0x25d: {  	v38 =	vld [tilespmem:$0x19AC0]  }
0x25e: {  	v3 =	vld.idx.msk [tilespmem:v3+s3+$0x0], $0xffff  }
0x25f: {  	v4 =	vld.idx.msk [tilespmem:v20+s3+$0x0], $0xffff  }
0x260: {  	v5 =	vld.idx.msk [tilespmem:v21+s3+$0x0], $0xffff  }
0x261: {  	v6 =	vld.idx.msk [tilespmem:v22+s3+$0x0], $0xffff  }
0x262: {  	v7 =	vld.idx.msk [tilespmem:v23+s3+$0x0], $0xffff  }
0x263: {  	v8 =	vld.idx.msk [tilespmem:v24+s3+$0x0], $0xffff  }
0x264: {  	v9 =	vld.idx.msk [tilespmem:v25+s3+$0x0], $0xffff;
	v3 =	vadd.f32 $0.0e+00, v3;
	v4 =	vadd.f32 $0.0e+00, v4  }
0x265: {  	v10 =	vld.idx.msk [tilespmem:v26+s3+$0x0], $0xffff  }
0x266: {  	v11 =	vld.idx.msk [tilespmem:v27+s3+$0x0], $0xffff;
	v3 =	vadd.f32 v5, v3;
	v4 =	vadd.f32 v6, v4  }
0x267: {  	v12 =	vld.idx.msk [tilespmem:v28+s3+$0x0], $0xffff  }
0x268: {  	v13 =	vld.idx.msk [tilespmem:v29+s3+$0x0], $0xffff;
	v3 =	vadd.f32 v7, v3;
	v4 =	vadd.f32 v8, v4  }
0x269: {  	v14 =	vld.idx.msk [tilespmem:v30+s3+$0x0], $0xffff  }
0x26a: {  	v39 =	vld.idx.msk [tilespmem:v31+s3+$0x0], $0xffff;
	v3 =	vadd.f32 v9, v3;
	v4 =	vadd.f32 v10, v4  }
0x26b: {  	v40 =	vld.idx.msk [tilespmem:v32+s3+$0x0], $0xffff  }
0x26c: {  	v41 =	vld.idx.msk [tilespmem:v33+s3+$0x0], $0xffff;
	v3 =	vadd.f32 v11, v3;
	v4 =	vadd.f32 v12, v4  }
0x26d: {  	v42 =	vld.idx.msk [tilespmem:v34+s3+$0x0], $0xffff  }
0x26e: {  	v5 =	vld.idx.msk [tilespmem:v35+s3+$0x0], $0xffff;
	v3 =	vadd.f32 v13, v3;
	v4 =	vadd.f32 v14, v4  }
0x26f: {  	v6 =	vld.idx.msk [tilespmem:v36+s3+$0x0], $0xffff  }
0x270: {  	v7 =	vld.idx.msk [tilespmem:v37+s3+$0x0], $0xffff;
	v3 =	vadd.f32 v39, v3;
	v4 =	vadd.f32 v40, v4  }
0x271: {  	v8 =	vld.idx.msk [tilespmem:v38+s3+$0x0], $0xffff  }
0x272: {  	v3 =	vadd.f32 v41, v3;
	v4 =	vadd.f32 v42, v4;
	_ =	sdelay $0x1  }
0x273: {  	v3 =	vadd.f32 v5, v3;
	v4 =	vadd.f32 v6, v4;
	_ =	sdelay $0x1  }
0x274: {  	v3 =	vadd.f32 v7, v3;
	v4 =	vadd.f32 v8, v4;
	_ =	sdelay $0x1  }
0x275: {  	v3 =	vadd.f32 v4, v3;
	_ =	sdelay $0x1  }
0x276: {  	[tilespmem:s29+$0x40] =	vst v3  }
0x277: {  	v3 =	vld [tilespmem:$0x19150]  }
0x278: {  	v43 =	vld [tilespmem:$0x191D0]  }
0x279: {  	v44 =	vld [tilespmem:$0x19250]  }
0x27a: {  	v45 =	vld [tilespmem:$0x192D0]  }
0x27b: {  	v46 =	vld [tilespmem:$0x19350]  }
0x27c: {  	v47 =	vld [tilespmem:$0x193D0]  }
0x27d: {  	v48 =	vld [tilespmem:$0x19450]  }
0x27e: {  	v49 =	vld [tilespmem:$0x194D0]  }
0x27f: {  	v50 =	vld [tilespmem:$0x19550]  }
0x280: {  	v51 =	vld [tilespmem:$0x195D0]  }
0x281: {  	v52 =	vld [tilespmem:$0x19650]  }
0x282: {  	v53 =	vld [tilespmem:$0x196D0]  }
0x283: {  	v54 =	vld [tilespmem:$0x19750]  }
0x284: {  	v55 =	vld [tilespmem:$0x197D0]  }
0x285: {  	v56 =	vld [tilespmem:$0x19850]  }
0x286: {  	v57 =	vld [tilespmem:$0x198D0]  }
0x287: {  	v58 =	vld [tilespmem:$0x19950]  }
0x288: {  	v59 =	vld [tilespmem:$0x199D0]  }
0x289: {  	v60 =	vld [tilespmem:$0x19A50]  }
0x28a: {  	v61 =	vld [tilespmem:$0x19AD0]  }
0x28b: {  	v3 =	vld.idx.msk [tilespmem:v3+s3+$0x0], $0xffff  }
0x28c: {  	v4 =	vld.idx.msk [tilespmem:v43+s3+$0x0], $0xffff  }
0x28d: {  	v5 =	vld.idx.msk [tilespmem:v44+s3+$0x0], $0xffff  }
0x28e: {  	v6 =	vld.idx.msk [tilespmem:v45+s3+$0x0], $0xffff  }
0x28f: {  	v7 =	vld.idx.msk [tilespmem:v46+s3+$0x0], $0xffff  }
0x290: {  	v8 =	vld.idx.msk [tilespmem:v47+s3+$0x0], $0xffff  }
0x291: {  	v9 =	vld.idx.msk [tilespmem:v48+s3+$0x0], $0xffff;
	v3 =	vadd.f32 $0.0e+00, v3;
	v4 =	vadd.f32 $0.0e+00, v4  }
0x292: {  	v10 =	vld.idx.msk [tilespmem:v49+s3+$0x0], $0xffff  }
0x293: {  	v11 =	vld.idx.msk [tilespmem:v50+s3+$0x0], $0xffff;
	v3 =	vadd.f32 v5, v3;
	v4 =	vadd.f32 v6, v4  }
0x294: {  	v12 =	vld.idx.msk [tilespmem:v51+s3+$0x0], $0xffff  }
0x295: {  	v13 =	vld.idx.msk [tilespmem:v52+s3+$0x0], $0xffff;
	v3 =	vadd.f32 v7, v3;
	v4 =	vadd.f32 v8, v4  }
0x296: {  	v14 =	vld.idx.msk [tilespmem:v53+s3+$0x0], $0xffff  }
0x297: {  	v62 =	vld.idx.msk [tilespmem:v54+s3+$0x0], $0xffff;
	v3 =	vadd.f32 v9, v3;
	v4 =	vadd.f32 v10, v4  }
0x298: {  	v63 =	vld.idx.msk [tilespmem:v55+s3+$0x0], $0xffff  }
0x299: {  	v16 =	vld.idx.msk [tilespmem:v56+s3+$0x0], $0xffff;
	v3 =	vadd.f32 v11, v3;
	v4 =	vadd.f32 v12, v4  }
0x29a: {  	v17 =	vld.idx.msk [tilespmem:v57+s3+$0x0], $0xffff  }
0x29b: {  	v5 =	vld.idx.msk [tilespmem:v58+s3+$0x0], $0xffff;
	v3 =	vadd.f32 v13, v3;
	v4 =	vadd.f32 v14, v4  }
0x29c: {  	v6 =	vld.idx.msk [tilespmem:v59+s3+$0x0], $0xffff  }
0x29d: {  	v7 =	vld.idx.msk [tilespmem:v60+s3+$0x0], $0xffff;
	v3 =	vadd.f32 v62, v3;
	v4 =	vadd.f32 v63, v4  }
0x29e: {  	v8 =	vld.idx.msk [tilespmem:v61+s3+$0x0], $0xffff  }
0x29f: {  	v3 =	vadd.f32 v16, v3;
	v4 =	vadd.f32 v17, v4;
	_ =	sdelay $0x1  }
0x2a0: {  	v3 =	vadd.f32 v5, v3;
	v4 =	vadd.f32 v6, v4;
	_ =	sdelay $0x1  }
0x2a1: {  	v3 =	vadd.f32 v7, v3;
	v4 =	vadd.f32 v8, v4;
	_ =	sdelay $0x1  }
0x2a2: {  	v3 =	vadd.f32 v4, v3;
	_ =	sdelay $0x1  }
0x2a3: {  	[tilespmem:s29+$0x50] =	vst v3  }
0x2a4: {  	v3 =	vld [tilespmem:$0x19160]  }
0x2a5: {  	v18 =	vld [tilespmem:$0x191E0]  }
0x2a6: {  	v19 =	vld [tilespmem:$0x19260]  }
0x2a7: {  	v20 =	vld [tilespmem:$0x192E0]  }
0x2a8: {  	v21 =	vld [tilespmem:$0x19360]  }
0x2a9: {  	v22 =	vld [tilespmem:$0x193E0]  }
0x2aa: {  	v23 =	vld [tilespmem:$0x19460]  }
0x2ab: {  	v24 =	vld [tilespmem:$0x194E0]  }
0x2ac: {  	v25 =	vld [tilespmem:$0x19560]  }
0x2ad: {  	v26 =	vld [tilespmem:$0x195E0]  }
0x2ae: {  	v27 =	vld [tilespmem:$0x19660]  }
0x2af: {  	v28 =	vld [tilespmem:$0x196E0]  }
0x2b0: {  	v29 =	vld [tilespmem:$0x19760]  }
0x2b1: {  	v30 =	vld [tilespmem:$0x197E0]  }
0x2b2: {  	v31 =	vld [tilespmem:$0x19860]  }
0x2b3: {  	v32 =	vld [tilespmem:$0x198E0]  }
0x2b4: {  	v33 =	vld [tilespmem:$0x19960]  }
0x2b5: {  	v34 =	vld [tilespmem:$0x199E0]  }
0x2b6: {  	v35 =	vld [tilespmem:$0x19A60]  }
0x2b7: {  	v36 =	vld [tilespmem:$0x19AE0]  }
0x2b8: {  	v3 =	vld.idx.msk [tilespmem:v3+s3+$0x0], $0xffff  }
0x2b9: {  	v4 =	vld.idx.msk [tilespmem:v18+s3+$0x0], $0xffff  }
0x2ba: {  	v5 =	vld.idx.msk [tilespmem:v19+s3+$0x0], $0xffff  }
0x2bb: {  	v6 =	vld.idx.msk [tilespmem:v20+s3+$0x0], $0xffff  }
0x2bc: {  	v7 =	vld.idx.msk [tilespmem:v21+s3+$0x0], $0xffff  }
0x2bd: {  	v8 =	vld.idx.msk [tilespmem:v22+s3+$0x0], $0xffff  }
0x2be: {  	v9 =	vld.idx.msk [tilespmem:v23+s3+$0x0], $0xffff;
	v3 =	vadd.f32 $0.0e+00, v3;
	v4 =	vadd.f32 $0.0e+00, v4  }
0x2bf: {  	v10 =	vld.idx.msk [tilespmem:v24+s3+$0x0], $0xffff  }
0x2c0: {  	v11 =	vld.idx.msk [tilespmem:v25+s3+$0x0], $0xffff;
	v3 =	vadd.f32 v5, v3;
	v4 =	vadd.f32 v6, v4  }
0x2c1: {  	v12 =	vld.idx.msk [tilespmem:v26+s3+$0x0], $0xffff  }
0x2c2: {  	v13 =	vld.idx.msk [tilespmem:v27+s3+$0x0], $0xffff;
	v3 =	vadd.f32 v7, v3;
	v4 =	vadd.f32 v8, v4  }
0x2c3: {  	v14 =	vld.idx.msk [tilespmem:v28+s3+$0x0], $0xffff  }
0x2c4: {  	v37 =	vld.idx.msk [tilespmem:v29+s3+$0x0], $0xffff;
	v3 =	vadd.f32 v9, v3;
	v4 =	vadd.f32 v10, v4  }
0x2c5: {  	v38 =	vld.idx.msk [tilespmem:v30+s3+$0x0], $0xffff  }
0x2c6: {  	v39 =	vld.idx.msk [tilespmem:v31+s3+$0x0], $0xffff;
	v3 =	vadd.f32 v11, v3;
	v4 =	vadd.f32 v12, v4  }
0x2c7: {  	v40 =	vld.idx.msk [tilespmem:v32+s3+$0x0], $0xffff  }
0x2c8: {  	v5 =	vld.idx.msk [tilespmem:v33+s3+$0x0], $0xffff;
	v3 =	vadd.f32 v13, v3;
	v4 =	vadd.f32 v14, v4  }
0x2c9: {  	v6 =	vld.idx.msk [tilespmem:v34+s3+$0x0], $0xffff  }
0x2ca: {  	v7 =	vld.idx.msk [tilespmem:v35+s3+$0x0], $0xffff;
	v3 =	vadd.f32 v37, v3;
	v4 =	vadd.f32 v38, v4  }
0x2cb: {  	v8 =	vld.idx.msk [tilespmem:v36+s3+$0x0], $0xffff  }
0x2cc: {  	v3 =	vadd.f32 v39, v3;
	v4 =	vadd.f32 v40, v4;
	_ =	sdelay $0x1  }
0x2cd: {  	v3 =	vadd.f32 v5, v3;
	v4 =	vadd.f32 v6, v4;
	_ =	sdelay $0x1  }
0x2ce: {  	v3 =	vadd.f32 v7, v3;
	v4 =	vadd.f32 v8, v4;
	_ =	sdelay $0x1  }
0x2cf: {  	v3 =	vadd.f32 v4, v3;
	_ =	sdelay $0x1  }
0x2d0: {  	[tilespmem:s29+$0x60] =	vst v3  }
0x2d1: {  	v3 =	vld [tilespmem:$0x19170]  }
0x2d2: {  	v41 =	vld [tilespmem:$0x191F0]  }
0x2d3: {  	v42 =	vld [tilespmem:$0x19270]  }
0x2d4: {  	v43 =	vld [tilespmem:$0x192F0]  }
0x2d5: {  	v44 =	vld [tilespmem:$0x19370]  }
0x2d6: {  	v45 =	vld [tilespmem:$0x193F0]  }
0x2d7: {  	v46 =	vld [tilespmem:$0x19470]  }
0x2d8: {  	v47 =	vld [tilespmem:$0x194F0]  }
0x2d9: {  	v48 =	vld [tilespmem:$0x19570]  }
0x2da: {  	v49 =	vld [tilespmem:$0x195F0]  }
0x2db: {  	v50 =	vld [tilespmem:$0x19670]  }
0x2dc: {  	v51 =	vld [tilespmem:$0x196F0]  }
0x2dd: {  	v52 =	vld [tilespmem:$0x19770]  }
0x2de: {  	v53 =	vld [tilespmem:$0x197F0]  }
0x2df: {  	v54 =	vld [tilespmem:$0x19870]  }
0x2e0: {  	v55 =	vld [tilespmem:$0x198F0]  }
0x2e1: {  	v56 =	vld [tilespmem:$0x19970]  }
0x2e2: {  	v57 =	vld [tilespmem:$0x199F0]  }
0x2e3: {  	v58 =	vld [tilespmem:$0x19A70]  }
0x2e4: {  	v59 =	vld [tilespmem:$0x19AF0]  }
0x2e5: {  	v3 =	vld.idx.msk [tilespmem:v3+s3+$0x0], $0xffff  }
0x2e6: {  	v4 =	vld.idx.msk [tilespmem:v41+s3+$0x0], $0xffff  }
0x2e7: {  	v5 =	vld.idx.msk [tilespmem:v42+s3+$0x0], $0xffff  }
0x2e8: {  	v6 =	vld.idx.msk [tilespmem:v43+s3+$0x0], $0xffff  }
0x2e9: {  	v7 =	vld.idx.msk [tilespmem:v44+s3+$0x0], $0xffff  }
0x2ea: {  	v8 =	vld.idx.msk [tilespmem:v45+s3+$0x0], $0xffff  }
0x2eb: {  	v9 =	vld.idx.msk [tilespmem:v46+s3+$0x0], $0xffff;
	v3 =	vadd.f32 $0.0e+00, v3;
	v4 =	vadd.f32 $0.0e+00, v4  }
0x2ec: {  	v10 =	vld.idx.msk [tilespmem:v47+s3+$0x0], $0xffff  }
0x2ed: {  	v11 =	vld.idx.msk [tilespmem:v48+s3+$0x0], $0xffff;
	v3 =	vadd.f32 v5, v3;
	v4 =	vadd.f32 v6, v4  }
0x2ee: {  	v12 =	vld.idx.msk [tilespmem:v49+s3+$0x0], $0xffff  }
0x2ef: {  	v13 =	vld.idx.msk [tilespmem:v50+s3+$0x0], $0xffff;
	v3 =	vadd.f32 v7, v3;
	v4 =	vadd.f32 v8, v4  }
0x2f0: {  	v14 =	vld.idx.msk [tilespmem:v51+s3+$0x0], $0xffff  }
0x2f1: {  	v60 =	vld.idx.msk [tilespmem:v52+s3+$0x0], $0xffff;
	v3 =	vadd.f32 v9, v3;
	v4 =	vadd.f32 v10, v4  }
0x2f2: {  	v61 =	vld.idx.msk [tilespmem:v53+s3+$0x0], $0xffff  }
0x2f3: {  	v62 =	vld.idx.msk [tilespmem:v54+s3+$0x0], $0xffff;
	v3 =	vadd.f32 v11, v3;
	v4 =	vadd.f32 v12, v4  }
0x2f4: {  	v63 =	vld.idx.msk [tilespmem:v55+s3+$0x0], $0xffff  }
0x2f5: {  	v5 =	vld.idx.msk [tilespmem:v56+s3+$0x0], $0xffff;
	v3 =	vadd.f32 v13, v3;
	v4 =	vadd.f32 v14, v4  }
0x2f6: {  	v6 =	vld.idx.msk [tilespmem:v57+s3+$0x0], $0xffff  }
0x2f7: {  	v7 =	vld.idx.msk [tilespmem:v58+s3+$0x0], $0xffff;
	v3 =	vadd.f32 v60, v3;
	v4 =	vadd.f32 v61, v4  }
0x2f8: {  	v8 =	vld.idx.msk [tilespmem:v59+s3+$0x0], $0xffff  }
0x2f9: {  	v3 =	vadd.f32 v62, v3;
	v4 =	vadd.f32 v63, v4;
	_ =	sdelay $0x1  }
0x2fa: {  	s28 =	sadd.s32 $0x20, s28;
	v3 =	vadd.f32 v5, v3;
	v4 =	vadd.f32 v6, v4  }
0x2fb: {  	p0 =	sne.s32 s28, $0x200  }
.Ltmp0:
0x2fc: {  	v3 =	vadd.f32 v7, v3;
	v4 =	vadd.f32 v8, v4;
	(pc) =	sbr.rel @p0 .LBB2_3-.Ltmp0, $3  }
0x2fd: {  	_ = 	snop  }
0x2fe: {  	v3 =	vadd.f32 v4, v3;
	_ =	sdelay $0x1  }
0x2ff: {  	[tilespmem:s29+$0x70] =	vst v3;
	s29 =	sadd.s32 $0x100, s29  }
0x300: {  	s1 =	sadd.s32 $0x1, s1  }
0x301: {  	p0 =	sne.s32 s1, $0x1A  }
.Ltmp1:
0x302: {  	_ = 	snop;
	(pc) =	sbr.rel @p0 .LBB2_2-.Ltmp1, $4  }
0x303: {  	s8 =	sshll.u32 s21, $0x9  }
0x304: {  	s0 =	sshll.u32 s0, $0xE;
	s8 =	sadd.s32 s6, s8  }
0x305: {  	s31 =	sadd.s32 $0x1, s31;
	s0 =	sadd.s32 s0, s8  }
0x306: {  	[hbm4b:s0+s3] =	stream.linear.scatter [tilespmem:s19], [sflag:$0x2], $0x1000, $0x38;
	[tilespmem:$0x1E510] =	vst v63  }
0x307: {  	_ =	swait.ge [sflag:s20], $0x1000  }
0x308: {  	s0 =	simm.s32 $0x0;
	[sflag:s20] =	ssyncset.done $0x0  }
0x309: {  	s8 =	simm.s32 $0x1AB00;
	s1 =	rddreg [dreg:$0x3];
	[sflag:s20] =	ssyncadd.s32 $0xFFFFF000  }
0x30a: {  	[tilespmem:s8], [sflag:$0x4] =	stream.linear.gather [hbm4b:s1+s0], $0xD00, $0x38;
	[tilespmem:$0x1E510] =	vst v63  }
0x30b: {  	_ =	swait.ge [sflag:s14], $0xD00  }
0x30c: {  	[sflag:s14] =	ssyncset.done $0x0  }
0x30d: {  	s1 =	simm.s32 $0x0;
	[sflag:s14] =	ssyncadd.s32 $0xFFFFF300  }
0x30e: {  	v4 =	vld [tilespmem:s1+$0x1AB70]  }
0x30f: {  	v7 =	vld [tilespmem:s1+$0x1AB00]  }
0x310: {  	v8 =	vld [tilespmem:s1+$0x1AB10]  }
0x311: {  	v6 =	vld [tilespmem:s1+$0x1AB20]  }
0x312: {  	v5 =	vld [tilespmem:s1+$0x1AB30]  }
0x313: {  	v3 =	vld [tilespmem:s1+$0x1AB40];
	v9 =	vshra.s32 v4, $0x7  }
0x314: {  	v4 =	vld [tilespmem:s1+$0x1AB50];
	v7 =	vshra.s32 v7, $0x7;
	[tilespmem:s1+$0x1B870] =	vst v9  }
0x315: {  	s21 =	simm.s32 $0x400;
	s0 =	simm.s32 $0x80;
	v8 =	vshra.s32 v8, $0x7;
	[tilespmem:s1+$0x1B800] =	vst v7;
	v7 =	vld [tilespmem:s1+$0x1AB60]  }
.LBB2_6:
0x316: {  	p0 =	sne.s32 s21, $0x3200;
	v9 =	vld [tilespmem:s0+$0x1AB70];
	[tilespmem:s1+$0x1B810] =	vst v8;
	v6 =	vshra.s32 v6, $0x7  }
0x317: {  	v8 =	vld [tilespmem:s0+$0x1AB00];
	[tilespmem:s1+$0x1B820] =	vst v6;
	v5 =	vshra.s32 v5, $0x7  }
0x318: {  	v10 =	vld [tilespmem:s0+$0x1AB10];
	[tilespmem:s1+$0x1B830] =	vst v5;
	v3 =	vshra.s32 v3, $0x7  }
.Ltmp2:
0x319: {  	v6 =	vld [tilespmem:s0+$0x1AB20];
	[tilespmem:s1+$0x1B840] =	vst v3;
	v3 =	vshra.s32 v4, $0x7;
	(pc) =	sbr.rel @p0 .LBB2_6-.Ltmp2, $4  }
0x31a: {  	v5 =	vld [tilespmem:s0+$0x1AB30];
	[tilespmem:s1+$0x1B850] =	vst v3;
	v4 =	vshra.s32 v7, $0x7  }
0x31b: {  	v3 =	vld [tilespmem:s0+$0x1AB40];
	v7 =	vshra.s32 v9, $0x7;
	[tilespmem:s1+$0x1B860] =	vst v4;
	s1 =	smov.u32 s0  }
0x31c: {  	v8 =	vshra.s32 v8, $0x7;
	v4 =	vld [tilespmem:s1+$0x1AB50];
	[tilespmem:s1+$0x1B870] =	vst v7  }
0x31d: {  	s0 =	sshra.s32 s21, $0x2;
	s21 =	sadd.s32 $0x200, s21;
	[tilespmem:s1+$0x1B800] =	vst v8;
	v8 =	vshra.s32 v10, $0x7;
	v7 =	vld [tilespmem:s1+$0x1AB60]  }
0x31e: {  	v9 =	vld [tilespmem:s0+$0x1AB70];
	[tilespmem:s1+$0x1B810] =	vst v8;
	v6 =	vshra.s32 v6, $0x7  }
0x31f: {  	v8 =	vld [tilespmem:s0+$0x1AB00];
	[tilespmem:s1+$0x1B820] =	vst v6;
	v5 =	vshra.s32 v5, $0x7  }
0x320: {  	v6 =	vld [tilespmem:s0+$0x1AB10];
	[tilespmem:s1+$0x1B830] =	vst v5;
	v3 =	vshra.s32 v3, $0x7  }
0x321: {  	v5 =	vld [tilespmem:s0+$0x1AB20];
	[tilespmem:s1+$0x1B840] =	vst v3;
	v3 =	vshra.s32 v4, $0x7  }
0x322: {  	v60 =	vld [tilespmem:s0+$0x1AB30];
	[tilespmem:s1+$0x1B850] =	vst v3;
	v3 =	vshra.s32 v7, $0x7  }
0x323: {  	v61 =	vld [tilespmem:s0+$0x1AB40];
	[tilespmem:s1+$0x1B860] =	vst v3;
	v3 =	vshra.s32 v9, $0x7  }
0x324: {  	v62 =	vld [tilespmem:s0+$0x1AB50];
	v8 =	vshra.s32 v8, $0x7;
	[tilespmem:s0+$0x1B870] =	vst v3  }
0x325: {  	v63 =	vld [tilespmem:s0+$0x1AB60];
	[tilespmem:s0+$0x1B800] =	vst v8;
	v3 =	vshra.s32 v6, $0x7  }
0x326: {  	[tilespmem:s0+$0x1B810] =	vst v3;
	v3 =	vshra.s32 v5, $0x7  }
0x327: {  	[tilespmem:s0+$0x1B820] =	vst v3;
	v3 =	vshra.s32 v60, $0x7  }
0x328: {  	[tilespmem:s0+$0x1B830] =	vst v3;
	v3 =	vshra.s32 v61, $0x7  }
0x329: {  	[tilespmem:s0+$0x1B840] =	vst v3;
	v3 =	vshra.s32 v62, $0x7  }
0x32a: {  	[tilespmem:s0+$0x1B850] =	vst v3;
	v3 =	vshra.s32 v63, $0x7  }
0x32b: {  	[tilespmem:s0+$0x1B860] =	vst v3  }
0x32c: {  	s31 =	simm.s32 $0x1B800;
	s0 =	simm.s32 $0x40;
	[tilespmem:$0x1E500] =	vst v1  }
0x32d: {  	[tilespmem:s24], [sflag:$0x3] =	stream.indirect.gather [hbm4b:s2+s22], $0x80, s31, s22, $0xb8;
	[tilespmem:$0x1E510] =	vst v63  }
.LBB2_8:
0x32e: {  	s1 =	sadd.s32 $0xFFFFFFC0, s0  }
0x32f: {  	s8 =	sand.u32 $0x40, s1  }
0x330: {  	_ =	swait.ge [sflag:s25], $0x1000;
	s1 =	sand.u32 $0xF80, s1;
	s9 =	sor.u32 $0x20, s8  }
0x331: {  	[sflag:s25] =	ssyncset.done $0x0;
	s10 =	sor.u32 s9, s1;
	s1 =	sadd.s32 $0x1AB00, s1  }
0x332: {  	[sflag:s25] =	ssyncadd.s32 $0xFFFFF000;
	s10 =	sadd.s32 $0x1B800, s10;
	s8 =	sor.u32 s8, s1  }
0x333: {  	[tilespmem:s26], [sflag:$0x3] =	stream.indirect.gather [hbm4b:s2+s22], $0x80, s10, s22, $0xb8;
	[tilespmem:$0x1E510] =	vst v63  }
0x334: {  	v3 =	vld [tilespmem:s8+$0x0];
	_ =	sdelay $0x1  }
0x335: {  	v4 =	vld [tilespmem:s8+$0x10];
	_ =	sdelay $0x2  }
0x336: {  	v3 =	vand.u32 $0x7F, v3  }
0x337: {  	v3 =	vor.u32 v0, v3  }
0x338: {  	v4 =	vand.u32 $0x7F, v4  }
0x339: {  	v4 =	vor.u32 v2, v4;
	_ =	sdelay $0x1  }
0x33a: {  	v5 =	vld [tilespmem:$0x1E500]  }
0x33b: {  	v3 =	vld.idx.msk [tilespmem:v3+s24+$0x0], $0xffff;
	_ =	sdelay $0x1  }
0x33c: {  	v4 =	vld.idx.msk [tilespmem:v4+s24+$0x0], $0xffff;
	_ =	sdelay $0x2  }
0x33d: {  	v3 =	vadd.f32 v3, v5;
	_ =	sdelay $0x1  }
0x33e: {  	v3 =	vadd.f32 v4, v3;
	_ =	sdelay $0x1  }
0x33f: {  	[tilespmem:$0x1E500] =	vst v3  }
0x340: {  	_ =	swait.ge [sflag:s25], $0x1000  }
0x341: {  	s31 =	sand.u32 $0x1FC0, s0;
	[sflag:s25] =	ssyncset.done $0x0  }
0x342: {  	s1 =	sor.u32 s9, s1;
	s8 =	sadd.s32 $0x1B800, s31;
	[sflag:s25] =	ssyncadd.s32 $0xFFFFF000  }
0x343: {  	[tilespmem:s24], [sflag:$0x3] =	stream.indirect.gather [hbm4b:s2+s22], $0x80, s8, s22, $0xb8;
	[tilespmem:$0x1E510] =	vst v63  }
0x344: {  	v3 =	vld [tilespmem:s1+$0x0];
	_ =	sdelay $0x1  }
0x345: {  	v62 =	vld [tilespmem:s1+$0x10];
	_ =	sdelay $0x2  }
0x346: {  	v3 =	vand.u32 $0x7F, v3  }
0x347: {  	v3 =	vor.u32 v0, v3  }
0x348: {  	v4 =	vand.u32 $0x7F, v62  }
0x349: {  	v4 =	vor.u32 v2, v4;
	_ =	sdelay $0x1  }
0x34a: {  	v63 =	vld [tilespmem:$0x1E500]  }
0x34b: {  	v3 =	vld.idx.msk [tilespmem:v3+s26+$0x0], $0xffff;
	_ =	sdelay $0x1  }
0x34c: {  	v4 =	vld.idx.msk [tilespmem:v4+s26+$0x0], $0xffff;
	_ =	sdelay $0x1  }
0x34d: {  	p0 =	sne.s32 s0, $0xCC0  }
.Ltmp3:
0x34e: {  	v3 =	vadd.f32 v3, v63;
	(pc) =	sbr.rel @p0 .LBB2_8-.Ltmp3, $3  }
0x34f: {  	_ = 	snop  }
0x350: {  	v3 =	vadd.f32 v4, v3;
	_ =	sdelay $0x1  }
0x351: {  	s0 =	sadd.s32 $0x40, s0;
	[tilespmem:$0x1E500] =	vst v3  }
0x352: {  	_ =	swait.ge [sflag:s25], $0x1000  }
0x353: {  	[sflag:s25] =	ssyncset.done $0x0  }
0x354: {  	s0 =	simm.s32 $0x1C4E0;
	[sflag:s25] =	ssyncadd.s32 $0xFFFFF000  }
0x355: {  	[tilespmem:s26], [sflag:$0x3] =	stream.indirect.gather [hbm4b:s2+s22], $0x80, s0, s22, $0xb8;
	[tilespmem:$0x1E510] =	vst v63  }
0x356: {  	v3 =	vld [tilespmem:$0x1B7C0];
	_ =	sdelay $0x1  }
0x357: {  	v4 =	vld [tilespmem:$0x1B7D0];
	_ =	sdelay $0x2  }
0x358: {  	v3 =	vand.u32 $0x7F, v3  }
0x359: {  	v3 =	vor.u32 v0, v3  }
0x35a: {  	v4 =	vand.u32 $0x7F, v4  }
0x35b: {  	v4 =	vor.u32 v2, v4;
	_ =	sdelay $0x1  }
0x35c: {  	v5 =	vld [tilespmem:$0x1E500]  }
0x35d: {  	v3 =	vld.idx.msk [tilespmem:v3+s24+$0x0], $0xffff;
	_ =	sdelay $0x1  }
0x35e: {  	v4 =	vld.idx.msk [tilespmem:v4+s24+$0x0], $0xffff;
	_ =	sdelay $0x2  }
0x35f: {  	v3 =	vadd.f32 v3, v5;
	_ =	sdelay $0x1  }
0x360: {  	v3 =	vadd.f32 v4, v3;
	_ =	sdelay $0x1  }
0x361: {  	[tilespmem:$0x1E500] =	vst v3  }
0x362: {  	_ =	swait.ge [sflag:s25], $0x1000  }
0x363: {  	[sflag:s25] =	ssyncset.done $0x0  }
0x364: {  	[sflag:s25] =	ssyncadd.s32 $0xFFFFF000  }
0x365: {  	v62 =	vld [tilespmem:$0x1B7E0];
	_ =	sdelay $0x1  }
0x366: {  	v63 =	vld [tilespmem:$0x1B7F0];
	_ =	sdelay $0x2  }
0x367: {  	v4 =	vand.u32 $0x7F, v62  }
0x368: {  	v4 =	vor.u32 v0, v4  }
0x369: {  	v5 =	vand.u32 $0x7F, v63  }
0x36a: {  	v5 =	vor.u32 v2, v5;
	_ =	sdelay $0x2  }
0x36b: {  	v4 =	vld.idx.msk [tilespmem:v4+s26+$0x0], $0xffff;
	_ =	sdelay $0x1  }
0x36c: {  	v5 =	vld.idx.msk [tilespmem:v5+s26+$0x0], $0xffff;
	_ =	sdelay $0x2  }
0x36d: {  	v3 =	vadd.f32 v4, v3;
	_ =	sdelay $0x1  }
0x36e: {  	v3 =	vadd.f32 v5, v3;
	_ =	sdelay $0x1  }
0x36f: {  	s1 =	simm.s32 $0x1E500;
	s29 =	rddreg [dreg:$0x4];
	[tilespmem:$0x1E500] =	vst v3  }
0x370: {  	[hbm4b:s29+s3] =	stream.linear.scatter [tilespmem:s1], [sflag:$0x4], $0x10, $0x38;
	[tilespmem:$0x1E510] =	vst v63  }
0x371: {  	_ =	swait.ge [sflag:s14], $0x10  }
0x372: {  	s30 =	sadd.s32 $0x1, s30;
	s31 =	rddreg [dreg:$0x5]  }
0x373: {  	p0 =	sne.s32 s30, s31  }
.Ltmp4:
0x374: {  	_ = 	snop;
	(pc) =	sbr.rel @p0 .LBB2_1-.Ltmp4, $3  }
0x375: {  	_ =	sdelay $0x1  }
0x376: {  	[sflag:s14] =	ssyncset.done $0x0  }
0x377: {  	[sflag:s14] =	ssyncadd.s32 $0xFFFFFFF0  }
0x378: {  	_ =	sfence.sel $0x180000  }
0x379: {  	[bflag:$0x0] =	sbarrier.arrive $0xFFFF  }
0x37a: {  	_ =	strace $0x90000047  }
0x37b: {  	s0 =	stileid.u32;
	[bflag:$0x2] =	sbarrier.arrive $0xFFFF  }
0x37c: {  	p0 =	sne.s32 s0, $0x0;
	s0 =	rddreg [dreg:$0x2]  }
0x37d: {  	s0 =	sadd.s32 @!p0 $0x100000, s0  }
0x37e: {  	[sflag:s0] =	ssyncadd.tile.s32 @!p0 $0x1;
	_ =	shalt  }
.Lfunc_end2:
_tile_overlayer_lowered:
.L_overlay_start_2:
0x37f: {  	(tag) =	ssettag $0x2  }
0x380: {  	s0 =	rddreg [dreg:$0x0];
	s2 =	stileid.u32  }
0x381: {  	s1 =	rddreg [dreg:$0x1];
	p0 =	sne.s32 s2, $0x0  }
0x382: {  	s3 =	rddreg [dreg:$0x2];
	[bflag:$0x3] =	sbarrier.arrive $0xFFFF;
	s2 =	simm.s32 @!p0 $0x1C04  }
0x383: {  	[timem:s3], [sflag:s2] =	dma.local @!p0 [hbm:s0], s1  }
0x384: {  	s0 =	simm.s32 @!p0 $0x4  }
0x385: {  	_ =	swait.ge @!p0 [sflag:s0], s1  }
0x386: {  	s1 =	ssub.s32 @!p0 $0x0, s1;
	[sflag:s0] =	ssyncset.done @!p0 $0x0  }
0x387: {  	[sflag:s0] =	ssyncadd.s32 @!p0 s1  }
0x388: {  	[bflag:$0x3] =	sbarrier.arrive $0xFFFF  }
0x389: {  	_ =	shalt  }

</sc_bundles>
